<compile_context>
chip_gen: v7x
topology: tpu7x:2x2x1
jax: 0.10.2.dev20260603
libtpu: 0.0.44.dev20260713+nightly
codegen_flags: <defaults>
</compile_context>

<pallas_src>
import functools

import jax
import jax.numpy as jnp
from jax import lax
from jax.experimental import pallas as pl
from jax.experimental.pallas import tpu as pltpu
from jax.experimental.pallas import tpu_sc as plsc

SCALE = 8.0
TEMPLATE_SZ = 15
TSZ2 = TEMPLATE_SZ * TEMPLATE_SZ

N_IMG = 2
N_BOX = 128
N_CHAN = 256
FEAT = 64
WINX = 17
C_HALF = 128
N_HALF = N_CHAN // C_HALF
WROWS = WINX * WINX
WROWS_PAD = 384
ROIS_TOTAL = N_IMG * N_BOX
N_WORKERS = 32
ROIS_PER_W = ROIS_TOTAL // N_WORKERS
OUT_PER_ROI = N_CHAN * TSZ2
OUT_PER_HALF = C_HALF * TSZ2
OUT_PER_Q = (C_HALF // 2) * TSZ2


def _dyn_take(vec, idx):
    return lax.gather(
        vec, idx[:, None],
        dimension_numbers=lax.GatherDimensionNumbers(
            offset_dims=(), collapsed_slice_dims=(0,), start_index_map=(0,)),
        slice_sizes=(1,),
        mode=lax.GatherScatterMode.PROMISE_IN_BOUNDS)


def _lane_splat(vec, lane):
    return _dyn_take(vec, jnp.full((16,), lane, dtype=jnp.int32))


def _sc_crop_kernel(feats_hbm, gt_hbm, out_hbm, box_v, idx_v, win_v, out_v,
                    sem):
    io = lax.iota(jnp.int32, 16)
    iof = io.astype(jnp.float32)
    tstep = 1.0 / (TEMPLATE_SZ - 1)
    colv = [io + 16 * g for g in range(C_HALF // 16)]
    offv = [(io + 16 * g4) * TSZ2 for g4 in range(4)]

    wid = lax.axis_index("c") * 16 + lax.axis_index("s")

    pltpu.sync_copy(gt_hbm.at[pl.ds(wid * ROIS_PER_W, ROIS_PER_W)], box_v)

    def roi_body(r, rvec):
        groi = wid * ROIS_PER_W + r

        brow = plsc.load_gather(box_v, [rvec, io])
        bc = jnp.clip(brow * (1.0 / SCALE), 0.0, float(FEAT - 1))
        bi = bc.astype(jnp.int32)
        base_v = _lane_splat(brow.astype(jnp.int32), 6)
        w0 = jnp.minimum(bi, FEAT - WINX)
        x0_v = _lane_splat(w0, 0)
        y0_v = _lane_splat(w0, 1)

        x1v = _lane_splat(bc, 0)
        x2v = _lane_splat(bc, 2)
        y1v_ = _lane_splat(bc, 1)
        y2v_ = _lane_splat(bc, 3)

        xs = x1v + iof * tstep * (x2v - x1v)
        x0f = xs.astype(jnp.int32)
        wxv = xs - x0f.astype(jnp.float32)
        xrel0 = jnp.clip(x0f, 0, FEAT - 1) - x0_v
        xrel1 = jnp.clip(x0f + 1, 0, FEAT - 1) - x0_v

        ys = y1v_ + iof * tstep * (y2v_ - y1v_)
        y0f = ys.astype(jnp.int32)
        wyv = ys - y0f.astype(jnp.float32)
        yrel0 = jnp.clip(y0f, 0, FEAT - 1) - y0_v
        yrel1 = jnp.clip(y0f + 1, 0, FEAT - 1) - y0_v

        out_base = groi * OUT_PER_ROI

        for ch in range(N_HALF):
            wbase = base_v + y0_v * (FEAT * N_HALF) + x0_v * N_HALF + ch
            for t in range(WROWS_PAD // 16):
                mvec = jnp.minimum(io + (16 * t), WROWS - 1)
                yw_v = mvec // WINX
                xw_v = mvec - yw_v * WINX
                idx_v[t // 8, pl.ds((t % 8) * 16, 16)] = (
                    wbase + yw_v * (FEAT * N_HALF) + xw_v * N_HALF)
            cps = [pltpu.async_copy(feats_hbm.at[idx_v.at[q]],
                                    win_v.at[pl.ds(q * 128, 128)], sem)
                   for q in range(3)]
            for cp in cps:
                cp.wait()

            for qq in range(2):
                def i_body(i, icarry):
                    ivec, iposv = icarry
                    ty0 = _dyn_take(yrel0, ivec) * WINX
                    ty1 = _dyn_take(yrel1, ivec) * WINX
                    wyi = _dyn_take(wyv, ivec)

                    def j_body(j, jcarry):
                        jvec, posv = jcarry
                        tx0 = _dyn_take(xrel0, jvec)
                        tx1 = _dyn_take(xrel1, jvec)
                        wxj = _dyn_take(wxv, jvec)
                        wx1j = 1.0 - wxj
                        r00 = ty0 + tx0
                        r01 = ty0 + tx1
                        r10 = ty1 + tx0
                        r11 = ty1 + tx1
                        for g4 in range(4):
                            g = qq * 4 + g4
                            v00 = plsc.load_gather(win_v, [r00, colv[g]])
                            v01 = plsc.load_gather(win_v, [r01, colv[g]])
                            v10 = plsc.load_gather(win_v, [r10, colv[g]])
                            v11 = plsc.load_gather(win_v, [r11, colv[g]])
                            top = v00 * wx1j + v01 * wxj
                            bot = v10 * wx1j + v11 * wxj
                            row = top + wyi * (bot - top)
                            plsc.store_scatter(out_v, [offv[g4] + posv], row)
                        return (jvec + 1, posv + 1)

                    lax.fori_loop(0, TEMPLATE_SZ, j_body,
                                  (jnp.zeros((16,), jnp.int32), iposv),
                                  unroll=False)
                    return (ivec + 1, iposv + TEMPLATE_SZ)

                lax.fori_loop(0, TEMPLATE_SZ, i_body,
                              (jnp.zeros((16,), jnp.int32),
                               jnp.zeros((16,), jnp.int32)), unroll=False)

                pltpu.sync_copy(
                    out_v,
                    out_hbm.at[pl.ds(out_base + ch * OUT_PER_HALF
                                     + qq * OUT_PER_Q, OUT_PER_Q)])
        return rvec + 1

    lax.fori_loop(0, ROIS_PER_W, roi_body, jnp.zeros((16,), jnp.int32),
                  unroll=False)


def _match_kernel(g1_ref, g2_ref, out_ref):
    m = g1_ref.shape[1]
    tid1 = g1_ref[0, :, 5]
    tid2 = g2_ref[0, :, 5]
    match = (tid2[None, :] == tid1[:, None]) & (tid1[:, None] >= 0.0)
    mf = match.astype(jnp.float32)
    row = lax.broadcasted_iota(jnp.int32, (m, m), 0)
    col = lax.broadcasted_iota(jnp.int32, (m, m), 1)
    lt = (row < col).astype(jnp.float32)
    prior = lax.dot_general(mf, lt, (((1,), (0,)), ((), ())),
                            preferred_element_type=jnp.float32)
    first = mf * (prior == 0.0).astype(jnp.float32)
    out_ref[0] = lax.dot_general(first, g2_ref[0], (((1,), (0,)), ((), ())),
                                 preferred_element_type=jnp.float32)


@jax.jit
def _run(feats1, feats2, gt_boxes_1, gt_boxes_2):
    n_img, c, h, w = feats1.shape
    n_box = gt_boxes_1.shape[1]
    s = TEMPLATE_SZ

    img_base = jnp.repeat(
        jnp.arange(n_img, dtype=jnp.float32) * (h * w * N_HALF),
        n_box)[:, None]
    gt_pad = jnp.concatenate(
        [gt_boxes_1.reshape(n_img * n_box, 6), img_base,
         jnp.zeros((n_img * n_box, 9), jnp.float32)], axis=-1)

    crop = pl.kernel(
        _sc_crop_kernel,
        mesh=plsc.VectorSubcoreMesh(core_axis_name="c", subcore_axis_name="s"),
        compiler_params=pltpu.CompilerParams(needs_layout_passes=False),
        out_type=jax.ShapeDtypeStruct((ROIS_TOTAL * OUT_PER_ROI,),
                                      jnp.float32),
        scratch_types=[
            pltpu.VMEM((ROIS_PER_W, 16), jnp.float32),
            pltpu.VMEM((3, 128), jnp.int32),
            pltpu.VMEM((WROWS_PAD, C_HALF), jnp.float32),
            pltpu.VMEM((OUT_PER_Q,), jnp.float32),
            pltpu.SemaphoreType.DMA,
        ],
    )
    feats_t = jnp.transpose(feats1, (0, 2, 3, 1)).reshape(
        n_img * h * w * N_HALF, C_HALF)
    tw = crop(feats_t, gt_pad).reshape(n_img, n_box, c, s, s)

    tgt = pl.pallas_call(
        _match_kernel,
        grid=(n_img,),
        in_specs=[
            pl.BlockSpec((1, n_box, 6), lambda i: (i, 0, 0)),
            pl.BlockSpec((1, n_box, 6), lambda i: (i, 0, 0)),
        ],
        out_specs=pl.BlockSpec((1, n_box, 6), lambda i: (i, 0, 0)),
        out_shape=jax.ShapeDtypeStruct((n_img, n_box, 6), jnp.float32),
    )(gt_boxes_1, gt_boxes_2)

    return tw, tgt


def kernel(feats1, feats2, rpn_rois_1, gt_boxes_1, gt_boxes_2):
    n_img = feats1.shape[0]
    tw, tgt = _run(feats1, feats2, gt_boxes_1, gt_boxes_2)
    return tuple((feats2[i:i + 1], tw[i], tgt[i]) for i in range(n_img))

# --- scband reference (transcript-rebuilt; emitter-appended) ---
"""Pipeline reference for scband-template-target-proposal-layer-84567906058365 (READ-ONLY COPY).

The authoritative reference and input builder live on the scoring server;
editing this copy changes nothing except your own understanding.
"""

import jax, jax.numpy as jnp
import numpy as np

SCALE = 8.0
TEMPLATE_SZ = 15


def _make_boxes(key, n_img, n_box, img_sz, tmax):
    k1, k2, k3, k4, k5, k6 = jax.random.split(key, 6)
    x1 = jax.random.uniform(k1, (n_img, n_box), minval=0.0, maxval=img_sz - 128.0)
    y1 = jax.random.uniform(k2, (n_img, n_box), minval=0.0, maxval=img_sz - 128.0)
    w = jax.random.uniform(k3, (n_img, n_box), minval=32.0, maxval=120.0)
    h = jax.random.uniform(k4, (n_img, n_box), minval=32.0, maxval=120.0)
    cls = jax.random.randint(k5, (n_img, n_box), 1, 81).astype(jnp.float32)
    tid = jax.random.randint(k6, (n_img, n_box), 0, tmax).astype(jnp.float32)
    return jnp.stack([x1, y1, x1 + w, y1 + h, cls, tid], axis=-1)


def setup_inputs(seed: int = 0) -> dict:
    key = jax.random.key(seed)
    k1, k2, k3, k4, k5 = jax.random.split(key, 5)
    feats1 = jax.random.normal(k1, (2, 256, 64, 64), dtype=jnp.float32)
    feats2 = jax.random.normal(k2, (2, 256, 64, 64), dtype=jnp.float32)
    gt_boxes_1 = _make_boxes(k3, 2, 128, 512.0, 160)
    gt_boxes_2 = _make_boxes(k4, 2, 128, 512.0, 160)
    rb = _make_boxes(k5, 2, 256, 512.0, 160)[..., :4] / SCALE
    bidx = jnp.broadcast_to(jnp.arange(2, dtype=jnp.float32)[:, None, None], (2, 256, 1))
    rpn_rois_1 = jnp.concatenate([bidx, rb], axis=-1)
    return {"feats1": feats1, "feats2": feats2, "rpn_rois_1": rpn_rois_1,
            "gt_boxes_1": gt_boxes_1, "gt_boxes_2": gt_boxes_2}


def _template_proposal(rpn_rois, gt_boxes, feat_w, feat_h):
    # simplified _TemplateProposalLayer: templates come from gt boxes,
    # scaled into weight-cropping-layer (feature) coordinates and clipped.
    N, M, _ = gt_boxes.shape
    boxes = gt_boxes[..., :4] / SCALE
    x1 = jnp.clip(boxes[..., 0], 0.0, feat_w - 1.0)
    y1 = jnp.clip(boxes[..., 1], 0.0, feat_h - 1.0)
    x2 = jnp.clip(boxes[..., 2], 0.0, feat_w - 1.0)
    y2 = jnp.clip(boxes[..., 3], 0.0, feat_h - 1.0)
    bidx = jnp.broadcast_to(jnp.arange(N, dtype=jnp.float32)[:, None], (N, M))
    rois = jnp.stack([bidx, x1, y1, x2, y2], axis=-1)
    labels = gt_boxes[..., 4]
    track_ids = gt_boxes[..., 5]
    return rois, labels, track_ids


def _roi_crop(feats, rois, out_sz):
    # weight_crop_layer: bilinear ROI crop to (out_sz, out_sz)
    N, C, H, W = feats.shape
    bidx = rois[:, 0].astype(jnp.int32)
    x1, y1, x2, y2 = rois[:, 1], rois[:, 2], rois[:, 3], rois[:, 4]
    t = jnp.linspace(0.0, 1.0, out_sz)
    xs = x1[:, None] + t[None, :] * (x2 - x1)[:, None]
    ys = y1[:, None] + t[None, :] * (y2 - y1)[:, None]
    x0 = jnp.floor(xs)
    y0 = jnp.floor(ys)
    wx = xs - x0
    wy = ys - y0
    x0i = jnp.clip(x0.astype(jnp.int32), 0, W - 1)
    x1i = jnp.clip(x0i + 1, 0, W - 1)
    y0i = jnp.clip(y0.astype(jnp.int32), 0, H - 1)
    y1i = jnp.clip(y0i + 1, 0, H - 1)
    b = bidx[:, None, None]

    def g(yi, xi):
        return feats[b, :, yi[:, :, None], xi[:, None, :]]  # (R, S, S, C)

    v00 = g(y0i, x0i)
    v01 = g(y0i, x1i)
    v10 = g(y1i, x0i)
    v11 = g(y1i, x1i)
    wxg = wx[:, None, :, None]
    wyg = wy[:, :, None, None]
    out = (v00 * (1 - wyg) * (1 - wxg) + v01 * (1 - wyg) * wxg
           + v10 * wyg * (1 - wxg) + v11 * wyg * wxg)
    return jnp.transpose(out, (0, 3, 1, 2))  # (R, C, S, S)


def reference(feats1, feats2, rpn_rois_1, gt_boxes_1, gt_boxes_2):
    batch_size, C, H, W = feats1.shape
    rois, labels_all, tids_all = _template_proposal(rpn_rois_1, gt_boxes_1,
                                                    float(W), float(H))
    T = rois.shape[1]
    tw_all = _roi_crop(feats1, rois.reshape(-1, 5), TEMPLATE_SZ)
    tw_all = tw_all.reshape(batch_size, T, C, TEMPLATE_SZ, TEMPLATE_SZ)
    rtv = []
    for idx in range(batch_size):
        labels = labels_all[idx]
        fg = jnp.nonzero(labels > 0, size=labels.shape[0])[0]
        if fg.shape[0] == 0:
            continue
        track_ids = tids_all[idx]
        gt2 = gt_boxes_2[idx]
        match = (gt2[None, :, 5] == track_ids[:, None]) & (track_ids[:, None] >= 0)
        has = match.any(axis=1)
        first = jnp.argmax(match, axis=1)
        tgt = jnp.where(has[:, None], gt2[first], jnp.zeros((1, 6), jnp.float32))
        tw = tw_all[idx][fg]
        tgt = tgt[fg]
        rtv.append((feats2[idx:idx + 1], tw, tgt))
    return tuple(rtv)

if __name__ == "__main__":
    import jax
    _d = setup_inputs()
    print(jax.jit(kernel)(*tuple(_d.values())))

</pallas_src>

<mosaic_0001>
#map = affine_map<(d0, d1) -> (0, 0)>
#map1 = affine_map<(d0, d1) -> (0)>
module attributes {stable_mosaic.version = 14 : i64} {
  func.func @_sc_crop_kernel(%arg0: i32, %arg1: i32, %arg2: memref<16384x128xf32, #tpu.memory_space<hbm>>, %arg3: memref<256x16xf32, #tpu.memory_space<hbm>>, %arg4: memref<14745600xf32, #tpu.memory_space<hbm>>, %arg5: memref<8x16xf32, #tpu.memory_space<vmem>>, %arg6: memref<3x128xi32, #tpu.memory_space<vmem>>, %arg7: memref<384x128xf32, #tpu.memory_space<vmem>>, %arg8: memref<14400xf32, #tpu.memory_space<vmem>>, %arg9: memref<!tpu.dma_semaphore, #tpu.memory_space<semaphore_mem>>) attributes {dimension_semantics = [#tpu.dimension_semantics<core_parallel>, #tpu.dimension_semantics<subcore_parallel>], iteration_bounds = array<i64: 2, 16>, scalar_prefetch = 0 : i64, scratch_operands = 5 : i64, tpu.core_type = #tpu.core_type<sc_vector_subcore>, window_params = [{transform_indices = #map}, {transform_indices = #map}, {transform_indices = #map1}]} {
    %iota3A = tpu.iota {dimensions = array<i32: 0>} : vector<16xi32>
    %convert_element_type3A = arith.sitofp %iota3A : vector<16xi32> to vector<16xf32>
    %add3A = arith.constant 0 : i32
    %add3A_0 = vector.broadcast %add3A : i32 to vector<16xi32>
    %add3A_1 = arith.addi %iota3A, %add3A_0 : vector<16xi32>
    %add3A_2 = arith.constant 16 : i32
    %add3A_3 = vector.broadcast %add3A_2 : i32 to vector<16xi32>
    %add3A_4 = arith.addi %iota3A, %add3A_3 : vector<16xi32>
    %add3A_5 = arith.constant 32 : i32
    %add3A_6 = vector.broadcast %add3A_5 : i32 to vector<16xi32>
    %add3A_7 = arith.addi %iota3A, %add3A_6 : vector<16xi32>
    %add3A_8 = arith.constant 48 : i32
    %add3A_9 = vector.broadcast %add3A_8 : i32 to vector<16xi32>
    %add3A_10 = arith.addi %iota3A, %add3A_9 : vector<16xi32>
    %add3A_11 = arith.constant 64 : i32
    %add3A_12 = vector.broadcast %add3A_11 : i32 to vector<16xi32>
    %add3A_13 = arith.addi %iota3A, %add3A_12 : vector<16xi32>
    %add3A_14 = arith.constant 80 : i32
    %add3A_15 = vector.broadcast %add3A_14 : i32 to vector<16xi32>
    %add3A_16 = arith.addi %iota3A, %add3A_15 : vector<16xi32>
    %add3A_17 = arith.constant 96 : i32
    %add3A_18 = vector.broadcast %add3A_17 : i32 to vector<16xi32>
    %add3A_19 = arith.addi %iota3A, %add3A_18 : vector<16xi32>
    %add3A_20 = arith.constant 112 : i32
    %add3A_21 = vector.broadcast %add3A_20 : i32 to vector<16xi32>
    %add3A_22 = arith.addi %iota3A, %add3A_21 : vector<16xi32>
    %add3A_23 = arith.constant 0 : i32
    %add3A_24 = vector.broadcast %add3A_23 : i32 to vector<16xi32>
    %add3A_25 = arith.addi %iota3A, %add3A_24 : vector<16xi32>
    %mul3A = arith.constant 225 : i32
    %mul3A_26 = vector.broadcast %mul3A : i32 to vector<16xi32>
    %mul3A_27 = arith.muli %add3A_25, %mul3A_26 : vector<16xi32>
    %add3A_28 = arith.constant 16 : i32
    %add3A_29 = vector.broadcast %add3A_28 : i32 to vector<16xi32>
    %add3A_30 = arith.addi %iota3A, %add3A_29 : vector<16xi32>
    %mul3A_31 = arith.constant 225 : i32
    %mul3A_32 = vector.broadcast %mul3A_31 : i32 to vector<16xi32>
    %mul3A_33 = arith.muli %add3A_30, %mul3A_32 : vector<16xi32>
    %add3A_34 = arith.constant 32 : i32
    %add3A_35 = vector.broadcast %add3A_34 : i32 to vector<16xi32>
    %add3A_36 = arith.addi %iota3A, %add3A_35 : vector<16xi32>
    %mul3A_37 = arith.constant 225 : i32
    %mul3A_38 = vector.broadcast %mul3A_37 : i32 to vector<16xi32>
    %mul3A_39 = arith.muli %add3A_36, %mul3A_38 : vector<16xi32>
    %add3A_40 = arith.constant 48 : i32
    %add3A_41 = vector.broadcast %add3A_40 : i32 to vector<16xi32>
    %add3A_42 = arith.addi %iota3A, %add3A_41 : vector<16xi32>
    %mul3A_43 = arith.constant 225 : i32
    %mul3A_44 = vector.broadcast %mul3A_43 : i32 to vector<16xi32>
    %mul3A_45 = arith.muli %add3A_42, %mul3A_44 : vector<16xi32>
    %mul3A_46 = arith.constant 16 : i32
    %mul3A_47 = arith.muli %arg0, %mul3A_46 : i32
    %add3A_48 = arith.addi %mul3A_47, %arg1 : i32
    %mul3A_49 = arith.constant 8 : i32
    %mul3A_50 = arith.muli %add3A_48, %mul3A_49 : i32
    "tpu.region"() ({
      %run_scoped3A = tpu.sem_alloc : memref<!tpu.dma_semaphore, #tpu.memory_space<semaphore_mem>>
      %dma_start3A = arith.constant 0 : i32
      %dma_start3A_57 = tpu.memref_slice %arg3[%mul3A_50, %dma_start3A] : memref<256x16xf32, #tpu.memory_space<hbm>> -> memref<8x16xf32, #tpu.memory_space<hbm>>
      %dma_start3A_58 = arith.constant 0 : i32
      %dma_start3A_59 = tpu.memref_slice %arg3[%mul3A_50, %dma_start3A_58] : memref<256x16xf32, #tpu.memory_space<hbm>> -> memref<8x16xf32, #tpu.memory_space<hbm>>
      tpu.enqueue_dma source(%dma_start3A_59 : memref<8x16xf32, #tpu.memory_space<hbm>>) target(%arg5 : memref<8x16xf32, #tpu.memory_space<vmem>>) target_semaphore(%run_scoped3A : memref<!tpu.dma_semaphore, #tpu.memory_space<semaphore_mem>>)
      %dma_wait3A = arith.constant 0 : i32
      %dma_wait3A_60 = tpu.memref_slice %arg3[%mul3A_50, %dma_wait3A] : memref<256x16xf32, #tpu.memory_space<hbm>> -> memref<8x16xf32, #tpu.memory_space<hbm>>
      %dma_wait3A_61 = arith.constant 0 : i32
      %dma_wait3A_62 = tpu.memref_slice %arg3[%mul3A_50, %dma_wait3A_61] : memref<256x16xf32, #tpu.memory_space<hbm>> -> memref<8x16xf32, #tpu.memory_space<hbm>>
      tpu.wait_dma2 semaphore(%run_scoped3A : memref<!tpu.dma_semaphore, #tpu.memory_space<semaphore_mem>>) src(%dma_wait3A_62 : memref<8x16xf32, #tpu.memory_space<hbm>>) dst(%arg5 : memref<8x16xf32, #tpu.memory_space<vmem>>)
      tpu.yield
    }) : () -> ()
    %broadcast_in_dim3A = arith.constant 0 : i32
    %broadcast_in_dim3A_51 = vector.broadcast %broadcast_in_dim3A : i32 to vector<16xi32>
    %scan3A = arith.constant 0 : i32
    %scan3A_52 = arith.constant 8 : i32
    %scan3A_53 = arith.addi %scan3A, %scan3A_52 : i32
    %scan3A_54 = arith.constant 1 : i32
    %scan3A_55 = scf.for %scan3A_57 = %scan3A to %scan3A_53 step %scan3A_54 iter_args(%scan3A_58 = %broadcast_in_dim3A_51) -> (vector<16xi32>)  : i32 {
      %mul3A_59 = arith.constant 8 : i32
      %mul3A_60 = arith.muli %add3A_48, %mul3A_59 : i32
      %add3A_61 = arith.addi %mul3A_60, %scan3A_57 : i32
      %gather3A = tpu.vector_load_idx %arg5[%scan3A_58, %iota3A] : memref<8x16xf32, #tpu.memory_space<vmem>>[vector<16xi32>, vector<16xi32>], vector<16xf32>,
      %mul3A_62 = arith.constant 1.250000e-01 : f32
      %mul3A_63 = vector.broadcast %mul3A_62 : f32 to vector<16xf32>
      %mul3A_64 = arith.mulf %gather3A, %mul3A_63 : vector<16xf32>
      %jit3A = arith.constant 0.000000e+00 : f32
      %jit3A_65 = arith.constant 6.300000e+01 : f32
      %max3A = vector.broadcast %jit3A : f32 to vector<16xf32>
      %max3A_66 = arith.maximumf %max3A, %mul3A_64 : vector<16xf32>
      %min3A = vector.broadcast %jit3A_65 : f32 to vector<16xf32>
      %min3A_67 = arith.minimumf %min3A, %max3A_66 : vector<16xf32>
      %convert_element_type3A_68 = arith.fptosi %min3A_67 : vector<16xf32> to vector<16xi32>
      %convert_element_type3A_69 = arith.fptosi %gather3A : vector<16xf32> to vector<16xi32>
      %broadcast_in_dim3A_70 = arith.constant 6 : i32
      %broadcast_in_dim3A_71 = vector.broadcast %broadcast_in_dim3A_70 : i32 to vector<16xi32>
      %broadcast_in_dim3A_72 = vector.shape_cast %broadcast_in_dim3A_71 : vector<16xi32> to vector<16x1xi32>
      %gather3A_73 = vector.shape_cast %broadcast_in_dim3A_72 : vector<16x1xi32> to vector<16xi32>
      %gather3A_74 = tpu.dynamic_gather %convert_element_type3A_69[%gather3A_73] in [0] : vector<16xi32>, vector<16xi32> -> vector<16xi32>
      %min3A_75 = arith.constant 47 : i32
      %min3A_76 = vector.broadcast %min3A_75 : i32 to vector<16xi32>
      %min3A_77 = arith.minsi %convert_element_type3A_68, %min3A_76 : vector<16xi32>
      %broadcast_in_dim3A_78 = arith.constant 0 : i32
      %broadcast_in_dim3A_79 = vector.broadcast %broadcast_in_dim3A_78 : i32 to vector<16xi32>
      %broadcast_in_dim3A_80 = vector.shape_cast %broadcast_in_dim3A_79 : vector<16xi32> to vector<16x1xi32>
      %gather3A_81 = vector.shape_cast %broadcast_in_dim3A_80 : vector<16x1xi32> to vector<16xi32>
      %gather3A_82 = tpu.dynamic_gather %min3A_77[%gather3A_81] in [0] : vector<16xi32>, vector<16xi32> -> vector<16xi32>
      %broadcast_in_dim3A_83 = arith.constant 1 : i32
      %broadcast_in_dim3A_84 = vector.broadcast %broadcast_in_dim3A_83 : i32 to vector<16xi32>
      %broadcast_in_dim3A_85 = vector.shape_cast %broadcast_in_dim3A_84 : vector<16xi32> to vector<16x1xi32>
      %gather3A_86 = vector.shape_cast %broadcast_in_dim3A_85 : vector<16x1xi32> to vector<16xi32>
      %gather3A_87 = tpu.dynamic_gather %min3A_77[%gather3A_86] in [0] : vector<16xi32>, vector<16xi32> -> vector<16xi32>
      %broadcast_in_dim3A_88 = arith.constant 0 : i32
      %broadcast_in_dim3A_89 = vector.broadcast %broadcast_in_dim3A_88 : i32 to vector<16xi32>
      %broadcast_in_dim3A_90 = vector.shape_cast %broadcast_in_dim3A_89 : vector<16xi32> to vector<16x1xi32>
      %gather3A_91 = vector.shape_cast %broadcast_in_dim3A_90 : vector<16x1xi32> to vector<16xi32>
      %gather3A_92 = tpu.dynamic_gather %min3A_67[%gather3A_91] in [0] : vector<16xf32>, vector<16xi32> -> vector<16xf32>
      %broadcast_in_dim3A_93 = arith.constant 2 : i32
      %broadcast_in_dim3A_94 = vector.broadcast %broadcast_in_dim3A_93 : i32 to vector<16xi32>
      %broadcast_in_dim3A_95 = vector.shape_cast %broadcast_in_dim3A_94 : vector<16xi32> to vector<16x1xi32>
      %gather3A_96 = vector.shape_cast %broadcast_in_dim3A_95 : vector<16x1xi32> to vector<16xi32>
      %gather3A_97 = tpu.dynamic_gather %min3A_67[%gather3A_96] in [0] : vector<16xf32>, vector<16xi32> -> vector<16xf32>
      %broadcast_in_dim3A_98 = arith.constant 1 : i32
      %broadcast_in_dim3A_99 = vector.broadcast %broadcast_in_dim3A_98 : i32 to vector<16xi32>
      %broadcast_in_dim3A_100 = vector.shape_cast %broadcast_in_dim3A_99 : vector<16xi32> to vector<16x1xi32>
      %gather3A_101 = vector.shape_cast %broadcast_in_dim3A_100 : vector<16x1xi32> to vector<16xi32>
      %gather3A_102 = tpu.dynamic_gather %min3A_67[%gather3A_101] in [0] : vector<16xf32>, vector<16xi32> -> vector<16xf32>
      %broadcast_in_dim3A_103 = arith.constant 3 : i32
      %broadcast_in_dim3A_104 = vector.broadcast %broadcast_in_dim3A_103 : i32 to vector<16xi32>
      %broadcast_in_dim3A_105 = vector.shape_cast %broadcast_in_dim3A_104 : vector<16xi32> to vector<16x1xi32>
      %gather3A_106 = vector.shape_cast %broadcast_in_dim3A_105 : vector<16x1xi32> to vector<16xi32>
      %gather3A_107 = tpu.dynamic_gather %min3A_67[%gather3A_106] in [0] : vector<16xf32>, vector<16xi32> -> vector<16xf32>
      %mul3A_108 = arith.constant 0.0714285746 : f32
      %mul3A_109 = vector.broadcast %mul3A_108 : f32 to vector<16xf32>
      %mul3A_110 = arith.mulf %convert_element_type3A, %mul3A_109 : vector<16xf32>
      %sub3A = arith.subf %gather3A_97, %gather3A_92 : vector<16xf32>
      %mul3A_111 = arith.mulf %mul3A_110, %sub3A : vector<16xf32>
      %add3A_112 = arith.addf %gather3A_92, %mul3A_111 : vector<16xf32>
      %convert_element_type3A_113 = arith.fptosi %add3A_112 : vector<16xf32> to vector<16xi32>
      %convert_element_type3A_114 = arith.sitofp %convert_element_type3A_113 : vector<16xi32> to vector<16xf32>
      %sub3A_115 = arith.subf %add3A_112, %convert_element_type3A_114 : vector<16xf32>
      %jit3A_116 = arith.constant 0 : i32
      %jit3A_117 = arith.constant 63 : i32
      %max3A_118 = vector.broadcast %jit3A_116 : i32 to vector<16xi32>
      %max3A_119 = arith.maxsi %max3A_118, %convert_element_type3A_113 : vector<16xi32>
      %min3A_120 = vector.broadcast %jit3A_117 : i32 to vector<16xi32>
      %min3A_121 = arith.minsi %min3A_120, %max3A_119 : vector<16xi32>
      %sub3A_122 = arith.subi %min3A_121, %gather3A_82 : vector<16xi32>
      %add3A_123 = arith.constant 1 : i32
      %add3A_124 = vector.broadcast %add3A_123 : i32 to vector<16xi32>
      %add3A_125 = arith.addi %convert_element_type3A_113, %add3A_124 : vector<16xi32>
      %jit3A_126 = arith.constant 0 : i32
      %jit3A_127 = arith.constant 63 : i32
      %max3A_128 = vector.broadcast %jit3A_126 : i32 to vector<16xi32>
      %max3A_129 = arith.maxsi %max3A_128, %add3A_125 : vector<16xi32>
      %min3A_130 = vector.broadcast %jit3A_127 : i32 to vector<16xi32>
      %min3A_131 = arith.minsi %min3A_130, %max3A_129 : vector<16xi32>
      %sub3A_132 = arith.subi %min3A_131, %gather3A_82 : vector<16xi32>
      %mul3A_133 = arith.constant 0.0714285746 : f32
      %mul3A_134 = vector.broadcast %mul3A_133 : f32 to vector<16xf32>
      %mul3A_135 = arith.mulf %convert_element_type3A, %mul3A_134 : vector<16xf32>
      %sub3A_136 = arith.subf %gather3A_107, %gather3A_102 : vector<16xf32>
      %mul3A_137 = arith.mulf %mul3A_135, %sub3A_136 : vector<16xf32>
      %add3A_138 = arith.addf %gather3A_102, %mul3A_137 : vector<16xf32>
      %convert_element_type3A_139 = arith.fptosi %add3A_138 : vector<16xf32> to vector<16xi32>
      %convert_element_type3A_140 = arith.sitofp %convert_element_type3A_139 : vector<16xi32> to vector<16xf32>
      %sub3A_141 = arith.subf %add3A_138, %convert_element_type3A_140 : vector<16xf32>
      %jit3A_142 = arith.constant 0 : i32
      %jit3A_143 = arith.constant 63 : i32
      %max3A_144 = vector.broadcast %jit3A_142 : i32 to vector<16xi32>
      %max3A_145 = arith.maxsi %max3A_144, %convert_element_type3A_139 : vector<16xi32>
      %min3A_146 = vector.broadcast %jit3A_143 : i32 to vector<16xi32>
      %min3A_147 = arith.minsi %min3A_146, %max3A_145 : vector<16xi32>
      %sub3A_148 = arith.subi %min3A_147, %gather3A_87 : vector<16xi32>
      %add3A_149 = arith.constant 1 : i32
      %add3A_150 = vector.broadcast %add3A_149 : i32 to vector<16xi32>
      %add3A_151 = arith.addi %convert_element_type3A_139, %add3A_150 : vector<16xi32>
      %jit3A_152 = arith.constant 0 : i32
      %jit3A_153 = arith.constant 63 : i32
      %max3A_154 = vector.broadcast %jit3A_152 : i32 to vector<16xi32>
      %max3A_155 = arith.maxsi %max3A_154, %add3A_151 : vector<16xi32>
      %min3A_156 = vector.broadcast %jit3A_153 : i32 to vector<16xi32>
      %min3A_157 = arith.minsi %min3A_156, %max3A_155 : vector<16xi32>
      %sub3A_158 = arith.subi %min3A_157, %gather3A_87 : vector<16xi32>
      %mul3A_159 = arith.constant 57600 : i32
      %mul3A_160 = arith.muli %add3A_61, %mul3A_159 : i32
      %mul3A_161 = arith.constant 128 : i32
      %mul3A_162 = vector.broadcast %mul3A_161 : i32 to vector<16xi32>
      %mul3A_163 = arith.muli %gather3A_87, %mul3A_162 : vector<16xi32>
      %add3A_164 = arith.addi %gather3A_74, %mul3A_163 : vector<16xi32>
      %mul3A_165 = arith.constant 2 : i32
      %mul3A_166 = vector.broadcast %mul3A_165 : i32 to vector<16xi32>
      %mul3A_167 = arith.muli %gather3A_82, %mul3A_166 : vector<16xi32>
      %add3A_168 = arith.addi %add3A_164, %mul3A_167 : vector<16xi32>
      %add3A_169 = arith.constant 0 : i32
      %add3A_170 = vector.broadcast %add3A_169 : i32 to vector<16xi32>
      %add3A_171 = arith.addi %add3A_168, %add3A_170 : vector<16xi32>
      %add3A_172 = arith.constant 0 : i32
      %add3A_173 = vector.broadcast %add3A_172 : i32 to vector<16xi32>
      %add3A_174 = arith.addi %iota3A, %add3A_173 : vector<16xi32>
      %min3A_175 = arith.constant 288 : i32
      %min3A_176 = vector.broadcast %min3A_175 : i32 to vector<16xi32>
      %min3A_177 = arith.minsi %add3A_174, %min3A_176 : vector<16xi32>
      %jit3A_178 = arith.constant 17 : i32
      %div3A = vector.broadcast %jit3A_178 : i32 to vector<16xi32>
      %div3A_179 = arith.divsi %min3A_177, %div3A : vector<16xi32>
      %sign3A = arith.constant 0 : i32
      %sign3A_180 = vector.broadcast %sign3A : i32 to vector<16xi32>
      %sign3A_181 = arith.cmpi sgt, %min3A_177, %sign3A_180 : vector<16xi32>
      %sign3A_182 = arith.extui %sign3A_181 : vector<16xi1> to vector<16xi32>
      %sign3A_183 = arith.constant 0 : i32
      %sign3A_184 = vector.broadcast %sign3A_183 : i32 to vector<16xi32>
      %sign3A_185 = arith.cmpi slt, %min3A_177, %sign3A_184 : vector<16xi32>
      %sign3A_186 = arith.extui %sign3A_185 : vector<16xi1> to vector<16xi32>
      %sign3A_187 = arith.subi %sign3A_182, %sign3A_186 : vector<16xi32>
      %sign3A_188 = arith.constant 0 : i32
      %sign3A_189 = arith.cmpi sgt, %jit3A_178, %sign3A_188 : i32
      %sign3A_190 = arith.extui %sign3A_189 : i1 to i32
      %sign3A_191 = arith.constant 0 : i32
      %sign3A_192 = arith.cmpi slt, %jit3A_178, %sign3A_191 : i32
      %sign3A_193 = arith.extui %sign3A_192 : i1 to i32
      %sign3A_194 = arith.subi %sign3A_190, %sign3A_193 : i32
      %ne3A = vector.broadcast %sign3A_194 : i32 to vector<16xi32>
      %ne3A_195 = arith.cmpi ne, %sign3A_187, %ne3A : vector<16xi32>
      %rem3A = vector.broadcast %jit3A_178 : i32 to vector<16xi32>
      %rem3A_196 = arith.remsi %min3A_177, %rem3A : vector<16xi32>
      %ne3A_197 = arith.constant 0 : i32
      %ne3A_198 = vector.broadcast %ne3A_197 : i32 to vector<16xi32>
      %ne3A_199 = arith.cmpi ne, %rem3A_196, %ne3A_198 : vector<16xi32>
      %and3A = arith.andi %ne3A_195, %ne3A_199 : vector<16xi1>
      %sub3A_200 = arith.constant 1 : i32
      %sub3A_201 = vector.broadcast %sub3A_200 : i32 to vector<16xi32>
      %sub3A_202 = arith.subi %div3A_179, %sub3A_201 : vector<16xi32>
      %select_n3A = arith.select %and3A, %sub3A_202, %div3A_179 : vector<16xi1>, vector<16xi32>
      %mul3A_203 = arith.constant 17 : i32
      %mul3A_204 = vector.broadcast %mul3A_203 : i32 to vector<16xi32>
      %mul3A_205 = arith.muli %select_n3A, %mul3A_204 : vector<16xi32>
      %sub3A_206 = arith.subi %min3A_177, %mul3A_205 : vector<16xi32>
      %mul3A_207 = arith.constant 128 : i32
      %mul3A_208 = vector.broadcast %mul3A_207 : i32 to vector<16xi32>
      %mul3A_209 = arith.muli %select_n3A, %mul3A_208 : vector<16xi32>
      %add3A_210 = arith.addi %add3A_171, %mul3A_209 : vector<16xi32>
      %mul3A_211 = arith.constant 2 : i32
      %mul3A_212 = vector.broadcast %mul3A_211 : i32 to vector<16xi32>
      %mul3A_213 = arith.muli %sub3A_206, %mul3A_212 : vector<16xi32>
      %add3A_214 = arith.addi %add3A_210, %mul3A_213 : vector<16xi32>
      %swap3A = arith.constant 0 : i32
      %swap3A_215 = arith.index_cast %swap3A : i32 to index
      %swap3A_216 = arith.constant 0 : index
      %swap3A_217 = tpu.vector_load %arg6[%swap3A_215, %swap3A_216] {strides = array<i32>} : memref<3x128xi32, #tpu.memory_space<vmem>>, vector<16xi32>,
      tpu.vector_store %arg6[%swap3A_215, %swap3A_216], %add3A_214 {strides = array<i32>} : memref<3x128xi32, #tpu.memory_space<vmem>>, vector<16xi32>,
      %add3A_218 = arith.constant 16 : i32
      %add3A_219 = vector.broadcast %add3A_218 : i32 to vector<16xi32>
      %add3A_220 = arith.addi %iota3A, %add3A_219 : vector<16xi32>
      %min3A_221 = arith.constant 288 : i32
      %min3A_222 = vector.broadcast %min3A_221 : i32 to vector<16xi32>
      %min3A_223 = arith.minsi %add3A_220, %min3A_222 : vector<16xi32>
      %jit3A_224 = arith.constant 17 : i32
      %div3A_225 = vector.broadcast %jit3A_224 : i32 to vector<16xi32>
      %div3A_226 = arith.divsi %min3A_223, %div3A_225 : vector<16xi32>
      %sign3A_227 = arith.constant 0 : i32
      %sign3A_228 = vector.broadcast %sign3A_227 : i32 to vector<16xi32>
      %sign3A_229 = arith.cmpi sgt, %min3A_223, %sign3A_228 : vector<16xi32>
      %sign3A_230 = arith.extui %sign3A_229 : vector<16xi1> to vector<16xi32>
      %sign3A_231 = arith.constant 0 : i32
      %sign3A_232 = vector.broadcast %sign3A_231 : i32 to vector<16xi32>
      %sign3A_233 = arith.cmpi slt, %min3A_223, %sign3A_232 : vector<16xi32>
      %sign3A_234 = arith.extui %sign3A_233 : vector<16xi1> to vector<16xi32>
      %sign3A_235 = arith.subi %sign3A_230, %sign3A_234 : vector<16xi32>
      %sign3A_236 = arith.constant 0 : i32
      %sign3A_237 = arith.cmpi sgt, %jit3A_224, %sign3A_236 : i32
      %sign3A_238 = arith.extui %sign3A_237 : i1 to i32
      %sign3A_239 = arith.constant 0 : i32
      %sign3A_240 = arith.cmpi slt, %jit3A_224, %sign3A_239 : i32
      %sign3A_241 = arith.extui %sign3A_240 : i1 to i32
      %sign3A_242 = arith.subi %sign3A_238, %sign3A_241 : i32
      %ne3A_243 = vector.broadcast %sign3A_242 : i32 to vector<16xi32>
      %ne3A_244 = arith.cmpi ne, %sign3A_235, %ne3A_243 : vector<16xi32>
      %rem3A_245 = vector.broadcast %jit3A_224 : i32 to vector<16xi32>
      %rem3A_246 = arith.remsi %min3A_223, %rem3A_245 : vector<16xi32>
      %ne3A_247 = arith.constant 0 : i32
      %ne3A_248 = vector.broadcast %ne3A_247 : i32 to vector<16xi32>
      %ne3A_249 = arith.cmpi ne, %rem3A_246, %ne3A_248 : vector<16xi32>
      %and3A_250 = arith.andi %ne3A_244, %ne3A_249 : vector<16xi1>
      %sub3A_251 = arith.constant 1 : i32
      %sub3A_252 = vector.broadcast %sub3A_251 : i32 to vector<16xi32>
      %sub3A_253 = arith.subi %div3A_226, %sub3A_252 : vector<16xi32>
      %select_n3A_254 = arith.select %and3A_250, %sub3A_253, %div3A_226 : vector<16xi1>, vector<16xi32>
      %mul3A_255 = arith.constant 17 : i32
      %mul3A_256 = vector.broadcast %mul3A_255 : i32 to vector<16xi32>
      %mul3A_257 = arith.muli %select_n3A_254, %mul3A_256 : vector<16xi32>
      %sub3A_258 = arith.subi %min3A_223, %mul3A_257 : vector<16xi32>
      %mul3A_259 = arith.constant 128 : i32
      %mul3A_260 = vector.broadcast %mul3A_259 : i32 to vector<16xi32>
      %mul3A_261 = arith.muli %select_n3A_254, %mul3A_260 : vector<16xi32>
      %add3A_262 = arith.addi %add3A_171, %mul3A_261 : vector<16xi32>
      %mul3A_263 = arith.constant 2 : i32
      %mul3A_264 = vector.broadcast %mul3A_263 : i32 to vector<16xi32>
      %mul3A_265 = arith.muli %sub3A_258, %mul3A_264 : vector<16xi32>
      %add3A_266 = arith.addi %add3A_262, %mul3A_265 : vector<16xi32>
      %swap3A_267 = arith.constant 0 : i32
      %swap3A_268 = arith.index_cast %swap3A_267 : i32 to index
      %swap3A_269 = arith.constant 16 : index
      %swap3A_270 = tpu.vector_load %arg6[%swap3A_268, %swap3A_269] {strides = array<i32>} : memref<3x128xi32, #tpu.memory_space<vmem>>, vector<16xi32>,
      tpu.vector_store %arg6[%swap3A_268, %swap3A_269], %add3A_266 {strides = array<i32>} : memref<3x128xi32, #tpu.memory_space<vmem>>, vector<16xi32>,
      %add3A_271 = arith.constant 32 : i32
      %add3A_272 = vector.broadcast %add3A_271 : i32 to vector<16xi32>
      %add3A_273 = arith.addi %iota3A, %add3A_272 : vector<16xi32>
      %min3A_274 = arith.constant 288 : i32
      %min3A_275 = vector.broadcast %min3A_274 : i32 to vector<16xi32>
      %min3A_276 = arith.minsi %add3A_273, %min3A_275 : vector<16xi32>
      %jit3A_277 = arith.constant 17 : i32
      %div3A_278 = vector.broadcast %jit3A_277 : i32 to vector<16xi32>
      %div3A_279 = arith.divsi %min3A_276, %div3A_278 : vector<16xi32>
      %sign3A_280 = arith.constant 0 : i32
      %sign3A_281 = vector.broadcast %sign3A_280 : i32 to vector<16xi32>
      %sign3A_282 = arith.cmpi sgt, %min3A_276, %sign3A_281 : vector<16xi32>
      %sign3A_283 = arith.extui %sign3A_282 : vector<16xi1> to vector<16xi32>
      %sign3A_284 = arith.constant 0 : i32
      %sign3A_285 = vector.broadcast %sign3A_284 : i32 to vector<16xi32>
      %sign3A_286 = arith.cmpi slt, %min3A_276, %sign3A_285 : vector<16xi32>
      %sign3A_287 = arith.extui %sign3A_286 : vector<16xi1> to vector<16xi32>
      %sign3A_288 = arith.subi %sign3A_283, %sign3A_287 : vector<16xi32>
      %sign3A_289 = arith.constant 0 : i32
      %sign3A_290 = arith.cmpi sgt, %jit3A_277, %sign3A_289 : i32
      %sign3A_291 = arith.extui %sign3A_290 : i1 to i32
      %sign3A_292 = arith.constant 0 : i32
      %sign3A_293 = arith.cmpi slt, %jit3A_277, %sign3A_292 : i32
      %sign3A_294 = arith.extui %sign3A_293 : i1 to i32
      %sign3A_295 = arith.subi %sign3A_291, %sign3A_294 : i32
      %ne3A_296 = vector.broadcast %sign3A_295 : i32 to vector<16xi32>
      %ne3A_297 = arith.cmpi ne, %sign3A_288, %ne3A_296 : vector<16xi32>
      %rem3A_298 = vector.broadcast %jit3A_277 : i32 to vector<16xi32>
      %rem3A_299 = arith.remsi %min3A_276, %rem3A_298 : vector<16xi32>
      %ne3A_300 = arith.constant 0 : i32
      %ne3A_301 = vector.broadcast %ne3A_300 : i32 to vector<16xi32>
      %ne3A_302 = arith.cmpi ne, %rem3A_299, %ne3A_301 : vector<16xi32>
      %and3A_303 = arith.andi %ne3A_297, %ne3A_302 : vector<16xi1>
      %sub3A_304 = arith.constant 1 : i32
      %sub3A_305 = vector.broadcast %sub3A_304 : i32 to vector<16xi32>
      %sub3A_306 = arith.subi %div3A_279, %sub3A_305 : vector<16xi32>
      %select_n3A_307 = arith.select %and3A_303, %sub3A_306, %div3A_279 : vector<16xi1>, vector<16xi32>
      %mul3A_308 = arith.constant 17 : i32
      %mul3A_309 = vector.broadcast %mul3A_308 : i32 to vector<16xi32>
      %mul3A_310 = arith.muli %select_n3A_307, %mul3A_309 : vector<16xi32>
      %sub3A_311 = arith.subi %min3A_276, %mul3A_310 : vector<16xi32>
      %mul3A_312 = arith.constant 128 : i32
      %mul3A_313 = vector.broadcast %mul3A_312 : i32 to vector<16xi32>
      %mul3A_314 = arith.muli %select_n3A_307, %mul3A_313 : vector<16xi32>
      %add3A_315 = arith.addi %add3A_171, %mul3A_314 : vector<16xi32>
      %mul3A_316 = arith.constant 2 : i32
      %mul3A_317 = vector.broadcast %mul3A_316 : i32 to vector<16xi32>
      %mul3A_318 = arith.muli %sub3A_311, %mul3A_317 : vector<16xi32>
      %add3A_319 = arith.addi %add3A_315, %mul3A_318 : vector<16xi32>
      %swap3A_320 = arith.constant 0 : i32
      %swap3A_321 = arith.index_cast %swap3A_320 : i32 to index
      %swap3A_322 = arith.constant 32 : index
      %swap3A_323 = tpu.vector_load %arg6[%swap3A_321, %swap3A_322] {strides = array<i32>} : memref<3x128xi32, #tpu.memory_space<vmem>>, vector<16xi32>,
      tpu.vector_store %arg6[%swap3A_321, %swap3A_322], %add3A_319 {strides = array<i32>} : memref<3x128xi32, #tpu.memory_space<vmem>>, vector<16xi32>,
      %add3A_324 = arith.constant 48 : i32
      %add3A_325 = vector.broadcast %add3A_324 : i32 to vector<16xi32>
      %add3A_326 = arith.addi %iota3A, %add3A_325 : vector<16xi32>
      %min3A_327 = arith.constant 288 : i32
      %min3A_328 = vector.broadcast %min3A_327 : i32 to vector<16xi32>
      %min3A_329 = arith.minsi %add3A_326, %min3A_328 : vector<16xi32>
      %jit3A_330 = arith.constant 17 : i32
      %div3A_331 = vector.broadcast %jit3A_330 : i32 to vector<16xi32>
      %div3A_332 = arith.divsi %min3A_329, %div3A_331 : vector<16xi32>
      %sign3A_333 = arith.constant 0 : i32
      %sign3A_334 = vector.broadcast %sign3A_333 : i32 to vector<16xi32>
      %sign3A_335 = arith.cmpi sgt, %min3A_329, %sign3A_334 : vector<16xi32>
      %sign3A_336 = arith.extui %sign3A_335 : vector<16xi1> to vector<16xi32>
      %sign3A_337 = arith.constant 0 : i32
      %sign3A_338 = vector.broadcast %sign3A_337 : i32 to vector<16xi32>
      %sign3A_339 = arith.cmpi slt, %min3A_329, %sign3A_338 : vector<16xi32>
      %sign3A_340 = arith.extui %sign3A_339 : vector<16xi1> to vector<16xi32>
      %sign3A_341 = arith.subi %sign3A_336, %sign3A_340 : vector<16xi32>
      %sign3A_342 = arith.constant 0 : i32
      %sign3A_343 = arith.cmpi sgt, %jit3A_330, %sign3A_342 : i32
      %sign3A_344 = arith.extui %sign3A_343 : i1 to i32
      %sign3A_345 = arith.constant 0 : i32
      %sign3A_346 = arith.cmpi slt, %jit3A_330, %sign3A_345 : i32
      %sign3A_347 = arith.extui %sign3A_346 : i1 to i32
      %sign3A_348 = arith.subi %sign3A_344, %sign3A_347 : i32
      %ne3A_349 = vector.broadcast %sign3A_348 : i32 to vector<16xi32>
      %ne3A_350 = arith.cmpi ne, %sign3A_341, %ne3A_349 : vector<16xi32>
      %rem3A_351 = vector.broadcast %jit3A_330 : i32 to vector<16xi32>
      %rem3A_352 = arith.remsi %min3A_329, %rem3A_351 : vector<16xi32>
      %ne3A_353 = arith.constant 0 : i32
      %ne3A_354 = vector.broadcast %ne3A_353 : i32 to vector<16xi32>
      %ne3A_355 = arith.cmpi ne, %rem3A_352, %ne3A_354 : vector<16xi32>
      %and3A_356 = arith.andi %ne3A_350, %ne3A_355 : vector<16xi1>
      %sub3A_357 = arith.constant 1 : i32
      %sub3A_358 = vector.broadcast %sub3A_357 : i32 to vector<16xi32>
      %sub3A_359 = arith.subi %div3A_332, %sub3A_358 : vector<16xi32>
      %select_n3A_360 = arith.select %and3A_356, %sub3A_359, %div3A_332 : vector<16xi1>, vector<16xi32>
      %mul3A_361 = arith.constant 17 : i32
      %mul3A_362 = vector.broadcast %mul3A_361 : i32 to vector<16xi32>
      %mul3A_363 = arith.muli %select_n3A_360, %mul3A_362 : vector<16xi32>
      %sub3A_364 = arith.subi %min3A_329, %mul3A_363 : vector<16xi32>
      %mul3A_365 = arith.constant 128 : i32
      %mul3A_366 = vector.broadcast %mul3A_365 : i32 to vector<16xi32>
      %mul3A_367 = arith.muli %select_n3A_360, %mul3A_366 : vector<16xi32>
      %add3A_368 = arith.addi %add3A_171, %mul3A_367 : vector<16xi32>
      %mul3A_369 = arith.constant 2 : i32
      %mul3A_370 = vector.broadcast %mul3A_369 : i32 to vector<16xi32>
      %mul3A_371 = arith.muli %sub3A_364, %mul3A_370 : vector<16xi32>
      %add3A_372 = arith.addi %add3A_368, %mul3A_371 : vector<16xi32>
      %swap3A_373 = arith.constant 0 : i32
      %swap3A_374 = arith.index_cast %swap3A_373 : i32 to index
      %swap3A_375 = arith.constant 48 : index
      %swap3A_376 = tpu.vector_load %arg6[%swap3A_374, %swap3A_375] {strides = array<i32>} : memref<3x128xi32, #tpu.memory_space<vmem>>, vector<16xi32>,
      tpu.vector_store %arg6[%swap3A_374, %swap3A_375], %add3A_372 {strides = array<i32>} : memref<3x128xi32, #tpu.memory_space<vmem>>, vector<16xi32>,
      %add3A_377 = arith.constant 64 : i32
      %add3A_378 = vector.broadcast %add3A_377 : i32 to vector<16xi32>
      %add3A_379 = arith.addi %iota3A, %add3A_378 : vector<16xi32>
      %min3A_380 = arith.constant 288 : i32
      %min3A_381 = vector.broadcast %min3A_380 : i32 to vector<16xi32>
      %min3A_382 = arith.minsi %add3A_379, %min3A_381 : vector<16xi32>
      %jit3A_383 = arith.constant 17 : i32
      %div3A_384 = vector.broadcast %jit3A_383 : i32 to vector<16xi32>
      %div3A_385 = arith.divsi %min3A_382, %div3A_384 : vector<16xi32>
      %sign3A_386 = arith.constant 0 : i32
      %sign3A_387 = vector.broadcast %sign3A_386 : i32 to vector<16xi32>
      %sign3A_388 = arith.cmpi sgt, %min3A_382, %sign3A_387 : vector<16xi32>
      %sign3A_389 = arith.extui %sign3A_388 : vector<16xi1> to vector<16xi32>
      %sign3A_390 = arith.constant 0 : i32
      %sign3A_391 = vector.broadcast %sign3A_390 : i32 to vector<16xi32>
      %sign3A_392 = arith.cmpi slt, %min3A_382, %sign3A_391 : vector<16xi32>
      %sign3A_393 = arith.extui %sign3A_392 : vector<16xi1> to vector<16xi32>
      %sign3A_394 = arith.subi %sign3A_389, %sign3A_393 : vector<16xi32>
      %sign3A_395 = arith.constant 0 : i32
      %sign3A_396 = arith.cmpi sgt, %jit3A_383, %sign3A_395 : i32
      %sign3A_397 = arith.extui %sign3A_396 : i1 to i32
      %sign3A_398 = arith.constant 0 : i32
      %sign3A_399 = arith.cmpi slt, %jit3A_383, %sign3A_398 : i32
      %sign3A_400 = arith.extui %sign3A_399 : i1 to i32
      %sign3A_401 = arith.subi %sign3A_397, %sign3A_400 : i32
      %ne3A_402 = vector.broadcast %sign3A_401 : i32 to vector<16xi32>
      %ne3A_403 = arith.cmpi ne, %sign3A_394, %ne3A_402 : vector<16xi32>
      %rem3A_404 = vector.broadcast %jit3A_383 : i32 to vector<16xi32>
      %rem3A_405 = arith.remsi %min3A_382, %rem3A_404 : vector<16xi32>
      %ne3A_406 = arith.constant 0 : i32
      %ne3A_407 = vector.broadcast %ne3A_406 : i32 to vector<16xi32>
      %ne3A_408 = arith.cmpi ne, %rem3A_405, %ne3A_407 : vector<16xi32>
      %and3A_409 = arith.andi %ne3A_403, %ne3A_408 : vector<16xi1>
      %sub3A_410 = arith.constant 1 : i32
      %sub3A_411 = vector.broadcast %sub3A_410 : i32 to vector<16xi32>
      %sub3A_412 = arith.subi %div3A_385, %sub3A_411 : vector<16xi32>
      %select_n3A_413 = arith.select %and3A_409, %sub3A_412, %div3A_385 : vector<16xi1>, vector<16xi32>
      %mul3A_414 = arith.constant 17 : i32
      %mul3A_415 = vector.broadcast %mul3A_414 : i32 to vector<16xi32>
      %mul3A_416 = arith.muli %select_n3A_413, %mul3A_415 : vector<16xi32>
      %sub3A_417 = arith.subi %min3A_382, %mul3A_416 : vector<16xi32>
      %mul3A_418 = arith.constant 128 : i32
      %mul3A_419 = vector.broadcast %mul3A_418 : i32 to vector<16xi32>
      %mul3A_420 = arith.muli %select_n3A_413, %mul3A_419 : vector<16xi32>
      %add3A_421 = arith.addi %add3A_171, %mul3A_420 : vector<16xi32>
      %mul3A_422 = arith.constant 2 : i32
      %mul3A_423 = vector.broadcast %mul3A_422 : i32 to vector<16xi32>
      %mul3A_424 = arith.muli %sub3A_417, %mul3A_423 : vector<16xi32>
      %add3A_425 = arith.addi %add3A_421, %mul3A_424 : vector<16xi32>
      %swap3A_426 = arith.constant 0 : i32
      %swap3A_427 = arith.index_cast %swap3A_426 : i32 to index
      %swap3A_428 = arith.constant 64 : index
      %swap3A_429 = tpu.vector_load %arg6[%swap3A_427, %swap3A_428] {strides = array<i32>} : memref<3x128xi32, #tpu.memory_space<vmem>>, vector<16xi32>,
      tpu.vector_store %arg6[%swap3A_427, %swap3A_428], %add3A_425 {strides = array<i32>} : memref<3x128xi32, #tpu.memory_space<vmem>>, vector<16xi32>,
      %add3A_430 = arith.constant 80 : i32
      %add3A_431 = vector.broadcast %add3A_430 : i32 to vector<16xi32>
      %add3A_432 = arith.addi %iota3A, %add3A_431 : vector<16xi32>
      %min3A_433 = arith.constant 288 : i32
      %min3A_434 = vector.broadcast %min3A_433 : i32 to vector<16xi32>
      %min3A_435 = arith.minsi %add3A_432, %min3A_434 : vector<16xi32>
      %jit3A_436 = arith.constant 17 : i32
      %div3A_437 = vector.broadcast %jit3A_436 : i32 to vector<16xi32>
      %div3A_438 = arith.divsi %min3A_435, %div3A_437 : vector<16xi32>
      %sign3A_439 = arith.constant 0 : i32
      %sign3A_440 = vector.broadcast %sign3A_439 : i32 to vector<16xi32>
      %sign3A_441 = arith.cmpi sgt, %min3A_435, %sign3A_440 : vector<16xi32>
      %sign3A_442 = arith.extui %sign3A_441 : vector<16xi1> to vector<16xi32>
      %sign3A_443 = arith.constant 0 : i32
      %sign3A_444 = vector.broadcast %sign3A_443 : i32 to vector<16xi32>
      %sign3A_445 = arith.cmpi slt, %min3A_435, %sign3A_444 : vector<16xi32>
      %sign3A_446 = arith.extui %sign3A_445 : vector<16xi1> to vector<16xi32>
      %sign3A_447 = arith.subi %sign3A_442, %sign3A_446 : vector<16xi32>
      %sign3A_448 = arith.constant 0 : i32
      %sign3A_449 = arith.cmpi sgt, %jit3A_436, %sign3A_448 : i32
      %sign3A_450 = arith.extui %sign3A_449 : i1 to i32
      %sign3A_451 = arith.constant 0 : i32
      %sign3A_452 = arith.cmpi slt, %jit3A_436, %sign3A_451 : i32
      %sign3A_453 = arith.extui %sign3A_452 : i1 to i32
      %sign3A_454 = arith.subi %sign3A_450, %sign3A_453 : i32
      %ne3A_455 = vector.broadcast %sign3A_454 : i32 to vector<16xi32>
      %ne3A_456 = arith.cmpi ne, %sign3A_447, %ne3A_455 : vector<16xi32>
      %rem3A_457 = vector.broadcast %jit3A_436 : i32 to vector<16xi32>
      %rem3A_458 = arith.remsi %min3A_435, %rem3A_457 : vector<16xi32>
      %ne3A_459 = arith.constant 0 : i32
      %ne3A_460 = vector.broadcast %ne3A_459 : i32 to vector<16xi32>
      %ne3A_461 = arith.cmpi ne, %rem3A_458, %ne3A_460 : vector<16xi32>
      %and3A_462 = arith.andi %ne3A_456, %ne3A_461 : vector<16xi1>
      %sub3A_463 = arith.constant 1 : i32
      %sub3A_464 = vector.broadcast %sub3A_463 : i32 to vector<16xi32>
      %sub3A_465 = arith.subi %div3A_438, %sub3A_464 : vector<16xi32>
      %select_n3A_466 = arith.select %and3A_462, %sub3A_465, %div3A_438 : vector<16xi1>, vector<16xi32>
      %mul3A_467 = arith.constant 17 : i32
      %mul3A_468 = vector.broadcast %mul3A_467 : i32 to vector<16xi32>
      %mul3A_469 = arith.muli %select_n3A_466, %mul3A_468 : vector<16xi32>
      %sub3A_470 = arith.subi %min3A_435, %mul3A_469 : vector<16xi32>
      %mul3A_471 = arith.constant 128 : i32
      %mul3A_472 = vector.broadcast %mul3A_471 : i32 to vector<16xi32>
      %mul3A_473 = arith.muli %select_n3A_466, %mul3A_472 : vector<16xi32>
      %add3A_474 = arith.addi %add3A_171, %mul3A_473 : vector<16xi32>
      %mul3A_475 = arith.constant 2 : i32
      %mul3A_476 = vector.broadcast %mul3A_475 : i32 to vector<16xi32>
      %mul3A_477 = arith.muli %sub3A_470, %mul3A_476 : vector<16xi32>
      %add3A_478 = arith.addi %add3A_474, %mul3A_477 : vector<16xi32>
      %swap3A_479 = arith.constant 0 : i32
      %swap3A_480 = arith.index_cast %swap3A_479 : i32 to index
      %swap3A_481 = arith.constant 80 : index
      %swap3A_482 = tpu.vector_load %arg6[%swap3A_480, %swap3A_481] {strides = array<i32>} : memref<3x128xi32, #tpu.memory_space<vmem>>, vector<16xi32>,
      tpu.vector_store %arg6[%swap3A_480, %swap3A_481], %add3A_478 {strides = array<i32>} : memref<3x128xi32, #tpu.memory_space<vmem>>, vector<16xi32>,
      %add3A_483 = arith.constant 96 : i32
      %add3A_484 = vector.broadcast %add3A_483 : i32 to vector<16xi32>
      %add3A_485 = arith.addi %iota3A, %add3A_484 : vector<16xi32>
      %min3A_486 = arith.constant 288 : i32
      %min3A_487 = vector.broadcast %min3A_486 : i32 to vector<16xi32>
      %min3A_488 = arith.minsi %add3A_485, %min3A_487 : vector<16xi32>
      %jit3A_489 = arith.constant 17 : i32
      %div3A_490 = vector.broadcast %jit3A_489 : i32 to vector<16xi32>
      %div3A_491 = arith.divsi %min3A_488, %div3A_490 : vector<16xi32>
      %sign3A_492 = arith.constant 0 : i32
      %sign3A_493 = vector.broadcast %sign3A_492 : i32 to vector<16xi32>
      %sign3A_494 = arith.cmpi sgt, %min3A_488, %sign3A_493 : vector<16xi32>
      %sign3A_495 = arith.extui %sign3A_494 : vector<16xi1> to vector<16xi32>
      %sign3A_496 = arith.constant 0 : i32
      %sign3A_497 = vector.broadcast %sign3A_496 : i32 to vector<16xi32>
      %sign3A_498 = arith.cmpi slt, %min3A_488, %sign3A_497 : vector<16xi32>
      %sign3A_499 = arith.extui %sign3A_498 : vector<16xi1> to vector<16xi32>
      %sign3A_500 = arith.subi %sign3A_495, %sign3A_499 : vector<16xi32>
      %sign3A_501 = arith.constant 0 : i32
      %sign3A_502 = arith.cmpi sgt, %jit3A_489, %sign3A_501 : i32
      %sign3A_503 = arith.extui %sign3A_502 : i1 to i32
      %sign3A_504 = arith.constant 0 : i32
      %sign3A_505 = arith.cmpi slt, %jit3A_489, %sign3A_504 : i32
      %sign3A_506 = arith.extui %sign3A_505 : i1 to i32
      %sign3A_507 = arith.subi %sign3A_503, %sign3A_506 : i32
      %ne3A_508 = vector.broadcast %sign3A_507 : i32 to vector<16xi32>
      %ne3A_509 = arith.cmpi ne, %sign3A_500, %ne3A_508 : vector<16xi32>
      %rem3A_510 = vector.broadcast %jit3A_489 : i32 to vector<16xi32>
      %rem3A_511 = arith.remsi %min3A_488, %rem3A_510 : vector<16xi32>
      %ne3A_512 = arith.constant 0 : i32
      %ne3A_513 = vector.broadcast %ne3A_512 : i32 to vector<16xi32>
      %ne3A_514 = arith.cmpi ne, %rem3A_511, %ne3A_513 : vector<16xi32>
      %and3A_515 = arith.andi %ne3A_509, %ne3A_514 : vector<16xi1>
      %sub3A_516 = arith.constant 1 : i32
      %sub3A_517 = vector.broadcast %sub3A_516 : i32 to vector<16xi32>
      %sub3A_518 = arith.subi %div3A_491, %sub3A_517 : vector<16xi32>
      %select_n3A_519 = arith.select %and3A_515, %sub3A_518, %div3A_491 : vector<16xi1>, vector<16xi32>
      %mul3A_520 = arith.constant 17 : i32
      %mul3A_521 = vector.broadcast %mul3A_520 : i32 to vector<16xi32>
      %mul3A_522 = arith.muli %select_n3A_519, %mul3A_521 : vector<16xi32>
      %sub3A_523 = arith.subi %min3A_488, %mul3A_522 : vector<16xi32>
      %mul3A_524 = arith.constant 128 : i32
      %mul3A_525 = vector.broadcast %mul3A_524 : i32 to vector<16xi32>
      %mul3A_526 = arith.muli %select_n3A_519, %mul3A_525 : vector<16xi32>
      %add3A_527 = arith.addi %add3A_171, %mul3A_526 : vector<16xi32>
      %mul3A_528 = arith.constant 2 : i32
      %mul3A_529 = vector.broadcast %mul3A_528 : i32 to vector<16xi32>
      %mul3A_530 = arith.muli %sub3A_523, %mul3A_529 : vector<16xi32>
      %add3A_531 = arith.addi %add3A_527, %mul3A_530 : vector<16xi32>
      %swap3A_532 = arith.constant 0 : i32
      %swap3A_533 = arith.index_cast %swap3A_532 : i32 to index
      %swap3A_534 = arith.constant 96 : index
      %swap3A_535 = tpu.vector_load %arg6[%swap3A_533, %swap3A_534] {strides = array<i32>} : memref<3x128xi32, #tpu.memory_space<vmem>>, vector<16xi32>,
      tpu.vector_store %arg6[%swap3A_533, %swap3A_534], %add3A_531 {strides = array<i32>} : memref<3x128xi32, #tpu.memory_space<vmem>>, vector<16xi32>,
      %add3A_536 = arith.constant 112 : i32
      %add3A_537 = vector.broadcast %add3A_536 : i32 to vector<16xi32>
      %add3A_538 = arith.addi %iota3A, %add3A_537 : vector<16xi32>
      %min3A_539 = arith.constant 288 : i32
      %min3A_540 = vector.broadcast %min3A_539 : i32 to vector<16xi32>
      %min3A_541 = arith.minsi %add3A_538, %min3A_540 : vector<16xi32>
      %jit3A_542 = arith.constant 17 : i32
      %div3A_543 = vector.broadcast %jit3A_542 : i32 to vector<16xi32>
      %div3A_544 = arith.divsi %min3A_541, %div3A_543 : vector<16xi32>
      %sign3A_545 = arith.constant 0 : i32
      %sign3A_546 = vector.broadcast %sign3A_545 : i32 to vector<16xi32>
      %sign3A_547 = arith.cmpi sgt, %min3A_541, %sign3A_546 : vector<16xi32>
      %sign3A_548 = arith.extui %sign3A_547 : vector<16xi1> to vector<16xi32>
      %sign3A_549 = arith.constant 0 : i32
      %sign3A_550 = vector.broadcast %sign3A_549 : i32 to vector<16xi32>
      %sign3A_551 = arith.cmpi slt, %min3A_541, %sign3A_550 : vector<16xi32>
      %sign3A_552 = arith.extui %sign3A_551 : vector<16xi1> to vector<16xi32>
      %sign3A_553 = arith.subi %sign3A_548, %sign3A_552 : vector<16xi32>
      %sign3A_554 = arith.constant 0 : i32
      %sign3A_555 = arith.cmpi sgt, %jit3A_542, %sign3A_554 : i32
      %sign3A_556 = arith.extui %sign3A_555 : i1 to i32
      %sign3A_557 = arith.constant 0 : i32
      %sign3A_558 = arith.cmpi slt, %jit3A_542, %sign3A_557 : i32
      %sign3A_559 = arith.extui %sign3A_558 : i1 to i32
      %sign3A_560 = arith.subi %sign3A_556, %sign3A_559 : i32
      %ne3A_561 = vector.broadcast %sign3A_560 : i32 to vector<16xi32>
      %ne3A_562 = arith.cmpi ne, %sign3A_553, %ne3A_561 : vector<16xi32>
      %rem3A_563 = vector.broadcast %jit3A_542 : i32 to vector<16xi32>
      %rem3A_564 = arith.remsi %min3A_541, %rem3A_563 : vector<16xi32>
      %ne3A_565 = arith.constant 0 : i32
      %ne3A_566 = vector.broadcast %ne3A_565 : i32 to vector<16xi32>
      %ne3A_567 = arith.cmpi ne, %rem3A_564, %ne3A_566 : vector<16xi32>
      %and3A_568 = arith.andi %ne3A_562, %ne3A_567 : vector<16xi1>
      %sub3A_569 = arith.constant 1 : i32
      %sub3A_570 = vector.broadcast %sub3A_569 : i32 to vector<16xi32>
      %sub3A_571 = arith.subi %div3A_544, %sub3A_570 : vector<16xi32>
      %select_n3A_572 = arith.select %and3A_568, %sub3A_571, %div3A_544 : vector<16xi1>, vector<16xi32>
      %mul3A_573 = arith.constant 17 : i32
      %mul3A_574 = vector.broadcast %mul3A_573 : i32 to vector<16xi32>
      %mul3A_575 = arith.muli %select_n3A_572, %mul3A_574 : vector<16xi32>
      %sub3A_576 = arith.subi %min3A_541, %mul3A_575 : vector<16xi32>
      %mul3A_577 = arith.constant 128 : i32
      %mul3A_578 = vector.broadcast %mul3A_577 : i32 to vector<16xi32>
      %mul3A_579 = arith.muli %select_n3A_572, %mul3A_578 : vector<16xi32>
      %add3A_580 = arith.addi %add3A_171, %mul3A_579 : vector<16xi32>
      %mul3A_581 = arith.constant 2 : i32
      %mul3A_582 = vector.broadcast %mul3A_581 : i32 to vector<16xi32>
      %mul3A_583 = arith.muli %sub3A_576, %mul3A_582 : vector<16xi32>
      %add3A_584 = arith.addi %add3A_580, %mul3A_583 : vector<16xi32>
      %swap3A_585 = arith.constant 0 : i32
      %swap3A_586 = arith.index_cast %swap3A_585 : i32 to index
      %swap3A_587 = arith.constant 112 : index
      %swap3A_588 = tpu.vector_load %arg6[%swap3A_586, %swap3A_587] {strides = array<i32>} : memref<3x128xi32, #tpu.memory_space<vmem>>, vector<16xi32>,
      tpu.vector_store %arg6[%swap3A_586, %swap3A_587], %add3A_584 {strides = array<i32>} : memref<3x128xi32, #tpu.memory_space<vmem>>, vector<16xi32>,
      %add3A_589 = arith.constant 128 : i32
      %add3A_590 = vector.broadcast %add3A_589 : i32 to vector<16xi32>
      %add3A_591 = arith.addi %iota3A, %add3A_590 : vector<16xi32>
      %min3A_592 = arith.constant 288 : i32
      %min3A_593 = vector.broadcast %min3A_592 : i32 to vector<16xi32>
      %min3A_594 = arith.minsi %add3A_591, %min3A_593 : vector<16xi32>
      %jit3A_595 = arith.constant 17 : i32
      %div3A_596 = vector.broadcast %jit3A_595 : i32 to vector<16xi32>
      %div3A_597 = arith.divsi %min3A_594, %div3A_596 : vector<16xi32>
      %sign3A_598 = arith.constant 0 : i32
      %sign3A_599 = vector.broadcast %sign3A_598 : i32 to vector<16xi32>
      %sign3A_600 = arith.cmpi sgt, %min3A_594, %sign3A_599 : vector<16xi32>
      %sign3A_601 = arith.extui %sign3A_600 : vector<16xi1> to vector<16xi32>
      %sign3A_602 = arith.constant 0 : i32
      %sign3A_603 = vector.broadcast %sign3A_602 : i32 to vector<16xi32>
      %sign3A_604 = arith.cmpi slt, %min3A_594, %sign3A_603 : vector<16xi32>
      %sign3A_605 = arith.extui %sign3A_604 : vector<16xi1> to vector<16xi32>
      %sign3A_606 = arith.subi %sign3A_601, %sign3A_605 : vector<16xi32>
      %sign3A_607 = arith.constant 0 : i32
      %sign3A_608 = arith.cmpi sgt, %jit3A_595, %sign3A_607 : i32
      %sign3A_609 = arith.extui %sign3A_608 : i1 to i32
      %sign3A_610 = arith.constant 0 : i32
      %sign3A_611 = arith.cmpi slt, %jit3A_595, %sign3A_610 : i32
      %sign3A_612 = arith.extui %sign3A_611 : i1 to i32
      %sign3A_613 = arith.subi %sign3A_609, %sign3A_612 : i32
      %ne3A_614 = vector.broadcast %sign3A_613 : i32 to vector<16xi32>
      %ne3A_615 = arith.cmpi ne, %sign3A_606, %ne3A_614 : vector<16xi32>
      %rem3A_616 = vector.broadcast %jit3A_595 : i32 to vector<16xi32>
      %rem3A_617 = arith.remsi %min3A_594, %rem3A_616 : vector<16xi32>
      %ne3A_618 = arith.constant 0 : i32
      %ne3A_619 = vector.broadcast %ne3A_618 : i32 to vector<16xi32>
      %ne3A_620 = arith.cmpi ne, %rem3A_617, %ne3A_619 : vector<16xi32>
      %and3A_621 = arith.andi %ne3A_615, %ne3A_620 : vector<16xi1>
      %sub3A_622 = arith.constant 1 : i32
      %sub3A_623 = vector.broadcast %sub3A_622 : i32 to vector<16xi32>
      %sub3A_624 = arith.subi %div3A_597, %sub3A_623 : vector<16xi32>
      %select_n3A_625 = arith.select %and3A_621, %sub3A_624, %div3A_597 : vector<16xi1>, vector<16xi32>
      %mul3A_626 = arith.constant 17 : i32
      %mul3A_627 = vector.broadcast %mul3A_626 : i32 to vector<16xi32>
      %mul3A_628 = arith.muli %select_n3A_625, %mul3A_627 : vector<16xi32>
      %sub3A_629 = arith.subi %min3A_594, %mul3A_628 : vector<16xi32>
      %mul3A_630 = arith.constant 128 : i32
      %mul3A_631 = vector.broadcast %mul3A_630 : i32 to vector<16xi32>
      %mul3A_632 = arith.muli %select_n3A_625, %mul3A_631 : vector<16xi32>
      %add3A_633 = arith.addi %add3A_171, %mul3A_632 : vector<16xi32>
      %mul3A_634 = arith.constant 2 : i32
      %mul3A_635 = vector.broadcast %mul3A_634 : i32 to vector<16xi32>
      %mul3A_636 = arith.muli %sub3A_629, %mul3A_635 : vector<16xi32>
      %add3A_637 = arith.addi %add3A_633, %mul3A_636 : vector<16xi32>
      %swap3A_638 = arith.constant 1 : i32
      %swap3A_639 = arith.index_cast %swap3A_638 : i32 to index
      %swap3A_640 = arith.constant 0 : index
      %swap3A_641 = tpu.vector_load %arg6[%swap3A_639, %swap3A_640] {strides = array<i32>} : memref<3x128xi32, #tpu.memory_space<vmem>>, vector<16xi32>,
      tpu.vector_store %arg6[%swap3A_639, %swap3A_640], %add3A_637 {strides = array<i32>} : memref<3x128xi32, #tpu.memory_space<vmem>>, vector<16xi32>,
      %add3A_642 = arith.constant 144 : i32
      %add3A_643 = vector.broadcast %add3A_642 : i32 to vector<16xi32>
      %add3A_644 = arith.addi %iota3A, %add3A_643 : vector<16xi32>
      %min3A_645 = arith.constant 288 : i32
      %min3A_646 = vector.broadcast %min3A_645 : i32 to vector<16xi32>
      %min3A_647 = arith.minsi %add3A_644, %min3A_646 : vector<16xi32>
      %jit3A_648 = arith.constant 17 : i32
      %div3A_649 = vector.broadcast %jit3A_648 : i32 to vector<16xi32>
      %div3A_650 = arith.divsi %min3A_647, %div3A_649 : vector<16xi32>
      %sign3A_651 = arith.constant 0 : i32
      %sign3A_652 = vector.broadcast %sign3A_651 : i32 to vector<16xi32>
      %sign3A_653 = arith.cmpi sgt, %min3A_647, %sign3A_652 : vector<16xi32>
      %sign3A_654 = arith.extui %sign3A_653 : vector<16xi1> to vector<16xi32>
      %sign3A_655 = arith.constant 0 : i32
      %sign3A_656 = vector.broadcast %sign3A_655 : i32 to vector<16xi32>
      %sign3A_657 = arith.cmpi slt, %min3A_647, %sign3A_656 : vector<16xi32>
      %sign3A_658 = arith.extui %sign3A_657 : vector<16xi1> to vector<16xi32>
      %sign3A_659 = arith.subi %sign3A_654, %sign3A_658 : vector<16xi32>
      %sign3A_660 = arith.constant 0 : i32
      %sign3A_661 = arith.cmpi sgt, %jit3A_648, %sign3A_660 : i32
      %sign3A_662 = arith.extui %sign3A_661 : i1 to i32
      %sign3A_663 = arith.constant 0 : i32
      %sign3A_664 = arith.cmpi slt, %jit3A_648, %sign3A_663 : i32
      %sign3A_665 = arith.extui %sign3A_664 : i1 to i32
      %sign3A_666 = arith.subi %sign3A_662, %sign3A_665 : i32
      %ne3A_667 = vector.broadcast %sign3A_666 : i32 to vector<16xi32>
      %ne3A_668 = arith.cmpi ne, %sign3A_659, %ne3A_667 : vector<16xi32>
      %rem3A_669 = vector.broadcast %jit3A_648 : i32 to vector<16xi32>
      %rem3A_670 = arith.remsi %min3A_647, %rem3A_669 : vector<16xi32>
      %ne3A_671 = arith.constant 0 : i32
      %ne3A_672 = vector.broadcast %ne3A_671 : i32 to vector<16xi32>
      %ne3A_673 = arith.cmpi ne, %rem3A_670, %ne3A_672 : vector<16xi32>
      %and3A_674 = arith.andi %ne3A_668, %ne3A_673 : vector<16xi1>
      %sub3A_675 = arith.constant 1 : i32
      %sub3A_676 = vector.broadcast %sub3A_675 : i32 to vector<16xi32>
      %sub3A_677 = arith.subi %div3A_650, %sub3A_676 : vector<16xi32>
      %select_n3A_678 = arith.select %and3A_674, %sub3A_677, %div3A_650 : vector<16xi1>, vector<16xi32>
      %mul3A_679 = arith.constant 17 : i32
      %mul3A_680 = vector.broadcast %mul3A_679 : i32 to vector<16xi32>
      %mul3A_681 = arith.muli %select_n3A_678, %mul3A_680 : vector<16xi32>
      %sub3A_682 = arith.subi %min3A_647, %mul3A_681 : vector<16xi32>
      %mul3A_683 = arith.constant 128 : i32
      %mul3A_684 = vector.broadcast %mul3A_683 : i32 to vector<16xi32>
      %mul3A_685 = arith.muli %select_n3A_678, %mul3A_684 : vector<16xi32>
      %add3A_686 = arith.addi %add3A_171, %mul3A_685 : vector<16xi32>
      %mul3A_687 = arith.constant 2 : i32
      %mul3A_688 = vector.broadcast %mul3A_687 : i32 to vector<16xi32>
      %mul3A_689 = arith.muli %sub3A_682, %mul3A_688 : vector<16xi32>
      %add3A_690 = arith.addi %add3A_686, %mul3A_689 : vector<16xi32>
      %swap3A_691 = arith.constant 1 : i32
      %swap3A_692 = arith.index_cast %swap3A_691 : i32 to index
      %swap3A_693 = arith.constant 16 : index
      %swap3A_694 = tpu.vector_load %arg6[%swap3A_692, %swap3A_693] {strides = array<i32>} : memref<3x128xi32, #tpu.memory_space<vmem>>, vector<16xi32>,
      tpu.vector_store %arg6[%swap3A_692, %swap3A_693], %add3A_690 {strides = array<i32>} : memref<3x128xi32, #tpu.memory_space<vmem>>, vector<16xi32>,
      %add3A_695 = arith.constant 160 : i32
      %add3A_696 = vector.broadcast %add3A_695 : i32 to vector<16xi32>
      %add3A_697 = arith.addi %iota3A, %add3A_696 : vector<16xi32>
      %min3A_698 = arith.constant 288 : i32
      %min3A_699 = vector.broadcast %min3A_698 : i32 to vector<16xi32>
      %min3A_700 = arith.minsi %add3A_697, %min3A_699 : vector<16xi32>
      %jit3A_701 = arith.constant 17 : i32
      %div3A_702 = vector.broadcast %jit3A_701 : i32 to vector<16xi32>
      %div3A_703 = arith.divsi %min3A_700, %div3A_702 : vector<16xi32>
      %sign3A_704 = arith.constant 0 : i32
      %sign3A_705 = vector.broadcast %sign3A_704 : i32 to vector<16xi32>
      %sign3A_706 = arith.cmpi sgt, %min3A_700, %sign3A_705 : vector<16xi32>
      %sign3A_707 = arith.extui %sign3A_706 : vector<16xi1> to vector<16xi32>
      %sign3A_708 = arith.constant 0 : i32
      %sign3A_709 = vector.broadcast %sign3A_708 : i32 to vector<16xi32>
      %sign3A_710 = arith.cmpi slt, %min3A_700, %sign3A_709 : vector<16xi32>
      %sign3A_711 = arith.extui %sign3A_710 : vector<16xi1> to vector<16xi32>
      %sign3A_712 = arith.subi %sign3A_707, %sign3A_711 : vector<16xi32>
      %sign3A_713 = arith.constant 0 : i32
      %sign3A_714 = arith.cmpi sgt, %jit3A_701, %sign3A_713 : i32
      %sign3A_715 = arith.extui %sign3A_714 : i1 to i32
      %sign3A_716 = arith.constant 0 : i32
      %sign3A_717 = arith.cmpi slt, %jit3A_701, %sign3A_716 : i32
      %sign3A_718 = arith.extui %sign3A_717 : i1 to i32
      %sign3A_719 = arith.subi %sign3A_715, %sign3A_718 : i32
      %ne3A_720 = vector.broadcast %sign3A_719 : i32 to vector<16xi32>
      %ne3A_721 = arith.cmpi ne, %sign3A_712, %ne3A_720 : vector<16xi32>
      %rem3A_722 = vector.broadcast %jit3A_701 : i32 to vector<16xi32>
      %rem3A_723 = arith.remsi %min3A_700, %rem3A_722 : vector<16xi32>
      %ne3A_724 = arith.constant 0 : i32
      %ne3A_725 = vector.broadcast %ne3A_724 : i32 to vector<16xi32>
      %ne3A_726 = arith.cmpi ne, %rem3A_723, %ne3A_725 : vector<16xi32>
      %and3A_727 = arith.andi %ne3A_721, %ne3A_726 : vector<16xi1>
      %sub3A_728 = arith.constant 1 : i32
      %sub3A_729 = vector.broadcast %sub3A_728 : i32 to vector<16xi32>
      %sub3A_730 = arith.subi %div3A_703, %sub3A_729 : vector<16xi32>
      %select_n3A_731 = arith.select %and3A_727, %sub3A_730, %div3A_703 : vector<16xi1>, vector<16xi32>
      %mul3A_732 = arith.constant 17 : i32
      %mul3A_733 = vector.broadcast %mul3A_732 : i32 to vector<16xi32>
      %mul3A_734 = arith.muli %select_n3A_731, %mul3A_733 : vector<16xi32>
      %sub3A_735 = arith.subi %min3A_700, %mul3A_734 : vector<16xi32>
      %mul3A_736 = arith.constant 128 : i32
      %mul3A_737 = vector.broadcast %mul3A_736 : i32 to vector<16xi32>
      %mul3A_738 = arith.muli %select_n3A_731, %mul3A_737 : vector<16xi32>
      %add3A_739 = arith.addi %add3A_171, %mul3A_738 : vector<16xi32>
      %mul3A_740 = arith.constant 2 : i32
      %mul3A_741 = vector.broadcast %mul3A_740 : i32 to vector<16xi32>
      %mul3A_742 = arith.muli %sub3A_735, %mul3A_741 : vector<16xi32>
      %add3A_743 = arith.addi %add3A_739, %mul3A_742 : vector<16xi32>
      %swap3A_744 = arith.constant 1 : i32
      %swap3A_745 = arith.index_cast %swap3A_744 : i32 to index
      %swap3A_746 = arith.constant 32 : index
      %swap3A_747 = tpu.vector_load %arg6[%swap3A_745, %swap3A_746] {strides = array<i32>} : memref<3x128xi32, #tpu.memory_space<vmem>>, vector<16xi32>,
      tpu.vector_store %arg6[%swap3A_745, %swap3A_746], %add3A_743 {strides = array<i32>} : memref<3x128xi32, #tpu.memory_space<vmem>>, vector<16xi32>,
      %add3A_748 = arith.constant 176 : i32
      %add3A_749 = vector.broadcast %add3A_748 : i32 to vector<16xi32>
      %add3A_750 = arith.addi %iota3A, %add3A_749 : vector<16xi32>
      %min3A_751 = arith.constant 288 : i32
      %min3A_752 = vector.broadcast %min3A_751 : i32 to vector<16xi32>
      %min3A_753 = arith.minsi %add3A_750, %min3A_752 : vector<16xi32>
      %jit3A_754 = arith.constant 17 : i32
      %div3A_755 = vector.broadcast %jit3A_754 : i32 to vector<16xi32>
      %div3A_756 = arith.divsi %min3A_753, %div3A_755 : vector<16xi32>
      %sign3A_757 = arith.constant 0 : i32
      %sign3A_758 = vector.broadcast %sign3A_757 : i32 to vector<16xi32>
      %sign3A_759 = arith.cmpi sgt, %min3A_753, %sign3A_758 : vector<16xi32>
      %sign3A_760 = arith.extui %sign3A_759 : vector<16xi1> to vector<16xi32>
      %sign3A_761 = arith.constant 0 : i32
      %sign3A_762 = vector.broadcast %sign3A_761 : i32 to vector<16xi32>
      %sign3A_763 = arith.cmpi slt, %min3A_753, %sign3A_762 : vector<16xi32>
      %sign3A_764 = arith.extui %sign3A_763 : vector<16xi1> to vector<16xi32>
      %sign3A_765 = arith.subi %sign3A_760, %sign3A_764 : vector<16xi32>
      %sign3A_766 = arith.constant 0 : i32
      %sign3A_767 = arith.cmpi sgt, %jit3A_754, %sign3A_766 : i32
      %sign3A_768 = arith.extui %sign3A_767 : i1 to i32
      %sign3A_769 = arith.constant 0 : i32
      %sign3A_770 = arith.cmpi slt, %jit3A_754, %sign3A_769 : i32
      %sign3A_771 = arith.extui %sign3A_770 : i1 to i32
      %sign3A_772 = arith.subi %sign3A_768, %sign3A_771 : i32
      %ne3A_773 = vector.broadcast %sign3A_772 : i32 to vector<16xi32>
      %ne3A_774 = arith.cmpi ne, %sign3A_765, %ne3A_773 : vector<16xi32>
      %rem3A_775 = vector.broadcast %jit3A_754 : i32 to vector<16xi32>
      %rem3A_776 = arith.remsi %min3A_753, %rem3A_775 : vector<16xi32>
      %ne3A_777 = arith.constant 0 : i32
      %ne3A_778 = vector.broadcast %ne3A_777 : i32 to vector<16xi32>
      %ne3A_779 = arith.cmpi ne, %rem3A_776, %ne3A_778 : vector<16xi32>
      %and3A_780 = arith.andi %ne3A_774, %ne3A_779 : vector<16xi1>
      %sub3A_781 = arith.constant 1 : i32
      %sub3A_782 = vector.broadcast %sub3A_781 : i32 to vector<16xi32>
      %sub3A_783 = arith.subi %div3A_756, %sub3A_782 : vector<16xi32>
      %select_n3A_784 = arith.select %and3A_780, %sub3A_783, %div3A_756 : vector<16xi1>, vector<16xi32>
      %mul3A_785 = arith.constant 17 : i32
      %mul3A_786 = vector.broadcast %mul3A_785 : i32 to vector<16xi32>
      %mul3A_787 = arith.muli %select_n3A_784, %mul3A_786 : vector<16xi32>
      %sub3A_788 = arith.subi %min3A_753, %mul3A_787 : vector<16xi32>
      %mul3A_789 = arith.constant 128 : i32
      %mul3A_790 = vector.broadcast %mul3A_789 : i32 to vector<16xi32>
      %mul3A_791 = arith.muli %select_n3A_784, %mul3A_790 : vector<16xi32>
      %add3A_792 = arith.addi %add3A_171, %mul3A_791 : vector<16xi32>
      %mul3A_793 = arith.constant 2 : i32
      %mul3A_794 = vector.broadcast %mul3A_793 : i32 to vector<16xi32>
      %mul3A_795 = arith.muli %sub3A_788, %mul3A_794 : vector<16xi32>
      %add3A_796 = arith.addi %add3A_792, %mul3A_795 : vector<16xi32>
      %swap3A_797 = arith.constant 1 : i32
      %swap3A_798 = arith.index_cast %swap3A_797 : i32 to index
      %swap3A_799 = arith.constant 48 : index
      %swap3A_800 = tpu.vector_load %arg6[%swap3A_798, %swap3A_799] {strides = array<i32>} : memref<3x128xi32, #tpu.memory_space<vmem>>, vector<16xi32>,
      tpu.vector_store %arg6[%swap3A_798, %swap3A_799], %add3A_796 {strides = array<i32>} : memref<3x128xi32, #tpu.memory_space<vmem>>, vector<16xi32>,
      %add3A_801 = arith.constant 192 : i32
      %add3A_802 = vector.broadcast %add3A_801 : i32 to vector<16xi32>
      %add3A_803 = arith.addi %iota3A, %add3A_802 : vector<16xi32>
      %min3A_804 = arith.constant 288 : i32
      %min3A_805 = vector.broadcast %min3A_804 : i32 to vector<16xi32>
      %min3A_806 = arith.minsi %add3A_803, %min3A_805 : vector<16xi32>
      %jit3A_807 = arith.constant 17 : i32
      %div3A_808 = vector.broadcast %jit3A_807 : i32 to vector<16xi32>
      %div3A_809 = arith.divsi %min3A_806, %div3A_808 : vector<16xi32>
      %sign3A_810 = arith.constant 0 : i32
      %sign3A_811 = vector.broadcast %sign3A_810 : i32 to vector<16xi32>
      %sign3A_812 = arith.cmpi sgt, %min3A_806, %sign3A_811 : vector<16xi32>
      %sign3A_813 = arith.extui %sign3A_812 : vector<16xi1> to vector<16xi32>
      %sign3A_814 = arith.constant 0 : i32
      %sign3A_815 = vector.broadcast %sign3A_814 : i32 to vector<16xi32>
      %sign3A_816 = arith.cmpi slt, %min3A_806, %sign3A_815 : vector<16xi32>
      %sign3A_817 = arith.extui %sign3A_816 : vector<16xi1> to vector<16xi32>
      %sign3A_818 = arith.subi %sign3A_813, %sign3A_817 : vector<16xi32>
      %sign3A_819 = arith.constant 0 : i32
      %sign3A_820 = arith.cmpi sgt, %jit3A_807, %sign3A_819 : i32
      %sign3A_821 = arith.extui %sign3A_820 : i1 to i32
      %sign3A_822 = arith.constant 0 : i32
      %sign3A_823 = arith.cmpi slt, %jit3A_807, %sign3A_822 : i32
      %sign3A_824 = arith.extui %sign3A_823 : i1 to i32
      %sign3A_825 = arith.subi %sign3A_821, %sign3A_824 : i32
      %ne3A_826 = vector.broadcast %sign3A_825 : i32 to vector<16xi32>
      %ne3A_827 = arith.cmpi ne, %sign3A_818, %ne3A_826 : vector<16xi32>
      %rem3A_828 = vector.broadcast %jit3A_807 : i32 to vector<16xi32>
      %rem3A_829 = arith.remsi %min3A_806, %rem3A_828 : vector<16xi32>
      %ne3A_830 = arith.constant 0 : i32
      %ne3A_831 = vector.broadcast %ne3A_830 : i32 to vector<16xi32>
      %ne3A_832 = arith.cmpi ne, %rem3A_829, %ne3A_831 : vector<16xi32>
      %and3A_833 = arith.andi %ne3A_827, %ne3A_832 : vector<16xi1>
      %sub3A_834 = arith.constant 1 : i32
      %sub3A_835 = vector.broadcast %sub3A_834 : i32 to vector<16xi32>
      %sub3A_836 = arith.subi %div3A_809, %sub3A_835 : vector<16xi32>
      %select_n3A_837 = arith.select %and3A_833, %sub3A_836, %div3A_809 : vector<16xi1>, vector<16xi32>
      %mul3A_838 = arith.constant 17 : i32
      %mul3A_839 = vector.broadcast %mul3A_838 : i32 to vector<16xi32>
      %mul3A_840 = arith.muli %select_n3A_837, %mul3A_839 : vector<16xi32>
      %sub3A_841 = arith.subi %min3A_806, %mul3A_840 : vector<16xi32>
      %mul3A_842 = arith.constant 128 : i32
      %mul3A_843 = vector.broadcast %mul3A_842 : i32 to vector<16xi32>
      %mul3A_844 = arith.muli %select_n3A_837, %mul3A_843 : vector<16xi32>
      %add3A_845 = arith.addi %add3A_171, %mul3A_844 : vector<16xi32>
      %mul3A_846 = arith.constant 2 : i32
      %mul3A_847 = vector.broadcast %mul3A_846 : i32 to vector<16xi32>
      %mul3A_848 = arith.muli %sub3A_841, %mul3A_847 : vector<16xi32>
      %add3A_849 = arith.addi %add3A_845, %mul3A_848 : vector<16xi32>
      %swap3A_850 = arith.constant 1 : i32
      %swap3A_851 = arith.index_cast %swap3A_850 : i32 to index
      %swap3A_852 = arith.constant 64 : index
      %swap3A_853 = tpu.vector_load %arg6[%swap3A_851, %swap3A_852] {strides = array<i32>} : memref<3x128xi32, #tpu.memory_space<vmem>>, vector<16xi32>,
      tpu.vector_store %arg6[%swap3A_851, %swap3A_852], %add3A_849 {strides = array<i32>} : memref<3x128xi32, #tpu.memory_space<vmem>>, vector<16xi32>,
      %add3A_854 = arith.constant 208 : i32
      %add3A_855 = vector.broadcast %add3A_854 : i32 to vector<16xi32>
      %add3A_856 = arith.addi %iota3A, %add3A_855 : vector<16xi32>
      %min3A_857 = arith.constant 288 : i32
      %min3A_858 = vector.broadcast %min3A_857 : i32 to vector<16xi32>
      %min3A_859 = arith.minsi %add3A_856, %min3A_858 : vector<16xi32>
      %jit3A_860 = arith.constant 17 : i32
      %div3A_861 = vector.broadcast %jit3A_860 : i32 to vector<16xi32>
      %div3A_862 = arith.divsi %min3A_859, %div3A_861 : vector<16xi32>
      %sign3A_863 = arith.constant 0 : i32
      %sign3A_864 = vector.broadcast %sign3A_863 : i32 to vector<16xi32>
      %sign3A_865 = arith.cmpi sgt, %min3A_859, %sign3A_864 : vector<16xi32>
      %sign3A_866 = arith.extui %sign3A_865 : vector<16xi1> to vector<16xi32>
      %sign3A_867 = arith.constant 0 : i32
      %sign3A_868 = vector.broadcast %sign3A_867 : i32 to vector<16xi32>
      %sign3A_869 = arith.cmpi slt, %min3A_859, %sign3A_868 : vector<16xi32>
      %sign3A_870 = arith.extui %sign3A_869 : vector<16xi1> to vector<16xi32>
      %sign3A_871 = arith.subi %sign3A_866, %sign3A_870 : vector<16xi32>
      %sign3A_872 = arith.constant 0 : i32
      %sign3A_873 = arith.cmpi sgt, %jit3A_860, %sign3A_872 : i32
      %sign3A_874 = arith.extui %sign3A_873 : i1 to i32
      %sign3A_875 = arith.constant 0 : i32
      %sign3A_876 = arith.cmpi slt, %jit3A_860, %sign3A_875 : i32
      %sign3A_877 = arith.extui %sign3A_876 : i1 to i32
      %sign3A_878 = arith.subi %sign3A_874, %sign3A_877 : i32
      %ne3A_879 = vector.broadcast %sign3A_878 : i32 to vector<16xi32>
      %ne3A_880 = arith.cmpi ne, %sign3A_871, %ne3A_879 : vector<16xi32>
      %rem3A_881 = vector.broadcast %jit3A_860 : i32 to vector<16xi32>
      %rem3A_882 = arith.remsi %min3A_859, %rem3A_881 : vector<16xi32>
      %ne3A_883 = arith.constant 0 : i32
      %ne3A_884 = vector.broadcast %ne3A_883 : i32 to vector<16xi32>
      %ne3A_885 = arith.cmpi ne, %rem3A_882, %ne3A_884 : vector<16xi32>
      %and3A_886 = arith.andi %ne3A_880, %ne3A_885 : vector<16xi1>
      %sub3A_887 = arith.constant 1 : i32
      %sub3A_888 = vector.broadcast %sub3A_887 : i32 to vector<16xi32>
      %sub3A_889 = arith.subi %div3A_862, %sub3A_888 : vector<16xi32>
      %select_n3A_890 = arith.select %and3A_886, %sub3A_889, %div3A_862 : vector<16xi1>, vector<16xi32>
      %mul3A_891 = arith.constant 17 : i32
      %mul3A_892 = vector.broadcast %mul3A_891 : i32 to vector<16xi32>
      %mul3A_893 = arith.muli %select_n3A_890, %mul3A_892 : vector<16xi32>
      %sub3A_894 = arith.subi %min3A_859, %mul3A_893 : vector<16xi32>
      %mul3A_895 = arith.constant 128 : i32
      %mul3A_896 = vector.broadcast %mul3A_895 : i32 to vector<16xi32>
      %mul3A_897 = arith.muli %select_n3A_890, %mul3A_896 : vector<16xi32>
      %add3A_898 = arith.addi %add3A_171, %mul3A_897 : vector<16xi32>
      %mul3A_899 = arith.constant 2 : i32
      %mul3A_900 = vector.broadcast %mul3A_899 : i32 to vector<16xi32>
      %mul3A_901 = arith.muli %sub3A_894, %mul3A_900 : vector<16xi32>
      %add3A_902 = arith.addi %add3A_898, %mul3A_901 : vector<16xi32>
      %swap3A_903 = arith.constant 1 : i32
      %swap3A_904 = arith.index_cast %swap3A_903 : i32 to index
      %swap3A_905 = arith.constant 80 : index
      %swap3A_906 = tpu.vector_load %arg6[%swap3A_904, %swap3A_905] {strides = array<i32>} : memref<3x128xi32, #tpu.memory_space<vmem>>, vector<16xi32>,
      tpu.vector_store %arg6[%swap3A_904, %swap3A_905], %add3A_902 {strides = array<i32>} : memref<3x128xi32, #tpu.memory_space<vmem>>, vector<16xi32>,
      %add3A_907 = arith.constant 224 : i32
      %add3A_908 = vector.broadcast %add3A_907 : i32 to vector<16xi32>
      %add3A_909 = arith.addi %iota3A, %add3A_908 : vector<16xi32>
      %min3A_910 = arith.constant 288 : i32
      %min3A_911 = vector.broadcast %min3A_910 : i32 to vector<16xi32>
      %min3A_912 = arith.minsi %add3A_909, %min3A_911 : vector<16xi32>
      %jit3A_913 = arith.constant 17 : i32
      %div3A_914 = vector.broadcast %jit3A_913 : i32 to vector<16xi32>
      %div3A_915 = arith.divsi %min3A_912, %div3A_914 : vector<16xi32>
      %sign3A_916 = arith.constant 0 : i32
      %sign3A_917 = vector.broadcast %sign3A_916 : i32 to vector<16xi32>
      %sign3A_918 = arith.cmpi sgt, %min3A_912, %sign3A_917 : vector<16xi32>
      %sign3A_919 = arith.extui %sign3A_918 : vector<16xi1> to vector<16xi32>
      %sign3A_920 = arith.constant 0 : i32
      %sign3A_921 = vector.broadcast %sign3A_920 : i32 to vector<16xi32>
      %sign3A_922 = arith.cmpi slt, %min3A_912, %sign3A_921 : vector<16xi32>
      %sign3A_923 = arith.extui %sign3A_922 : vector<16xi1> to vector<16xi32>
      %sign3A_924 = arith.subi %sign3A_919, %sign3A_923 : vector<16xi32>
      %sign3A_925 = arith.constant 0 : i32
      %sign3A_926 = arith.cmpi sgt, %jit3A_913, %sign3A_925 : i32
      %sign3A_927 = arith.extui %sign3A_926 : i1 to i32
      %sign3A_928 = arith.constant 0 : i32
      %sign3A_929 = arith.cmpi slt, %jit3A_913, %sign3A_928 : i32
      %sign3A_930 = arith.extui %sign3A_929 : i1 to i32
      %sign3A_931 = arith.subi %sign3A_927, %sign3A_930 : i32
      %ne3A_932 = vector.broadcast %sign3A_931 : i32 to vector<16xi32>
      %ne3A_933 = arith.cmpi ne, %sign3A_924, %ne3A_932 : vector<16xi32>
      %rem3A_934 = vector.broadcast %jit3A_913 : i32 to vector<16xi32>
      %rem3A_935 = arith.remsi %min3A_912, %rem3A_934 : vector<16xi32>
      %ne3A_936 = arith.constant 0 : i32
      %ne3A_937 = vector.broadcast %ne3A_936 : i32 to vector<16xi32>
      %ne3A_938 = arith.cmpi ne, %rem3A_935, %ne3A_937 : vector<16xi32>
      %and3A_939 = arith.andi %ne3A_933, %ne3A_938 : vector<16xi1>
      %sub3A_940 = arith.constant 1 : i32
      %sub3A_941 = vector.broadcast %sub3A_940 : i32 to vector<16xi32>
      %sub3A_942 = arith.subi %div3A_915, %sub3A_941 : vector<16xi32>
      %select_n3A_943 = arith.select %and3A_939, %sub3A_942, %div3A_915 : vector<16xi1>, vector<16xi32>
      %mul3A_944 = arith.constant 17 : i32
      %mul3A_945 = vector.broadcast %mul3A_944 : i32 to vector<16xi32>
      %mul3A_946 = arith.muli %select_n3A_943, %mul3A_945 : vector<16xi32>
      %sub3A_947 = arith.subi %min3A_912, %mul3A_946 : vector<16xi32>
      %mul3A_948 = arith.constant 128 : i32
      %mul3A_949 = vector.broadcast %mul3A_948 : i32 to vector<16xi32>
      %mul3A_950 = arith.muli %select_n3A_943, %mul3A_949 : vector<16xi32>
      %add3A_951 = arith.addi %add3A_171, %mul3A_950 : vector<16xi32>
      %mul3A_952 = arith.constant 2 : i32
      %mul3A_953 = vector.broadcast %mul3A_952 : i32 to vector<16xi32>
      %mul3A_954 = arith.muli %sub3A_947, %mul3A_953 : vector<16xi32>
      %add3A_955 = arith.addi %add3A_951, %mul3A_954 : vector<16xi32>
      %swap3A_956 = arith.constant 1 : i32
      %swap3A_957 = arith.index_cast %swap3A_956 : i32 to index
      %swap3A_958 = arith.constant 96 : index
      %swap3A_959 = tpu.vector_load %arg6[%swap3A_957, %swap3A_958] {strides = array<i32>} : memref<3x128xi32, #tpu.memory_space<vmem>>, vector<16xi32>,
      tpu.vector_store %arg6[%swap3A_957, %swap3A_958], %add3A_955 {strides = array<i32>} : memref<3x128xi32, #tpu.memory_space<vmem>>, vector<16xi32>,
      %add3A_960 = arith.constant 240 : i32
      %add3A_961 = vector.broadcast %add3A_960 : i32 to vector<16xi32>
      %add3A_962 = arith.addi %iota3A, %add3A_961 : vector<16xi32>
      %min3A_963 = arith.constant 288 : i32
      %min3A_964 = vector.broadcast %min3A_963 : i32 to vector<16xi32>
      %min3A_965 = arith.minsi %add3A_962, %min3A_964 : vector<16xi32>
      %jit3A_966 = arith.constant 17 : i32
      %div3A_967 = vector.broadcast %jit3A_966 : i32 to vector<16xi32>
      %div3A_968 = arith.divsi %min3A_965, %div3A_967 : vector<16xi32>
      %sign3A_969 = arith.constant 0 : i32
      %sign3A_970 = vector.broadcast %sign3A_969 : i32 to vector<16xi32>
      %sign3A_971 = arith.cmpi sgt, %min3A_965, %sign3A_970 : vector<16xi32>
      %sign3A_972 = arith.extui %sign3A_971 : vector<16xi1> to vector<16xi32>
      %sign3A_973 = arith.constant 0 : i32
      %sign3A_974 = vector.broadcast %sign3A_973 : i32 to vector<16xi32>
      %sign3A_975 = arith.cmpi slt, %min3A_965, %sign3A_974 : vector<16xi32>
      %sign3A_976 = arith.extui %sign3A_975 : vector<16xi1> to vector<16xi32>
      %sign3A_977 = arith.subi %sign3A_972, %sign3A_976 : vector<16xi32>
      %sign3A_978 = arith.constant 0 : i32
      %sign3A_979 = arith.cmpi sgt, %jit3A_966, %sign3A_978 : i32
      %sign3A_980 = arith.extui %sign3A_979 : i1 to i32
      %sign3A_981 = arith.constant 0 : i32
      %sign3A_982 = arith.cmpi slt, %jit3A_966, %sign3A_981 : i32
      %sign3A_983 = arith.extui %sign3A_982 : i1 to i32
      %sign3A_984 = arith.subi %sign3A_980, %sign3A_983 : i32
      %ne3A_985 = vector.broadcast %sign3A_984 : i32 to vector<16xi32>
      %ne3A_986 = arith.cmpi ne, %sign3A_977, %ne3A_985 : vector<16xi32>
      %rem3A_987 = vector.broadcast %jit3A_966 : i32 to vector<16xi32>
      %rem3A_988 = arith.remsi %min3A_965, %rem3A_987 : vector<16xi32>
      %ne3A_989 = arith.constant 0 : i32
      %ne3A_990 = vector.broadcast %ne3A_989 : i32 to vector<16xi32>
      %ne3A_991 = arith.cmpi ne, %rem3A_988, %ne3A_990 : vector<16xi32>
      %and3A_992 = arith.andi %ne3A_986, %ne3A_991 : vector<16xi1>
      %sub3A_993 = arith.constant 1 : i32
      %sub3A_994 = vector.broadcast %sub3A_993 : i32 to vector<16xi32>
      %sub3A_995 = arith.subi %div3A_968, %sub3A_994 : vector<16xi32>
      %select_n3A_996 = arith.select %and3A_992, %sub3A_995, %div3A_968 : vector<16xi1>, vector<16xi32>
      %mul3A_997 = arith.constant 17 : i32
      %mul3A_998 = vector.broadcast %mul3A_997 : i32 to vector<16xi32>
      %mul3A_999 = arith.muli %select_n3A_996, %mul3A_998 : vector<16xi32>
      %sub3A_1000 = arith.subi %min3A_965, %mul3A_999 : vector<16xi32>
      %mul3A_1001 = arith.constant 128 : i32
      %mul3A_1002 = vector.broadcast %mul3A_1001 : i32 to vector<16xi32>
      %mul3A_1003 = arith.muli %select_n3A_996, %mul3A_1002 : vector<16xi32>
      %add3A_1004 = arith.addi %add3A_171, %mul3A_1003 : vector<16xi32>
      %mul3A_1005 = arith.constant 2 : i32
      %mul3A_1006 = vector.broadcast %mul3A_1005 : i32 to vector<16xi32>
      %mul3A_1007 = arith.muli %sub3A_1000, %mul3A_1006 : vector<16xi32>
      %add3A_1008 = arith.addi %add3A_1004, %mul3A_1007 : vector<16xi32>
      %swap3A_1009 = arith.constant 1 : i32
      %swap3A_1010 = arith.index_cast %swap3A_1009 : i32 to index
      %swap3A_1011 = arith.constant 112 : index
      %swap3A_1012 = tpu.vector_load %arg6[%swap3A_1010, %swap3A_1011] {strides = array<i32>} : memref<3x128xi32, #tpu.memory_space<vmem>>, vector<16xi32>,
      tpu.vector_store %arg6[%swap3A_1010, %swap3A_1011], %add3A_1008 {strides = array<i32>} : memref<3x128xi32, #tpu.memory_space<vmem>>, vector<16xi32>,
      %add3A_1013 = arith.constant 256 : i32
      %add3A_1014 = vector.broadcast %add3A_1013 : i32 to vector<16xi32>
      %add3A_1015 = arith.addi %iota3A, %add3A_1014 : vector<16xi32>
      %min3A_1016 = arith.constant 288 : i32
      %min3A_1017 = vector.broadcast %min3A_1016 : i32 to vector<16xi32>
      %min3A_1018 = arith.minsi %add3A_1015, %min3A_1017 : vector<16xi32>
      %jit3A_1019 = arith.constant 17 : i32
      %div3A_1020 = vector.broadcast %jit3A_1019 : i32 to vector<16xi32>
      %div3A_1021 = arith.divsi %min3A_1018, %div3A_1020 : vector<16xi32>
      %sign3A_1022 = arith.constant 0 : i32
      %sign3A_1023 = vector.broadcast %sign3A_1022 : i32 to vector<16xi32>
      %sign3A_1024 = arith.cmpi sgt, %min3A_1018, %sign3A_1023 : vector<16xi32>
      %sign3A_1025 = arith.extui %sign3A_1024 : vector<16xi1> to vector<16xi32>
      %sign3A_1026 = arith.constant 0 : i32
      %sign3A_1027 = vector.broadcast %sign3A_1026 : i32 to vector<16xi32>
      %sign3A_1028 = arith.cmpi slt, %min3A_1018, %sign3A_1027 : vector<16xi32>
      %sign3A_1029 = arith.extui %sign3A_1028 : vector<16xi1> to vector<16xi32>
      %sign3A_1030 = arith.subi %sign3A_1025, %sign3A_1029 : vector<16xi32>
      %sign3A_1031 = arith.constant 0 : i32
      %sign3A_1032 = arith.cmpi sgt, %jit3A_1019, %sign3A_1031 : i32
      %sign3A_1033 = arith.extui %sign3A_1032 : i1 to i32
      %sign3A_1034 = arith.constant 0 : i32
      %sign3A_1035 = arith.cmpi slt, %jit3A_1019, %sign3A_1034 : i32
      %sign3A_1036 = arith.extui %sign3A_1035 : i1 to i32
      %sign3A_1037 = arith.subi %sign3A_1033, %sign3A_1036 : i32
      %ne3A_1038 = vector.broadcast %sign3A_1037 : i32 to vector<16xi32>
      %ne3A_1039 = arith.cmpi ne, %sign3A_1030, %ne3A_1038 : vector<16xi32>
      %rem3A_1040 = vector.broadcast %jit3A_1019 : i32 to vector<16xi32>
      %rem3A_1041 = arith.remsi %min3A_1018, %rem3A_1040 : vector<16xi32>
      %ne3A_1042 = arith.constant 0 : i32
      %ne3A_1043 = vector.broadcast %ne3A_1042 : i32 to vector<16xi32>
      %ne3A_1044 = arith.cmpi ne, %rem3A_1041, %ne3A_1043 : vector<16xi32>
      %and3A_1045 = arith.andi %ne3A_1039, %ne3A_1044 : vector<16xi1>
      %sub3A_1046 = arith.constant 1 : i32
      %sub3A_1047 = vector.broadcast %sub3A_1046 : i32 to vector<16xi32>
      %sub3A_1048 = arith.subi %div3A_1021, %sub3A_1047 : vector<16xi32>
      %select_n3A_1049 = arith.select %and3A_1045, %sub3A_1048, %div3A_1021 : vector<16xi1>, vector<16xi32>
      %mul3A_1050 = arith.constant 17 : i32
      %mul3A_1051 = vector.broadcast %mul3A_1050 : i32 to vector<16xi32>
      %mul3A_1052 = arith.muli %select_n3A_1049, %mul3A_1051 : vector<16xi32>
      %sub3A_1053 = arith.subi %min3A_1018, %mul3A_1052 : vector<16xi32>
      %mul3A_1054 = arith.constant 128 : i32
      %mul3A_1055 = vector.broadcast %mul3A_1054 : i32 to vector<16xi32>
      %mul3A_1056 = arith.muli %select_n3A_1049, %mul3A_1055 : vector<16xi32>
      %add3A_1057 = arith.addi %add3A_171, %mul3A_1056 : vector<16xi32>
      %mul3A_1058 = arith.constant 2 : i32
      %mul3A_1059 = vector.broadcast %mul3A_1058 : i32 to vector<16xi32>
      %mul3A_1060 = arith.muli %sub3A_1053, %mul3A_1059 : vector<16xi32>
      %add3A_1061 = arith.addi %add3A_1057, %mul3A_1060 : vector<16xi32>
      %swap3A_1062 = arith.constant 2 : i32
      %swap3A_1063 = arith.index_cast %swap3A_1062 : i32 to index
      %swap3A_1064 = arith.constant 0 : index
      %swap3A_1065 = tpu.vector_load %arg6[%swap3A_1063, %swap3A_1064] {strides = array<i32>} : memref<3x128xi32, #tpu.memory_space<vmem>>, vector<16xi32>,
      tpu.vector_store %arg6[%swap3A_1063, %swap3A_1064], %add3A_1061 {strides = array<i32>} : memref<3x128xi32, #tpu.memory_space<vmem>>, vector<16xi32>,
      %add3A_1066 = arith.constant 272 : i32
      %add3A_1067 = vector.broadcast %add3A_1066 : i32 to vector<16xi32>
      %add3A_1068 = arith.addi %iota3A, %add3A_1067 : vector<16xi32>
      %min3A_1069 = arith.constant 288 : i32
      %min3A_1070 = vector.broadcast %min3A_1069 : i32 to vector<16xi32>
      %min3A_1071 = arith.minsi %add3A_1068, %min3A_1070 : vector<16xi32>
      %jit3A_1072 = arith.constant 17 : i32
      %div3A_1073 = vector.broadcast %jit3A_1072 : i32 to vector<16xi32>
      %div3A_1074 = arith.divsi %min3A_1071, %div3A_1073 : vector<16xi32>
      %sign3A_1075 = arith.constant 0 : i32
      %sign3A_1076 = vector.broadcast %sign3A_1075 : i32 to vector<16xi32>
      %sign3A_1077 = arith.cmpi sgt, %min3A_1071, %sign3A_1076 : vector<16xi32>
      %sign3A_1078 = arith.extui %sign3A_1077 : vector<16xi1> to vector<16xi32>
      %sign3A_1079 = arith.constant 0 : i32
      %sign3A_1080 = vector.broadcast %sign3A_1079 : i32 to vector<16xi32>
      %sign3A_1081 = arith.cmpi slt, %min3A_1071, %sign3A_1080 : vector<16xi32>
      %sign3A_1082 = arith.extui %sign3A_1081 : vector<16xi1> to vector<16xi32>
      %sign3A_1083 = arith.subi %sign3A_1078, %sign3A_1082 : vector<16xi32>
      %sign3A_1084 = arith.constant 0 : i32
      %sign3A_1085 = arith.cmpi sgt, %jit3A_1072, %sign3A_1084 : i32
      %sign3A_1086 = arith.extui %sign3A_1085 : i1 to i32
      %sign3A_1087 = arith.constant 0 : i32
      %sign3A_1088 = arith.cmpi slt, %jit3A_1072, %sign3A_1087 : i32
      %sign3A_1089 = arith.extui %sign3A_1088 : i1 to i32
      %sign3A_1090 = arith.subi %sign3A_1086, %sign3A_1089 : i32
      %ne3A_1091 = vector.broadcast %sign3A_1090 : i32 to vector<16xi32>
      %ne3A_1092 = arith.cmpi ne, %sign3A_1083, %ne3A_1091 : vector<16xi32>
      %rem3A_1093 = vector.broadcast %jit3A_1072 : i32 to vector<16xi32>
      %rem3A_1094 = arith.remsi %min3A_1071, %rem3A_1093 : vector<16xi32>
      %ne3A_1095 = arith.constant 0 : i32
      %ne3A_1096 = vector.broadcast %ne3A_1095 : i32 to vector<16xi32>
      %ne3A_1097 = arith.cmpi ne, %rem3A_1094, %ne3A_1096 : vector<16xi32>
      %and3A_1098 = arith.andi %ne3A_1092, %ne3A_1097 : vector<16xi1>
      %sub3A_1099 = arith.constant 1 : i32
      %sub3A_1100 = vector.broadcast %sub3A_1099 : i32 to vector<16xi32>
      %sub3A_1101 = arith.subi %div3A_1074, %sub3A_1100 : vector<16xi32>
      %select_n3A_1102 = arith.select %and3A_1098, %sub3A_1101, %div3A_1074 : vector<16xi1>, vector<16xi32>
      %mul3A_1103 = arith.constant 17 : i32
      %mul3A_1104 = vector.broadcast %mul3A_1103 : i32 to vector<16xi32>
      %mul3A_1105 = arith.muli %select_n3A_1102, %mul3A_1104 : vector<16xi32>
      %sub3A_1106 = arith.subi %min3A_1071, %mul3A_1105 : vector<16xi32>
      %mul3A_1107 = arith.constant 128 : i32
      %mul3A_1108 = vector.broadcast %mul3A_1107 : i32 to vector<16xi32>
      %mul3A_1109 = arith.muli %select_n3A_1102, %mul3A_1108 : vector<16xi32>
      %add3A_1110 = arith.addi %add3A_171, %mul3A_1109 : vector<16xi32>
      %mul3A_1111 = arith.constant 2 : i32
      %mul3A_1112 = vector.broadcast %mul3A_1111 : i32 to vector<16xi32>
      %mul3A_1113 = arith.muli %sub3A_1106, %mul3A_1112 : vector<16xi32>
      %add3A_1114 = arith.addi %add3A_1110, %mul3A_1113 : vector<16xi32>
      %swap3A_1115 = arith.constant 2 : i32
      %swap3A_1116 = arith.index_cast %swap3A_1115 : i32 to index
      %swap3A_1117 = arith.constant 16 : index
      %swap3A_1118 = tpu.vector_load %arg6[%swap3A_1116, %swap3A_1117] {strides = array<i32>} : memref<3x128xi32, #tpu.memory_space<vmem>>, vector<16xi32>,
      tpu.vector_store %arg6[%swap3A_1116, %swap3A_1117], %add3A_1114 {strides = array<i32>} : memref<3x128xi32, #tpu.memory_space<vmem>>, vector<16xi32>,
      %add3A_1119 = arith.constant 288 : i32
      %add3A_1120 = vector.broadcast %add3A_1119 : i32 to vector<16xi32>
      %add3A_1121 = arith.addi %iota3A, %add3A_1120 : vector<16xi32>
      %min3A_1122 = arith.constant 288 : i32
      %min3A_1123 = vector.broadcast %min3A_1122 : i32 to vector<16xi32>
      %min3A_1124 = arith.minsi %add3A_1121, %min3A_1123 : vector<16xi32>
      %jit3A_1125 = arith.constant 17 : i32
      %div3A_1126 = vector.broadcast %jit3A_1125 : i32 to vector<16xi32>
      %div3A_1127 = arith.divsi %min3A_1124, %div3A_1126 : vector<16xi32>
      %sign3A_1128 = arith.constant 0 : i32
      %sign3A_1129 = vector.broadcast %sign3A_1128 : i32 to vector<16xi32>
      %sign3A_1130 = arith.cmpi sgt, %min3A_1124, %sign3A_1129 : vector<16xi32>
      %sign3A_1131 = arith.extui %sign3A_1130 : vector<16xi1> to vector<16xi32>
      %sign3A_1132 = arith.constant 0 : i32
      %sign3A_1133 = vector.broadcast %sign3A_1132 : i32 to vector<16xi32>
      %sign3A_1134 = arith.cmpi slt, %min3A_1124, %sign3A_1133 : vector<16xi32>
      %sign3A_1135 = arith.extui %sign3A_1134 : vector<16xi1> to vector<16xi32>
      %sign3A_1136 = arith.subi %sign3A_1131, %sign3A_1135 : vector<16xi32>
      %sign3A_1137 = arith.constant 0 : i32
      %sign3A_1138 = arith.cmpi sgt, %jit3A_1125, %sign3A_1137 : i32
      %sign3A_1139 = arith.extui %sign3A_1138 : i1 to i32
      %sign3A_1140 = arith.constant 0 : i32
      %sign3A_1141 = arith.cmpi slt, %jit3A_1125, %sign3A_1140 : i32
      %sign3A_1142 = arith.extui %sign3A_1141 : i1 to i32
      %sign3A_1143 = arith.subi %sign3A_1139, %sign3A_1142 : i32
      %ne3A_1144 = vector.broadcast %sign3A_1143 : i32 to vector<16xi32>
      %ne3A_1145 = arith.cmpi ne, %sign3A_1136, %ne3A_1144 : vector<16xi32>
      %rem3A_1146 = vector.broadcast %jit3A_1125 : i32 to vector<16xi32>
      %rem3A_1147 = arith.remsi %min3A_1124, %rem3A_1146 : vector<16xi32>
      %ne3A_1148 = arith.constant 0 : i32
      %ne3A_1149 = vector.broadcast %ne3A_1148 : i32 to vector<16xi32>
      %ne3A_1150 = arith.cmpi ne, %rem3A_1147, %ne3A_1149 : vector<16xi32>
      %and3A_1151 = arith.andi %ne3A_1145, %ne3A_1150 : vector<16xi1>
      %sub3A_1152 = arith.constant 1 : i32
      %sub3A_1153 = vector.broadcast %sub3A_1152 : i32 to vector<16xi32>
      %sub3A_1154 = arith.subi %div3A_1127, %sub3A_1153 : vector<16xi32>
      %select_n3A_1155 = arith.select %and3A_1151, %sub3A_1154, %div3A_1127 : vector<16xi1>, vector<16xi32>
      %mul3A_1156 = arith.constant 17 : i32
      %mul3A_1157 = vector.broadcast %mul3A_1156 : i32 to vector<16xi32>
      %mul3A_1158 = arith.muli %select_n3A_1155, %mul3A_1157 : vector<16xi32>
      %sub3A_1159 = arith.subi %min3A_1124, %mul3A_1158 : vector<16xi32>
      %mul3A_1160 = arith.constant 128 : i32
      %mul3A_1161 = vector.broadcast %mul3A_1160 : i32 to vector<16xi32>
      %mul3A_1162 = arith.muli %select_n3A_1155, %mul3A_1161 : vector<16xi32>
      %add3A_1163 = arith.addi %add3A_171, %mul3A_1162 : vector<16xi32>
      %mul3A_1164 = arith.constant 2 : i32
      %mul3A_1165 = vector.broadcast %mul3A_1164 : i32 to vector<16xi32>
      %mul3A_1166 = arith.muli %sub3A_1159, %mul3A_1165 : vector<16xi32>
      %add3A_1167 = arith.addi %add3A_1163, %mul3A_1166 : vector<16xi32>
      %swap3A_1168 = arith.constant 2 : i32
      %swap3A_1169 = arith.index_cast %swap3A_1168 : i32 to index
      %swap3A_1170 = arith.constant 32 : index
      %swap3A_1171 = tpu.vector_load %arg6[%swap3A_1169, %swap3A_1170] {strides = array<i32>} : memref<3x128xi32, #tpu.memory_space<vmem>>, vector<16xi32>,
      tpu.vector_store %arg6[%swap3A_1169, %swap3A_1170], %add3A_1167 {strides = array<i32>} : memref<3x128xi32, #tpu.memory_space<vmem>>, vector<16xi32>,
      %add3A_1172 = arith.constant 304 : i32
      %add3A_1173 = vector.broadcast %add3A_1172 : i32 to vector<16xi32>
      %add3A_1174 = arith.addi %iota3A, %add3A_1173 : vector<16xi32>
      %min3A_1175 = arith.constant 288 : i32
      %min3A_1176 = vector.broadcast %min3A_1175 : i32 to vector<16xi32>
      %min3A_1177 = arith.minsi %add3A_1174, %min3A_1176 : vector<16xi32>
      %jit3A_1178 = arith.constant 17 : i32
      %div3A_1179 = vector.broadcast %jit3A_1178 : i32 to vector<16xi32>
      %div3A_1180 = arith.divsi %min3A_1177, %div3A_1179 : vector<16xi32>
      %sign3A_1181 = arith.constant 0 : i32
      %sign3A_1182 = vector.broadcast %sign3A_1181 : i32 to vector<16xi32>
      %sign3A_1183 = arith.cmpi sgt, %min3A_1177, %sign3A_1182 : vector<16xi32>
      %sign3A_1184 = arith.extui %sign3A_1183 : vector<16xi1> to vector<16xi32>
      %sign3A_1185 = arith.constant 0 : i32
      %sign3A_1186 = vector.broadcast %sign3A_1185 : i32 to vector<16xi32>
      %sign3A_1187 = arith.cmpi slt, %min3A_1177, %sign3A_1186 : vector<16xi32>
      %sign3A_1188 = arith.extui %sign3A_1187 : vector<16xi1> to vector<16xi32>
      %sign3A_1189 = arith.subi %sign3A_1184, %sign3A_1188 : vector<16xi32>
      %sign3A_1190 = arith.constant 0 : i32
      %sign3A_1191 = arith.cmpi sgt, %jit3A_1178, %sign3A_1190 : i32
      %sign3A_1192 = arith.extui %sign3A_1191 : i1 to i32
      %sign3A_1193 = arith.constant 0 : i32
      %sign3A_1194 = arith.cmpi slt, %jit3A_1178, %sign3A_1193 : i32
      %sign3A_1195 = arith.extui %sign3A_1194 : i1 to i32
      %sign3A_1196 = arith.subi %sign3A_1192, %sign3A_1195 : i32
      %ne3A_1197 = vector.broadcast %sign3A_1196 : i32 to vector<16xi32>
      %ne3A_1198 = arith.cmpi ne, %sign3A_1189, %ne3A_1197 : vector<16xi32>
      %rem3A_1199 = vector.broadcast %jit3A_1178 : i32 to vector<16xi32>
      %rem3A_1200 = arith.remsi %min3A_1177, %rem3A_1199 : vector<16xi32>
      %ne3A_1201 = arith.constant 0 : i32
      %ne3A_1202 = vector.broadcast %ne3A_1201 : i32 to vector<16xi32>
      %ne3A_1203 = arith.cmpi ne, %rem3A_1200, %ne3A_1202 : vector<16xi32>
      %and3A_1204 = arith.andi %ne3A_1198, %ne3A_1203 : vector<16xi1>
      %sub3A_1205 = arith.constant 1 : i32
      %sub3A_1206 = vector.broadcast %sub3A_1205 : i32 to vector<16xi32>
      %sub3A_1207 = arith.subi %div3A_1180, %sub3A_1206 : vector<16xi32>
      %select_n3A_1208 = arith.select %and3A_1204, %sub3A_1207, %div3A_1180 : vector<16xi1>, vector<16xi32>
      %mul3A_1209 = arith.constant 17 : i32
      %mul3A_1210 = vector.broadcast %mul3A_1209 : i32 to vector<16xi32>
      %mul3A_1211 = arith.muli %select_n3A_1208, %mul3A_1210 : vector<16xi32>
      %sub3A_1212 = arith.subi %min3A_1177, %mul3A_1211 : vector<16xi32>
      %mul3A_1213 = arith.constant 128 : i32
      %mul3A_1214 = vector.broadcast %mul3A_1213 : i32 to vector<16xi32>
      %mul3A_1215 = arith.muli %select_n3A_1208, %mul3A_1214 : vector<16xi32>
      %add3A_1216 = arith.addi %add3A_171, %mul3A_1215 : vector<16xi32>
      %mul3A_1217 = arith.constant 2 : i32
      %mul3A_1218 = vector.broadcast %mul3A_1217 : i32 to vector<16xi32>
      %mul3A_1219 = arith.muli %sub3A_1212, %mul3A_1218 : vector<16xi32>
      %add3A_1220 = arith.addi %add3A_1216, %mul3A_1219 : vector<16xi32>
      %swap3A_1221 = arith.constant 2 : i32
      %swap3A_1222 = arith.index_cast %swap3A_1221 : i32 to index
      %swap3A_1223 = arith.constant 48 : index
      %swap3A_1224 = tpu.vector_load %arg6[%swap3A_1222, %swap3A_1223] {strides = array<i32>} : memref<3x128xi32, #tpu.memory_space<vmem>>, vector<16xi32>,
      tpu.vector_store %arg6[%swap3A_1222, %swap3A_1223], %add3A_1220 {strides = array<i32>} : memref<3x128xi32, #tpu.memory_space<vmem>>, vector<16xi32>,
      %add3A_1225 = arith.constant 320 : i32
      %add3A_1226 = vector.broadcast %add3A_1225 : i32 to vector<16xi32>
      %add3A_1227 = arith.addi %iota3A, %add3A_1226 : vector<16xi32>
      %min3A_1228 = arith.constant 288 : i32
      %min3A_1229 = vector.broadcast %min3A_1228 : i32 to vector<16xi32>
      %min3A_1230 = arith.minsi %add3A_1227, %min3A_1229 : vector<16xi32>
      %jit3A_1231 = arith.constant 17 : i32
      %div3A_1232 = vector.broadcast %jit3A_1231 : i32 to vector<16xi32>
      %div3A_1233 = arith.divsi %min3A_1230, %div3A_1232 : vector<16xi32>
      %sign3A_1234 = arith.constant 0 : i32
      %sign3A_1235 = vector.broadcast %sign3A_1234 : i32 to vector<16xi32>
      %sign3A_1236 = arith.cmpi sgt, %min3A_1230, %sign3A_1235 : vector<16xi32>
      %sign3A_1237 = arith.extui %sign3A_1236 : vector<16xi1> to vector<16xi32>
      %sign3A_1238 = arith.constant 0 : i32
      %sign3A_1239 = vector.broadcast %sign3A_1238 : i32 to vector<16xi32>
      %sign3A_1240 = arith.cmpi slt, %min3A_1230, %sign3A_1239 : vector<16xi32>
      %sign3A_1241 = arith.extui %sign3A_1240 : vector<16xi1> to vector<16xi32>
      %sign3A_1242 = arith.subi %sign3A_1237, %sign3A_1241 : vector<16xi32>
      %sign3A_1243 = arith.constant 0 : i32
      %sign3A_1244 = arith.cmpi sgt, %jit3A_1231, %sign3A_1243 : i32
      %sign3A_1245 = arith.extui %sign3A_1244 : i1 to i32
      %sign3A_1246 = arith.constant 0 : i32
      %sign3A_1247 = arith.cmpi slt, %jit3A_1231, %sign3A_1246 : i32
      %sign3A_1248 = arith.extui %sign3A_1247 : i1 to i32
      %sign3A_1249 = arith.subi %sign3A_1245, %sign3A_1248 : i32
      %ne3A_1250 = vector.broadcast %sign3A_1249 : i32 to vector<16xi32>
      %ne3A_1251 = arith.cmpi ne, %sign3A_1242, %ne3A_1250 : vector<16xi32>
      %rem3A_1252 = vector.broadcast %jit3A_1231 : i32 to vector<16xi32>
      %rem3A_1253 = arith.remsi %min3A_1230, %rem3A_1252 : vector<16xi32>
      %ne3A_1254 = arith.constant 0 : i32
      %ne3A_1255 = vector.broadcast %ne3A_1254 : i32 to vector<16xi32>
      %ne3A_1256 = arith.cmpi ne, %rem3A_1253, %ne3A_1255 : vector<16xi32>
      %and3A_1257 = arith.andi %ne3A_1251, %ne3A_1256 : vector<16xi1>
      %sub3A_1258 = arith.constant 1 : i32
      %sub3A_1259 = vector.broadcast %sub3A_1258 : i32 to vector<16xi32>
      %sub3A_1260 = arith.subi %div3A_1233, %sub3A_1259 : vector<16xi32>
      %select_n3A_1261 = arith.select %and3A_1257, %sub3A_1260, %div3A_1233 : vector<16xi1>, vector<16xi32>
      %mul3A_1262 = arith.constant 17 : i32
      %mul3A_1263 = vector.broadcast %mul3A_1262 : i32 to vector<16xi32>
      %mul3A_1264 = arith.muli %select_n3A_1261, %mul3A_1263 : vector<16xi32>
      %sub3A_1265 = arith.subi %min3A_1230, %mul3A_1264 : vector<16xi32>
      %mul3A_1266 = arith.constant 128 : i32
      %mul3A_1267 = vector.broadcast %mul3A_1266 : i32 to vector<16xi32>
      %mul3A_1268 = arith.muli %select_n3A_1261, %mul3A_1267 : vector<16xi32>
      %add3A_1269 = arith.addi %add3A_171, %mul3A_1268 : vector<16xi32>
      %mul3A_1270 = arith.constant 2 : i32
      %mul3A_1271 = vector.broadcast %mul3A_1270 : i32 to vector<16xi32>
      %mul3A_1272 = arith.muli %sub3A_1265, %mul3A_1271 : vector<16xi32>
      %add3A_1273 = arith.addi %add3A_1269, %mul3A_1272 : vector<16xi32>
      %swap3A_1274 = arith.constant 2 : i32
      %swap3A_1275 = arith.index_cast %swap3A_1274 : i32 to index
      %swap3A_1276 = arith.constant 64 : index
      %swap3A_1277 = tpu.vector_load %arg6[%swap3A_1275, %swap3A_1276] {strides = array<i32>} : memref<3x128xi32, #tpu.memory_space<vmem>>, vector<16xi32>,
      tpu.vector_store %arg6[%swap3A_1275, %swap3A_1276], %add3A_1273 {strides = array<i32>} : memref<3x128xi32, #tpu.memory_space<vmem>>, vector<16xi32>,
      %add3A_1278 = arith.constant 336 : i32
      %add3A_1279 = vector.broadcast %add3A_1278 : i32 to vector<16xi32>
      %add3A_1280 = arith.addi %iota3A, %add3A_1279 : vector<16xi32>
      %min3A_1281 = arith.constant 288 : i32
      %min3A_1282 = vector.broadcast %min3A_1281 : i32 to vector<16xi32>
      %min3A_1283 = arith.minsi %add3A_1280, %min3A_1282 : vector<16xi32>
      %jit3A_1284 = arith.constant 17 : i32
      %div3A_1285 = vector.broadcast %jit3A_1284 : i32 to vector<16xi32>
      %div3A_1286 = arith.divsi %min3A_1283, %div3A_1285 : vector<16xi32>
      %sign3A_1287 = arith.constant 0 : i32
      %sign3A_1288 = vector.broadcast %sign3A_1287 : i32 to vector<16xi32>
      %sign3A_1289 = arith.cmpi sgt, %min3A_1283, %sign3A_1288 : vector<16xi32>
      %sign3A_1290 = arith.extui %sign3A_1289 : vector<16xi1> to vector<16xi32>
      %sign3A_1291 = arith.constant 0 : i32
      %sign3A_1292 = vector.broadcast %sign3A_1291 : i32 to vector<16xi32>
      %sign3A_1293 = arith.cmpi slt, %min3A_1283, %sign3A_1292 : vector<16xi32>
      %sign3A_1294 = arith.extui %sign3A_1293 : vector<16xi1> to vector<16xi32>
      %sign3A_1295 = arith.subi %sign3A_1290, %sign3A_1294 : vector<16xi32>
      %sign3A_1296 = arith.constant 0 : i32
      %sign3A_1297 = arith.cmpi sgt, %jit3A_1284, %sign3A_1296 : i32
      %sign3A_1298 = arith.extui %sign3A_1297 : i1 to i32
      %sign3A_1299 = arith.constant 0 : i32
      %sign3A_1300 = arith.cmpi slt, %jit3A_1284, %sign3A_1299 : i32
      %sign3A_1301 = arith.extui %sign3A_1300 : i1 to i32
      %sign3A_1302 = arith.subi %sign3A_1298, %sign3A_1301 : i32
      %ne3A_1303 = vector.broadcast %sign3A_1302 : i32 to vector<16xi32>
      %ne3A_1304 = arith.cmpi ne, %sign3A_1295, %ne3A_1303 : vector<16xi32>
      %rem3A_1305 = vector.broadcast %jit3A_1284 : i32 to vector<16xi32>
      %rem3A_1306 = arith.remsi %min3A_1283, %rem3A_1305 : vector<16xi32>
      %ne3A_1307 = arith.constant 0 : i32
      %ne3A_1308 = vector.broadcast %ne3A_1307 : i32 to vector<16xi32>
      %ne3A_1309 = arith.cmpi ne, %rem3A_1306, %ne3A_1308 : vector<16xi32>
      %and3A_1310 = arith.andi %ne3A_1304, %ne3A_1309 : vector<16xi1>
      %sub3A_1311 = arith.constant 1 : i32
      %sub3A_1312 = vector.broadcast %sub3A_1311 : i32 to vector<16xi32>
      %sub3A_1313 = arith.subi %div3A_1286, %sub3A_1312 : vector<16xi32>
      %select_n3A_1314 = arith.select %and3A_1310, %sub3A_1313, %div3A_1286 : vector<16xi1>, vector<16xi32>
      %mul3A_1315 = arith.constant 17 : i32
      %mul3A_1316 = vector.broadcast %mul3A_1315 : i32 to vector<16xi32>
      %mul3A_1317 = arith.muli %select_n3A_1314, %mul3A_1316 : vector<16xi32>
      %sub3A_1318 = arith.subi %min3A_1283, %mul3A_1317 : vector<16xi32>
      %mul3A_1319 = arith.constant 128 : i32
      %mul3A_1320 = vector.broadcast %mul3A_1319 : i32 to vector<16xi32>
      %mul3A_1321 = arith.muli %select_n3A_1314, %mul3A_1320 : vector<16xi32>
      %add3A_1322 = arith.addi %add3A_171, %mul3A_1321 : vector<16xi32>
      %mul3A_1323 = arith.constant 2 : i32
      %mul3A_1324 = vector.broadcast %mul3A_1323 : i32 to vector<16xi32>
      %mul3A_1325 = arith.muli %sub3A_1318, %mul3A_1324 : vector<16xi32>
      %add3A_1326 = arith.addi %add3A_1322, %mul3A_1325 : vector<16xi32>
      %swap3A_1327 = arith.constant 2 : i32
      %swap3A_1328 = arith.index_cast %swap3A_1327 : i32 to index
      %swap3A_1329 = arith.constant 80 : index
      %swap3A_1330 = tpu.vector_load %arg6[%swap3A_1328, %swap3A_1329] {strides = array<i32>} : memref<3x128xi32, #tpu.memory_space<vmem>>, vector<16xi32>,
      tpu.vector_store %arg6[%swap3A_1328, %swap3A_1329], %add3A_1326 {strides = array<i32>} : memref<3x128xi32, #tpu.memory_space<vmem>>, vector<16xi32>,
      %add3A_1331 = arith.constant 352 : i32
      %add3A_1332 = vector.broadcast %add3A_1331 : i32 to vector<16xi32>
      %add3A_1333 = arith.addi %iota3A, %add3A_1332 : vector<16xi32>
      %min3A_1334 = arith.constant 288 : i32
      %min3A_1335 = vector.broadcast %min3A_1334 : i32 to vector<16xi32>
      %min3A_1336 = arith.minsi %add3A_1333, %min3A_1335 : vector<16xi32>
      %jit3A_1337 = arith.constant 17 : i32
      %div3A_1338 = vector.broadcast %jit3A_1337 : i32 to vector<16xi32>
      %div3A_1339 = arith.divsi %min3A_1336, %div3A_1338 : vector<16xi32>
      %sign3A_1340 = arith.constant 0 : i32
      %sign3A_1341 = vector.broadcast %sign3A_1340 : i32 to vector<16xi32>
      %sign3A_1342 = arith.cmpi sgt, %min3A_1336, %sign3A_1341 : vector<16xi32>
      %sign3A_1343 = arith.extui %sign3A_1342 : vector<16xi1> to vector<16xi32>
      %sign3A_1344 = arith.constant 0 : i32
      %sign3A_1345 = vector.broadcast %sign3A_1344 : i32 to vector<16xi32>
      %sign3A_1346 = arith.cmpi slt, %min3A_1336, %sign3A_1345 : vector<16xi32>
      %sign3A_1347 = arith.extui %sign3A_1346 : vector<16xi1> to vector<16xi32>
      %sign3A_1348 = arith.subi %sign3A_1343, %sign3A_1347 : vector<16xi32>
      %sign3A_1349 = arith.constant 0 : i32
      %sign3A_1350 = arith.cmpi sgt, %jit3A_1337, %sign3A_1349 : i32
      %sign3A_1351 = arith.extui %sign3A_1350 : i1 to i32
      %sign3A_1352 = arith.constant 0 : i32
      %sign3A_1353 = arith.cmpi slt, %jit3A_1337, %sign3A_1352 : i32
      %sign3A_1354 = arith.extui %sign3A_1353 : i1 to i32
      %sign3A_1355 = arith.subi %sign3A_1351, %sign3A_1354 : i32
      %ne3A_1356 = vector.broadcast %sign3A_1355 : i32 to vector<16xi32>
      %ne3A_1357 = arith.cmpi ne, %sign3A_1348, %ne3A_1356 : vector<16xi32>
      %rem3A_1358 = vector.broadcast %jit3A_1337 : i32 to vector<16xi32>
      %rem3A_1359 = arith.remsi %min3A_1336, %rem3A_1358 : vector<16xi32>
      %ne3A_1360 = arith.constant 0 : i32
      %ne3A_1361 = vector.broadcast %ne3A_1360 : i32 to vector<16xi32>
      %ne3A_1362 = arith.cmpi ne, %rem3A_1359, %ne3A_1361 : vector<16xi32>
      %and3A_1363 = arith.andi %ne3A_1357, %ne3A_1362 : vector<16xi1>
      %sub3A_1364 = arith.constant 1 : i32
      %sub3A_1365 = vector.broadcast %sub3A_1364 : i32 to vector<16xi32>
      %sub3A_1366 = arith.subi %div3A_1339, %sub3A_1365 : vector<16xi32>
      %select_n3A_1367 = arith.select %and3A_1363, %sub3A_1366, %div3A_1339 : vector<16xi1>, vector<16xi32>
      %mul3A_1368 = arith.constant 17 : i32
      %mul3A_1369 = vector.broadcast %mul3A_1368 : i32 to vector<16xi32>
      %mul3A_1370 = arith.muli %select_n3A_1367, %mul3A_1369 : vector<16xi32>
      %sub3A_1371 = arith.subi %min3A_1336, %mul3A_1370 : vector<16xi32>
      %mul3A_1372 = arith.constant 128 : i32
      %mul3A_1373 = vector.broadcast %mul3A_1372 : i32 to vector<16xi32>
      %mul3A_1374 = arith.muli %select_n3A_1367, %mul3A_1373 : vector<16xi32>
      %add3A_1375 = arith.addi %add3A_171, %mul3A_1374 : vector<16xi32>
      %mul3A_1376 = arith.constant 2 : i32
      %mul3A_1377 = vector.broadcast %mul3A_1376 : i32 to vector<16xi32>
      %mul3A_1378 = arith.muli %sub3A_1371, %mul3A_1377 : vector<16xi32>
      %add3A_1379 = arith.addi %add3A_1375, %mul3A_1378 : vector<16xi32>
      %swap3A_1380 = arith.constant 2 : i32
      %swap3A_1381 = arith.index_cast %swap3A_1380 : i32 to index
      %swap3A_1382 = arith.constant 96 : index
      %swap3A_1383 = tpu.vector_load %arg6[%swap3A_1381, %swap3A_1382] {strides = array<i32>} : memref<3x128xi32, #tpu.memory_space<vmem>>, vector<16xi32>,
      tpu.vector_store %arg6[%swap3A_1381, %swap3A_1382], %add3A_1379 {strides = array<i32>} : memref<3x128xi32, #tpu.memory_space<vmem>>, vector<16xi32>,
      %add3A_1384 = arith.constant 368 : i32
      %add3A_1385 = vector.broadcast %add3A_1384 : i32 to vector<16xi32>
      %add3A_1386 = arith.addi %iota3A, %add3A_1385 : vector<16xi32>
      %min3A_1387 = arith.constant 288 : i32
      %min3A_1388 = vector.broadcast %min3A_1387 : i32 to vector<16xi32>
      %min3A_1389 = arith.minsi %add3A_1386, %min3A_1388 : vector<16xi32>
      %jit3A_1390 = arith.constant 17 : i32
      %div3A_1391 = vector.broadcast %jit3A_1390 : i32 to vector<16xi32>
      %div3A_1392 = arith.divsi %min3A_1389, %div3A_1391 : vector<16xi32>
      %sign3A_1393 = arith.constant 0 : i32
      %sign3A_1394 = vector.broadcast %sign3A_1393 : i32 to vector<16xi32>
      %sign3A_1395 = arith.cmpi sgt, %min3A_1389, %sign3A_1394 : vector<16xi32>
      %sign3A_1396 = arith.extui %sign3A_1395 : vector<16xi1> to vector<16xi32>
      %sign3A_1397 = arith.constant 0 : i32
      %sign3A_1398 = vector.broadcast %sign3A_1397 : i32 to vector<16xi32>
      %sign3A_1399 = arith.cmpi slt, %min3A_1389, %sign3A_1398 : vector<16xi32>
      %sign3A_1400 = arith.extui %sign3A_1399 : vector<16xi1> to vector<16xi32>
      %sign3A_1401 = arith.subi %sign3A_1396, %sign3A_1400 : vector<16xi32>
      %sign3A_1402 = arith.constant 0 : i32
      %sign3A_1403 = arith.cmpi sgt, %jit3A_1390, %sign3A_1402 : i32
      %sign3A_1404 = arith.extui %sign3A_1403 : i1 to i32
      %sign3A_1405 = arith.constant 0 : i32
      %sign3A_1406 = arith.cmpi slt, %jit3A_1390, %sign3A_1405 : i32
      %sign3A_1407 = arith.extui %sign3A_1406 : i1 to i32
      %sign3A_1408 = arith.subi %sign3A_1404, %sign3A_1407 : i32
      %ne3A_1409 = vector.broadcast %sign3A_1408 : i32 to vector<16xi32>
      %ne3A_1410 = arith.cmpi ne, %sign3A_1401, %ne3A_1409 : vector<16xi32>
      %rem3A_1411 = vector.broadcast %jit3A_1390 : i32 to vector<16xi32>
      %rem3A_1412 = arith.remsi %min3A_1389, %rem3A_1411 : vector<16xi32>
      %ne3A_1413 = arith.constant 0 : i32
      %ne3A_1414 = vector.broadcast %ne3A_1413 : i32 to vector<16xi32>
      %ne3A_1415 = arith.cmpi ne, %rem3A_1412, %ne3A_1414 : vector<16xi32>
      %and3A_1416 = arith.andi %ne3A_1410, %ne3A_1415 : vector<16xi1>
      %sub3A_1417 = arith.constant 1 : i32
      %sub3A_1418 = vector.broadcast %sub3A_1417 : i32 to vector<16xi32>
      %sub3A_1419 = arith.subi %div3A_1392, %sub3A_1418 : vector<16xi32>
      %select_n3A_1420 = arith.select %and3A_1416, %sub3A_1419, %div3A_1392 : vector<16xi1>, vector<16xi32>
      %mul3A_1421 = arith.constant 17 : i32
      %mul3A_1422 = vector.broadcast %mul3A_1421 : i32 to vector<16xi32>
      %mul3A_1423 = arith.muli %select_n3A_1420, %mul3A_1422 : vector<16xi32>
      %sub3A_1424 = arith.subi %min3A_1389, %mul3A_1423 : vector<16xi32>
      %mul3A_1425 = arith.constant 128 : i32
      %mul3A_1426 = vector.broadcast %mul3A_1425 : i32 to vector<16xi32>
      %mul3A_1427 = arith.muli %select_n3A_1420, %mul3A_1426 : vector<16xi32>
      %add3A_1428 = arith.addi %add3A_171, %mul3A_1427 : vector<16xi32>
      %mul3A_1429 = arith.constant 2 : i32
      %mul3A_1430 = vector.broadcast %mul3A_1429 : i32 to vector<16xi32>
      %mul3A_1431 = arith.muli %sub3A_1424, %mul3A_1430 : vector<16xi32>
      %add3A_1432 = arith.addi %add3A_1428, %mul3A_1431 : vector<16xi32>
      %swap3A_1433 = arith.constant 2 : i32
      %swap3A_1434 = arith.index_cast %swap3A_1433 : i32 to index
      %swap3A_1435 = arith.constant 112 : index
      %swap3A_1436 = tpu.vector_load %arg6[%swap3A_1434, %swap3A_1435] {strides = array<i32>} : memref<3x128xi32, #tpu.memory_space<vmem>>, vector<16xi32>,
      tpu.vector_store %arg6[%swap3A_1434, %swap3A_1435], %add3A_1432 {strides = array<i32>} : memref<3x128xi32, #tpu.memory_space<vmem>>, vector<16xi32>,
      %dma_start3A = arith.constant 0 : i32
      %dma_start3A_1437 = arith.constant 0 : i32
      %dma_start3A_1438 = arith.constant 0 : i32
      %dma_start3A_1439 = tpu.memref_slice %arg7[%dma_start3A_1437, %dma_start3A_1438] : memref<384x128xf32, #tpu.memory_space<vmem>> -> memref<128x128xf32, #tpu.memory_space<vmem>>
      %dma_start3A_1440 = arith.constant 0 : i32
      %dma_start3A_1441 = tpu.memref_slice %arg6[%dma_start3A, %dma_start3A_1440] : memref<3x128xi32, #tpu.memory_space<vmem>> -> memref<1x128xi32, #tpu.memory_space<vmem>>
      %dma_start3A_1442 = tpu.memref_squeeze %dma_start3A_1441 : memref<1x128xi32, #tpu.memory_space<vmem>> -> memref<128xi32, #tpu.memory_space<vmem>>
      %dma_start3A_1443 = arith.constant 0 : i32
      %dma_start3A_1444 = arith.constant 0 : i32
      %dma_start3A_1445 = tpu.memref_slice %arg2[%dma_start3A_1443, %dma_start3A_1444] : memref<16384x128xf32, #tpu.memory_space<hbm>> -> memref<16384x128xf32, #tpu.memory_space<hbm>>
      tpu.enqueue_indirect_dma source(%dma_start3A_1445 : memref<16384x128xf32, #tpu.memory_space<hbm>>) target(%dma_start3A_1439 : memref<128x128xf32, #tpu.memory_space<vmem>>) offsets(%dma_start3A_1442 : memref<128xi32, #tpu.memory_space<vmem>>) semaphore(%arg9 : memref<!tpu.dma_semaphore, #tpu.memory_space<semaphore_mem>>)
      %dma_start3A_1446 = arith.constant 1 : i32
      %dma_start3A_1447 = arith.constant 128 : i32
      %dma_start3A_1448 = arith.constant 0 : i32
      %dma_start3A_1449 = tpu.memref_slice %arg7[%dma_start3A_1447, %dma_start3A_1448] : memref<384x128xf32, #tpu.memory_space<vmem>> -> memref<128x128xf32, #tpu.memory_space<vmem>>
      %dma_start3A_1450 = arith.constant 0 : i32
      %dma_start3A_1451 = tpu.memref_slice %arg6[%dma_start3A_1446, %dma_start3A_1450] : memref<3x128xi32, #tpu.memory_space<vmem>> -> memref<1x128xi32, #tpu.memory_space<vmem>>
      %dma_start3A_1452 = tpu.memref_squeeze %dma_start3A_1451 : memref<1x128xi32, #tpu.memory_space<vmem>> -> memref<128xi32, #tpu.memory_space<vmem>>
      %dma_start3A_1453 = arith.constant 0 : i32
      %dma_start3A_1454 = arith.constant 0 : i32
      %dma_start3A_1455 = tpu.memref_slice %arg2[%dma_start3A_1453, %dma_start3A_1454] : memref<16384x128xf32, #tpu.memory_space<hbm>> -> memref<16384x128xf32, #tpu.memory_space<hbm>>
      tpu.enqueue_indirect_dma source(%dma_start3A_1455 : memref<16384x128xf32, #tpu.memory_space<hbm>>) target(%dma_start3A_1449 : memref<128x128xf32, #tpu.memory_space<vmem>>) offsets(%dma_start3A_1452 : memref<128xi32, #tpu.memory_space<vmem>>) semaphore(%arg9 : memref<!tpu.dma_semaphore, #tpu.memory_space<semaphore_mem>>)
      %dma_start3A_1456 = arith.constant 2 : i32
      %dma_start3A_1457 = arith.constant 256 : i32
      %dma_start3A_1458 = arith.constant 0 : i32
      %dma_start3A_1459 = tpu.memref_slice %arg7[%dma_start3A_1457, %dma_start3A_1458] : memref<384x128xf32, #tpu.memory_space<vmem>> -> memref<128x128xf32, #tpu.memory_space<vmem>>
      %dma_start3A_1460 = arith.constant 0 : i32
      %dma_start3A_1461 = tpu.memref_slice %arg6[%dma_start3A_1456, %dma_start3A_1460] : memref<3x128xi32, #tpu.memory_space<vmem>> -> memref<1x128xi32, #tpu.memory_space<vmem>>
      %dma_start3A_1462 = tpu.memref_squeeze %dma_start3A_1461 : memref<1x128xi32, #tpu.memory_space<vmem>> -> memref<128xi32, #tpu.memory_space<vmem>>
      %dma_start3A_1463 = arith.constant 0 : i32
      %dma_start3A_1464 = arith.constant 0 : i32
      %dma_start3A_1465 = tpu.memref_slice %arg2[%dma_start3A_1463, %dma_start3A_1464] : memref<16384x128xf32, #tpu.memory_space<hbm>> -> memref<16384x128xf32, #tpu.memory_space<hbm>>
      tpu.enqueue_indirect_dma source(%dma_start3A_1465 : memref<16384x128xf32, #tpu.memory_space<hbm>>) target(%dma_start3A_1459 : memref<128x128xf32, #tpu.memory_space<vmem>>) offsets(%dma_start3A_1462 : memref<128xi32, #tpu.memory_space<vmem>>) semaphore(%arg9 : memref<!tpu.dma_semaphore, #tpu.memory_space<semaphore_mem>>)
      %dma_wait3A = arith.constant 0 : i32
      %dma_wait3A_1466 = arith.constant 0 : i32
      %dma_wait3A_1467 = arith.constant 0 : i32
      %dma_wait3A_1468 = tpu.memref_slice %arg7[%dma_wait3A_1466, %dma_wait3A_1467] : memref<384x128xf32, #tpu.memory_space<vmem>> -> memref<128x128xf32, #tpu.memory_space<vmem>>
      %dma_wait3A_1469 = arith.constant 0 : i32
      %dma_wait3A_1470 = tpu.memref_slice %arg6[%dma_wait3A, %dma_wait3A_1469] : memref<3x128xi32, #tpu.memory_space<vmem>> -> memref<1x128xi32, #tpu.memory_space<vmem>>
      %dma_wait3A_1471 = tpu.memref_squeeze %dma_wait3A_1470 : memref<1x128xi32, #tpu.memory_space<vmem>> -> memref<128xi32, #tpu.memory_space<vmem>>
      %dma_wait3A_1472 = arith.constant 0 : i32
      %dma_wait3A_1473 = arith.constant 0 : i32
      %dma_wait3A_1474 = tpu.memref_slice %arg2[%dma_wait3A_1472, %dma_wait3A_1473] : memref<16384x128xf32, #tpu.memory_space<hbm>> -> memref<16384x128xf32, #tpu.memory_space<hbm>>
      tpu.wait_indirect_dma semaphore(%arg9 : memref<!tpu.dma_semaphore, #tpu.memory_space<semaphore_mem>>) src(%dma_wait3A_1474 : memref<16384x128xf32, #tpu.memory_space<hbm>>) dst(%dma_wait3A_1468 : memref<128x128xf32, #tpu.memory_space<vmem>>)
      %dma_wait3A_1475 = arith.constant 1 : i32
      %dma_wait3A_1476 = arith.constant 128 : i32
      %dma_wait3A_1477 = arith.constant 0 : i32
      %dma_wait3A_1478 = tpu.memref_slice %arg7[%dma_wait3A_1476, %dma_wait3A_1477] : memref<384x128xf32, #tpu.memory_space<vmem>> -> memref<128x128xf32, #tpu.memory_space<vmem>>
      %dma_wait3A_1479 = arith.constant 0 : i32
      %dma_wait3A_1480 = tpu.memref_slice %arg6[%dma_wait3A_1475, %dma_wait3A_1479] : memref<3x128xi32, #tpu.memory_space<vmem>> -> memref<1x128xi32, #tpu.memory_space<vmem>>
      %dma_wait3A_1481 = tpu.memref_squeeze %dma_wait3A_1480 : memref<1x128xi32, #tpu.memory_space<vmem>> -> memref<128xi32, #tpu.memory_space<vmem>>
      %dma_wait3A_1482 = arith.constant 0 : i32
      %dma_wait3A_1483 = arith.constant 0 : i32
      %dma_wait3A_1484 = tpu.memref_slice %arg2[%dma_wait3A_1482, %dma_wait3A_1483] : memref<16384x128xf32, #tpu.memory_space<hbm>> -> memref<16384x128xf32, #tpu.memory_space<hbm>>
      tpu.wait_indirect_dma semaphore(%arg9 : memref<!tpu.dma_semaphore, #tpu.memory_space<semaphore_mem>>) src(%dma_wait3A_1484 : memref<16384x128xf32, #tpu.memory_space<hbm>>) dst(%dma_wait3A_1478 : memref<128x128xf32, #tpu.memory_space<vmem>>)
      %dma_wait3A_1485 = arith.constant 2 : i32
      %dma_wait3A_1486 = arith.constant 256 : i32
      %dma_wait3A_1487 = arith.constant 0 : i32
      %dma_wait3A_1488 = tpu.memref_slice %arg7[%dma_wait3A_1486, %dma_wait3A_1487] : memref<384x128xf32, #tpu.memory_space<vmem>> -> memref<128x128xf32, #tpu.memory_space<vmem>>
      %dma_wait3A_1489 = arith.constant 0 : i32
      %dma_wait3A_1490 = tpu.memref_slice %arg6[%dma_wait3A_1485, %dma_wait3A_1489] : memref<3x128xi32, #tpu.memory_space<vmem>> -> memref<1x128xi32, #tpu.memory_space<vmem>>
      %dma_wait3A_1491 = tpu.memref_squeeze %dma_wait3A_1490 : memref<1x128xi32, #tpu.memory_space<vmem>> -> memref<128xi32, #tpu.memory_space<vmem>>
      %dma_wait3A_1492 = arith.constant 0 : i32
      %dma_wait3A_1493 = arith.constant 0 : i32
      %dma_wait3A_1494 = tpu.memref_slice %arg2[%dma_wait3A_1492, %dma_wait3A_1493] : memref<16384x128xf32, #tpu.memory_space<hbm>> -> memref<16384x128xf32, #tpu.memory_space<hbm>>
      tpu.wait_indirect_dma semaphore(%arg9 : memref<!tpu.dma_semaphore, #tpu.memory_space<semaphore_mem>>) src(%dma_wait3A_1494 : memref<16384x128xf32, #tpu.memory_space<hbm>>) dst(%dma_wait3A_1488 : memref<128x128xf32, #tpu.memory_space<vmem>>)
      %broadcast_in_dim3A_1495 = arith.constant 0 : i32
      %broadcast_in_dim3A_1496 = vector.broadcast %broadcast_in_dim3A_1495 : i32 to vector<16xi32>
      %broadcast_in_dim3A_1497 = arith.constant 0 : i32
      %broadcast_in_dim3A_1498 = vector.broadcast %broadcast_in_dim3A_1497 : i32 to vector<16xi32>
      %scan3A_1499 = arith.constant 0 : i32
      %scan3A_1500 = arith.constant 15 : i32
      %scan3A_1501 = arith.addi %scan3A_1499, %scan3A_1500 : i32
      %scan3A_1502 = arith.constant 1 : i32
      %scan3A_1503:2 = scf.for %scan3A_2897 = %scan3A_1499 to %scan3A_1501 step %scan3A_1502 iter_args(%scan3A_2898 = %broadcast_in_dim3A_1496, %scan3A_2899 = %broadcast_in_dim3A_1498) -> (vector<16xi32>, vector<16xi32>)  : i32 {
        %broadcast_in_dim3A_2900 = vector.shape_cast %scan3A_2898 : vector<16xi32> to vector<16x1xi32>
        %gather3A_2901 = vector.shape_cast %broadcast_in_dim3A_2900 : vector<16x1xi32> to vector<16xi32>
        %gather3A_2902 = tpu.dynamic_gather %sub3A_148[%gather3A_2901] in [0] : vector<16xi32>, vector<16xi32> -> vector<16xi32>
        %mul3A_2903 = arith.constant 17 : i32
        %mul3A_2904 = vector.broadcast %mul3A_2903 : i32 to vector<16xi32>
        %mul3A_2905 = arith.muli %gather3A_2902, %mul3A_2904 : vector<16xi32>
        %broadcast_in_dim3A_2906 = vector.shape_cast %scan3A_2898 : vector<16xi32> to vector<16x1xi32>
        %gather3A_2907 = vector.shape_cast %broadcast_in_dim3A_2906 : vector<16x1xi32> to vector<16xi32>
        %gather3A_2908 = tpu.dynamic_gather %sub3A_158[%gather3A_2907] in [0] : vector<16xi32>, vector<16xi32> -> vector<16xi32>
        %mul3A_2909 = arith.constant 17 : i32
        %mul3A_2910 = vector.broadcast %mul3A_2909 : i32 to vector<16xi32>
        %mul3A_2911 = arith.muli %gather3A_2908, %mul3A_2910 : vector<16xi32>
        %broadcast_in_dim3A_2912 = vector.shape_cast %scan3A_2898 : vector<16xi32> to vector<16x1xi32>
        %gather3A_2913 = vector.shape_cast %broadcast_in_dim3A_2912 : vector<16x1xi32> to vector<16xi32>
        %gather3A_2914 = tpu.dynamic_gather %sub3A_141[%gather3A_2913] in [0] : vector<16xf32>, vector<16xi32> -> vector<16xf32>
        %broadcast_in_dim3A_2915 = arith.constant 0 : i32
        %broadcast_in_dim3A_2916 = vector.broadcast %broadcast_in_dim3A_2915 : i32 to vector<16xi32>
        %scan3A_2917 = arith.constant 0 : i32
        %scan3A_2918 = arith.constant 15 : i32
        %scan3A_2919 = arith.addi %scan3A_2917, %scan3A_2918 : i32
        %scan3A_2920 = arith.constant 1 : i32
        %scan3A_2921:2 = scf.for %scan3A_2929 = %scan3A_2917 to %scan3A_2919 step %scan3A_2920 iter_args(%scan3A_2930 = %broadcast_in_dim3A_2916, %scan3A_2931 = %scan3A_2899) -> (vector<16xi32>, vector<16xi32>)  : i32 {
          %broadcast_in_dim3A_2932 = vector.shape_cast %scan3A_2930 : vector<16xi32> to vector<16x1xi32>
          %gather3A_2933 = vector.shape_cast %broadcast_in_dim3A_2932 : vector<16x1xi32> to vector<16xi32>
          %gather3A_2934 = tpu.dynamic_gather %sub3A_122[%gather3A_2933] in [0] : vector<16xi32>, vector<16xi32> -> vector<16xi32>
          %broadcast_in_dim3A_2935 = vector.shape_cast %scan3A_2930 : vector<16xi32> to vector<16x1xi32>
          %gather3A_2936 = vector.shape_cast %broadcast_in_dim3A_2935 : vector<16x1xi32> to vector<16xi32>
          %gather3A_2937 = tpu.dynamic_gather %sub3A_132[%gather3A_2936] in [0] : vector<16xi32>, vector<16xi32> -> vector<16xi32>
          %broadcast_in_dim3A_2938 = vector.shape_cast %scan3A_2930 : vector<16xi32> to vector<16x1xi32>
          %gather3A_2939 = vector.shape_cast %broadcast_in_dim3A_2938 : vector<16x1xi32> to vector<16xi32>
          %gather3A_2940 = tpu.dynamic_gather %sub3A_115[%gather3A_2939] in [0] : vector<16xf32>, vector<16xi32> -> vector<16xf32>
          %sub3A_2941 = arith.constant 1.000000e+00 : f32
          %sub3A_2942 = vector.broadcast %sub3A_2941 : f32 to vector<16xf32>
          %sub3A_2943 = arith.subf %sub3A_2942, %gather3A_2940 : vector<16xf32>
          %add3A_2944 = arith.addi %mul3A_2905, %gather3A_2934 : vector<16xi32>
          %add3A_2945 = arith.addi %mul3A_2905, %gather3A_2937 : vector<16xi32>
          %add3A_2946 = arith.addi %mul3A_2911, %gather3A_2934 : vector<16xi32>
          %add3A_2947 = arith.addi %mul3A_2911, %gather3A_2937 : vector<16xi32>
          %gather3A_2948 = tpu.vector_load_idx %arg7[%add3A_2944, %add3A_1] : memref<384x128xf32, #tpu.memory_space<vmem>>[vector<16xi32>, vector<16xi32>], vector<16xf32>,
          %gather3A_2949 = tpu.vector_load_idx %arg7[%add3A_2945, %add3A_1] : memref<384x128xf32, #tpu.memory_space<vmem>>[vector<16xi32>, vector<16xi32>], vector<16xf32>,
          %gather3A_2950 = tpu.vector_load_idx %arg7[%add3A_2946, %add3A_1] : memref<384x128xf32, #tpu.memory_space<vmem>>[vector<16xi32>, vector<16xi32>], vector<16xf32>,
          %gather3A_2951 = tpu.vector_load_idx %arg7[%add3A_2947, %add3A_1] : memref<384x128xf32, #tpu.memory_space<vmem>>[vector<16xi32>, vector<16xi32>], vector<16xf32>,
          %mul3A_2952 = arith.mulf %gather3A_2948, %sub3A_2943 : vector<16xf32>
          %mul3A_2953 = arith.mulf %gather3A_2949, %gather3A_2940 : vector<16xf32>
          %add3A_2954 = arith.addf %mul3A_2952, %mul3A_2953 : vector<16xf32>
          %mul3A_2955 = arith.mulf %gather3A_2950, %sub3A_2943 : vector<16xf32>
          %mul3A_2956 = arith.mulf %gather3A_2951, %gather3A_2940 : vector<16xf32>
          %add3A_2957 = arith.addf %mul3A_2955, %mul3A_2956 : vector<16xf32>
          %sub3A_2958 = arith.subf %add3A_2957, %add3A_2954 : vector<16xf32>
          %mul3A_2959 = arith.mulf %gather3A_2914, %sub3A_2958 : vector<16xf32>
          %add3A_2960 = arith.addf %add3A_2954, %mul3A_2959 : vector<16xf32>
          %add3A_2961 = arith.addi %mul3A_27, %scan3A_2931 : vector<16xi32>
          tpu.vector_store_idx %arg8[%add3A_2961], %add3A_2960 : memref<14400xf32, #tpu.memory_space<vmem>>[vector<16xi32>], vector<16xf32>,
          %gather3A_2962 = tpu.vector_load_idx %arg7[%add3A_2944, %add3A_4] : memref<384x128xf32, #tpu.memory_space<vmem>>[vector<16xi32>, vector<16xi32>], vector<16xf32>,
          %gather3A_2963 = tpu.vector_load_idx %arg7[%add3A_2945, %add3A_4] : memref<384x128xf32, #tpu.memory_space<vmem>>[vector<16xi32>, vector<16xi32>], vector<16xf32>,
          %gather3A_2964 = tpu.vector_load_idx %arg7[%add3A_2946, %add3A_4] : memref<384x128xf32, #tpu.memory_space<vmem>>[vector<16xi32>, vector<16xi32>], vector<16xf32>,
          %gather3A_2965 = tpu.vector_load_idx %arg7[%add3A_2947, %add3A_4] : memref<384x128xf32, #tpu.memory_space<vmem>>[vector<16xi32>, vector<16xi32>], vector<16xf32>,
          %mul3A_2966 = arith.mulf %gather3A_2962, %sub3A_2943 : vector<16xf32>
          %mul3A_2967 = arith.mulf %gather3A_2963, %gather3A_2940 : vector<16xf32>
          %add3A_2968 = arith.addf %mul3A_2966, %mul3A_2967 : vector<16xf32>
          %mul3A_2969 = arith.mulf %gather3A_2964, %sub3A_2943 : vector<16xf32>
          %mul3A_2970 = arith.mulf %gather3A_2965, %gather3A_2940 : vector<16xf32>
          %add3A_2971 = arith.addf %mul3A_2969, %mul3A_2970 : vector<16xf32>
          %sub3A_2972 = arith.subf %add3A_2971, %add3A_2968 : vector<16xf32>
          %mul3A_2973 = arith.mulf %gather3A_2914, %sub3A_2972 : vector<16xf32>
          %add3A_2974 = arith.addf %add3A_2968, %mul3A_2973 : vector<16xf32>
          %add3A_2975 = arith.addi %mul3A_33, %scan3A_2931 : vector<16xi32>
          tpu.vector_store_idx %arg8[%add3A_2975], %add3A_2974 : memref<14400xf32, #tpu.memory_space<vmem>>[vector<16xi32>], vector<16xf32>,
          %gather3A_2976 = tpu.vector_load_idx %arg7[%add3A_2944, %add3A_7] : memref<384x128xf32, #tpu.memory_space<vmem>>[vector<16xi32>, vector<16xi32>], vector<16xf32>,
          %gather3A_2977 = tpu.vector_load_idx %arg7[%add3A_2945, %add3A_7] : memref<384x128xf32, #tpu.memory_space<vmem>>[vector<16xi32>, vector<16xi32>], vector<16xf32>,
          %gather3A_2978 = tpu.vector_load_idx %arg7[%add3A_2946, %add3A_7] : memref<384x128xf32, #tpu.memory_space<vmem>>[vector<16xi32>, vector<16xi32>], vector<16xf32>,
          %gather3A_2979 = tpu.vector_load_idx %arg7[%add3A_2947, %add3A_7] : memref<384x128xf32, #tpu.memory_space<vmem>>[vector<16xi32>, vector<16xi32>], vector<16xf32>,
          %mul3A_2980 = arith.mulf %gather3A_2976, %sub3A_2943 : vector<16xf32>
          %mul3A_2981 = arith.mulf %gather3A_2977, %gather3A_2940 : vector<16xf32>
          %add3A_2982 = arith.addf %mul3A_2980, %mul3A_2981 : vector<16xf32>
          %mul3A_2983 = arith.mulf %gather3A_2978, %sub3A_2943 : vector<16xf32>
          %mul3A_2984 = arith.mulf %gather3A_2979, %gather3A_2940 : vector<16xf32>
          %add3A_2985 = arith.addf %mul3A_2983, %mul3A_2984 : vector<16xf32>
          %sub3A_2986 = arith.subf %add3A_2985, %add3A_2982 : vector<16xf32>
          %mul3A_2987 = arith.mulf %gather3A_2914, %sub3A_2986 : vector<16xf32>
          %add3A_2988 = arith.addf %add3A_2982, %mul3A_2987 : vector<16xf32>
          %add3A_2989 = arith.addi %mul3A_39, %scan3A_2931 : vector<16xi32>
          tpu.vector_store_idx %arg8[%add3A_2989], %add3A_2988 : memref<14400xf32, #tpu.memory_space<vmem>>[vector<16xi32>], vector<16xf32>,
          %gather3A_2990 = tpu.vector_load_idx %arg7[%add3A_2944, %add3A_10] : memref<384x128xf32, #tpu.memory_space<vmem>>[vector<16xi32>, vector<16xi32>], vector<16xf32>,
          %gather3A_2991 = tpu.vector_load_idx %arg7[%add3A_2945, %add3A_10] : memref<384x128xf32, #tpu.memory_space<vmem>>[vector<16xi32>, vector<16xi32>], vector<16xf32>,
          %gather3A_2992 = tpu.vector_load_idx %arg7[%add3A_2946, %add3A_10] : memref<384x128xf32, #tpu.memory_space<vmem>>[vector<16xi32>, vector<16xi32>], vector<16xf32>,
          %gather3A_2993 = tpu.vector_load_idx %arg7[%add3A_2947, %add3A_10] : memref<384x128xf32, #tpu.memory_space<vmem>>[vector<16xi32>, vector<16xi32>], vector<16xf32>,
          %mul3A_2994 = arith.mulf %gather3A_2990, %sub3A_2943 : vector<16xf32>
          %mul3A_2995 = arith.mulf %gather3A_2991, %gather3A_2940 : vector<16xf32>
          %add3A_2996 = arith.addf %mul3A_2994, %mul3A_2995 : vector<16xf32>
          %mul3A_2997 = arith.mulf %gather3A_2992, %sub3A_2943 : vector<16xf32>
          %mul3A_2998 = arith.mulf %gather3A_2993, %gather3A_2940 : vector<16xf32>
          %add3A_2999 = arith.addf %mul3A_2997, %mul3A_2998 : vector<16xf32>
          %sub3A_3000 = arith.subf %add3A_2999, %add3A_2996 : vector<16xf32>
          %mul3A_3001 = arith.mulf %gather3A_2914, %sub3A_3000 : vector<16xf32>
          %add3A_3002 = arith.addf %add3A_2996, %mul3A_3001 : vector<16xf32>
          %add3A_3003 = arith.addi %mul3A_45, %scan3A_2931 : vector<16xi32>
          tpu.vector_store_idx %arg8[%add3A_3003], %add3A_3002 : memref<14400xf32, #tpu.memory_space<vmem>>[vector<16xi32>], vector<16xf32>,
          %add3A_3004 = arith.constant 1 : i32
          %add3A_3005 = vector.broadcast %add3A_3004 : i32 to vector<16xi32>
          %add3A_3006 = arith.addi %scan3A_2930, %add3A_3005 : vector<16xi32>
          %add3A_3007 = arith.constant 1 : i32
          %add3A_3008 = vector.broadcast %add3A_3007 : i32 to vector<16xi32>
          %add3A_3009 = arith.addi %scan3A_2931, %add3A_3008 : vector<16xi32>
          scf.yield %add3A_3006, %add3A_3009 : vector<16xi32>, vector<16xi32>
        }
        %scan3A_2922 = arith.constant 15 : i32
        %add3A_2923 = arith.constant 1 : i32
        %add3A_2924 = vector.broadcast %add3A_2923 : i32 to vector<16xi32>
        %add3A_2925 = arith.addi %scan3A_2898, %add3A_2924 : vector<16xi32>
        %add3A_2926 = arith.constant 15 : i32
        %add3A_2927 = vector.broadcast %add3A_2926 : i32 to vector<16xi32>
        %add3A_2928 = arith.addi %scan3A_2899, %add3A_2927 : vector<16xi32>
        scf.yield %add3A_2925, %add3A_2928 : vector<16xi32>, vector<16xi32>
      }
      %scan3A_1504 = arith.constant 15 : i32
      %add3A_1505 = arith.constant 0 : i32
      %add3A_1506 = arith.addi %mul3A_160, %add3A_1505 : i32
      %add3A_1507 = arith.constant 0 : i32
      %add3A_1508 = arith.addi %add3A_1506, %add3A_1507 : i32
      "tpu.region"() ({
        %run_scoped3A = tpu.sem_alloc : memref<!tpu.dma_semaphore, #tpu.memory_space<semaphore_mem>>
        %dma_start3A_2897 = tpu.memref_slice %arg4[%add3A_1508] : memref<14745600xf32, #tpu.memory_space<hbm>> -> memref<14400xf32, #tpu.memory_space<hbm>>
        %dma_start3A_2898 = tpu.memref_slice %arg4[%add3A_1508] : memref<14745600xf32, #tpu.memory_space<hbm>> -> memref<14400xf32, #tpu.memory_space<hbm>>
        tpu.enqueue_dma source(%arg8 : memref<14400xf32, #tpu.memory_space<vmem>>) target(%dma_start3A_2898 : memref<14400xf32, #tpu.memory_space<hbm>>) target_semaphore(%run_scoped3A : memref<!tpu.dma_semaphore, #tpu.memory_space<semaphore_mem>>)
        %dma_wait3A_2899 = tpu.memref_slice %arg4[%add3A_1508] : memref<14745600xf32, #tpu.memory_space<hbm>> -> memref<14400xf32, #tpu.memory_space<hbm>>
        %dma_wait3A_2900 = tpu.memref_slice %arg4[%add3A_1508] : memref<14745600xf32, #tpu.memory_space<hbm>> -> memref<14400xf32, #tpu.memory_space<hbm>>
        tpu.wait_dma2 semaphore(%run_scoped3A : memref<!tpu.dma_semaphore, #tpu.memory_space<semaphore_mem>>) src(%arg8 : memref<14400xf32, #tpu.memory_space<vmem>>) dst(%dma_wait3A_2900 : memref<14400xf32, #tpu.memory_space<hbm>>)
        tpu.yield
      }) : () -> ()
      %broadcast_in_dim3A_1509 = arith.constant 0 : i32
      %broadcast_in_dim3A_1510 = vector.broadcast %broadcast_in_dim3A_1509 : i32 to vector<16xi32>
      %broadcast_in_dim3A_1511 = arith.constant 0 : i32
      %broadcast_in_dim3A_1512 = vector.broadcast %broadcast_in_dim3A_1511 : i32 to vector<16xi32>
      %scan3A_1513 = arith.constant 0 : i32
      %scan3A_1514 = arith.constant 15 : i32
      %scan3A_1515 = arith.addi %scan3A_1513, %scan3A_1514 : i32
      %scan3A_1516 = arith.constant 1 : i32
      %scan3A_1517:2 = scf.for %scan3A_2897 = %scan3A_1513 to %scan3A_1515 step %scan3A_1516 iter_args(%scan3A_2898 = %broadcast_in_dim3A_1510, %scan3A_2899 = %broadcast_in_dim3A_1512) -> (vector<16xi32>, vector<16xi32>)  : i32 {
        %broadcast_in_dim3A_2900 = vector.shape_cast %scan3A_2898 : vector<16xi32> to vector<16x1xi32>
        %gather3A_2901 = vector.shape_cast %broadcast_in_dim3A_2900 : vector<16x1xi32> to vector<16xi32>
        %gather3A_2902 = tpu.dynamic_gather %sub3A_148[%gather3A_2901] in [0] : vector<16xi32>, vector<16xi32> -> vector<16xi32>
        %mul3A_2903 = arith.constant 17 : i32
        %mul3A_2904 = vector.broadcast %mul3A_2903 : i32 to vector<16xi32>
        %mul3A_2905 = arith.muli %gather3A_2902, %mul3A_2904 : vector<16xi32>
        %broadcast_in_dim3A_2906 = vector.shape_cast %scan3A_2898 : vector<16xi32> to vector<16x1xi32>
        %gather3A_2907 = vector.shape_cast %broadcast_in_dim3A_2906 : vector<16x1xi32> to vector<16xi32>
        %gather3A_2908 = tpu.dynamic_gather %sub3A_158[%gather3A_2907] in [0] : vector<16xi32>, vector<16xi32> -> vector<16xi32>
        %mul3A_2909 = arith.constant 17 : i32
        %mul3A_2910 = vector.broadcast %mul3A_2909 : i32 to vector<16xi32>
        %mul3A_2911 = arith.muli %gather3A_2908, %mul3A_2910 : vector<16xi32>
        %broadcast_in_dim3A_2912 = vector.shape_cast %scan3A_2898 : vector<16xi32> to vector<16x1xi32>
        %gather3A_2913 = vector.shape_cast %broadcast_in_dim3A_2912 : vector<16x1xi32> to vector<16xi32>
        %gather3A_2914 = tpu.dynamic_gather %sub3A_141[%gather3A_2913] in [0] : vector<16xf32>, vector<16xi32> -> vector<16xf32>
        %broadcast_in_dim3A_2915 = arith.constant 0 : i32
        %broadcast_in_dim3A_2916 = vector.broadcast %broadcast_in_dim3A_2915 : i32 to vector<16xi32>
        %scan3A_2917 = arith.constant 0 : i32
        %scan3A_2918 = arith.constant 15 : i32
        %scan3A_2919 = arith.addi %scan3A_2917, %scan3A_2918 : i32
        %scan3A_2920 = arith.constant 1 : i32
        %scan3A_2921:2 = scf.for %scan3A_2929 = %scan3A_2917 to %scan3A_2919 step %scan3A_2920 iter_args(%scan3A_2930 = %broadcast_in_dim3A_2916, %scan3A_2931 = %scan3A_2899) -> (vector<16xi32>, vector<16xi32>)  : i32 {
          %broadcast_in_dim3A_2932 = vector.shape_cast %scan3A_2930 : vector<16xi32> to vector<16x1xi32>
          %gather3A_2933 = vector.shape_cast %broadcast_in_dim3A_2932 : vector<16x1xi32> to vector<16xi32>
          %gather3A_2934 = tpu.dynamic_gather %sub3A_122[%gather3A_2933] in [0] : vector<16xi32>, vector<16xi32> -> vector<16xi32>
          %broadcast_in_dim3A_2935 = vector.shape_cast %scan3A_2930 : vector<16xi32> to vector<16x1xi32>
          %gather3A_2936 = vector.shape_cast %broadcast_in_dim3A_2935 : vector<16x1xi32> to vector<16xi32>
          %gather3A_2937 = tpu.dynamic_gather %sub3A_132[%gather3A_2936] in [0] : vector<16xi32>, vector<16xi32> -> vector<16xi32>
          %broadcast_in_dim3A_2938 = vector.shape_cast %scan3A_2930 : vector<16xi32> to vector<16x1xi32>
          %gather3A_2939 = vector.shape_cast %broadcast_in_dim3A_2938 : vector<16x1xi32> to vector<16xi32>
          %gather3A_2940 = tpu.dynamic_gather %sub3A_115[%gather3A_2939] in [0] : vector<16xf32>, vector<16xi32> -> vector<16xf32>
          %sub3A_2941 = arith.constant 1.000000e+00 : f32
          %sub3A_2942 = vector.broadcast %sub3A_2941 : f32 to vector<16xf32>
          %sub3A_2943 = arith.subf %sub3A_2942, %gather3A_2940 : vector<16xf32>
          %add3A_2944 = arith.addi %mul3A_2905, %gather3A_2934 : vector<16xi32>
          %add3A_2945 = arith.addi %mul3A_2905, %gather3A_2937 : vector<16xi32>
          %add3A_2946 = arith.addi %mul3A_2911, %gather3A_2934 : vector<16xi32>
          %add3A_2947 = arith.addi %mul3A_2911, %gather3A_2937 : vector<16xi32>
          %gather3A_2948 = tpu.vector_load_idx %arg7[%add3A_2944, %add3A_13] : memref<384x128xf32, #tpu.memory_space<vmem>>[vector<16xi32>, vector<16xi32>], vector<16xf32>,
          %gather3A_2949 = tpu.vector_load_idx %arg7[%add3A_2945, %add3A_13] : memref<384x128xf32, #tpu.memory_space<vmem>>[vector<16xi32>, vector<16xi32>], vector<16xf32>,
          %gather3A_2950 = tpu.vector_load_idx %arg7[%add3A_2946, %add3A_13] : memref<384x128xf32, #tpu.memory_space<vmem>>[vector<16xi32>, vector<16xi32>], vector<16xf32>,
          %gather3A_2951 = tpu.vector_load_idx %arg7[%add3A_2947, %add3A_13] : memref<384x128xf32, #tpu.memory_space<vmem>>[vector<16xi32>, vector<16xi32>], vector<16xf32>,
          %mul3A_2952 = arith.mulf %gather3A_2948, %sub3A_2943 : vector<16xf32>
          %mul3A_2953 = arith.mulf %gather3A_2949, %gather3A_2940 : vector<16xf32>
          %add3A_2954 = arith.addf %mul3A_2952, %mul3A_2953 : vector<16xf32>
          %mul3A_2955 = arith.mulf %gather3A_2950, %sub3A_2943 : vector<16xf32>
          %mul3A_2956 = arith.mulf %gather3A_2951, %gather3A_2940 : vector<16xf32>
          %add3A_2957 = arith.addf %mul3A_2955, %mul3A_2956 : vector<16xf32>
          %sub3A_2958 = arith.subf %add3A_2957, %add3A_2954 : vector<16xf32>
          %mul3A_2959 = arith.mulf %gather3A_2914, %sub3A_2958 : vector<16xf32>
          %add3A_2960 = arith.addf %add3A_2954, %mul3A_2959 : vector<16xf32>
          %add3A_2961 = arith.addi %mul3A_27, %scan3A_2931 : vector<16xi32>
          tpu.vector_store_idx %arg8[%add3A_2961], %add3A_2960 : memref<14400xf32, #tpu.memory_space<vmem>>[vector<16xi32>], vector<16xf32>,
          %gather3A_2962 = tpu.vector_load_idx %arg7[%add3A_2944, %add3A_16] : memref<384x128xf32, #tpu.memory_space<vmem>>[vector<16xi32>, vector<16xi32>], vector<16xf32>,
          %gather3A_2963 = tpu.vector_load_idx %arg7[%add3A_2945, %add3A_16] : memref<384x128xf32, #tpu.memory_space<vmem>>[vector<16xi32>, vector<16xi32>], vector<16xf32>,
          %gather3A_2964 = tpu.vector_load_idx %arg7[%add3A_2946, %add3A_16] : memref<384x128xf32, #tpu.memory_space<vmem>>[vector<16xi32>, vector<16xi32>], vector<16xf32>,
          %gather3A_2965 = tpu.vector_load_idx %arg7[%add3A_2947, %add3A_16] : memref<384x128xf32, #tpu.memory_space<vmem>>[vector<16xi32>, vector<16xi32>], vector<16xf32>,
          %mul3A_2966 = arith.mulf %gather3A_2962, %sub3A_2943 : vector<16xf32>
          %mul3A_2967 = arith.mulf %gather3A_2963, %gather3A_2940 : vector<16xf32>
          %add3A_2968 = arith.addf %mul3A_2966, %mul3A_2967 : vector<16xf32>
          %mul3A_2969 = arith.mulf %gather3A_2964, %sub3A_2943 : vector<16xf32>
          %mul3A_2970 = arith.mulf %gather3A_2965, %gather3A_2940 : vector<16xf32>
          %add3A_2971 = arith.addf %mul3A_2969, %mul3A_2970 : vector<16xf32>
          %sub3A_2972 = arith.subf %add3A_2971, %add3A_2968 : vector<16xf32>
          %mul3A_2973 = arith.mulf %gather3A_2914, %sub3A_2972 : vector<16xf32>
          %add3A_2974 = arith.addf %add3A_2968, %mul3A_2973 : vector<16xf32>
          %add3A_2975 = arith.addi %mul3A_33, %scan3A_2931 : vector<16xi32>
          tpu.vector_store_idx %arg8[%add3A_2975], %add3A_2974 : memref<14400xf32, #tpu.memory_space<vmem>>[vector<16xi32>], vector<16xf32>,
          %gather3A_2976 = tpu.vector_load_idx %arg7[%add3A_2944, %add3A_19] : memref<384x128xf32, #tpu.memory_space<vmem>>[vector<16xi32>, vector<16xi32>], vector<16xf32>,
          %gather3A_2977 = tpu.vector_load_idx %arg7[%add3A_2945, %add3A_19] : memref<384x128xf32, #tpu.memory_space<vmem>>[vector<16xi32>, vector<16xi32>], vector<16xf32>,
          %gather3A_2978 = tpu.vector_load_idx %arg7[%add3A_2946, %add3A_19] : memref<384x128xf32, #tpu.memory_space<vmem>>[vector<16xi32>, vector<16xi32>], vector<16xf32>,
          %gather3A_2979 = tpu.vector_load_idx %arg7[%add3A_2947, %add3A_19] : memref<384x128xf32, #tpu.memory_space<vmem>>[vector<16xi32>, vector<16xi32>], vector<16xf32>,
          %mul3A_2980 = arith.mulf %gather3A_2976, %sub3A_2943 : vector<16xf32>
          %mul3A_2981 = arith.mulf %gather3A_2977, %gather3A_2940 : vector<16xf32>
          %add3A_2982 = arith.addf %mul3A_2980, %mul3A_2981 : vector<16xf32>
          %mul3A_2983 = arith.mulf %gather3A_2978, %sub3A_2943 : vector<16xf32>
          %mul3A_2984 = arith.mulf %gather3A_2979, %gather3A_2940 : vector<16xf32>
          %add3A_2985 = arith.addf %mul3A_2983, %mul3A_2984 : vector<16xf32>
          %sub3A_2986 = arith.subf %add3A_2985, %add3A_2982 : vector<16xf32>
          %mul3A_2987 = arith.mulf %gather3A_2914, %sub3A_2986 : vector<16xf32>
          %add3A_2988 = arith.addf %add3A_2982, %mul3A_2987 : vector<16xf32>
          %add3A_2989 = arith.addi %mul3A_39, %scan3A_2931 : vector<16xi32>
          tpu.vector_store_idx %arg8[%add3A_2989], %add3A_2988 : memref<14400xf32, #tpu.memory_space<vmem>>[vector<16xi32>], vector<16xf32>,
          %gather3A_2990 = tpu.vector_load_idx %arg7[%add3A_2944, %add3A_22] : memref<384x128xf32, #tpu.memory_space<vmem>>[vector<16xi32>, vector<16xi32>], vector<16xf32>,
          %gather3A_2991 = tpu.vector_load_idx %arg7[%add3A_2945, %add3A_22] : memref<384x128xf32, #tpu.memory_space<vmem>>[vector<16xi32>, vector<16xi32>], vector<16xf32>,
          %gather3A_2992 = tpu.vector_load_idx %arg7[%add3A_2946, %add3A_22] : memref<384x128xf32, #tpu.memory_space<vmem>>[vector<16xi32>, vector<16xi32>], vector<16xf32>,
          %gather3A_2993 = tpu.vector_load_idx %arg7[%add3A_2947, %add3A_22] : memref<384x128xf32, #tpu.memory_space<vmem>>[vector<16xi32>, vector<16xi32>], vector<16xf32>,
          %mul3A_2994 = arith.mulf %gather3A_2990, %sub3A_2943 : vector<16xf32>
          %mul3A_2995 = arith.mulf %gather3A_2991, %gather3A_2940 : vector<16xf32>
          %add3A_2996 = arith.addf %mul3A_2994, %mul3A_2995 : vector<16xf32>
          %mul3A_2997 = arith.mulf %gather3A_2992, %sub3A_2943 : vector<16xf32>
          %mul3A_2998 = arith.mulf %gather3A_2993, %gather3A_2940 : vector<16xf32>
          %add3A_2999 = arith.addf %mul3A_2997, %mul3A_2998 : vector<16xf32>
          %sub3A_3000 = arith.subf %add3A_2999, %add3A_2996 : vector<16xf32>
          %mul3A_3001 = arith.mulf %gather3A_2914, %sub3A_3000 : vector<16xf32>
          %add3A_3002 = arith.addf %add3A_2996, %mul3A_3001 : vector<16xf32>
          %add3A_3003 = arith.addi %mul3A_45, %scan3A_2931 : vector<16xi32>
          tpu.vector_store_idx %arg8[%add3A_3003], %add3A_3002 : memref<14400xf32, #tpu.memory_space<vmem>>[vector<16xi32>], vector<16xf32>,
          %add3A_3004 = arith.constant 1 : i32
          %add3A_3005 = vector.broadcast %add3A_3004 : i32 to vector<16xi32>
          %add3A_3006 = arith.addi %scan3A_2930, %add3A_3005 : vector<16xi32>
          %add3A_3007 = arith.constant 1 : i32
          %add3A_3008 = vector.broadcast %add3A_3007 : i32 to vector<16xi32>
          %add3A_3009 = arith.addi %scan3A_2931, %add3A_3008 : vector<16xi32>
          scf.yield %add3A_3006, %add3A_3009 : vector<16xi32>, vector<16xi32>
        }
        %scan3A_2922 = arith.constant 15 : i32
        %add3A_2923 = arith.constant 1 : i32
        %add3A_2924 = vector.broadcast %add3A_2923 : i32 to vector<16xi32>
        %add3A_2925 = arith.addi %scan3A_2898, %add3A_2924 : vector<16xi32>
        %add3A_2926 = arith.constant 15 : i32
        %add3A_2927 = vector.broadcast %add3A_2926 : i32 to vector<16xi32>
        %add3A_2928 = arith.addi %scan3A_2899, %add3A_2927 : vector<16xi32>
        scf.yield %add3A_2925, %add3A_2928 : vector<16xi32>, vector<16xi32>
      }
      %scan3A_1518 = arith.constant 15 : i32
      %add3A_1519 = arith.constant 0 : i32
      %add3A_1520 = arith.addi %mul3A_160, %add3A_1519 : i32
      %add3A_1521 = arith.constant 14400 : i32
      %add3A_1522 = arith.addi %add3A_1520, %add3A_1521 : i32
      "tpu.region"() ({
        %run_scoped3A = tpu.sem_alloc : memref<!tpu.dma_semaphore, #tpu.memory_space<semaphore_mem>>
        %dma_start3A_2897 = tpu.memref_slice %arg4[%add3A_1522] : memref<14745600xf32, #tpu.memory_space<hbm>> -> memref<14400xf32, #tpu.memory_space<hbm>>
        %dma_start3A_2898 = tpu.memref_slice %arg4[%add3A_1522] : memref<14745600xf32, #tpu.memory_space<hbm>> -> memref<14400xf32, #tpu.memory_space<hbm>>
        tpu.enqueue_dma source(%arg8 : memref<14400xf32, #tpu.memory_space<vmem>>) target(%dma_start3A_2898 : memref<14400xf32, #tpu.memory_space<hbm>>) target_semaphore(%run_scoped3A : memref<!tpu.dma_semaphore, #tpu.memory_space<semaphore_mem>>)
        %dma_wait3A_2899 = tpu.memref_slice %arg4[%add3A_1522] : memref<14745600xf32, #tpu.memory_space<hbm>> -> memref<14400xf32, #tpu.memory_space<hbm>>
        %dma_wait3A_2900 = tpu.memref_slice %arg4[%add3A_1522] : memref<14745600xf32, #tpu.memory_space<hbm>> -> memref<14400xf32, #tpu.memory_space<hbm>>
        tpu.wait_dma2 semaphore(%run_scoped3A : memref<!tpu.dma_semaphore, #tpu.memory_space<semaphore_mem>>) src(%arg8 : memref<14400xf32, #tpu.memory_space<vmem>>) dst(%dma_wait3A_2900 : memref<14400xf32, #tpu.memory_space<hbm>>)
        tpu.yield
      }) : () -> ()
      %mul3A_1523 = arith.constant 128 : i32
      %mul3A_1524 = vector.broadcast %mul3A_1523 : i32 to vector<16xi32>
      %mul3A_1525 = arith.muli %gather3A_87, %mul3A_1524 : vector<16xi32>
      %add3A_1526 = arith.addi %gather3A_74, %mul3A_1525 : vector<16xi32>
      %mul3A_1527 = arith.constant 2 : i32
      %mul3A_1528 = vector.broadcast %mul3A_1527 : i32 to vector<16xi32>
      %mul3A_1529 = arith.muli %gather3A_82, %mul3A_1528 : vector<16xi32>
      %add3A_1530 = arith.addi %add3A_1526, %mul3A_1529 : vector<16xi32>
      %add3A_1531 = arith.constant 1 : i32
      %add3A_1532 = vector.broadcast %add3A_1531 : i32 to vector<16xi32>
      %add3A_1533 = arith.addi %add3A_1530, %add3A_1532 : vector<16xi32>
      %add3A_1534 = arith.constant 0 : i32
      %add3A_1535 = vector.broadcast %add3A_1534 : i32 to vector<16xi32>
      %add3A_1536 = arith.addi %iota3A, %add3A_1535 : vector<16xi32>
      %min3A_1537 = arith.constant 288 : i32
      %min3A_1538 = vector.broadcast %min3A_1537 : i32 to vector<16xi32>
      %min3A_1539 = arith.minsi %add3A_1536, %min3A_1538 : vector<16xi32>
      %jit3A_1540 = arith.constant 17 : i32
      %div3A_1541 = vector.broadcast %jit3A_1540 : i32 to vector<16xi32>
      %div3A_1542 = arith.divsi %min3A_1539, %div3A_1541 : vector<16xi32>
      %sign3A_1543 = arith.constant 0 : i32
      %sign3A_1544 = vector.broadcast %sign3A_1543 : i32 to vector<16xi32>
      %sign3A_1545 = arith.cmpi sgt, %min3A_1539, %sign3A_1544 : vector<16xi32>
      %sign3A_1546 = arith.extui %sign3A_1545 : vector<16xi1> to vector<16xi32>
      %sign3A_1547 = arith.constant 0 : i32
      %sign3A_1548 = vector.broadcast %sign3A_1547 : i32 to vector<16xi32>
      %sign3A_1549 = arith.cmpi slt, %min3A_1539, %sign3A_1548 : vector<16xi32>
      %sign3A_1550 = arith.extui %sign3A_1549 : vector<16xi1> to vector<16xi32>
      %sign3A_1551 = arith.subi %sign3A_1546, %sign3A_1550 : vector<16xi32>
      %sign3A_1552 = arith.constant 0 : i32
      %sign3A_1553 = arith.cmpi sgt, %jit3A_1540, %sign3A_1552 : i32
      %sign3A_1554 = arith.extui %sign3A_1553 : i1 to i32
      %sign3A_1555 = arith.constant 0 : i32
      %sign3A_1556 = arith.cmpi slt, %jit3A_1540, %sign3A_1555 : i32
      %sign3A_1557 = arith.extui %sign3A_1556 : i1 to i32
      %sign3A_1558 = arith.subi %sign3A_1554, %sign3A_1557 : i32
      %ne3A_1559 = vector.broadcast %sign3A_1558 : i32 to vector<16xi32>
      %ne3A_1560 = arith.cmpi ne, %sign3A_1551, %ne3A_1559 : vector<16xi32>
      %rem3A_1561 = vector.broadcast %jit3A_1540 : i32 to vector<16xi32>
      %rem3A_1562 = arith.remsi %min3A_1539, %rem3A_1561 : vector<16xi32>
      %ne3A_1563 = arith.constant 0 : i32
      %ne3A_1564 = vector.broadcast %ne3A_1563 : i32 to vector<16xi32>
      %ne3A_1565 = arith.cmpi ne, %rem3A_1562, %ne3A_1564 : vector<16xi32>
      %and3A_1566 = arith.andi %ne3A_1560, %ne3A_1565 : vector<16xi1>
      %sub3A_1567 = arith.constant 1 : i32
      %sub3A_1568 = vector.broadcast %sub3A_1567 : i32 to vector<16xi32>
      %sub3A_1569 = arith.subi %div3A_1542, %sub3A_1568 : vector<16xi32>
      %select_n3A_1570 = arith.select %and3A_1566, %sub3A_1569, %div3A_1542 : vector<16xi1>, vector<16xi32>
      %mul3A_1571 = arith.constant 17 : i32
      %mul3A_1572 = vector.broadcast %mul3A_1571 : i32 to vector<16xi32>
      %mul3A_1573 = arith.muli %select_n3A_1570, %mul3A_1572 : vector<16xi32>
      %sub3A_1574 = arith.subi %min3A_1539, %mul3A_1573 : vector<16xi32>
      %mul3A_1575 = arith.constant 128 : i32
      %mul3A_1576 = vector.broadcast %mul3A_1575 : i32 to vector<16xi32>
      %mul3A_1577 = arith.muli %select_n3A_1570, %mul3A_1576 : vector<16xi32>
      %add3A_1578 = arith.addi %add3A_1533, %mul3A_1577 : vector<16xi32>
      %mul3A_1579 = arith.constant 2 : i32
      %mul3A_1580 = vector.broadcast %mul3A_1579 : i32 to vector<16xi32>
      %mul3A_1581 = arith.muli %sub3A_1574, %mul3A_1580 : vector<16xi32>
      %add3A_1582 = arith.addi %add3A_1578, %mul3A_1581 : vector<16xi32>
      %swap3A_1583 = arith.constant 0 : i32
      %swap3A_1584 = arith.index_cast %swap3A_1583 : i32 to index
      %swap3A_1585 = arith.constant 0 : index
      %swap3A_1586 = tpu.vector_load %arg6[%swap3A_1584, %swap3A_1585] {strides = array<i32>} : memref<3x128xi32, #tpu.memory_space<vmem>>, vector<16xi32>,
      tpu.vector_store %arg6[%swap3A_1584, %swap3A_1585], %add3A_1582 {strides = array<i32>} : memref<3x128xi32, #tpu.memory_space<vmem>>, vector<16xi32>,
      %add3A_1587 = arith.constant 16 : i32
      %add3A_1588 = vector.broadcast %add3A_1587 : i32 to vector<16xi32>
      %add3A_1589 = arith.addi %iota3A, %add3A_1588 : vector<16xi32>
      %min3A_1590 = arith.constant 288 : i32
      %min3A_1591 = vector.broadcast %min3A_1590 : i32 to vector<16xi32>
      %min3A_1592 = arith.minsi %add3A_1589, %min3A_1591 : vector<16xi32>
      %jit3A_1593 = arith.constant 17 : i32
      %div3A_1594 = vector.broadcast %jit3A_1593 : i32 to vector<16xi32>
      %div3A_1595 = arith.divsi %min3A_1592, %div3A_1594 : vector<16xi32>
      %sign3A_1596 = arith.constant 0 : i32
      %sign3A_1597 = vector.broadcast %sign3A_1596 : i32 to vector<16xi32>
      %sign3A_1598 = arith.cmpi sgt, %min3A_1592, %sign3A_1597 : vector<16xi32>
      %sign3A_1599 = arith.extui %sign3A_1598 : vector<16xi1> to vector<16xi32>
      %sign3A_1600 = arith.constant 0 : i32
      %sign3A_1601 = vector.broadcast %sign3A_1600 : i32 to vector<16xi32>
      %sign3A_1602 = arith.cmpi slt, %min3A_1592, %sign3A_1601 : vector<16xi32>
      %sign3A_1603 = arith.extui %sign3A_1602 : vector<16xi1> to vector<16xi32>
      %sign3A_1604 = arith.subi %sign3A_1599, %sign3A_1603 : vector<16xi32>
      %sign3A_1605 = arith.constant 0 : i32
      %sign3A_1606 = arith.cmpi sgt, %jit3A_1593, %sign3A_1605 : i32
      %sign3A_1607 = arith.extui %sign3A_1606 : i1 to i32
      %sign3A_1608 = arith.constant 0 : i32
      %sign3A_1609 = arith.cmpi slt, %jit3A_1593, %sign3A_1608 : i32
      %sign3A_1610 = arith.extui %sign3A_1609 : i1 to i32
      %sign3A_1611 = arith.subi %sign3A_1607, %sign3A_1610 : i32
      %ne3A_1612 = vector.broadcast %sign3A_1611 : i32 to vector<16xi32>
      %ne3A_1613 = arith.cmpi ne, %sign3A_1604, %ne3A_1612 : vector<16xi32>
      %rem3A_1614 = vector.broadcast %jit3A_1593 : i32 to vector<16xi32>
      %rem3A_1615 = arith.remsi %min3A_1592, %rem3A_1614 : vector<16xi32>
      %ne3A_1616 = arith.constant 0 : i32
      %ne3A_1617 = vector.broadcast %ne3A_1616 : i32 to vector<16xi32>
      %ne3A_1618 = arith.cmpi ne, %rem3A_1615, %ne3A_1617 : vector<16xi32>
      %and3A_1619 = arith.andi %ne3A_1613, %ne3A_1618 : vector<16xi1>
      %sub3A_1620 = arith.constant 1 : i32
      %sub3A_1621 = vector.broadcast %sub3A_1620 : i32 to vector<16xi32>
      %sub3A_1622 = arith.subi %div3A_1595, %sub3A_1621 : vector<16xi32>
      %select_n3A_1623 = arith.select %and3A_1619, %sub3A_1622, %div3A_1595 : vector<16xi1>, vector<16xi32>
      %mul3A_1624 = arith.constant 17 : i32
      %mul3A_1625 = vector.broadcast %mul3A_1624 : i32 to vector<16xi32>
      %mul3A_1626 = arith.muli %select_n3A_1623, %mul3A_1625 : vector<16xi32>
      %sub3A_1627 = arith.subi %min3A_1592, %mul3A_1626 : vector<16xi32>
      %mul3A_1628 = arith.constant 128 : i32
      %mul3A_1629 = vector.broadcast %mul3A_1628 : i32 to vector<16xi32>
      %mul3A_1630 = arith.muli %select_n3A_1623, %mul3A_1629 : vector<16xi32>
      %add3A_1631 = arith.addi %add3A_1533, %mul3A_1630 : vector<16xi32>
      %mul3A_1632 = arith.constant 2 : i32
      %mul3A_1633 = vector.broadcast %mul3A_1632 : i32 to vector<16xi32>
      %mul3A_1634 = arith.muli %sub3A_1627, %mul3A_1633 : vector<16xi32>
      %add3A_1635 = arith.addi %add3A_1631, %mul3A_1634 : vector<16xi32>
      %swap3A_1636 = arith.constant 0 : i32
      %swap3A_1637 = arith.index_cast %swap3A_1636 : i32 to index
      %swap3A_1638 = arith.constant 16 : index
      %swap3A_1639 = tpu.vector_load %arg6[%swap3A_1637, %swap3A_1638] {strides = array<i32>} : memref<3x128xi32, #tpu.memory_space<vmem>>, vector<16xi32>,
      tpu.vector_store %arg6[%swap3A_1637, %swap3A_1638], %add3A_1635 {strides = array<i32>} : memref<3x128xi32, #tpu.memory_space<vmem>>, vector<16xi32>,
      %add3A_1640 = arith.constant 32 : i32
      %add3A_1641 = vector.broadcast %add3A_1640 : i32 to vector<16xi32>
      %add3A_1642 = arith.addi %iota3A, %add3A_1641 : vector<16xi32>
      %min3A_1643 = arith.constant 288 : i32
      %min3A_1644 = vector.broadcast %min3A_1643 : i32 to vector<16xi32>
      %min3A_1645 = arith.minsi %add3A_1642, %min3A_1644 : vector<16xi32>
      %jit3A_1646 = arith.constant 17 : i32
      %div3A_1647 = vector.broadcast %jit3A_1646 : i32 to vector<16xi32>
      %div3A_1648 = arith.divsi %min3A_1645, %div3A_1647 : vector<16xi32>
      %sign3A_1649 = arith.constant 0 : i32
      %sign3A_1650 = vector.broadcast %sign3A_1649 : i32 to vector<16xi32>
      %sign3A_1651 = arith.cmpi sgt, %min3A_1645, %sign3A_1650 : vector<16xi32>
      %sign3A_1652 = arith.extui %sign3A_1651 : vector<16xi1> to vector<16xi32>
      %sign3A_1653 = arith.constant 0 : i32
      %sign3A_1654 = vector.broadcast %sign3A_1653 : i32 to vector<16xi32>
      %sign3A_1655 = arith.cmpi slt, %min3A_1645, %sign3A_1654 : vector<16xi32>
      %sign3A_1656 = arith.extui %sign3A_1655 : vector<16xi1> to vector<16xi32>
      %sign3A_1657 = arith.subi %sign3A_1652, %sign3A_1656 : vector<16xi32>
      %sign3A_1658 = arith.constant 0 : i32
      %sign3A_1659 = arith.cmpi sgt, %jit3A_1646, %sign3A_1658 : i32
      %sign3A_1660 = arith.extui %sign3A_1659 : i1 to i32
      %sign3A_1661 = arith.constant 0 : i32
      %sign3A_1662 = arith.cmpi slt, %jit3A_1646, %sign3A_1661 : i32
      %sign3A_1663 = arith.extui %sign3A_1662 : i1 to i32
      %sign3A_1664 = arith.subi %sign3A_1660, %sign3A_1663 : i32
      %ne3A_1665 = vector.broadcast %sign3A_1664 : i32 to vector<16xi32>
      %ne3A_1666 = arith.cmpi ne, %sign3A_1657, %ne3A_1665 : vector<16xi32>
      %rem3A_1667 = vector.broadcast %jit3A_1646 : i32 to vector<16xi32>
      %rem3A_1668 = arith.remsi %min3A_1645, %rem3A_1667 : vector<16xi32>
      %ne3A_1669 = arith.constant 0 : i32
      %ne3A_1670 = vector.broadcast %ne3A_1669 : i32 to vector<16xi32>
      %ne3A_1671 = arith.cmpi ne, %rem3A_1668, %ne3A_1670 : vector<16xi32>
      %and3A_1672 = arith.andi %ne3A_1666, %ne3A_1671 : vector<16xi1>
      %sub3A_1673 = arith.constant 1 : i32
      %sub3A_1674 = vector.broadcast %sub3A_1673 : i32 to vector<16xi32>
      %sub3A_1675 = arith.subi %div3A_1648, %sub3A_1674 : vector<16xi32>
      %select_n3A_1676 = arith.select %and3A_1672, %sub3A_1675, %div3A_1648 : vector<16xi1>, vector<16xi32>
      %mul3A_1677 = arith.constant 17 : i32
      %mul3A_1678 = vector.broadcast %mul3A_1677 : i32 to vector<16xi32>
      %mul3A_1679 = arith.muli %select_n3A_1676, %mul3A_1678 : vector<16xi32>
      %sub3A_1680 = arith.subi %min3A_1645, %mul3A_1679 : vector<16xi32>
      %mul3A_1681 = arith.constant 128 : i32
      %mul3A_1682 = vector.broadcast %mul3A_1681 : i32 to vector<16xi32>
      %mul3A_1683 = arith.muli %select_n3A_1676, %mul3A_1682 : vector<16xi32>
      %add3A_1684 = arith.addi %add3A_1533, %mul3A_1683 : vector<16xi32>
      %mul3A_1685 = arith.constant 2 : i32
      %mul3A_1686 = vector.broadcast %mul3A_1685 : i32 to vector<16xi32>
      %mul3A_1687 = arith.muli %sub3A_1680, %mul3A_1686 : vector<16xi32>
      %add3A_1688 = arith.addi %add3A_1684, %mul3A_1687 : vector<16xi32>
      %swap3A_1689 = arith.constant 0 : i32
      %swap3A_1690 = arith.index_cast %swap3A_1689 : i32 to index
      %swap3A_1691 = arith.constant 32 : index
      %swap3A_1692 = tpu.vector_load %arg6[%swap3A_1690, %swap3A_1691] {strides = array<i32>} : memref<3x128xi32, #tpu.memory_space<vmem>>, vector<16xi32>,
      tpu.vector_store %arg6[%swap3A_1690, %swap3A_1691], %add3A_1688 {strides = array<i32>} : memref<3x128xi32, #tpu.memory_space<vmem>>, vector<16xi32>,
      %add3A_1693 = arith.constant 48 : i32
      %add3A_1694 = vector.broadcast %add3A_1693 : i32 to vector<16xi32>
      %add3A_1695 = arith.addi %iota3A, %add3A_1694 : vector<16xi32>
      %min3A_1696 = arith.constant 288 : i32
      %min3A_1697 = vector.broadcast %min3A_1696 : i32 to vector<16xi32>
      %min3A_1698 = arith.minsi %add3A_1695, %min3A_1697 : vector<16xi32>
      %jit3A_1699 = arith.constant 17 : i32
      %div3A_1700 = vector.broadcast %jit3A_1699 : i32 to vector<16xi32>
      %div3A_1701 = arith.divsi %min3A_1698, %div3A_1700 : vector<16xi32>
      %sign3A_1702 = arith.constant 0 : i32
      %sign3A_1703 = vector.broadcast %sign3A_1702 : i32 to vector<16xi32>
      %sign3A_1704 = arith.cmpi sgt, %min3A_1698, %sign3A_1703 : vector<16xi32>
      %sign3A_1705 = arith.extui %sign3A_1704 : vector<16xi1> to vector<16xi32>
      %sign3A_1706 = arith.constant 0 : i32
      %sign3A_1707 = vector.broadcast %sign3A_1706 : i32 to vector<16xi32>
      %sign3A_1708 = arith.cmpi slt, %min3A_1698, %sign3A_1707 : vector<16xi32>
      %sign3A_1709 = arith.extui %sign3A_1708 : vector<16xi1> to vector<16xi32>
      %sign3A_1710 = arith.subi %sign3A_1705, %sign3A_1709 : vector<16xi32>
      %sign3A_1711 = arith.constant 0 : i32
      %sign3A_1712 = arith.cmpi sgt, %jit3A_1699, %sign3A_1711 : i32
      %sign3A_1713 = arith.extui %sign3A_1712 : i1 to i32
      %sign3A_1714 = arith.constant 0 : i32
      %sign3A_1715 = arith.cmpi slt, %jit3A_1699, %sign3A_1714 : i32
      %sign3A_1716 = arith.extui %sign3A_1715 : i1 to i32
      %sign3A_1717 = arith.subi %sign3A_1713, %sign3A_1716 : i32
      %ne3A_1718 = vector.broadcast %sign3A_1717 : i32 to vector<16xi32>
      %ne3A_1719 = arith.cmpi ne, %sign3A_1710, %ne3A_1718 : vector<16xi32>
      %rem3A_1720 = vector.broadcast %jit3A_1699 : i32 to vector<16xi32>
      %rem3A_1721 = arith.remsi %min3A_1698, %rem3A_1720 : vector<16xi32>
      %ne3A_1722 = arith.constant 0 : i32
      %ne3A_1723 = vector.broadcast %ne3A_1722 : i32 to vector<16xi32>
      %ne3A_1724 = arith.cmpi ne, %rem3A_1721, %ne3A_1723 : vector<16xi32>
      %and3A_1725 = arith.andi %ne3A_1719, %ne3A_1724 : vector<16xi1>
      %sub3A_1726 = arith.constant 1 : i32
      %sub3A_1727 = vector.broadcast %sub3A_1726 : i32 to vector<16xi32>
      %sub3A_1728 = arith.subi %div3A_1701, %sub3A_1727 : vector<16xi32>
      %select_n3A_1729 = arith.select %and3A_1725, %sub3A_1728, %div3A_1701 : vector<16xi1>, vector<16xi32>
      %mul3A_1730 = arith.constant 17 : i32
      %mul3A_1731 = vector.broadcast %mul3A_1730 : i32 to vector<16xi32>
      %mul3A_1732 = arith.muli %select_n3A_1729, %mul3A_1731 : vector<16xi32>
      %sub3A_1733 = arith.subi %min3A_1698, %mul3A_1732 : vector<16xi32>
      %mul3A_1734 = arith.constant 128 : i32
      %mul3A_1735 = vector.broadcast %mul3A_1734 : i32 to vector<16xi32>
      %mul3A_1736 = arith.muli %select_n3A_1729, %mul3A_1735 : vector<16xi32>
      %add3A_1737 = arith.addi %add3A_1533, %mul3A_1736 : vector<16xi32>
      %mul3A_1738 = arith.constant 2 : i32
      %mul3A_1739 = vector.broadcast %mul3A_1738 : i32 to vector<16xi32>
      %mul3A_1740 = arith.muli %sub3A_1733, %mul3A_1739 : vector<16xi32>
      %add3A_1741 = arith.addi %add3A_1737, %mul3A_1740 : vector<16xi32>
      %swap3A_1742 = arith.constant 0 : i32
      %swap3A_1743 = arith.index_cast %swap3A_1742 : i32 to index
      %swap3A_1744 = arith.constant 48 : index
      %swap3A_1745 = tpu.vector_load %arg6[%swap3A_1743, %swap3A_1744] {strides = array<i32>} : memref<3x128xi32, #tpu.memory_space<vmem>>, vector<16xi32>,
      tpu.vector_store %arg6[%swap3A_1743, %swap3A_1744], %add3A_1741 {strides = array<i32>} : memref<3x128xi32, #tpu.memory_space<vmem>>, vector<16xi32>,
      %add3A_1746 = arith.constant 64 : i32
      %add3A_1747 = vector.broadcast %add3A_1746 : i32 to vector<16xi32>
      %add3A_1748 = arith.addi %iota3A, %add3A_1747 : vector<16xi32>
      %min3A_1749 = arith.constant 288 : i32
      %min3A_1750 = vector.broadcast %min3A_1749 : i32 to vector<16xi32>
      %min3A_1751 = arith.minsi %add3A_1748, %min3A_1750 : vector<16xi32>
      %jit3A_1752 = arith.constant 17 : i32
      %div3A_1753 = vector.broadcast %jit3A_1752 : i32 to vector<16xi32>
      %div3A_1754 = arith.divsi %min3A_1751, %div3A_1753 : vector<16xi32>
      %sign3A_1755 = arith.constant 0 : i32
      %sign3A_1756 = vector.broadcast %sign3A_1755 : i32 to vector<16xi32>
      %sign3A_1757 = arith.cmpi sgt, %min3A_1751, %sign3A_1756 : vector<16xi32>
      %sign3A_1758 = arith.extui %sign3A_1757 : vector<16xi1> to vector<16xi32>
      %sign3A_1759 = arith.constant 0 : i32
      %sign3A_1760 = vector.broadcast %sign3A_1759 : i32 to vector<16xi32>
      %sign3A_1761 = arith.cmpi slt, %min3A_1751, %sign3A_1760 : vector<16xi32>
      %sign3A_1762 = arith.extui %sign3A_1761 : vector<16xi1> to vector<16xi32>
      %sign3A_1763 = arith.subi %sign3A_1758, %sign3A_1762 : vector<16xi32>
      %sign3A_1764 = arith.constant 0 : i32
      %sign3A_1765 = arith.cmpi sgt, %jit3A_1752, %sign3A_1764 : i32
      %sign3A_1766 = arith.extui %sign3A_1765 : i1 to i32
      %sign3A_1767 = arith.constant 0 : i32
      %sign3A_1768 = arith.cmpi slt, %jit3A_1752, %sign3A_1767 : i32
      %sign3A_1769 = arith.extui %sign3A_1768 : i1 to i32
      %sign3A_1770 = arith.subi %sign3A_1766, %sign3A_1769 : i32
      %ne3A_1771 = vector.broadcast %sign3A_1770 : i32 to vector<16xi32>
      %ne3A_1772 = arith.cmpi ne, %sign3A_1763, %ne3A_1771 : vector<16xi32>
      %rem3A_1773 = vector.broadcast %jit3A_1752 : i32 to vector<16xi32>
      %rem3A_1774 = arith.remsi %min3A_1751, %rem3A_1773 : vector<16xi32>
      %ne3A_1775 = arith.constant 0 : i32
      %ne3A_1776 = vector.broadcast %ne3A_1775 : i32 to vector<16xi32>
      %ne3A_1777 = arith.cmpi ne, %rem3A_1774, %ne3A_1776 : vector<16xi32>
      %and3A_1778 = arith.andi %ne3A_1772, %ne3A_1777 : vector<16xi1>
      %sub3A_1779 = arith.constant 1 : i32
      %sub3A_1780 = vector.broadcast %sub3A_1779 : i32 to vector<16xi32>
      %sub3A_1781 = arith.subi %div3A_1754, %sub3A_1780 : vector<16xi32>
      %select_n3A_1782 = arith.select %and3A_1778, %sub3A_1781, %div3A_1754 : vector<16xi1>, vector<16xi32>
      %mul3A_1783 = arith.constant 17 : i32
      %mul3A_1784 = vector.broadcast %mul3A_1783 : i32 to vector<16xi32>
      %mul3A_1785 = arith.muli %select_n3A_1782, %mul3A_1784 : vector<16xi32>
      %sub3A_1786 = arith.subi %min3A_1751, %mul3A_1785 : vector<16xi32>
      %mul3A_1787 = arith.constant 128 : i32
      %mul3A_1788 = vector.broadcast %mul3A_1787 : i32 to vector<16xi32>
      %mul3A_1789 = arith.muli %select_n3A_1782, %mul3A_1788 : vector<16xi32>
      %add3A_1790 = arith.addi %add3A_1533, %mul3A_1789 : vector<16xi32>
      %mul3A_1791 = arith.constant 2 : i32
      %mul3A_1792 = vector.broadcast %mul3A_1791 : i32 to vector<16xi32>
      %mul3A_1793 = arith.muli %sub3A_1786, %mul3A_1792 : vector<16xi32>
      %add3A_1794 = arith.addi %add3A_1790, %mul3A_1793 : vector<16xi32>
      %swap3A_1795 = arith.constant 0 : i32
      %swap3A_1796 = arith.index_cast %swap3A_1795 : i32 to index
      %swap3A_1797 = arith.constant 64 : index
      %swap3A_1798 = tpu.vector_load %arg6[%swap3A_1796, %swap3A_1797] {strides = array<i32>} : memref<3x128xi32, #tpu.memory_space<vmem>>, vector<16xi32>,
      tpu.vector_store %arg6[%swap3A_1796, %swap3A_1797], %add3A_1794 {strides = array<i32>} : memref<3x128xi32, #tpu.memory_space<vmem>>, vector<16xi32>,
      %add3A_1799 = arith.constant 80 : i32
      %add3A_1800 = vector.broadcast %add3A_1799 : i32 to vector<16xi32>
      %add3A_1801 = arith.addi %iota3A, %add3A_1800 : vector<16xi32>
      %min3A_1802 = arith.constant 288 : i32
      %min3A_1803 = vector.broadcast %min3A_1802 : i32 to vector<16xi32>
      %min3A_1804 = arith.minsi %add3A_1801, %min3A_1803 : vector<16xi32>
      %jit3A_1805 = arith.constant 17 : i32
      %div3A_1806 = vector.broadcast %jit3A_1805 : i32 to vector<16xi32>
      %div3A_1807 = arith.divsi %min3A_1804, %div3A_1806 : vector<16xi32>
      %sign3A_1808 = arith.constant 0 : i32
      %sign3A_1809 = vector.broadcast %sign3A_1808 : i32 to vector<16xi32>
      %sign3A_1810 = arith.cmpi sgt, %min3A_1804, %sign3A_1809 : vector<16xi32>
      %sign3A_1811 = arith.extui %sign3A_1810 : vector<16xi1> to vector<16xi32>
      %sign3A_1812 = arith.constant 0 : i32
      %sign3A_1813 = vector.broadcast %sign3A_1812 : i32 to vector<16xi32>
      %sign3A_1814 = arith.cmpi slt, %min3A_1804, %sign3A_1813 : vector<16xi32>
      %sign3A_1815 = arith.extui %sign3A_1814 : vector<16xi1> to vector<16xi32>
      %sign3A_1816 = arith.subi %sign3A_1811, %sign3A_1815 : vector<16xi32>
      %sign3A_1817 = arith.constant 0 : i32
      %sign3A_1818 = arith.cmpi sgt, %jit3A_1805, %sign3A_1817 : i32
      %sign3A_1819 = arith.extui %sign3A_1818 : i1 to i32
      %sign3A_1820 = arith.constant 0 : i32
      %sign3A_1821 = arith.cmpi slt, %jit3A_1805, %sign3A_1820 : i32
      %sign3A_1822 = arith.extui %sign3A_1821 : i1 to i32
      %sign3A_1823 = arith.subi %sign3A_1819, %sign3A_1822 : i32
      %ne3A_1824 = vector.broadcast %sign3A_1823 : i32 to vector<16xi32>
      %ne3A_1825 = arith.cmpi ne, %sign3A_1816, %ne3A_1824 : vector<16xi32>
      %rem3A_1826 = vector.broadcast %jit3A_1805 : i32 to vector<16xi32>
      %rem3A_1827 = arith.remsi %min3A_1804, %rem3A_1826 : vector<16xi32>
      %ne3A_1828 = arith.constant 0 : i32
      %ne3A_1829 = vector.broadcast %ne3A_1828 : i32 to vector<16xi32>
      %ne3A_1830 = arith.cmpi ne, %rem3A_1827, %ne3A_1829 : vector<16xi32>
      %and3A_1831 = arith.andi %ne3A_1825, %ne3A_1830 : vector<16xi1>
      %sub3A_1832 = arith.constant 1 : i32
      %sub3A_1833 = vector.broadcast %sub3A_1832 : i32 to vector<16xi32>
      %sub3A_1834 = arith.subi %div3A_1807, %sub3A_1833 : vector<16xi32>
      %select_n3A_1835 = arith.select %and3A_1831, %sub3A_1834, %div3A_1807 : vector<16xi1>, vector<16xi32>
      %mul3A_1836 = arith.constant 17 : i32
      %mul3A_1837 = vector.broadcast %mul3A_1836 : i32 to vector<16xi32>
      %mul3A_1838 = arith.muli %select_n3A_1835, %mul3A_1837 : vector<16xi32>
      %sub3A_1839 = arith.subi %min3A_1804, %mul3A_1838 : vector<16xi32>
      %mul3A_1840 = arith.constant 128 : i32
      %mul3A_1841 = vector.broadcast %mul3A_1840 : i32 to vector<16xi32>
      %mul3A_1842 = arith.muli %select_n3A_1835, %mul3A_1841 : vector<16xi32>
      %add3A_1843 = arith.addi %add3A_1533, %mul3A_1842 : vector<16xi32>
      %mul3A_1844 = arith.constant 2 : i32
      %mul3A_1845 = vector.broadcast %mul3A_1844 : i32 to vector<16xi32>
      %mul3A_1846 = arith.muli %sub3A_1839, %mul3A_1845 : vector<16xi32>
      %add3A_1847 = arith.addi %add3A_1843, %mul3A_1846 : vector<16xi32>
      %swap3A_1848 = arith.constant 0 : i32
      %swap3A_1849 = arith.index_cast %swap3A_1848 : i32 to index
      %swap3A_1850 = arith.constant 80 : index
      %swap3A_1851 = tpu.vector_load %arg6[%swap3A_1849, %swap3A_1850] {strides = array<i32>} : memref<3x128xi32, #tpu.memory_space<vmem>>, vector<16xi32>,
      tpu.vector_store %arg6[%swap3A_1849, %swap3A_1850], %add3A_1847 {strides = array<i32>} : memref<3x128xi32, #tpu.memory_space<vmem>>, vector<16xi32>,
      %add3A_1852 = arith.constant 96 : i32
      %add3A_1853 = vector.broadcast %add3A_1852 : i32 to vector<16xi32>
      %add3A_1854 = arith.addi %iota3A, %add3A_1853 : vector<16xi32>
      %min3A_1855 = arith.constant 288 : i32
      %min3A_1856 = vector.broadcast %min3A_1855 : i32 to vector<16xi32>
      %min3A_1857 = arith.minsi %add3A_1854, %min3A_1856 : vector<16xi32>
      %jit3A_1858 = arith.constant 17 : i32
      %div3A_1859 = vector.broadcast %jit3A_1858 : i32 to vector<16xi32>
      %div3A_1860 = arith.divsi %min3A_1857, %div3A_1859 : vector<16xi32>
      %sign3A_1861 = arith.constant 0 : i32
      %sign3A_1862 = vector.broadcast %sign3A_1861 : i32 to vector<16xi32>
      %sign3A_1863 = arith.cmpi sgt, %min3A_1857, %sign3A_1862 : vector<16xi32>
      %sign3A_1864 = arith.extui %sign3A_1863 : vector<16xi1> to vector<16xi32>
      %sign3A_1865 = arith.constant 0 : i32
      %sign3A_1866 = vector.broadcast %sign3A_1865 : i32 to vector<16xi32>
      %sign3A_1867 = arith.cmpi slt, %min3A_1857, %sign3A_1866 : vector<16xi32>
      %sign3A_1868 = arith.extui %sign3A_1867 : vector<16xi1> to vector<16xi32>
      %sign3A_1869 = arith.subi %sign3A_1864, %sign3A_1868 : vector<16xi32>
      %sign3A_1870 = arith.constant 0 : i32
      %sign3A_1871 = arith.cmpi sgt, %jit3A_1858, %sign3A_1870 : i32
      %sign3A_1872 = arith.extui %sign3A_1871 : i1 to i32
      %sign3A_1873 = arith.constant 0 : i32
      %sign3A_1874 = arith.cmpi slt, %jit3A_1858, %sign3A_1873 : i32
      %sign3A_1875 = arith.extui %sign3A_1874 : i1 to i32
      %sign3A_1876 = arith.subi %sign3A_1872, %sign3A_1875 : i32
      %ne3A_1877 = vector.broadcast %sign3A_1876 : i32 to vector<16xi32>
      %ne3A_1878 = arith.cmpi ne, %sign3A_1869, %ne3A_1877 : vector<16xi32>
      %rem3A_1879 = vector.broadcast %jit3A_1858 : i32 to vector<16xi32>
      %rem3A_1880 = arith.remsi %min3A_1857, %rem3A_1879 : vector<16xi32>
      %ne3A_1881 = arith.constant 0 : i32
      %ne3A_1882 = vector.broadcast %ne3A_1881 : i32 to vector<16xi32>
      %ne3A_1883 = arith.cmpi ne, %rem3A_1880, %ne3A_1882 : vector<16xi32>
      %and3A_1884 = arith.andi %ne3A_1878, %ne3A_1883 : vector<16xi1>
      %sub3A_1885 = arith.constant 1 : i32
      %sub3A_1886 = vector.broadcast %sub3A_1885 : i32 to vector<16xi32>
      %sub3A_1887 = arith.subi %div3A_1860, %sub3A_1886 : vector<16xi32>
      %select_n3A_1888 = arith.select %and3A_1884, %sub3A_1887, %div3A_1860 : vector<16xi1>, vector<16xi32>
      %mul3A_1889 = arith.constant 17 : i32
      %mul3A_1890 = vector.broadcast %mul3A_1889 : i32 to vector<16xi32>
      %mul3A_1891 = arith.muli %select_n3A_1888, %mul3A_1890 : vector<16xi32>
      %sub3A_1892 = arith.subi %min3A_1857, %mul3A_1891 : vector<16xi32>
      %mul3A_1893 = arith.constant 128 : i32
      %mul3A_1894 = vector.broadcast %mul3A_1893 : i32 to vector<16xi32>
      %mul3A_1895 = arith.muli %select_n3A_1888, %mul3A_1894 : vector<16xi32>
      %add3A_1896 = arith.addi %add3A_1533, %mul3A_1895 : vector<16xi32>
      %mul3A_1897 = arith.constant 2 : i32
      %mul3A_1898 = vector.broadcast %mul3A_1897 : i32 to vector<16xi32>
      %mul3A_1899 = arith.muli %sub3A_1892, %mul3A_1898 : vector<16xi32>
      %add3A_1900 = arith.addi %add3A_1896, %mul3A_1899 : vector<16xi32>
      %swap3A_1901 = arith.constant 0 : i32
      %swap3A_1902 = arith.index_cast %swap3A_1901 : i32 to index
      %swap3A_1903 = arith.constant 96 : index
      %swap3A_1904 = tpu.vector_load %arg6[%swap3A_1902, %swap3A_1903] {strides = array<i32>} : memref<3x128xi32, #tpu.memory_space<vmem>>, vector<16xi32>,
      tpu.vector_store %arg6[%swap3A_1902, %swap3A_1903], %add3A_1900 {strides = array<i32>} : memref<3x128xi32, #tpu.memory_space<vmem>>, vector<16xi32>,
      %add3A_1905 = arith.constant 112 : i32
      %add3A_1906 = vector.broadcast %add3A_1905 : i32 to vector<16xi32>
      %add3A_1907 = arith.addi %iota3A, %add3A_1906 : vector<16xi32>
      %min3A_1908 = arith.constant 288 : i32
      %min3A_1909 = vector.broadcast %min3A_1908 : i32 to vector<16xi32>
      %min3A_1910 = arith.minsi %add3A_1907, %min3A_1909 : vector<16xi32>
      %jit3A_1911 = arith.constant 17 : i32
      %div3A_1912 = vector.broadcast %jit3A_1911 : i32 to vector<16xi32>
      %div3A_1913 = arith.divsi %min3A_1910, %div3A_1912 : vector<16xi32>
      %sign3A_1914 = arith.constant 0 : i32
      %sign3A_1915 = vector.broadcast %sign3A_1914 : i32 to vector<16xi32>
      %sign3A_1916 = arith.cmpi sgt, %min3A_1910, %sign3A_1915 : vector<16xi32>
      %sign3A_1917 = arith.extui %sign3A_1916 : vector<16xi1> to vector<16xi32>
      %sign3A_1918 = arith.constant 0 : i32
      %sign3A_1919 = vector.broadcast %sign3A_1918 : i32 to vector<16xi32>
      %sign3A_1920 = arith.cmpi slt, %min3A_1910, %sign3A_1919 : vector<16xi32>
      %sign3A_1921 = arith.extui %sign3A_1920 : vector<16xi1> to vector<16xi32>
      %sign3A_1922 = arith.subi %sign3A_1917, %sign3A_1921 : vector<16xi32>
      %sign3A_1923 = arith.constant 0 : i32
      %sign3A_1924 = arith.cmpi sgt, %jit3A_1911, %sign3A_1923 : i32
      %sign3A_1925 = arith.extui %sign3A_1924 : i1 to i32
      %sign3A_1926 = arith.constant 0 : i32
      %sign3A_1927 = arith.cmpi slt, %jit3A_1911, %sign3A_1926 : i32
      %sign3A_1928 = arith.extui %sign3A_1927 : i1 to i32
      %sign3A_1929 = arith.subi %sign3A_1925, %sign3A_1928 : i32
      %ne3A_1930 = vector.broadcast %sign3A_1929 : i32 to vector<16xi32>
      %ne3A_1931 = arith.cmpi ne, %sign3A_1922, %ne3A_1930 : vector<16xi32>
      %rem3A_1932 = vector.broadcast %jit3A_1911 : i32 to vector<16xi32>
      %rem3A_1933 = arith.remsi %min3A_1910, %rem3A_1932 : vector<16xi32>
      %ne3A_1934 = arith.constant 0 : i32
      %ne3A_1935 = vector.broadcast %ne3A_1934 : i32 to vector<16xi32>
      %ne3A_1936 = arith.cmpi ne, %rem3A_1933, %ne3A_1935 : vector<16xi32>
      %and3A_1937 = arith.andi %ne3A_1931, %ne3A_1936 : vector<16xi1>
      %sub3A_1938 = arith.constant 1 : i32
      %sub3A_1939 = vector.broadcast %sub3A_1938 : i32 to vector<16xi32>
      %sub3A_1940 = arith.subi %div3A_1913, %sub3A_1939 : vector<16xi32>
      %select_n3A_1941 = arith.select %and3A_1937, %sub3A_1940, %div3A_1913 : vector<16xi1>, vector<16xi32>
      %mul3A_1942 = arith.constant 17 : i32
      %mul3A_1943 = vector.broadcast %mul3A_1942 : i32 to vector<16xi32>
      %mul3A_1944 = arith.muli %select_n3A_1941, %mul3A_1943 : vector<16xi32>
      %sub3A_1945 = arith.subi %min3A_1910, %mul3A_1944 : vector<16xi32>
      %mul3A_1946 = arith.constant 128 : i32
      %mul3A_1947 = vector.broadcast %mul3A_1946 : i32 to vector<16xi32>
      %mul3A_1948 = arith.muli %select_n3A_1941, %mul3A_1947 : vector<16xi32>
      %add3A_1949 = arith.addi %add3A_1533, %mul3A_1948 : vector<16xi32>
      %mul3A_1950 = arith.constant 2 : i32
      %mul3A_1951 = vector.broadcast %mul3A_1950 : i32 to vector<16xi32>
      %mul3A_1952 = arith.muli %sub3A_1945, %mul3A_1951 : vector<16xi32>
      %add3A_1953 = arith.addi %add3A_1949, %mul3A_1952 : vector<16xi32>
      %swap3A_1954 = arith.constant 0 : i32
      %swap3A_1955 = arith.index_cast %swap3A_1954 : i32 to index
      %swap3A_1956 = arith.constant 112 : index
      %swap3A_1957 = tpu.vector_load %arg6[%swap3A_1955, %swap3A_1956] {strides = array<i32>} : memref<3x128xi32, #tpu.memory_space<vmem>>, vector<16xi32>,
      tpu.vector_store %arg6[%swap3A_1955, %swap3A_1956], %add3A_1953 {strides = array<i32>} : memref<3x128xi32, #tpu.memory_space<vmem>>, vector<16xi32>,
      %add3A_1958 = arith.constant 128 : i32
      %add3A_1959 = vector.broadcast %add3A_1958 : i32 to vector<16xi32>
      %add3A_1960 = arith.addi %iota3A, %add3A_1959 : vector<16xi32>
      %min3A_1961 = arith.constant 288 : i32
      %min3A_1962 = vector.broadcast %min3A_1961 : i32 to vector<16xi32>
      %min3A_1963 = arith.minsi %add3A_1960, %min3A_1962 : vector<16xi32>
      %jit3A_1964 = arith.constant 17 : i32
      %div3A_1965 = vector.broadcast %jit3A_1964 : i32 to vector<16xi32>
      %div3A_1966 = arith.divsi %min3A_1963, %div3A_1965 : vector<16xi32>
      %sign3A_1967 = arith.constant 0 : i32
      %sign3A_1968 = vector.broadcast %sign3A_1967 : i32 to vector<16xi32>
      %sign3A_1969 = arith.cmpi sgt, %min3A_1963, %sign3A_1968 : vector<16xi32>
      %sign3A_1970 = arith.extui %sign3A_1969 : vector<16xi1> to vector<16xi32>
      %sign3A_1971 = arith.constant 0 : i32
      %sign3A_1972 = vector.broadcast %sign3A_1971 : i32 to vector<16xi32>
      %sign3A_1973 = arith.cmpi slt, %min3A_1963, %sign3A_1972 : vector<16xi32>
      %sign3A_1974 = arith.extui %sign3A_1973 : vector<16xi1> to vector<16xi32>
      %sign3A_1975 = arith.subi %sign3A_1970, %sign3A_1974 : vector<16xi32>
      %sign3A_1976 = arith.constant 0 : i32
      %sign3A_1977 = arith.cmpi sgt, %jit3A_1964, %sign3A_1976 : i32
      %sign3A_1978 = arith.extui %sign3A_1977 : i1 to i32
      %sign3A_1979 = arith.constant 0 : i32
      %sign3A_1980 = arith.cmpi slt, %jit3A_1964, %sign3A_1979 : i32
      %sign3A_1981 = arith.extui %sign3A_1980 : i1 to i32
      %sign3A_1982 = arith.subi %sign3A_1978, %sign3A_1981 : i32
      %ne3A_1983 = vector.broadcast %sign3A_1982 : i32 to vector<16xi32>
      %ne3A_1984 = arith.cmpi ne, %sign3A_1975, %ne3A_1983 : vector<16xi32>
      %rem3A_1985 = vector.broadcast %jit3A_1964 : i32 to vector<16xi32>
      %rem3A_1986 = arith.remsi %min3A_1963, %rem3A_1985 : vector<16xi32>
      %ne3A_1987 = arith.constant 0 : i32
      %ne3A_1988 = vector.broadcast %ne3A_1987 : i32 to vector<16xi32>
      %ne3A_1989 = arith.cmpi ne, %rem3A_1986, %ne3A_1988 : vector<16xi32>
      %and3A_1990 = arith.andi %ne3A_1984, %ne3A_1989 : vector<16xi1>
      %sub3A_1991 = arith.constant 1 : i32
      %sub3A_1992 = vector.broadcast %sub3A_1991 : i32 to vector<16xi32>
      %sub3A_1993 = arith.subi %div3A_1966, %sub3A_1992 : vector<16xi32>
      %select_n3A_1994 = arith.select %and3A_1990, %sub3A_1993, %div3A_1966 : vector<16xi1>, vector<16xi32>
      %mul3A_1995 = arith.constant 17 : i32
      %mul3A_1996 = vector.broadcast %mul3A_1995 : i32 to vector<16xi32>
      %mul3A_1997 = arith.muli %select_n3A_1994, %mul3A_1996 : vector<16xi32>
      %sub3A_1998 = arith.subi %min3A_1963, %mul3A_1997 : vector<16xi32>
      %mul3A_1999 = arith.constant 128 : i32
      %mul3A_2000 = vector.broadcast %mul3A_1999 : i32 to vector<16xi32>
      %mul3A_2001 = arith.muli %select_n3A_1994, %mul3A_2000 : vector<16xi32>
      %add3A_2002 = arith.addi %add3A_1533, %mul3A_2001 : vector<16xi32>
      %mul3A_2003 = arith.constant 2 : i32
      %mul3A_2004 = vector.broadcast %mul3A_2003 : i32 to vector<16xi32>
      %mul3A_2005 = arith.muli %sub3A_1998, %mul3A_2004 : vector<16xi32>
      %add3A_2006 = arith.addi %add3A_2002, %mul3A_2005 : vector<16xi32>
      %swap3A_2007 = arith.constant 1 : i32
      %swap3A_2008 = arith.index_cast %swap3A_2007 : i32 to index
      %swap3A_2009 = arith.constant 0 : index
      %swap3A_2010 = tpu.vector_load %arg6[%swap3A_2008, %swap3A_2009] {strides = array<i32>} : memref<3x128xi32, #tpu.memory_space<vmem>>, vector<16xi32>,
      tpu.vector_store %arg6[%swap3A_2008, %swap3A_2009], %add3A_2006 {strides = array<i32>} : memref<3x128xi32, #tpu.memory_space<vmem>>, vector<16xi32>,
      %add3A_2011 = arith.constant 144 : i32
      %add3A_2012 = vector.broadcast %add3A_2011 : i32 to vector<16xi32>
      %add3A_2013 = arith.addi %iota3A, %add3A_2012 : vector<16xi32>
      %min3A_2014 = arith.constant 288 : i32
      %min3A_2015 = vector.broadcast %min3A_2014 : i32 to vector<16xi32>
      %min3A_2016 = arith.minsi %add3A_2013, %min3A_2015 : vector<16xi32>
      %jit3A_2017 = arith.constant 17 : i32
      %div3A_2018 = vector.broadcast %jit3A_2017 : i32 to vector<16xi32>
      %div3A_2019 = arith.divsi %min3A_2016, %div3A_2018 : vector<16xi32>
      %sign3A_2020 = arith.constant 0 : i32
      %sign3A_2021 = vector.broadcast %sign3A_2020 : i32 to vector<16xi32>
      %sign3A_2022 = arith.cmpi sgt, %min3A_2016, %sign3A_2021 : vector<16xi32>
      %sign3A_2023 = arith.extui %sign3A_2022 : vector<16xi1> to vector<16xi32>
      %sign3A_2024 = arith.constant 0 : i32
      %sign3A_2025 = vector.broadcast %sign3A_2024 : i32 to vector<16xi32>
      %sign3A_2026 = arith.cmpi slt, %min3A_2016, %sign3A_2025 : vector<16xi32>
      %sign3A_2027 = arith.extui %sign3A_2026 : vector<16xi1> to vector<16xi32>
      %sign3A_2028 = arith.subi %sign3A_2023, %sign3A_2027 : vector<16xi32>
      %sign3A_2029 = arith.constant 0 : i32
      %sign3A_2030 = arith.cmpi sgt, %jit3A_2017, %sign3A_2029 : i32
      %sign3A_2031 = arith.extui %sign3A_2030 : i1 to i32
      %sign3A_2032 = arith.constant 0 : i32
      %sign3A_2033 = arith.cmpi slt, %jit3A_2017, %sign3A_2032 : i32
      %sign3A_2034 = arith.extui %sign3A_2033 : i1 to i32
      %sign3A_2035 = arith.subi %sign3A_2031, %sign3A_2034 : i32
      %ne3A_2036 = vector.broadcast %sign3A_2035 : i32 to vector<16xi32>
      %ne3A_2037 = arith.cmpi ne, %sign3A_2028, %ne3A_2036 : vector<16xi32>
      %rem3A_2038 = vector.broadcast %jit3A_2017 : i32 to vector<16xi32>
      %rem3A_2039 = arith.remsi %min3A_2016, %rem3A_2038 : vector<16xi32>
      %ne3A_2040 = arith.constant 0 : i32
      %ne3A_2041 = vector.broadcast %ne3A_2040 : i32 to vector<16xi32>
      %ne3A_2042 = arith.cmpi ne, %rem3A_2039, %ne3A_2041 : vector<16xi32>
      %and3A_2043 = arith.andi %ne3A_2037, %ne3A_2042 : vector<16xi1>
      %sub3A_2044 = arith.constant 1 : i32
      %sub3A_2045 = vector.broadcast %sub3A_2044 : i32 to vector<16xi32>
      %sub3A_2046 = arith.subi %div3A_2019, %sub3A_2045 : vector<16xi32>
      %select_n3A_2047 = arith.select %and3A_2043, %sub3A_2046, %div3A_2019 : vector<16xi1>, vector<16xi32>
      %mul3A_2048 = arith.constant 17 : i32
      %mul3A_2049 = vector.broadcast %mul3A_2048 : i32 to vector<16xi32>
      %mul3A_2050 = arith.muli %select_n3A_2047, %mul3A_2049 : vector<16xi32>
      %sub3A_2051 = arith.subi %min3A_2016, %mul3A_2050 : vector<16xi32>
      %mul3A_2052 = arith.constant 128 : i32
      %mul3A_2053 = vector.broadcast %mul3A_2052 : i32 to vector<16xi32>
      %mul3A_2054 = arith.muli %select_n3A_2047, %mul3A_2053 : vector<16xi32>
      %add3A_2055 = arith.addi %add3A_1533, %mul3A_2054 : vector<16xi32>
      %mul3A_2056 = arith.constant 2 : i32
      %mul3A_2057 = vector.broadcast %mul3A_2056 : i32 to vector<16xi32>
      %mul3A_2058 = arith.muli %sub3A_2051, %mul3A_2057 : vector<16xi32>
      %add3A_2059 = arith.addi %add3A_2055, %mul3A_2058 : vector<16xi32>
      %swap3A_2060 = arith.constant 1 : i32
      %swap3A_2061 = arith.index_cast %swap3A_2060 : i32 to index
      %swap3A_2062 = arith.constant 16 : index
      %swap3A_2063 = tpu.vector_load %arg6[%swap3A_2061, %swap3A_2062] {strides = array<i32>} : memref<3x128xi32, #tpu.memory_space<vmem>>, vector<16xi32>,
      tpu.vector_store %arg6[%swap3A_2061, %swap3A_2062], %add3A_2059 {strides = array<i32>} : memref<3x128xi32, #tpu.memory_space<vmem>>, vector<16xi32>,
      %add3A_2064 = arith.constant 160 : i32
      %add3A_2065 = vector.broadcast %add3A_2064 : i32 to vector<16xi32>
      %add3A_2066 = arith.addi %iota3A, %add3A_2065 : vector<16xi32>
      %min3A_2067 = arith.constant 288 : i32
      %min3A_2068 = vector.broadcast %min3A_2067 : i32 to vector<16xi32>
      %min3A_2069 = arith.minsi %add3A_2066, %min3A_2068 : vector<16xi32>
      %jit3A_2070 = arith.constant 17 : i32
      %div3A_2071 = vector.broadcast %jit3A_2070 : i32 to vector<16xi32>
      %div3A_2072 = arith.divsi %min3A_2069, %div3A_2071 : vector<16xi32>
      %sign3A_2073 = arith.constant 0 : i32
      %sign3A_2074 = vector.broadcast %sign3A_2073 : i32 to vector<16xi32>
      %sign3A_2075 = arith.cmpi sgt, %min3A_2069, %sign3A_2074 : vector<16xi32>
      %sign3A_2076 = arith.extui %sign3A_2075 : vector<16xi1> to vector<16xi32>
      %sign3A_2077 = arith.constant 0 : i32
      %sign3A_2078 = vector.broadcast %sign3A_2077 : i32 to vector<16xi32>
      %sign3A_2079 = arith.cmpi slt, %min3A_2069, %sign3A_2078 : vector<16xi32>
      %sign3A_2080 = arith.extui %sign3A_2079 : vector<16xi1> to vector<16xi32>
      %sign3A_2081 = arith.subi %sign3A_2076, %sign3A_2080 : vector<16xi32>
      %sign3A_2082 = arith.constant 0 : i32
      %sign3A_2083 = arith.cmpi sgt, %jit3A_2070, %sign3A_2082 : i32
      %sign3A_2084 = arith.extui %sign3A_2083 : i1 to i32
      %sign3A_2085 = arith.constant 0 : i32
      %sign3A_2086 = arith.cmpi slt, %jit3A_2070, %sign3A_2085 : i32
      %sign3A_2087 = arith.extui %sign3A_2086 : i1 to i32
      %sign3A_2088 = arith.subi %sign3A_2084, %sign3A_2087 : i32
      %ne3A_2089 = vector.broadcast %sign3A_2088 : i32 to vector<16xi32>
      %ne3A_2090 = arith.cmpi ne, %sign3A_2081, %ne3A_2089 : vector<16xi32>
      %rem3A_2091 = vector.broadcast %jit3A_2070 : i32 to vector<16xi32>
      %rem3A_2092 = arith.remsi %min3A_2069, %rem3A_2091 : vector<16xi32>
      %ne3A_2093 = arith.constant 0 : i32
      %ne3A_2094 = vector.broadcast %ne3A_2093 : i32 to vector<16xi32>
      %ne3A_2095 = arith.cmpi ne, %rem3A_2092, %ne3A_2094 : vector<16xi32>
      %and3A_2096 = arith.andi %ne3A_2090, %ne3A_2095 : vector<16xi1>
      %sub3A_2097 = arith.constant 1 : i32
      %sub3A_2098 = vector.broadcast %sub3A_2097 : i32 to vector<16xi32>
      %sub3A_2099 = arith.subi %div3A_2072, %sub3A_2098 : vector<16xi32>
      %select_n3A_2100 = arith.select %and3A_2096, %sub3A_2099, %div3A_2072 : vector<16xi1>, vector<16xi32>
      %mul3A_2101 = arith.constant 17 : i32
      %mul3A_2102 = vector.broadcast %mul3A_2101 : i32 to vector<16xi32>
      %mul3A_2103 = arith.muli %select_n3A_2100, %mul3A_2102 : vector<16xi32>
      %sub3A_2104 = arith.subi %min3A_2069, %mul3A_2103 : vector<16xi32>
      %mul3A_2105 = arith.constant 128 : i32
      %mul3A_2106 = vector.broadcast %mul3A_2105 : i32 to vector<16xi32>
      %mul3A_2107 = arith.muli %select_n3A_2100, %mul3A_2106 : vector<16xi32>
      %add3A_2108 = arith.addi %add3A_1533, %mul3A_2107 : vector<16xi32>
      %mul3A_2109 = arith.constant 2 : i32
      %mul3A_2110 = vector.broadcast %mul3A_2109 : i32 to vector<16xi32>
      %mul3A_2111 = arith.muli %sub3A_2104, %mul3A_2110 : vector<16xi32>
      %add3A_2112 = arith.addi %add3A_2108, %mul3A_2111 : vector<16xi32>
      %swap3A_2113 = arith.constant 1 : i32
      %swap3A_2114 = arith.index_cast %swap3A_2113 : i32 to index
      %swap3A_2115 = arith.constant 32 : index
      %swap3A_2116 = tpu.vector_load %arg6[%swap3A_2114, %swap3A_2115] {strides = array<i32>} : memref<3x128xi32, #tpu.memory_space<vmem>>, vector<16xi32>,
      tpu.vector_store %arg6[%swap3A_2114, %swap3A_2115], %add3A_2112 {strides = array<i32>} : memref<3x128xi32, #tpu.memory_space<vmem>>, vector<16xi32>,
      %add3A_2117 = arith.constant 176 : i32
      %add3A_2118 = vector.broadcast %add3A_2117 : i32 to vector<16xi32>
      %add3A_2119 = arith.addi %iota3A, %add3A_2118 : vector<16xi32>
      %min3A_2120 = arith.constant 288 : i32
      %min3A_2121 = vector.broadcast %min3A_2120 : i32 to vector<16xi32>
      %min3A_2122 = arith.minsi %add3A_2119, %min3A_2121 : vector<16xi32>
      %jit3A_2123 = arith.constant 17 : i32
      %div3A_2124 = vector.broadcast %jit3A_2123 : i32 to vector<16xi32>
      %div3A_2125 = arith.divsi %min3A_2122, %div3A_2124 : vector<16xi32>
      %sign3A_2126 = arith.constant 0 : i32
      %sign3A_2127 = vector.broadcast %sign3A_2126 : i32 to vector<16xi32>
      %sign3A_2128 = arith.cmpi sgt, %min3A_2122, %sign3A_2127 : vector<16xi32>
      %sign3A_2129 = arith.extui %sign3A_2128 : vector<16xi1> to vector<16xi32>
      %sign3A_2130 = arith.constant 0 : i32
      %sign3A_2131 = vector.broadcast %sign3A_2130 : i32 to vector<16xi32>
      %sign3A_2132 = arith.cmpi slt, %min3A_2122, %sign3A_2131 : vector<16xi32>
      %sign3A_2133 = arith.extui %sign3A_2132 : vector<16xi1> to vector<16xi32>
      %sign3A_2134 = arith.subi %sign3A_2129, %sign3A_2133 : vector<16xi32>
      %sign3A_2135 = arith.constant 0 : i32
      %sign3A_2136 = arith.cmpi sgt, %jit3A_2123, %sign3A_2135 : i32
      %sign3A_2137 = arith.extui %sign3A_2136 : i1 to i32
      %sign3A_2138 = arith.constant 0 : i32
      %sign3A_2139 = arith.cmpi slt, %jit3A_2123, %sign3A_2138 : i32
      %sign3A_2140 = arith.extui %sign3A_2139 : i1 to i32
      %sign3A_2141 = arith.subi %sign3A_2137, %sign3A_2140 : i32
      %ne3A_2142 = vector.broadcast %sign3A_2141 : i32 to vector<16xi32>
      %ne3A_2143 = arith.cmpi ne, %sign3A_2134, %ne3A_2142 : vector<16xi32>
      %rem3A_2144 = vector.broadcast %jit3A_2123 : i32 to vector<16xi32>
      %rem3A_2145 = arith.remsi %min3A_2122, %rem3A_2144 : vector<16xi32>
      %ne3A_2146 = arith.constant 0 : i32
      %ne3A_2147 = vector.broadcast %ne3A_2146 : i32 to vector<16xi32>
      %ne3A_2148 = arith.cmpi ne, %rem3A_2145, %ne3A_2147 : vector<16xi32>
      %and3A_2149 = arith.andi %ne3A_2143, %ne3A_2148 : vector<16xi1>
      %sub3A_2150 = arith.constant 1 : i32
      %sub3A_2151 = vector.broadcast %sub3A_2150 : i32 to vector<16xi32>
      %sub3A_2152 = arith.subi %div3A_2125, %sub3A_2151 : vector<16xi32>
      %select_n3A_2153 = arith.select %and3A_2149, %sub3A_2152, %div3A_2125 : vector<16xi1>, vector<16xi32>
      %mul3A_2154 = arith.constant 17 : i32
      %mul3A_2155 = vector.broadcast %mul3A_2154 : i32 to vector<16xi32>
      %mul3A_2156 = arith.muli %select_n3A_2153, %mul3A_2155 : vector<16xi32>
      %sub3A_2157 = arith.subi %min3A_2122, %mul3A_2156 : vector<16xi32>
      %mul3A_2158 = arith.constant 128 : i32
      %mul3A_2159 = vector.broadcast %mul3A_2158 : i32 to vector<16xi32>
      %mul3A_2160 = arith.muli %select_n3A_2153, %mul3A_2159 : vector<16xi32>
      %add3A_2161 = arith.addi %add3A_1533, %mul3A_2160 : vector<16xi32>
      %mul3A_2162 = arith.constant 2 : i32
      %mul3A_2163 = vector.broadcast %mul3A_2162 : i32 to vector<16xi32>
      %mul3A_2164 = arith.muli %sub3A_2157, %mul3A_2163 : vector<16xi32>
      %add3A_2165 = arith.addi %add3A_2161, %mul3A_2164 : vector<16xi32>
      %swap3A_2166 = arith.constant 1 : i32
      %swap3A_2167 = arith.index_cast %swap3A_2166 : i32 to index
      %swap3A_2168 = arith.constant 48 : index
      %swap3A_2169 = tpu.vector_load %arg6[%swap3A_2167, %swap3A_2168] {strides = array<i32>} : memref<3x128xi32, #tpu.memory_space<vmem>>, vector<16xi32>,
      tpu.vector_store %arg6[%swap3A_2167, %swap3A_2168], %add3A_2165 {strides = array<i32>} : memref<3x128xi32, #tpu.memory_space<vmem>>, vector<16xi32>,
      %add3A_2170 = arith.constant 192 : i32
      %add3A_2171 = vector.broadcast %add3A_2170 : i32 to vector<16xi32>
      %add3A_2172 = arith.addi %iota3A, %add3A_2171 : vector<16xi32>
      %min3A_2173 = arith.constant 288 : i32
      %min3A_2174 = vector.broadcast %min3A_2173 : i32 to vector<16xi32>
      %min3A_2175 = arith.minsi %add3A_2172, %min3A_2174 : vector<16xi32>
      %jit3A_2176 = arith.constant 17 : i32
      %div3A_2177 = vector.broadcast %jit3A_2176 : i32 to vector<16xi32>
      %div3A_2178 = arith.divsi %min3A_2175, %div3A_2177 : vector<16xi32>
      %sign3A_2179 = arith.constant 0 : i32
      %sign3A_2180 = vector.broadcast %sign3A_2179 : i32 to vector<16xi32>
      %sign3A_2181 = arith.cmpi sgt, %min3A_2175, %sign3A_2180 : vector<16xi32>
      %sign3A_2182 = arith.extui %sign3A_2181 : vector<16xi1> to vector<16xi32>
      %sign3A_2183 = arith.constant 0 : i32
      %sign3A_2184 = vector.broadcast %sign3A_2183 : i32 to vector<16xi32>
      %sign3A_2185 = arith.cmpi slt, %min3A_2175, %sign3A_2184 : vector<16xi32>
      %sign3A_2186 = arith.extui %sign3A_2185 : vector<16xi1> to vector<16xi32>
      %sign3A_2187 = arith.subi %sign3A_2182, %sign3A_2186 : vector<16xi32>
      %sign3A_2188 = arith.constant 0 : i32
      %sign3A_2189 = arith.cmpi sgt, %jit3A_2176, %sign3A_2188 : i32
      %sign3A_2190 = arith.extui %sign3A_2189 : i1 to i32
      %sign3A_2191 = arith.constant 0 : i32
      %sign3A_2192 = arith.cmpi slt, %jit3A_2176, %sign3A_2191 : i32
      %sign3A_2193 = arith.extui %sign3A_2192 : i1 to i32
      %sign3A_2194 = arith.subi %sign3A_2190, %sign3A_2193 : i32
      %ne3A_2195 = vector.broadcast %sign3A_2194 : i32 to vector<16xi32>
      %ne3A_2196 = arith.cmpi ne, %sign3A_2187, %ne3A_2195 : vector<16xi32>
      %rem3A_2197 = vector.broadcast %jit3A_2176 : i32 to vector<16xi32>
      %rem3A_2198 = arith.remsi %min3A_2175, %rem3A_2197 : vector<16xi32>
      %ne3A_2199 = arith.constant 0 : i32
      %ne3A_2200 = vector.broadcast %ne3A_2199 : i32 to vector<16xi32>
      %ne3A_2201 = arith.cmpi ne, %rem3A_2198, %ne3A_2200 : vector<16xi32>
      %and3A_2202 = arith.andi %ne3A_2196, %ne3A_2201 : vector<16xi1>
      %sub3A_2203 = arith.constant 1 : i32
      %sub3A_2204 = vector.broadcast %sub3A_2203 : i32 to vector<16xi32>
      %sub3A_2205 = arith.subi %div3A_2178, %sub3A_2204 : vector<16xi32>
      %select_n3A_2206 = arith.select %and3A_2202, %sub3A_2205, %div3A_2178 : vector<16xi1>, vector<16xi32>
      %mul3A_2207 = arith.constant 17 : i32
      %mul3A_2208 = vector.broadcast %mul3A_2207 : i32 to vector<16xi32>
      %mul3A_2209 = arith.muli %select_n3A_2206, %mul3A_2208 : vector<16xi32>
      %sub3A_2210 = arith.subi %min3A_2175, %mul3A_2209 : vector<16xi32>
      %mul3A_2211 = arith.constant 128 : i32
      %mul3A_2212 = vector.broadcast %mul3A_2211 : i32 to vector<16xi32>
      %mul3A_2213 = arith.muli %select_n3A_2206, %mul3A_2212 : vector<16xi32>
      %add3A_2214 = arith.addi %add3A_1533, %mul3A_2213 : vector<16xi32>
      %mul3A_2215 = arith.constant 2 : i32
      %mul3A_2216 = vector.broadcast %mul3A_2215 : i32 to vector<16xi32>
      %mul3A_2217 = arith.muli %sub3A_2210, %mul3A_2216 : vector<16xi32>
      %add3A_2218 = arith.addi %add3A_2214, %mul3A_2217 : vector<16xi32>
      %swap3A_2219 = arith.constant 1 : i32
      %swap3A_2220 = arith.index_cast %swap3A_2219 : i32 to index
      %swap3A_2221 = arith.constant 64 : index
      %swap3A_2222 = tpu.vector_load %arg6[%swap3A_2220, %swap3A_2221] {strides = array<i32>} : memref<3x128xi32, #tpu.memory_space<vmem>>, vector<16xi32>,
      tpu.vector_store %arg6[%swap3A_2220, %swap3A_2221], %add3A_2218 {strides = array<i32>} : memref<3x128xi32, #tpu.memory_space<vmem>>, vector<16xi32>,
      %add3A_2223 = arith.constant 208 : i32
      %add3A_2224 = vector.broadcast %add3A_2223 : i32 to vector<16xi32>
      %add3A_2225 = arith.addi %iota3A, %add3A_2224 : vector<16xi32>
      %min3A_2226 = arith.constant 288 : i32
      %min3A_2227 = vector.broadcast %min3A_2226 : i32 to vector<16xi32>
      %min3A_2228 = arith.minsi %add3A_2225, %min3A_2227 : vector<16xi32>
      %jit3A_2229 = arith.constant 17 : i32
      %div3A_2230 = vector.broadcast %jit3A_2229 : i32 to vector<16xi32>
      %div3A_2231 = arith.divsi %min3A_2228, %div3A_2230 : vector<16xi32>
      %sign3A_2232 = arith.constant 0 : i32
      %sign3A_2233 = vector.broadcast %sign3A_2232 : i32 to vector<16xi32>
      %sign3A_2234 = arith.cmpi sgt, %min3A_2228, %sign3A_2233 : vector<16xi32>
      %sign3A_2235 = arith.extui %sign3A_2234 : vector<16xi1> to vector<16xi32>
      %sign3A_2236 = arith.constant 0 : i32
      %sign3A_2237 = vector.broadcast %sign3A_2236 : i32 to vector<16xi32>
      %sign3A_2238 = arith.cmpi slt, %min3A_2228, %sign3A_2237 : vector<16xi32>
      %sign3A_2239 = arith.extui %sign3A_2238 : vector<16xi1> to vector<16xi32>
      %sign3A_2240 = arith.subi %sign3A_2235, %sign3A_2239 : vector<16xi32>
      %sign3A_2241 = arith.constant 0 : i32
      %sign3A_2242 = arith.cmpi sgt, %jit3A_2229, %sign3A_2241 : i32
      %sign3A_2243 = arith.extui %sign3A_2242 : i1 to i32
      %sign3A_2244 = arith.constant 0 : i32
      %sign3A_2245 = arith.cmpi slt, %jit3A_2229, %sign3A_2244 : i32
      %sign3A_2246 = arith.extui %sign3A_2245 : i1 to i32
      %sign3A_2247 = arith.subi %sign3A_2243, %sign3A_2246 : i32
      %ne3A_2248 = vector.broadcast %sign3A_2247 : i32 to vector<16xi32>
      %ne3A_2249 = arith.cmpi ne, %sign3A_2240, %ne3A_2248 : vector<16xi32>
      %rem3A_2250 = vector.broadcast %jit3A_2229 : i32 to vector<16xi32>
      %rem3A_2251 = arith.remsi %min3A_2228, %rem3A_2250 : vector<16xi32>
      %ne3A_2252 = arith.constant 0 : i32
      %ne3A_2253 = vector.broadcast %ne3A_2252 : i32 to vector<16xi32>
      %ne3A_2254 = arith.cmpi ne, %rem3A_2251, %ne3A_2253 : vector<16xi32>
      %and3A_2255 = arith.andi %ne3A_2249, %ne3A_2254 : vector<16xi1>
      %sub3A_2256 = arith.constant 1 : i32
      %sub3A_2257 = vector.broadcast %sub3A_2256 : i32 to vector<16xi32>
      %sub3A_2258 = arith.subi %div3A_2231, %sub3A_2257 : vector<16xi32>
      %select_n3A_2259 = arith.select %and3A_2255, %sub3A_2258, %div3A_2231 : vector<16xi1>, vector<16xi32>
      %mul3A_2260 = arith.constant 17 : i32
      %mul3A_2261 = vector.broadcast %mul3A_2260 : i32 to vector<16xi32>
      %mul3A_2262 = arith.muli %select_n3A_2259, %mul3A_2261 : vector<16xi32>
      %sub3A_2263 = arith.subi %min3A_2228, %mul3A_2262 : vector<16xi32>
      %mul3A_2264 = arith.constant 128 : i32
      %mul3A_2265 = vector.broadcast %mul3A_2264 : i32 to vector<16xi32>
      %mul3A_2266 = arith.muli %select_n3A_2259, %mul3A_2265 : vector<16xi32>
      %add3A_2267 = arith.addi %add3A_1533, %mul3A_2266 : vector<16xi32>
      %mul3A_2268 = arith.constant 2 : i32
      %mul3A_2269 = vector.broadcast %mul3A_2268 : i32 to vector<16xi32>
      %mul3A_2270 = arith.muli %sub3A_2263, %mul3A_2269 : vector<16xi32>
      %add3A_2271 = arith.addi %add3A_2267, %mul3A_2270 : vector<16xi32>
      %swap3A_2272 = arith.constant 1 : i32
      %swap3A_2273 = arith.index_cast %swap3A_2272 : i32 to index
      %swap3A_2274 = arith.constant 80 : index
      %swap3A_2275 = tpu.vector_load %arg6[%swap3A_2273, %swap3A_2274] {strides = array<i32>} : memref<3x128xi32, #tpu.memory_space<vmem>>, vector<16xi32>,
      tpu.vector_store %arg6[%swap3A_2273, %swap3A_2274], %add3A_2271 {strides = array<i32>} : memref<3x128xi32, #tpu.memory_space<vmem>>, vector<16xi32>,
      %add3A_2276 = arith.constant 224 : i32
      %add3A_2277 = vector.broadcast %add3A_2276 : i32 to vector<16xi32>
      %add3A_2278 = arith.addi %iota3A, %add3A_2277 : vector<16xi32>
      %min3A_2279 = arith.constant 288 : i32
      %min3A_2280 = vector.broadcast %min3A_2279 : i32 to vector<16xi32>
      %min3A_2281 = arith.minsi %add3A_2278, %min3A_2280 : vector<16xi32>
      %jit3A_2282 = arith.constant 17 : i32
      %div3A_2283 = vector.broadcast %jit3A_2282 : i32 to vector<16xi32>
      %div3A_2284 = arith.divsi %min3A_2281, %div3A_2283 : vector<16xi32>
      %sign3A_2285 = arith.constant 0 : i32
      %sign3A_2286 = vector.broadcast %sign3A_2285 : i32 to vector<16xi32>
      %sign3A_2287 = arith.cmpi sgt, %min3A_2281, %sign3A_2286 : vector<16xi32>
      %sign3A_2288 = arith.extui %sign3A_2287 : vector<16xi1> to vector<16xi32>
      %sign3A_2289 = arith.constant 0 : i32
      %sign3A_2290 = vector.broadcast %sign3A_2289 : i32 to vector<16xi32>
      %sign3A_2291 = arith.cmpi slt, %min3A_2281, %sign3A_2290 : vector<16xi32>
      %sign3A_2292 = arith.extui %sign3A_2291 : vector<16xi1> to vector<16xi32>
      %sign3A_2293 = arith.subi %sign3A_2288, %sign3A_2292 : vector<16xi32>
      %sign3A_2294 = arith.constant 0 : i32
      %sign3A_2295 = arith.cmpi sgt, %jit3A_2282, %sign3A_2294 : i32
      %sign3A_2296 = arith.extui %sign3A_2295 : i1 to i32
      %sign3A_2297 = arith.constant 0 : i32
      %sign3A_2298 = arith.cmpi slt, %jit3A_2282, %sign3A_2297 : i32
      %sign3A_2299 = arith.extui %sign3A_2298 : i1 to i32
      %sign3A_2300 = arith.subi %sign3A_2296, %sign3A_2299 : i32
      %ne3A_2301 = vector.broadcast %sign3A_2300 : i32 to vector<16xi32>
      %ne3A_2302 = arith.cmpi ne, %sign3A_2293, %ne3A_2301 : vector<16xi32>
      %rem3A_2303 = vector.broadcast %jit3A_2282 : i32 to vector<16xi32>
      %rem3A_2304 = arith.remsi %min3A_2281, %rem3A_2303 : vector<16xi32>
      %ne3A_2305 = arith.constant 0 : i32
      %ne3A_2306 = vector.broadcast %ne3A_2305 : i32 to vector<16xi32>
      %ne3A_2307 = arith.cmpi ne, %rem3A_2304, %ne3A_2306 : vector<16xi32>
      %and3A_2308 = arith.andi %ne3A_2302, %ne3A_2307 : vector<16xi1>
      %sub3A_2309 = arith.constant 1 : i32
      %sub3A_2310 = vector.broadcast %sub3A_2309 : i32 to vector<16xi32>
      %sub3A_2311 = arith.subi %div3A_2284, %sub3A_2310 : vector<16xi32>
      %select_n3A_2312 = arith.select %and3A_2308, %sub3A_2311, %div3A_2284 : vector<16xi1>, vector<16xi32>
      %mul3A_2313 = arith.constant 17 : i32
      %mul3A_2314 = vector.broadcast %mul3A_2313 : i32 to vector<16xi32>
      %mul3A_2315 = arith.muli %select_n3A_2312, %mul3A_2314 : vector<16xi32>
      %sub3A_2316 = arith.subi %min3A_2281, %mul3A_2315 : vector<16xi32>
      %mul3A_2317 = arith.constant 128 : i32
      %mul3A_2318 = vector.broadcast %mul3A_2317 : i32 to vector<16xi32>
      %mul3A_2319 = arith.muli %select_n3A_2312, %mul3A_2318 : vector<16xi32>
      %add3A_2320 = arith.addi %add3A_1533, %mul3A_2319 : vector<16xi32>
      %mul3A_2321 = arith.constant 2 : i32
      %mul3A_2322 = vector.broadcast %mul3A_2321 : i32 to vector<16xi32>
      %mul3A_2323 = arith.muli %sub3A_2316, %mul3A_2322 : vector<16xi32>
      %add3A_2324 = arith.addi %add3A_2320, %mul3A_2323 : vector<16xi32>
      %swap3A_2325 = arith.constant 1 : i32
      %swap3A_2326 = arith.index_cast %swap3A_2325 : i32 to index
      %swap3A_2327 = arith.constant 96 : index
      %swap3A_2328 = tpu.vector_load %arg6[%swap3A_2326, %swap3A_2327] {strides = array<i32>} : memref<3x128xi32, #tpu.memory_space<vmem>>, vector<16xi32>,
      tpu.vector_store %arg6[%swap3A_2326, %swap3A_2327], %add3A_2324 {strides = array<i32>} : memref<3x128xi32, #tpu.memory_space<vmem>>, vector<16xi32>,
      %add3A_2329 = arith.constant 240 : i32
      %add3A_2330 = vector.broadcast %add3A_2329 : i32 to vector<16xi32>
      %add3A_2331 = arith.addi %iota3A, %add3A_2330 : vector<16xi32>
      %min3A_2332 = arith.constant 288 : i32
      %min3A_2333 = vector.broadcast %min3A_2332 : i32 to vector<16xi32>
      %min3A_2334 = arith.minsi %add3A_2331, %min3A_2333 : vector<16xi32>
      %jit3A_2335 = arith.constant 17 : i32
      %div3A_2336 = vector.broadcast %jit3A_2335 : i32 to vector<16xi32>
      %div3A_2337 = arith.divsi %min3A_2334, %div3A_2336 : vector<16xi32>
      %sign3A_2338 = arith.constant 0 : i32
      %sign3A_2339 = vector.broadcast %sign3A_2338 : i32 to vector<16xi32>
      %sign3A_2340 = arith.cmpi sgt, %min3A_2334, %sign3A_2339 : vector<16xi32>
      %sign3A_2341 = arith.extui %sign3A_2340 : vector<16xi1> to vector<16xi32>
      %sign3A_2342 = arith.constant 0 : i32
      %sign3A_2343 = vector.broadcast %sign3A_2342 : i32 to vector<16xi32>
      %sign3A_2344 = arith.cmpi slt, %min3A_2334, %sign3A_2343 : vector<16xi32>
      %sign3A_2345 = arith.extui %sign3A_2344 : vector<16xi1> to vector<16xi32>
      %sign3A_2346 = arith.subi %sign3A_2341, %sign3A_2345 : vector<16xi32>
      %sign3A_2347 = arith.constant 0 : i32
      %sign3A_2348 = arith.cmpi sgt, %jit3A_2335, %sign3A_2347 : i32
      %sign3A_2349 = arith.extui %sign3A_2348 : i1 to i32
      %sign3A_2350 = arith.constant 0 : i32
      %sign3A_2351 = arith.cmpi slt, %jit3A_2335, %sign3A_2350 : i32
      %sign3A_2352 = arith.extui %sign3A_2351 : i1 to i32
      %sign3A_2353 = arith.subi %sign3A_2349, %sign3A_2352 : i32
      %ne3A_2354 = vector.broadcast %sign3A_2353 : i32 to vector<16xi32>
      %ne3A_2355 = arith.cmpi ne, %sign3A_2346, %ne3A_2354 : vector<16xi32>
      %rem3A_2356 = vector.broadcast %jit3A_2335 : i32 to vector<16xi32>
      %rem3A_2357 = arith.remsi %min3A_2334, %rem3A_2356 : vector<16xi32>
      %ne3A_2358 = arith.constant 0 : i32
      %ne3A_2359 = vector.broadcast %ne3A_2358 : i32 to vector<16xi32>
      %ne3A_2360 = arith.cmpi ne, %rem3A_2357, %ne3A_2359 : vector<16xi32>
      %and3A_2361 = arith.andi %ne3A_2355, %ne3A_2360 : vector<16xi1>
      %sub3A_2362 = arith.constant 1 : i32
      %sub3A_2363 = vector.broadcast %sub3A_2362 : i32 to vector<16xi32>
      %sub3A_2364 = arith.subi %div3A_2337, %sub3A_2363 : vector<16xi32>
      %select_n3A_2365 = arith.select %and3A_2361, %sub3A_2364, %div3A_2337 : vector<16xi1>, vector<16xi32>
      %mul3A_2366 = arith.constant 17 : i32
      %mul3A_2367 = vector.broadcast %mul3A_2366 : i32 to vector<16xi32>
      %mul3A_2368 = arith.muli %select_n3A_2365, %mul3A_2367 : vector<16xi32>
      %sub3A_2369 = arith.subi %min3A_2334, %mul3A_2368 : vector<16xi32>
      %mul3A_2370 = arith.constant 128 : i32
      %mul3A_2371 = vector.broadcast %mul3A_2370 : i32 to vector<16xi32>
      %mul3A_2372 = arith.muli %select_n3A_2365, %mul3A_2371 : vector<16xi32>
      %add3A_2373 = arith.addi %add3A_1533, %mul3A_2372 : vector<16xi32>
      %mul3A_2374 = arith.constant 2 : i32
      %mul3A_2375 = vector.broadcast %mul3A_2374 : i32 to vector<16xi32>
      %mul3A_2376 = arith.muli %sub3A_2369, %mul3A_2375 : vector<16xi32>
      %add3A_2377 = arith.addi %add3A_2373, %mul3A_2376 : vector<16xi32>
      %swap3A_2378 = arith.constant 1 : i32
      %swap3A_2379 = arith.index_cast %swap3A_2378 : i32 to index
      %swap3A_2380 = arith.constant 112 : index
      %swap3A_2381 = tpu.vector_load %arg6[%swap3A_2379, %swap3A_2380] {strides = array<i32>} : memref<3x128xi32, #tpu.memory_space<vmem>>, vector<16xi32>,
      tpu.vector_store %arg6[%swap3A_2379, %swap3A_2380], %add3A_2377 {strides = array<i32>} : memref<3x128xi32, #tpu.memory_space<vmem>>, vector<16xi32>,
      %add3A_2382 = arith.constant 256 : i32
      %add3A_2383 = vector.broadcast %add3A_2382 : i32 to vector<16xi32>
      %add3A_2384 = arith.addi %iota3A, %add3A_2383 : vector<16xi32>
      %min3A_2385 = arith.constant 288 : i32
      %min3A_2386 = vector.broadcast %min3A_2385 : i32 to vector<16xi32>
      %min3A_2387 = arith.minsi %add3A_2384, %min3A_2386 : vector<16xi32>
      %jit3A_2388 = arith.constant 17 : i32
      %div3A_2389 = vector.broadcast %jit3A_2388 : i32 to vector<16xi32>
      %div3A_2390 = arith.divsi %min3A_2387, %div3A_2389 : vector<16xi32>
      %sign3A_2391 = arith.constant 0 : i32
      %sign3A_2392 = vector.broadcast %sign3A_2391 : i32 to vector<16xi32>
      %sign3A_2393 = arith.cmpi sgt, %min3A_2387, %sign3A_2392 : vector<16xi32>
      %sign3A_2394 = arith.extui %sign3A_2393 : vector<16xi1> to vector<16xi32>
      %sign3A_2395 = arith.constant 0 : i32
      %sign3A_2396 = vector.broadcast %sign3A_2395 : i32 to vector<16xi32>
      %sign3A_2397 = arith.cmpi slt, %min3A_2387, %sign3A_2396 : vector<16xi32>
      %sign3A_2398 = arith.extui %sign3A_2397 : vector<16xi1> to vector<16xi32>
      %sign3A_2399 = arith.subi %sign3A_2394, %sign3A_2398 : vector<16xi32>
      %sign3A_2400 = arith.constant 0 : i32
      %sign3A_2401 = arith.cmpi sgt, %jit3A_2388, %sign3A_2400 : i32
      %sign3A_2402 = arith.extui %sign3A_2401 : i1 to i32
      %sign3A_2403 = arith.constant 0 : i32
      %sign3A_2404 = arith.cmpi slt, %jit3A_2388, %sign3A_2403 : i32
      %sign3A_2405 = arith.extui %sign3A_2404 : i1 to i32
      %sign3A_2406 = arith.subi %sign3A_2402, %sign3A_2405 : i32
      %ne3A_2407 = vector.broadcast %sign3A_2406 : i32 to vector<16xi32>
      %ne3A_2408 = arith.cmpi ne, %sign3A_2399, %ne3A_2407 : vector<16xi32>
      %rem3A_2409 = vector.broadcast %jit3A_2388 : i32 to vector<16xi32>
      %rem3A_2410 = arith.remsi %min3A_2387, %rem3A_2409 : vector<16xi32>
      %ne3A_2411 = arith.constant 0 : i32
      %ne3A_2412 = vector.broadcast %ne3A_2411 : i32 to vector<16xi32>
      %ne3A_2413 = arith.cmpi ne, %rem3A_2410, %ne3A_2412 : vector<16xi32>
      %and3A_2414 = arith.andi %ne3A_2408, %ne3A_2413 : vector<16xi1>
      %sub3A_2415 = arith.constant 1 : i32
      %sub3A_2416 = vector.broadcast %sub3A_2415 : i32 to vector<16xi32>
      %sub3A_2417 = arith.subi %div3A_2390, %sub3A_2416 : vector<16xi32>
      %select_n3A_2418 = arith.select %and3A_2414, %sub3A_2417, %div3A_2390 : vector<16xi1>, vector<16xi32>
      %mul3A_2419 = arith.constant 17 : i32
      %mul3A_2420 = vector.broadcast %mul3A_2419 : i32 to vector<16xi32>
      %mul3A_2421 = arith.muli %select_n3A_2418, %mul3A_2420 : vector<16xi32>
      %sub3A_2422 = arith.subi %min3A_2387, %mul3A_2421 : vector<16xi32>
      %mul3A_2423 = arith.constant 128 : i32
      %mul3A_2424 = vector.broadcast %mul3A_2423 : i32 to vector<16xi32>
      %mul3A_2425 = arith.muli %select_n3A_2418, %mul3A_2424 : vector<16xi32>
      %add3A_2426 = arith.addi %add3A_1533, %mul3A_2425 : vector<16xi32>
      %mul3A_2427 = arith.constant 2 : i32
      %mul3A_2428 = vector.broadcast %mul3A_2427 : i32 to vector<16xi32>
      %mul3A_2429 = arith.muli %sub3A_2422, %mul3A_2428 : vector<16xi32>
      %add3A_2430 = arith.addi %add3A_2426, %mul3A_2429 : vector<16xi32>
      %swap3A_2431 = arith.constant 2 : i32
      %swap3A_2432 = arith.index_cast %swap3A_2431 : i32 to index
      %swap3A_2433 = arith.constant 0 : index
      %swap3A_2434 = tpu.vector_load %arg6[%swap3A_2432, %swap3A_2433] {strides = array<i32>} : memref<3x128xi32, #tpu.memory_space<vmem>>, vector<16xi32>,
      tpu.vector_store %arg6[%swap3A_2432, %swap3A_2433], %add3A_2430 {strides = array<i32>} : memref<3x128xi32, #tpu.memory_space<vmem>>, vector<16xi32>,
      %add3A_2435 = arith.constant 272 : i32
      %add3A_2436 = vector.broadcast %add3A_2435 : i32 to vector<16xi32>
      %add3A_2437 = arith.addi %iota3A, %add3A_2436 : vector<16xi32>
      %min3A_2438 = arith.constant 288 : i32
      %min3A_2439 = vector.broadcast %min3A_2438 : i32 to vector<16xi32>
      %min3A_2440 = arith.minsi %add3A_2437, %min3A_2439 : vector<16xi32>
      %jit3A_2441 = arith.constant 17 : i32
      %div3A_2442 = vector.broadcast %jit3A_2441 : i32 to vector<16xi32>
      %div3A_2443 = arith.divsi %min3A_2440, %div3A_2442 : vector<16xi32>
      %sign3A_2444 = arith.constant 0 : i32
      %sign3A_2445 = vector.broadcast %sign3A_2444 : i32 to vector<16xi32>
      %sign3A_2446 = arith.cmpi sgt, %min3A_2440, %sign3A_2445 : vector<16xi32>
      %sign3A_2447 = arith.extui %sign3A_2446 : vector<16xi1> to vector<16xi32>
      %sign3A_2448 = arith.constant 0 : i32
      %sign3A_2449 = vector.broadcast %sign3A_2448 : i32 to vector<16xi32>
      %sign3A_2450 = arith.cmpi slt, %min3A_2440, %sign3A_2449 : vector<16xi32>
      %sign3A_2451 = arith.extui %sign3A_2450 : vector<16xi1> to vector<16xi32>
      %sign3A_2452 = arith.subi %sign3A_2447, %sign3A_2451 : vector<16xi32>
      %sign3A_2453 = arith.constant 0 : i32
      %sign3A_2454 = arith.cmpi sgt, %jit3A_2441, %sign3A_2453 : i32
      %sign3A_2455 = arith.extui %sign3A_2454 : i1 to i32
      %sign3A_2456 = arith.constant 0 : i32
      %sign3A_2457 = arith.cmpi slt, %jit3A_2441, %sign3A_2456 : i32
      %sign3A_2458 = arith.extui %sign3A_2457 : i1 to i32
      %sign3A_2459 = arith.subi %sign3A_2455, %sign3A_2458 : i32
      %ne3A_2460 = vector.broadcast %sign3A_2459 : i32 to vector<16xi32>
      %ne3A_2461 = arith.cmpi ne, %sign3A_2452, %ne3A_2460 : vector<16xi32>
      %rem3A_2462 = vector.broadcast %jit3A_2441 : i32 to vector<16xi32>
      %rem3A_2463 = arith.remsi %min3A_2440, %rem3A_2462 : vector<16xi32>
      %ne3A_2464 = arith.constant 0 : i32
      %ne3A_2465 = vector.broadcast %ne3A_2464 : i32 to vector<16xi32>
      %ne3A_2466 = arith.cmpi ne, %rem3A_2463, %ne3A_2465 : vector<16xi32>
      %and3A_2467 = arith.andi %ne3A_2461, %ne3A_2466 : vector<16xi1>
      %sub3A_2468 = arith.constant 1 : i32
      %sub3A_2469 = vector.broadcast %sub3A_2468 : i32 to vector<16xi32>
      %sub3A_2470 = arith.subi %div3A_2443, %sub3A_2469 : vector<16xi32>
      %select_n3A_2471 = arith.select %and3A_2467, %sub3A_2470, %div3A_2443 : vector<16xi1>, vector<16xi32>
      %mul3A_2472 = arith.constant 17 : i32
      %mul3A_2473 = vector.broadcast %mul3A_2472 : i32 to vector<16xi32>
      %mul3A_2474 = arith.muli %select_n3A_2471, %mul3A_2473 : vector<16xi32>
      %sub3A_2475 = arith.subi %min3A_2440, %mul3A_2474 : vector<16xi32>
      %mul3A_2476 = arith.constant 128 : i32
      %mul3A_2477 = vector.broadcast %mul3A_2476 : i32 to vector<16xi32>
      %mul3A_2478 = arith.muli %select_n3A_2471, %mul3A_2477 : vector<16xi32>
      %add3A_2479 = arith.addi %add3A_1533, %mul3A_2478 : vector<16xi32>
      %mul3A_2480 = arith.constant 2 : i32
      %mul3A_2481 = vector.broadcast %mul3A_2480 : i32 to vector<16xi32>
      %mul3A_2482 = arith.muli %sub3A_2475, %mul3A_2481 : vector<16xi32>
      %add3A_2483 = arith.addi %add3A_2479, %mul3A_2482 : vector<16xi32>
      %swap3A_2484 = arith.constant 2 : i32
      %swap3A_2485 = arith.index_cast %swap3A_2484 : i32 to index
      %swap3A_2486 = arith.constant 16 : index
      %swap3A_2487 = tpu.vector_load %arg6[%swap3A_2485, %swap3A_2486] {strides = array<i32>} : memref<3x128xi32, #tpu.memory_space<vmem>>, vector<16xi32>,
      tpu.vector_store %arg6[%swap3A_2485, %swap3A_2486], %add3A_2483 {strides = array<i32>} : memref<3x128xi32, #tpu.memory_space<vmem>>, vector<16xi32>,
      %add3A_2488 = arith.constant 288 : i32
      %add3A_2489 = vector.broadcast %add3A_2488 : i32 to vector<16xi32>
      %add3A_2490 = arith.addi %iota3A, %add3A_2489 : vector<16xi32>
      %min3A_2491 = arith.constant 288 : i32
      %min3A_2492 = vector.broadcast %min3A_2491 : i32 to vector<16xi32>
      %min3A_2493 = arith.minsi %add3A_2490, %min3A_2492 : vector<16xi32>
      %jit3A_2494 = arith.constant 17 : i32
      %div3A_2495 = vector.broadcast %jit3A_2494 : i32 to vector<16xi32>
      %div3A_2496 = arith.divsi %min3A_2493, %div3A_2495 : vector<16xi32>
      %sign3A_2497 = arith.constant 0 : i32
      %sign3A_2498 = vector.broadcast %sign3A_2497 : i32 to vector<16xi32>
      %sign3A_2499 = arith.cmpi sgt, %min3A_2493, %sign3A_2498 : vector<16xi32>
      %sign3A_2500 = arith.extui %sign3A_2499 : vector<16xi1> to vector<16xi32>
      %sign3A_2501 = arith.constant 0 : i32
      %sign3A_2502 = vector.broadcast %sign3A_2501 : i32 to vector<16xi32>
      %sign3A_2503 = arith.cmpi slt, %min3A_2493, %sign3A_2502 : vector<16xi32>
      %sign3A_2504 = arith.extui %sign3A_2503 : vector<16xi1> to vector<16xi32>
      %sign3A_2505 = arith.subi %sign3A_2500, %sign3A_2504 : vector<16xi32>
      %sign3A_2506 = arith.constant 0 : i32
      %sign3A_2507 = arith.cmpi sgt, %jit3A_2494, %sign3A_2506 : i32
      %sign3A_2508 = arith.extui %sign3A_2507 : i1 to i32
      %sign3A_2509 = arith.constant 0 : i32
      %sign3A_2510 = arith.cmpi slt, %jit3A_2494, %sign3A_2509 : i32
      %sign3A_2511 = arith.extui %sign3A_2510 : i1 to i32
      %sign3A_2512 = arith.subi %sign3A_2508, %sign3A_2511 : i32
      %ne3A_2513 = vector.broadcast %sign3A_2512 : i32 to vector<16xi32>
      %ne3A_2514 = arith.cmpi ne, %sign3A_2505, %ne3A_2513 : vector<16xi32>
      %rem3A_2515 = vector.broadcast %jit3A_2494 : i32 to vector<16xi32>
      %rem3A_2516 = arith.remsi %min3A_2493, %rem3A_2515 : vector<16xi32>
      %ne3A_2517 = arith.constant 0 : i32
      %ne3A_2518 = vector.broadcast %ne3A_2517 : i32 to vector<16xi32>
      %ne3A_2519 = arith.cmpi ne, %rem3A_2516, %ne3A_2518 : vector<16xi32>
      %and3A_2520 = arith.andi %ne3A_2514, %ne3A_2519 : vector<16xi1>
      %sub3A_2521 = arith.constant 1 : i32
      %sub3A_2522 = vector.broadcast %sub3A_2521 : i32 to vector<16xi32>
      %sub3A_2523 = arith.subi %div3A_2496, %sub3A_2522 : vector<16xi32>
      %select_n3A_2524 = arith.select %and3A_2520, %sub3A_2523, %div3A_2496 : vector<16xi1>, vector<16xi32>
      %mul3A_2525 = arith.constant 17 : i32
      %mul3A_2526 = vector.broadcast %mul3A_2525 : i32 to vector<16xi32>
      %mul3A_2527 = arith.muli %select_n3A_2524, %mul3A_2526 : vector<16xi32>
      %sub3A_2528 = arith.subi %min3A_2493, %mul3A_2527 : vector<16xi32>
      %mul3A_2529 = arith.constant 128 : i32
      %mul3A_2530 = vector.broadcast %mul3A_2529 : i32 to vector<16xi32>
      %mul3A_2531 = arith.muli %select_n3A_2524, %mul3A_2530 : vector<16xi32>
      %add3A_2532 = arith.addi %add3A_1533, %mul3A_2531 : vector<16xi32>
      %mul3A_2533 = arith.constant 2 : i32
      %mul3A_2534 = vector.broadcast %mul3A_2533 : i32 to vector<16xi32>
      %mul3A_2535 = arith.muli %sub3A_2528, %mul3A_2534 : vector<16xi32>
      %add3A_2536 = arith.addi %add3A_2532, %mul3A_2535 : vector<16xi32>
      %swap3A_2537 = arith.constant 2 : i32
      %swap3A_2538 = arith.index_cast %swap3A_2537 : i32 to index
      %swap3A_2539 = arith.constant 32 : index
      %swap3A_2540 = tpu.vector_load %arg6[%swap3A_2538, %swap3A_2539] {strides = array<i32>} : memref<3x128xi32, #tpu.memory_space<vmem>>, vector<16xi32>,
      tpu.vector_store %arg6[%swap3A_2538, %swap3A_2539], %add3A_2536 {strides = array<i32>} : memref<3x128xi32, #tpu.memory_space<vmem>>, vector<16xi32>,
      %add3A_2541 = arith.constant 304 : i32
      %add3A_2542 = vector.broadcast %add3A_2541 : i32 to vector<16xi32>
      %add3A_2543 = arith.addi %iota3A, %add3A_2542 : vector<16xi32>
      %min3A_2544 = arith.constant 288 : i32
      %min3A_2545 = vector.broadcast %min3A_2544 : i32 to vector<16xi32>
      %min3A_2546 = arith.minsi %add3A_2543, %min3A_2545 : vector<16xi32>
      %jit3A_2547 = arith.constant 17 : i32
      %div3A_2548 = vector.broadcast %jit3A_2547 : i32 to vector<16xi32>
      %div3A_2549 = arith.divsi %min3A_2546, %div3A_2548 : vector<16xi32>
      %sign3A_2550 = arith.constant 0 : i32
      %sign3A_2551 = vector.broadcast %sign3A_2550 : i32 to vector<16xi32>
      %sign3A_2552 = arith.cmpi sgt, %min3A_2546, %sign3A_2551 : vector<16xi32>
      %sign3A_2553 = arith.extui %sign3A_2552 : vector<16xi1> to vector<16xi32>
      %sign3A_2554 = arith.constant 0 : i32
      %sign3A_2555 = vector.broadcast %sign3A_2554 : i32 to vector<16xi32>
      %sign3A_2556 = arith.cmpi slt, %min3A_2546, %sign3A_2555 : vector<16xi32>
      %sign3A_2557 = arith.extui %sign3A_2556 : vector<16xi1> to vector<16xi32>
      %sign3A_2558 = arith.subi %sign3A_2553, %sign3A_2557 : vector<16xi32>
      %sign3A_2559 = arith.constant 0 : i32
      %sign3A_2560 = arith.cmpi sgt, %jit3A_2547, %sign3A_2559 : i32
      %sign3A_2561 = arith.extui %sign3A_2560 : i1 to i32
      %sign3A_2562 = arith.constant 0 : i32
      %sign3A_2563 = arith.cmpi slt, %jit3A_2547, %sign3A_2562 : i32
      %sign3A_2564 = arith.extui %sign3A_2563 : i1 to i32
      %sign3A_2565 = arith.subi %sign3A_2561, %sign3A_2564 : i32
      %ne3A_2566 = vector.broadcast %sign3A_2565 : i32 to vector<16xi32>
      %ne3A_2567 = arith.cmpi ne, %sign3A_2558, %ne3A_2566 : vector<16xi32>
      %rem3A_2568 = vector.broadcast %jit3A_2547 : i32 to vector<16xi32>
      %rem3A_2569 = arith.remsi %min3A_2546, %rem3A_2568 : vector<16xi32>
      %ne3A_2570 = arith.constant 0 : i32
      %ne3A_2571 = vector.broadcast %ne3A_2570 : i32 to vector<16xi32>
      %ne3A_2572 = arith.cmpi ne, %rem3A_2569, %ne3A_2571 : vector<16xi32>
      %and3A_2573 = arith.andi %ne3A_2567, %ne3A_2572 : vector<16xi1>
      %sub3A_2574 = arith.constant 1 : i32
      %sub3A_2575 = vector.broadcast %sub3A_2574 : i32 to vector<16xi32>
      %sub3A_2576 = arith.subi %div3A_2549, %sub3A_2575 : vector<16xi32>
      %select_n3A_2577 = arith.select %and3A_2573, %sub3A_2576, %div3A_2549 : vector<16xi1>, vector<16xi32>
      %mul3A_2578 = arith.constant 17 : i32
      %mul3A_2579 = vector.broadcast %mul3A_2578 : i32 to vector<16xi32>
      %mul3A_2580 = arith.muli %select_n3A_2577, %mul3A_2579 : vector<16xi32>
      %sub3A_2581 = arith.subi %min3A_2546, %mul3A_2580 : vector<16xi32>
      %mul3A_2582 = arith.constant 128 : i32
      %mul3A_2583 = vector.broadcast %mul3A_2582 : i32 to vector<16xi32>
      %mul3A_2584 = arith.muli %select_n3A_2577, %mul3A_2583 : vector<16xi32>
      %add3A_2585 = arith.addi %add3A_1533, %mul3A_2584 : vector<16xi32>
      %mul3A_2586 = arith.constant 2 : i32
      %mul3A_2587 = vector.broadcast %mul3A_2586 : i32 to vector<16xi32>
      %mul3A_2588 = arith.muli %sub3A_2581, %mul3A_2587 : vector<16xi32>
      %add3A_2589 = arith.addi %add3A_2585, %mul3A_2588 : vector<16xi32>
      %swap3A_2590 = arith.constant 2 : i32
      %swap3A_2591 = arith.index_cast %swap3A_2590 : i32 to index
      %swap3A_2592 = arith.constant 48 : index
      %swap3A_2593 = tpu.vector_load %arg6[%swap3A_2591, %swap3A_2592] {strides = array<i32>} : memref<3x128xi32, #tpu.memory_space<vmem>>, vector<16xi32>,
      tpu.vector_store %arg6[%swap3A_2591, %swap3A_2592], %add3A_2589 {strides = array<i32>} : memref<3x128xi32, #tpu.memory_space<vmem>>, vector<16xi32>,
      %add3A_2594 = arith.constant 320 : i32
      %add3A_2595 = vector.broadcast %add3A_2594 : i32 to vector<16xi32>
      %add3A_2596 = arith.addi %iota3A, %add3A_2595 : vector<16xi32>
      %min3A_2597 = arith.constant 288 : i32
      %min3A_2598 = vector.broadcast %min3A_2597 : i32 to vector<16xi32>
      %min3A_2599 = arith.minsi %add3A_2596, %min3A_2598 : vector<16xi32>
      %jit3A_2600 = arith.constant 17 : i32
      %div3A_2601 = vector.broadcast %jit3A_2600 : i32 to vector<16xi32>
      %div3A_2602 = arith.divsi %min3A_2599, %div3A_2601 : vector<16xi32>
      %sign3A_2603 = arith.constant 0 : i32
      %sign3A_2604 = vector.broadcast %sign3A_2603 : i32 to vector<16xi32>
      %sign3A_2605 = arith.cmpi sgt, %min3A_2599, %sign3A_2604 : vector<16xi32>
      %sign3A_2606 = arith.extui %sign3A_2605 : vector<16xi1> to vector<16xi32>
      %sign3A_2607 = arith.constant 0 : i32
      %sign3A_2608 = vector.broadcast %sign3A_2607 : i32 to vector<16xi32>
      %sign3A_2609 = arith.cmpi slt, %min3A_2599, %sign3A_2608 : vector<16xi32>
      %sign3A_2610 = arith.extui %sign3A_2609 : vector<16xi1> to vector<16xi32>
      %sign3A_2611 = arith.subi %sign3A_2606, %sign3A_2610 : vector<16xi32>
      %sign3A_2612 = arith.constant 0 : i32
      %sign3A_2613 = arith.cmpi sgt, %jit3A_2600, %sign3A_2612 : i32
      %sign3A_2614 = arith.extui %sign3A_2613 : i1 to i32
      %sign3A_2615 = arith.constant 0 : i32
      %sign3A_2616 = arith.cmpi slt, %jit3A_2600, %sign3A_2615 : i32
      %sign3A_2617 = arith.extui %sign3A_2616 : i1 to i32
      %sign3A_2618 = arith.subi %sign3A_2614, %sign3A_2617 : i32
      %ne3A_2619 = vector.broadcast %sign3A_2618 : i32 to vector<16xi32>
      %ne3A_2620 = arith.cmpi ne, %sign3A_2611, %ne3A_2619 : vector<16xi32>
      %rem3A_2621 = vector.broadcast %jit3A_2600 : i32 to vector<16xi32>
      %rem3A_2622 = arith.remsi %min3A_2599, %rem3A_2621 : vector<16xi32>
      %ne3A_2623 = arith.constant 0 : i32
      %ne3A_2624 = vector.broadcast %ne3A_2623 : i32 to vector<16xi32>
      %ne3A_2625 = arith.cmpi ne, %rem3A_2622, %ne3A_2624 : vector<16xi32>
      %and3A_2626 = arith.andi %ne3A_2620, %ne3A_2625 : vector<16xi1>
      %sub3A_2627 = arith.constant 1 : i32
      %sub3A_2628 = vector.broadcast %sub3A_2627 : i32 to vector<16xi32>
      %sub3A_2629 = arith.subi %div3A_2602, %sub3A_2628 : vector<16xi32>
      %select_n3A_2630 = arith.select %and3A_2626, %sub3A_2629, %div3A_2602 : vector<16xi1>, vector<16xi32>
      %mul3A_2631 = arith.constant 17 : i32
      %mul3A_2632 = vector.broadcast %mul3A_2631 : i32 to vector<16xi32>
      %mul3A_2633 = arith.muli %select_n3A_2630, %mul3A_2632 : vector<16xi32>
      %sub3A_2634 = arith.subi %min3A_2599, %mul3A_2633 : vector<16xi32>
      %mul3A_2635 = arith.constant 128 : i32
      %mul3A_2636 = vector.broadcast %mul3A_2635 : i32 to vector<16xi32>
      %mul3A_2637 = arith.muli %select_n3A_2630, %mul3A_2636 : vector<16xi32>
      %add3A_2638 = arith.addi %add3A_1533, %mul3A_2637 : vector<16xi32>
      %mul3A_2639 = arith.constant 2 : i32
      %mul3A_2640 = vector.broadcast %mul3A_2639 : i32 to vector<16xi32>
      %mul3A_2641 = arith.muli %sub3A_2634, %mul3A_2640 : vector<16xi32>
      %add3A_2642 = arith.addi %add3A_2638, %mul3A_2641 : vector<16xi32>
      %swap3A_2643 = arith.constant 2 : i32
      %swap3A_2644 = arith.index_cast %swap3A_2643 : i32 to index
      %swap3A_2645 = arith.constant 64 : index
      %swap3A_2646 = tpu.vector_load %arg6[%swap3A_2644, %swap3A_2645] {strides = array<i32>} : memref<3x128xi32, #tpu.memory_space<vmem>>, vector<16xi32>,
      tpu.vector_store %arg6[%swap3A_2644, %swap3A_2645], %add3A_2642 {strides = array<i32>} : memref<3x128xi32, #tpu.memory_space<vmem>>, vector<16xi32>,
      %add3A_2647 = arith.constant 336 : i32
      %add3A_2648 = vector.broadcast %add3A_2647 : i32 to vector<16xi32>
      %add3A_2649 = arith.addi %iota3A, %add3A_2648 : vector<16xi32>
      %min3A_2650 = arith.constant 288 : i32
      %min3A_2651 = vector.broadcast %min3A_2650 : i32 to vector<16xi32>
      %min3A_2652 = arith.minsi %add3A_2649, %min3A_2651 : vector<16xi32>
      %jit3A_2653 = arith.constant 17 : i32
      %div3A_2654 = vector.broadcast %jit3A_2653 : i32 to vector<16xi32>
      %div3A_2655 = arith.divsi %min3A_2652, %div3A_2654 : vector<16xi32>
      %sign3A_2656 = arith.constant 0 : i32
      %sign3A_2657 = vector.broadcast %sign3A_2656 : i32 to vector<16xi32>
      %sign3A_2658 = arith.cmpi sgt, %min3A_2652, %sign3A_2657 : vector<16xi32>
      %sign3A_2659 = arith.extui %sign3A_2658 : vector<16xi1> to vector<16xi32>
      %sign3A_2660 = arith.constant 0 : i32
      %sign3A_2661 = vector.broadcast %sign3A_2660 : i32 to vector<16xi32>
      %sign3A_2662 = arith.cmpi slt, %min3A_2652, %sign3A_2661 : vector<16xi32>
      %sign3A_2663 = arith.extui %sign3A_2662 : vector<16xi1> to vector<16xi32>
      %sign3A_2664 = arith.subi %sign3A_2659, %sign3A_2663 : vector<16xi32>
      %sign3A_2665 = arith.constant 0 : i32
      %sign3A_2666 = arith.cmpi sgt, %jit3A_2653, %sign3A_2665 : i32
      %sign3A_2667 = arith.extui %sign3A_2666 : i1 to i32
      %sign3A_2668 = arith.constant 0 : i32
      %sign3A_2669 = arith.cmpi slt, %jit3A_2653, %sign3A_2668 : i32
      %sign3A_2670 = arith.extui %sign3A_2669 : i1 to i32
      %sign3A_2671 = arith.subi %sign3A_2667, %sign3A_2670 : i32
      %ne3A_2672 = vector.broadcast %sign3A_2671 : i32 to vector<16xi32>
      %ne3A_2673 = arith.cmpi ne, %sign3A_2664, %ne3A_2672 : vector<16xi32>
      %rem3A_2674 = vector.broadcast %jit3A_2653 : i32 to vector<16xi32>
      %rem3A_2675 = arith.remsi %min3A_2652, %rem3A_2674 : vector<16xi32>
      %ne3A_2676 = arith.constant 0 : i32
      %ne3A_2677 = vector.broadcast %ne3A_2676 : i32 to vector<16xi32>
      %ne3A_2678 = arith.cmpi ne, %rem3A_2675, %ne3A_2677 : vector<16xi32>
      %and3A_2679 = arith.andi %ne3A_2673, %ne3A_2678 : vector<16xi1>
      %sub3A_2680 = arith.constant 1 : i32
      %sub3A_2681 = vector.broadcast %sub3A_2680 : i32 to vector<16xi32>
      %sub3A_2682 = arith.subi %div3A_2655, %sub3A_2681 : vector<16xi32>
      %select_n3A_2683 = arith.select %and3A_2679, %sub3A_2682, %div3A_2655 : vector<16xi1>, vector<16xi32>
      %mul3A_2684 = arith.constant 17 : i32
      %mul3A_2685 = vector.broadcast %mul3A_2684 : i32 to vector<16xi32>
      %mul3A_2686 = arith.muli %select_n3A_2683, %mul3A_2685 : vector<16xi32>
      %sub3A_2687 = arith.subi %min3A_2652, %mul3A_2686 : vector<16xi32>
      %mul3A_2688 = arith.constant 128 : i32
      %mul3A_2689 = vector.broadcast %mul3A_2688 : i32 to vector<16xi32>
      %mul3A_2690 = arith.muli %select_n3A_2683, %mul3A_2689 : vector<16xi32>
      %add3A_2691 = arith.addi %add3A_1533, %mul3A_2690 : vector<16xi32>
      %mul3A_2692 = arith.constant 2 : i32
      %mul3A_2693 = vector.broadcast %mul3A_2692 : i32 to vector<16xi32>
      %mul3A_2694 = arith.muli %sub3A_2687, %mul3A_2693 : vector<16xi32>
      %add3A_2695 = arith.addi %add3A_2691, %mul3A_2694 : vector<16xi32>
      %swap3A_2696 = arith.constant 2 : i32
      %swap3A_2697 = arith.index_cast %swap3A_2696 : i32 to index
      %swap3A_2698 = arith.constant 80 : index
      %swap3A_2699 = tpu.vector_load %arg6[%swap3A_2697, %swap3A_2698] {strides = array<i32>} : memref<3x128xi32, #tpu.memory_space<vmem>>, vector<16xi32>,
      tpu.vector_store %arg6[%swap3A_2697, %swap3A_2698], %add3A_2695 {strides = array<i32>} : memref<3x128xi32, #tpu.memory_space<vmem>>, vector<16xi32>,
      %add3A_2700 = arith.constant 352 : i32
      %add3A_2701 = vector.broadcast %add3A_2700 : i32 to vector<16xi32>
      %add3A_2702 = arith.addi %iota3A, %add3A_2701 : vector<16xi32>
      %min3A_2703 = arith.constant 288 : i32
      %min3A_2704 = vector.broadcast %min3A_2703 : i32 to vector<16xi32>
      %min3A_2705 = arith.minsi %add3A_2702, %min3A_2704 : vector<16xi32>
      %jit3A_2706 = arith.constant 17 : i32
      %div3A_2707 = vector.broadcast %jit3A_2706 : i32 to vector<16xi32>
      %div3A_2708 = arith.divsi %min3A_2705, %div3A_2707 : vector<16xi32>
      %sign3A_2709 = arith.constant 0 : i32
      %sign3A_2710 = vector.broadcast %sign3A_2709 : i32 to vector<16xi32>
      %sign3A_2711 = arith.cmpi sgt, %min3A_2705, %sign3A_2710 : vector<16xi32>
      %sign3A_2712 = arith.extui %sign3A_2711 : vector<16xi1> to vector<16xi32>
      %sign3A_2713 = arith.constant 0 : i32
      %sign3A_2714 = vector.broadcast %sign3A_2713 : i32 to vector<16xi32>
      %sign3A_2715 = arith.cmpi slt, %min3A_2705, %sign3A_2714 : vector<16xi32>
      %sign3A_2716 = arith.extui %sign3A_2715 : vector<16xi1> to vector<16xi32>
      %sign3A_2717 = arith.subi %sign3A_2712, %sign3A_2716 : vector<16xi32>
      %sign3A_2718 = arith.constant 0 : i32
      %sign3A_2719 = arith.cmpi sgt, %jit3A_2706, %sign3A_2718 : i32
      %sign3A_2720 = arith.extui %sign3A_2719 : i1 to i32
      %sign3A_2721 = arith.constant 0 : i32
      %sign3A_2722 = arith.cmpi slt, %jit3A_2706, %sign3A_2721 : i32
      %sign3A_2723 = arith.extui %sign3A_2722 : i1 to i32
      %sign3A_2724 = arith.subi %sign3A_2720, %sign3A_2723 : i32
      %ne3A_2725 = vector.broadcast %sign3A_2724 : i32 to vector<16xi32>
      %ne3A_2726 = arith.cmpi ne, %sign3A_2717, %ne3A_2725 : vector<16xi32>
      %rem3A_2727 = vector.broadcast %jit3A_2706 : i32 to vector<16xi32>
      %rem3A_2728 = arith.remsi %min3A_2705, %rem3A_2727 : vector<16xi32>
      %ne3A_2729 = arith.constant 0 : i32
      %ne3A_2730 = vector.broadcast %ne3A_2729 : i32 to vector<16xi32>
      %ne3A_2731 = arith.cmpi ne, %rem3A_2728, %ne3A_2730 : vector<16xi32>
      %and3A_2732 = arith.andi %ne3A_2726, %ne3A_2731 : vector<16xi1>
      %sub3A_2733 = arith.constant 1 : i32
      %sub3A_2734 = vector.broadcast %sub3A_2733 : i32 to vector<16xi32>
      %sub3A_2735 = arith.subi %div3A_2708, %sub3A_2734 : vector<16xi32>
      %select_n3A_2736 = arith.select %and3A_2732, %sub3A_2735, %div3A_2708 : vector<16xi1>, vector<16xi32>
      %mul3A_2737 = arith.constant 17 : i32
      %mul3A_2738 = vector.broadcast %mul3A_2737 : i32 to vector<16xi32>
      %mul3A_2739 = arith.muli %select_n3A_2736, %mul3A_2738 : vector<16xi32>
      %sub3A_2740 = arith.subi %min3A_2705, %mul3A_2739 : vector<16xi32>
      %mul3A_2741 = arith.constant 128 : i32
      %mul3A_2742 = vector.broadcast %mul3A_2741 : i32 to vector<16xi32>
      %mul3A_2743 = arith.muli %select_n3A_2736, %mul3A_2742 : vector<16xi32>
      %add3A_2744 = arith.addi %add3A_1533, %mul3A_2743 : vector<16xi32>
      %mul3A_2745 = arith.constant 2 : i32
      %mul3A_2746 = vector.broadcast %mul3A_2745 : i32 to vector<16xi32>
      %mul3A_2747 = arith.muli %sub3A_2740, %mul3A_2746 : vector<16xi32>
      %add3A_2748 = arith.addi %add3A_2744, %mul3A_2747 : vector<16xi32>
      %swap3A_2749 = arith.constant 2 : i32
      %swap3A_2750 = arith.index_cast %swap3A_2749 : i32 to index
      %swap3A_2751 = arith.constant 96 : index
      %swap3A_2752 = tpu.vector_load %arg6[%swap3A_2750, %swap3A_2751] {strides = array<i32>} : memref<3x128xi32, #tpu.memory_space<vmem>>, vector<16xi32>,
      tpu.vector_store %arg6[%swap3A_2750, %swap3A_2751], %add3A_2748 {strides = array<i32>} : memref<3x128xi32, #tpu.memory_space<vmem>>, vector<16xi32>,
      %add3A_2753 = arith.constant 368 : i32
      %add3A_2754 = vector.broadcast %add3A_2753 : i32 to vector<16xi32>
      %add3A_2755 = arith.addi %iota3A, %add3A_2754 : vector<16xi32>
      %min3A_2756 = arith.constant 288 : i32
      %min3A_2757 = vector.broadcast %min3A_2756 : i32 to vector<16xi32>
      %min3A_2758 = arith.minsi %add3A_2755, %min3A_2757 : vector<16xi32>
      %jit3A_2759 = arith.constant 17 : i32
      %div3A_2760 = vector.broadcast %jit3A_2759 : i32 to vector<16xi32>
      %div3A_2761 = arith.divsi %min3A_2758, %div3A_2760 : vector<16xi32>
      %sign3A_2762 = arith.constant 0 : i32
      %sign3A_2763 = vector.broadcast %sign3A_2762 : i32 to vector<16xi32>
      %sign3A_2764 = arith.cmpi sgt, %min3A_2758, %sign3A_2763 : vector<16xi32>
      %sign3A_2765 = arith.extui %sign3A_2764 : vector<16xi1> to vector<16xi32>
      %sign3A_2766 = arith.constant 0 : i32
      %sign3A_2767 = vector.broadcast %sign3A_2766 : i32 to vector<16xi32>
      %sign3A_2768 = arith.cmpi slt, %min3A_2758, %sign3A_2767 : vector<16xi32>
      %sign3A_2769 = arith.extui %sign3A_2768 : vector<16xi1> to vector<16xi32>
      %sign3A_2770 = arith.subi %sign3A_2765, %sign3A_2769 : vector<16xi32>
      %sign3A_2771 = arith.constant 0 : i32
      %sign3A_2772 = arith.cmpi sgt, %jit3A_2759, %sign3A_2771 : i32
      %sign3A_2773 = arith.extui %sign3A_2772 : i1 to i32
      %sign3A_2774 = arith.constant 0 : i32
      %sign3A_2775 = arith.cmpi slt, %jit3A_2759, %sign3A_2774 : i32
      %sign3A_2776 = arith.extui %sign3A_2775 : i1 to i32
      %sign3A_2777 = arith.subi %sign3A_2773, %sign3A_2776 : i32
      %ne3A_2778 = vector.broadcast %sign3A_2777 : i32 to vector<16xi32>
      %ne3A_2779 = arith.cmpi ne, %sign3A_2770, %ne3A_2778 : vector<16xi32>
      %rem3A_2780 = vector.broadcast %jit3A_2759 : i32 to vector<16xi32>
      %rem3A_2781 = arith.remsi %min3A_2758, %rem3A_2780 : vector<16xi32>
      %ne3A_2782 = arith.constant 0 : i32
      %ne3A_2783 = vector.broadcast %ne3A_2782 : i32 to vector<16xi32>
      %ne3A_2784 = arith.cmpi ne, %rem3A_2781, %ne3A_2783 : vector<16xi32>
      %and3A_2785 = arith.andi %ne3A_2779, %ne3A_2784 : vector<16xi1>
      %sub3A_2786 = arith.constant 1 : i32
      %sub3A_2787 = vector.broadcast %sub3A_2786 : i32 to vector<16xi32>
      %sub3A_2788 = arith.subi %div3A_2761, %sub3A_2787 : vector<16xi32>
      %select_n3A_2789 = arith.select %and3A_2785, %sub3A_2788, %div3A_2761 : vector<16xi1>, vector<16xi32>
      %mul3A_2790 = arith.constant 17 : i32
      %mul3A_2791 = vector.broadcast %mul3A_2790 : i32 to vector<16xi32>
      %mul3A_2792 = arith.muli %select_n3A_2789, %mul3A_2791 : vector<16xi32>
      %sub3A_2793 = arith.subi %min3A_2758, %mul3A_2792 : vector<16xi32>
      %mul3A_2794 = arith.constant 128 : i32
      %mul3A_2795 = vector.broadcast %mul3A_2794 : i32 to vector<16xi32>
      %mul3A_2796 = arith.muli %select_n3A_2789, %mul3A_2795 : vector<16xi32>
      %add3A_2797 = arith.addi %add3A_1533, %mul3A_2796 : vector<16xi32>
      %mul3A_2798 = arith.constant 2 : i32
      %mul3A_2799 = vector.broadcast %mul3A_2798 : i32 to vector<16xi32>
      %mul3A_2800 = arith.muli %sub3A_2793, %mul3A_2799 : vector<16xi32>
      %add3A_2801 = arith.addi %add3A_2797, %mul3A_2800 : vector<16xi32>
      %swap3A_2802 = arith.constant 2 : i32
      %swap3A_2803 = arith.index_cast %swap3A_2802 : i32 to index
      %swap3A_2804 = arith.constant 112 : index
      %swap3A_2805 = tpu.vector_load %arg6[%swap3A_2803, %swap3A_2804] {strides = array<i32>} : memref<3x128xi32, #tpu.memory_space<vmem>>, vector<16xi32>,
      tpu.vector_store %arg6[%swap3A_2803, %swap3A_2804], %add3A_2801 {strides = array<i32>} : memref<3x128xi32, #tpu.memory_space<vmem>>, vector<16xi32>,
      %dma_start3A_2806 = arith.constant 0 : i32
      %dma_start3A_2807 = arith.constant 0 : i32
      %dma_start3A_2808 = arith.constant 0 : i32
      %dma_start3A_2809 = tpu.memref_slice %arg7[%dma_start3A_2807, %dma_start3A_2808] : memref<384x128xf32, #tpu.memory_space<vmem>> -> memref<128x128xf32, #tpu.memory_space<vmem>>
      %dma_start3A_2810 = arith.constant 0 : i32
      %dma_start3A_2811 = tpu.memref_slice %arg6[%dma_start3A_2806, %dma_start3A_2810] : memref<3x128xi32, #tpu.memory_space<vmem>> -> memref<1x128xi32, #tpu.memory_space<vmem>>
      %dma_start3A_2812 = tpu.memref_squeeze %dma_start3A_2811 : memref<1x128xi32, #tpu.memory_space<vmem>> -> memref<128xi32, #tpu.memory_space<vmem>>
      %dma_start3A_2813 = arith.constant 0 : i32
      %dma_start3A_2814 = arith.constant 0 : i32
      %dma_start3A_2815 = tpu.memref_slice %arg2[%dma_start3A_2813, %dma_start3A_2814] : memref<16384x128xf32, #tpu.memory_space<hbm>> -> memref<16384x128xf32, #tpu.memory_space<hbm>>
      tpu.enqueue_indirect_dma source(%dma_start3A_2815 : memref<16384x128xf32, #tpu.memory_space<hbm>>) target(%dma_start3A_2809 : memref<128x128xf32, #tpu.memory_space<vmem>>) offsets(%dma_start3A_2812 : memref<128xi32, #tpu.memory_space<vmem>>) semaphore(%arg9 : memref<!tpu.dma_semaphore, #tpu.memory_space<semaphore_mem>>)
      %dma_start3A_2816 = arith.constant 1 : i32
      %dma_start3A_2817 = arith.constant 128 : i32
      %dma_start3A_2818 = arith.constant 0 : i32
      %dma_start3A_2819 = tpu.memref_slice %arg7[%dma_start3A_2817, %dma_start3A_2818] : memref<384x128xf32, #tpu.memory_space<vmem>> -> memref<128x128xf32, #tpu.memory_space<vmem>>
      %dma_start3A_2820 = arith.constant 0 : i32
      %dma_start3A_2821 = tpu.memref_slice %arg6[%dma_start3A_2816, %dma_start3A_2820] : memref<3x128xi32, #tpu.memory_space<vmem>> -> memref<1x128xi32, #tpu.memory_space<vmem>>
      %dma_start3A_2822 = tpu.memref_squeeze %dma_start3A_2821 : memref<1x128xi32, #tpu.memory_space<vmem>> -> memref<128xi32, #tpu.memory_space<vmem>>
      %dma_start3A_2823 = arith.constant 0 : i32
      %dma_start3A_2824 = arith.constant 0 : i32
      %dma_start3A_2825 = tpu.memref_slice %arg2[%dma_start3A_2823, %dma_start3A_2824] : memref<16384x128xf32, #tpu.memory_space<hbm>> -> memref<16384x128xf32, #tpu.memory_space<hbm>>
      tpu.enqueue_indirect_dma source(%dma_start3A_2825 : memref<16384x128xf32, #tpu.memory_space<hbm>>) target(%dma_start3A_2819 : memref<128x128xf32, #tpu.memory_space<vmem>>) offsets(%dma_start3A_2822 : memref<128xi32, #tpu.memory_space<vmem>>) semaphore(%arg9 : memref<!tpu.dma_semaphore, #tpu.memory_space<semaphore_mem>>)
      %dma_start3A_2826 = arith.constant 2 : i32
      %dma_start3A_2827 = arith.constant 256 : i32
      %dma_start3A_2828 = arith.constant 0 : i32
      %dma_start3A_2829 = tpu.memref_slice %arg7[%dma_start3A_2827, %dma_start3A_2828] : memref<384x128xf32, #tpu.memory_space<vmem>> -> memref<128x128xf32, #tpu.memory_space<vmem>>
      %dma_start3A_2830 = arith.constant 0 : i32
      %dma_start3A_2831 = tpu.memref_slice %arg6[%dma_start3A_2826, %dma_start3A_2830] : memref<3x128xi32, #tpu.memory_space<vmem>> -> memref<1x128xi32, #tpu.memory_space<vmem>>
      %dma_start3A_2832 = tpu.memref_squeeze %dma_start3A_2831 : memref<1x128xi32, #tpu.memory_space<vmem>> -> memref<128xi32, #tpu.memory_space<vmem>>
      %dma_start3A_2833 = arith.constant 0 : i32
      %dma_start3A_2834 = arith.constant 0 : i32
      %dma_start3A_2835 = tpu.memref_slice %arg2[%dma_start3A_2833, %dma_start3A_2834] : memref<16384x128xf32, #tpu.memory_space<hbm>> -> memref<16384x128xf32, #tpu.memory_space<hbm>>
      tpu.enqueue_indirect_dma source(%dma_start3A_2835 : memref<16384x128xf32, #tpu.memory_space<hbm>>) target(%dma_start3A_2829 : memref<128x128xf32, #tpu.memory_space<vmem>>) offsets(%dma_start3A_2832 : memref<128xi32, #tpu.memory_space<vmem>>) semaphore(%arg9 : memref<!tpu.dma_semaphore, #tpu.memory_space<semaphore_mem>>)
      %dma_wait3A_2836 = arith.constant 0 : i32
      %dma_wait3A_2837 = arith.constant 0 : i32
      %dma_wait3A_2838 = arith.constant 0 : i32
      %dma_wait3A_2839 = tpu.memref_slice %arg7[%dma_wait3A_2837, %dma_wait3A_2838] : memref<384x128xf32, #tpu.memory_space<vmem>> -> memref<128x128xf32, #tpu.memory_space<vmem>>
      %dma_wait3A_2840 = arith.constant 0 : i32
      %dma_wait3A_2841 = tpu.memref_slice %arg6[%dma_wait3A_2836, %dma_wait3A_2840] : memref<3x128xi32, #tpu.memory_space<vmem>> -> memref<1x128xi32, #tpu.memory_space<vmem>>
      %dma_wait3A_2842 = tpu.memref_squeeze %dma_wait3A_2841 : memref<1x128xi32, #tpu.memory_space<vmem>> -> memref<128xi32, #tpu.memory_space<vmem>>
      %dma_wait3A_2843 = arith.constant 0 : i32
      %dma_wait3A_2844 = arith.constant 0 : i32
      %dma_wait3A_2845 = tpu.memref_slice %arg2[%dma_wait3A_2843, %dma_wait3A_2844] : memref<16384x128xf32, #tpu.memory_space<hbm>> -> memref<16384x128xf32, #tpu.memory_space<hbm>>
      tpu.wait_indirect_dma semaphore(%arg9 : memref<!tpu.dma_semaphore, #tpu.memory_space<semaphore_mem>>) src(%dma_wait3A_2845 : memref<16384x128xf32, #tpu.memory_space<hbm>>) dst(%dma_wait3A_2839 : memref<128x128xf32, #tpu.memory_space<vmem>>)
      %dma_wait3A_2846 = arith.constant 1 : i32
      %dma_wait3A_2847 = arith.constant 128 : i32
      %dma_wait3A_2848 = arith.constant 0 : i32
      %dma_wait3A_2849 = tpu.memref_slice %arg7[%dma_wait3A_2847, %dma_wait3A_2848] : memref<384x128xf32, #tpu.memory_space<vmem>> -> memref<128x128xf32, #tpu.memory_space<vmem>>
      %dma_wait3A_2850 = arith.constant 0 : i32
      %dma_wait3A_2851 = tpu.memref_slice %arg6[%dma_wait3A_2846, %dma_wait3A_2850] : memref<3x128xi32, #tpu.memory_space<vmem>> -> memref<1x128xi32, #tpu.memory_space<vmem>>
      %dma_wait3A_2852 = tpu.memref_squeeze %dma_wait3A_2851 : memref<1x128xi32, #tpu.memory_space<vmem>> -> memref<128xi32, #tpu.memory_space<vmem>>
      %dma_wait3A_2853 = arith.constant 0 : i32
      %dma_wait3A_2854 = arith.constant 0 : i32
      %dma_wait3A_2855 = tpu.memref_slice %arg2[%dma_wait3A_2853, %dma_wait3A_2854] : memref<16384x128xf32, #tpu.memory_space<hbm>> -> memref<16384x128xf32, #tpu.memory_space<hbm>>
      tpu.wait_indirect_dma semaphore(%arg9 : memref<!tpu.dma_semaphore, #tpu.memory_space<semaphore_mem>>) src(%dma_wait3A_2855 : memref<16384x128xf32, #tpu.memory_space<hbm>>) dst(%dma_wait3A_2849 : memref<128x128xf32, #tpu.memory_space<vmem>>)
      %dma_wait3A_2856 = arith.constant 2 : i32
      %dma_wait3A_2857 = arith.constant 256 : i32
      %dma_wait3A_2858 = arith.constant 0 : i32
      %dma_wait3A_2859 = tpu.memref_slice %arg7[%dma_wait3A_2857, %dma_wait3A_2858] : memref<384x128xf32, #tpu.memory_space<vmem>> -> memref<128x128xf32, #tpu.memory_space<vmem>>
      %dma_wait3A_2860 = arith.constant 0 : i32
      %dma_wait3A_2861 = tpu.memref_slice %arg6[%dma_wait3A_2856, %dma_wait3A_2860] : memref<3x128xi32, #tpu.memory_space<vmem>> -> memref<1x128xi32, #tpu.memory_space<vmem>>
      %dma_wait3A_2862 = tpu.memref_squeeze %dma_wait3A_2861 : memref<1x128xi32, #tpu.memory_space<vmem>> -> memref<128xi32, #tpu.memory_space<vmem>>
      %dma_wait3A_2863 = arith.constant 0 : i32
      %dma_wait3A_2864 = arith.constant 0 : i32
      %dma_wait3A_2865 = tpu.memref_slice %arg2[%dma_wait3A_2863, %dma_wait3A_2864] : memref<16384x128xf32, #tpu.memory_space<hbm>> -> memref<16384x128xf32, #tpu.memory_space<hbm>>
      tpu.wait_indirect_dma semaphore(%arg9 : memref<!tpu.dma_semaphore, #tpu.memory_space<semaphore_mem>>) src(%dma_wait3A_2865 : memref<16384x128xf32, #tpu.memory_space<hbm>>) dst(%dma_wait3A_2859 : memref<128x128xf32, #tpu.memory_space<vmem>>)
      %broadcast_in_dim3A_2866 = arith.constant 0 : i32
      %broadcast_in_dim3A_2867 = vector.broadcast %broadcast_in_dim3A_2866 : i32 to vector<16xi32>
      %broadcast_in_dim3A_2868 = arith.constant 0 : i32
      %broadcast_in_dim3A_2869 = vector.broadcast %broadcast_in_dim3A_2868 : i32 to vector<16xi32>
      %scan3A_2870 = arith.constant 0 : i32
      %scan3A_2871 = arith.constant 15 : i32
      %scan3A_2872 = arith.addi %scan3A_2870, %scan3A_2871 : i32
      %scan3A_2873 = arith.constant 1 : i32
      %scan3A_2874:2 = scf.for %scan3A_2897 = %scan3A_2870 to %scan3A_2872 step %scan3A_2873 iter_args(%scan3A_2898 = %broadcast_in_dim3A_2867, %scan3A_2899 = %broadcast_in_dim3A_2869) -> (vector<16xi32>, vector<16xi32>)  : i32 {
        %broadcast_in_dim3A_2900 = vector.shape_cast %scan3A_2898 : vector<16xi32> to vector<16x1xi32>
        %gather3A_2901 = vector.shape_cast %broadcast_in_dim3A_2900 : vector<16x1xi32> to vector<16xi32>
        %gather3A_2902 = tpu.dynamic_gather %sub3A_148[%gather3A_2901] in [0] : vector<16xi32>, vector<16xi32> -> vector<16xi32>
        %mul3A_2903 = arith.constant 17 : i32
        %mul3A_2904 = vector.broadcast %mul3A_2903 : i32 to vector<16xi32>
        %mul3A_2905 = arith.muli %gather3A_2902, %mul3A_2904 : vector<16xi32>
        %broadcast_in_dim3A_2906 = vector.shape_cast %scan3A_2898 : vector<16xi32> to vector<16x1xi32>
        %gather3A_2907 = vector.shape_cast %broadcast_in_dim3A_2906 : vector<16x1xi32> to vector<16xi32>
        %gather3A_2908 = tpu.dynamic_gather %sub3A_158[%gather3A_2907] in [0] : vector<16xi32>, vector<16xi32> -> vector<16xi32>
        %mul3A_2909 = arith.constant 17 : i32
        %mul3A_2910 = vector.broadcast %mul3A_2909 : i32 to vector<16xi32>
        %mul3A_2911 = arith.muli %gather3A_2908, %mul3A_2910 : vector<16xi32>
        %broadcast_in_dim3A_2912 = vector.shape_cast %scan3A_2898 : vector<16xi32> to vector<16x1xi32>
        %gather3A_2913 = vector.shape_cast %broadcast_in_dim3A_2912 : vector<16x1xi32> to vector<16xi32>
        %gather3A_2914 = tpu.dynamic_gather %sub3A_141[%gather3A_2913] in [0] : vector<16xf32>, vector<16xi32> -> vector<16xf32>
        %broadcast_in_dim3A_2915 = arith.constant 0 : i32
        %broadcast_in_dim3A_2916 = vector.broadcast %broadcast_in_dim3A_2915 : i32 to vector<16xi32>
        %scan3A_2917 = arith.constant 0 : i32
        %scan3A_2918 = arith.constant 15 : i32
        %scan3A_2919 = arith.addi %scan3A_2917, %scan3A_2918 : i32
        %scan3A_2920 = arith.constant 1 : i32
        %scan3A_2921:2 = scf.for %scan3A_2929 = %scan3A_2917 to %scan3A_2919 step %scan3A_2920 iter_args(%scan3A_2930 = %broadcast_in_dim3A_2916, %scan3A_2931 = %scan3A_2899) -> (vector<16xi32>, vector<16xi32>)  : i32 {
          %broadcast_in_dim3A_2932 = vector.shape_cast %scan3A_2930 : vector<16xi32> to vector<16x1xi32>
          %gather3A_2933 = vector.shape_cast %broadcast_in_dim3A_2932 : vector<16x1xi32> to vector<16xi32>
          %gather3A_2934 = tpu.dynamic_gather %sub3A_122[%gather3A_2933] in [0] : vector<16xi32>, vector<16xi32> -> vector<16xi32>
          %broadcast_in_dim3A_2935 = vector.shape_cast %scan3A_2930 : vector<16xi32> to vector<16x1xi32>
          %gather3A_2936 = vector.shape_cast %broadcast_in_dim3A_2935 : vector<16x1xi32> to vector<16xi32>
          %gather3A_2937 = tpu.dynamic_gather %sub3A_132[%gather3A_2936] in [0] : vector<16xi32>, vector<16xi32> -> vector<16xi32>
          %broadcast_in_dim3A_2938 = vector.shape_cast %scan3A_2930 : vector<16xi32> to vector<16x1xi32>
          %gather3A_2939 = vector.shape_cast %broadcast_in_dim3A_2938 : vector<16x1xi32> to vector<16xi32>
          %gather3A_2940 = tpu.dynamic_gather %sub3A_115[%gather3A_2939] in [0] : vector<16xf32>, vector<16xi32> -> vector<16xf32>
          %sub3A_2941 = arith.constant 1.000000e+00 : f32
          %sub3A_2942 = vector.broadcast %sub3A_2941 : f32 to vector<16xf32>
          %sub3A_2943 = arith.subf %sub3A_2942, %gather3A_2940 : vector<16xf32>
          %add3A_2944 = arith.addi %mul3A_2905, %gather3A_2934 : vector<16xi32>
          %add3A_2945 = arith.addi %mul3A_2905, %gather3A_2937 : vector<16xi32>
          %add3A_2946 = arith.addi %mul3A_2911, %gather3A_2934 : vector<16xi32>
          %add3A_2947 = arith.addi %mul3A_2911, %gather3A_2937 : vector<16xi32>
          %gather3A_2948 = tpu.vector_load_idx %arg7[%add3A_2944, %add3A_1] : memref<384x128xf32, #tpu.memory_space<vmem>>[vector<16xi32>, vector<16xi32>], vector<16xf32>,
          %gather3A_2949 = tpu.vector_load_idx %arg7[%add3A_2945, %add3A_1] : memref<384x128xf32, #tpu.memory_space<vmem>>[vector<16xi32>, vector<16xi32>], vector<16xf32>,
          %gather3A_2950 = tpu.vector_load_idx %arg7[%add3A_2946, %add3A_1] : memref<384x128xf32, #tpu.memory_space<vmem>>[vector<16xi32>, vector<16xi32>], vector<16xf32>,
          %gather3A_2951 = tpu.vector_load_idx %arg7[%add3A_2947, %add3A_1] : memref<384x128xf32, #tpu.memory_space<vmem>>[vector<16xi32>, vector<16xi32>], vector<16xf32>,
          %mul3A_2952 = arith.mulf %gather3A_2948, %sub3A_2943 : vector<16xf32>
          %mul3A_2953 = arith.mulf %gather3A_2949, %gather3A_2940 : vector<16xf32>
          %add3A_2954 = arith.addf %mul3A_2952, %mul3A_2953 : vector<16xf32>
          %mul3A_2955 = arith.mulf %gather3A_2950, %sub3A_2943 : vector<16xf32>
          %mul3A_2956 = arith.mulf %gather3A_2951, %gather3A_2940 : vector<16xf32>
          %add3A_2957 = arith.addf %mul3A_2955, %mul3A_2956 : vector<16xf32>
          %sub3A_2958 = arith.subf %add3A_2957, %add3A_2954 : vector<16xf32>
          %mul3A_2959 = arith.mulf %gather3A_2914, %sub3A_2958 : vector<16xf32>
          %add3A_2960 = arith.addf %add3A_2954, %mul3A_2959 : vector<16xf32>
          %add3A_2961 = arith.addi %mul3A_27, %scan3A_2931 : vector<16xi32>
          tpu.vector_store_idx %arg8[%add3A_2961], %add3A_2960 : memref<14400xf32, #tpu.memory_space<vmem>>[vector<16xi32>], vector<16xf32>,
          %gather3A_2962 = tpu.vector_load_idx %arg7[%add3A_2944, %add3A_4] : memref<384x128xf32, #tpu.memory_space<vmem>>[vector<16xi32>, vector<16xi32>], vector<16xf32>,
          %gather3A_2963 = tpu.vector_load_idx %arg7[%add3A_2945, %add3A_4] : memref<384x128xf32, #tpu.memory_space<vmem>>[vector<16xi32>, vector<16xi32>], vector<16xf32>,
          %gather3A_2964 = tpu.vector_load_idx %arg7[%add3A_2946, %add3A_4] : memref<384x128xf32, #tpu.memory_space<vmem>>[vector<16xi32>, vector<16xi32>], vector<16xf32>,
          %gather3A_2965 = tpu.vector_load_idx %arg7[%add3A_2947, %add3A_4] : memref<384x128xf32, #tpu.memory_space<vmem>>[vector<16xi32>, vector<16xi32>], vector<16xf32>,
          %mul3A_2966 = arith.mulf %gather3A_2962, %sub3A_2943 : vector<16xf32>
          %mul3A_2967 = arith.mulf %gather3A_2963, %gather3A_2940 : vector<16xf32>
          %add3A_2968 = arith.addf %mul3A_2966, %mul3A_2967 : vector<16xf32>
          %mul3A_2969 = arith.mulf %gather3A_2964, %sub3A_2943 : vector<16xf32>
          %mul3A_2970 = arith.mulf %gather3A_2965, %gather3A_2940 : vector<16xf32>
          %add3A_2971 = arith.addf %mul3A_2969, %mul3A_2970 : vector<16xf32>
          %sub3A_2972 = arith.subf %add3A_2971, %add3A_2968 : vector<16xf32>
          %mul3A_2973 = arith.mulf %gather3A_2914, %sub3A_2972 : vector<16xf32>
          %add3A_2974 = arith.addf %add3A_2968, %mul3A_2973 : vector<16xf32>
          %add3A_2975 = arith.addi %mul3A_33, %scan3A_2931 : vector<16xi32>
          tpu.vector_store_idx %arg8[%add3A_2975], %add3A_2974 : memref<14400xf32, #tpu.memory_space<vmem>>[vector<16xi32>], vector<16xf32>,
          %gather3A_2976 = tpu.vector_load_idx %arg7[%add3A_2944, %add3A_7] : memref<384x128xf32, #tpu.memory_space<vmem>>[vector<16xi32>, vector<16xi32>], vector<16xf32>,
          %gather3A_2977 = tpu.vector_load_idx %arg7[%add3A_2945, %add3A_7] : memref<384x128xf32, #tpu.memory_space<vmem>>[vector<16xi32>, vector<16xi32>], vector<16xf32>,
          %gather3A_2978 = tpu.vector_load_idx %arg7[%add3A_2946, %add3A_7] : memref<384x128xf32, #tpu.memory_space<vmem>>[vector<16xi32>, vector<16xi32>], vector<16xf32>,
          %gather3A_2979 = tpu.vector_load_idx %arg7[%add3A_2947, %add3A_7] : memref<384x128xf32, #tpu.memory_space<vmem>>[vector<16xi32>, vector<16xi32>], vector<16xf32>,
          %mul3A_2980 = arith.mulf %gather3A_2976, %sub3A_2943 : vector<16xf32>
          %mul3A_2981 = arith.mulf %gather3A_2977, %gather3A_2940 : vector<16xf32>
          %add3A_2982 = arith.addf %mul3A_2980, %mul3A_2981 : vector<16xf32>
          %mul3A_2983 = arith.mulf %gather3A_2978, %sub3A_2943 : vector<16xf32>
          %mul3A_2984 = arith.mulf %gather3A_2979, %gather3A_2940 : vector<16xf32>
          %add3A_2985 = arith.addf %mul3A_2983, %mul3A_2984 : vector<16xf32>
          %sub3A_2986 = arith.subf %add3A_2985, %add3A_2982 : vector<16xf32>
          %mul3A_2987 = arith.mulf %gather3A_2914, %sub3A_2986 : vector<16xf32>
          %add3A_2988 = arith.addf %add3A_2982, %mul3A_2987 : vector<16xf32>
          %add3A_2989 = arith.addi %mul3A_39, %scan3A_2931 : vector<16xi32>
          tpu.vector_store_idx %arg8[%add3A_2989], %add3A_2988 : memref<14400xf32, #tpu.memory_space<vmem>>[vector<16xi32>], vector<16xf32>,
          %gather3A_2990 = tpu.vector_load_idx %arg7[%add3A_2944, %add3A_10] : memref<384x128xf32, #tpu.memory_space<vmem>>[vector<16xi32>, vector<16xi32>], vector<16xf32>,
          %gather3A_2991 = tpu.vector_load_idx %arg7[%add3A_2945, %add3A_10] : memref<384x128xf32, #tpu.memory_space<vmem>>[vector<16xi32>, vector<16xi32>], vector<16xf32>,
          %gather3A_2992 = tpu.vector_load_idx %arg7[%add3A_2946, %add3A_10] : memref<384x128xf32, #tpu.memory_space<vmem>>[vector<16xi32>, vector<16xi32>], vector<16xf32>,
          %gather3A_2993 = tpu.vector_load_idx %arg7[%add3A_2947, %add3A_10] : memref<384x128xf32, #tpu.memory_space<vmem>>[vector<16xi32>, vector<16xi32>], vector<16xf32>,
          %mul3A_2994 = arith.mulf %gather3A_2990, %sub3A_2943 : vector<16xf32>
          %mul3A_2995 = arith.mulf %gather3A_2991, %gather3A_2940 : vector<16xf32>
          %add3A_2996 = arith.addf %mul3A_2994, %mul3A_2995 : vector<16xf32>
          %mul3A_2997 = arith.mulf %gather3A_2992, %sub3A_2943 : vector<16xf32>
          %mul3A_2998 = arith.mulf %gather3A_2993, %gather3A_2940 : vector<16xf32>
          %add3A_2999 = arith.addf %mul3A_2997, %mul3A_2998 : vector<16xf32>
          %sub3A_3000 = arith.subf %add3A_2999, %add3A_2996 : vector<16xf32>
          %mul3A_3001 = arith.mulf %gather3A_2914, %sub3A_3000 : vector<16xf32>
          %add3A_3002 = arith.addf %add3A_2996, %mul3A_3001 : vector<16xf32>
          %add3A_3003 = arith.addi %mul3A_45, %scan3A_2931 : vector<16xi32>
          tpu.vector_store_idx %arg8[%add3A_3003], %add3A_3002 : memref<14400xf32, #tpu.memory_space<vmem>>[vector<16xi32>], vector<16xf32>,
          %add3A_3004 = arith.constant 1 : i32
          %add3A_3005 = vector.broadcast %add3A_3004 : i32 to vector<16xi32>
          %add3A_3006 = arith.addi %scan3A_2930, %add3A_3005 : vector<16xi32>
          %add3A_3007 = arith.constant 1 : i32
          %add3A_3008 = vector.broadcast %add3A_3007 : i32 to vector<16xi32>
          %add3A_3009 = arith.addi %scan3A_2931, %add3A_3008 : vector<16xi32>
          scf.yield %add3A_3006, %add3A_3009 : vector<16xi32>, vector<16xi32>
        }
        %scan3A_2922 = arith.constant 15 : i32
        %add3A_2923 = arith.constant 1 : i32
        %add3A_2924 = vector.broadcast %add3A_2923 : i32 to vector<16xi32>
        %add3A_2925 = arith.addi %scan3A_2898, %add3A_2924 : vector<16xi32>
        %add3A_2926 = arith.constant 15 : i32
        %add3A_2927 = vector.broadcast %add3A_2926 : i32 to vector<16xi32>
        %add3A_2928 = arith.addi %scan3A_2899, %add3A_2927 : vector<16xi32>
        scf.yield %add3A_2925, %add3A_2928 : vector<16xi32>, vector<16xi32>
      }
      %scan3A_2875 = arith.constant 15 : i32
      %add3A_2876 = arith.constant 28800 : i32
      %add3A_2877 = arith.addi %mul3A_160, %add3A_2876 : i32
      %add3A_2878 = arith.constant 0 : i32
      %add3A_2879 = arith.addi %add3A_2877, %add3A_2878 : i32
      "tpu.region"() ({
        %run_scoped3A = tpu.sem_alloc : memref<!tpu.dma_semaphore, #tpu.memory_space<semaphore_mem>>
        %dma_start3A_2897 = tpu.memref_slice %arg4[%add3A_2879] : memref<14745600xf32, #tpu.memory_space<hbm>> -> memref<14400xf32, #tpu.memory_space<hbm>>
        %dma_start3A_2898 = tpu.memref_slice %arg4[%add3A_2879] : memref<14745600xf32, #tpu.memory_space<hbm>> -> memref<14400xf32, #tpu.memory_space<hbm>>
        tpu.enqueue_dma source(%arg8 : memref<14400xf32, #tpu.memory_space<vmem>>) target(%dma_start3A_2898 : memref<14400xf32, #tpu.memory_space<hbm>>) target_semaphore(%run_scoped3A : memref<!tpu.dma_semaphore, #tpu.memory_space<semaphore_mem>>)
        %dma_wait3A_2899 = tpu.memref_slice %arg4[%add3A_2879] : memref<14745600xf32, #tpu.memory_space<hbm>> -> memref<14400xf32, #tpu.memory_space<hbm>>
        %dma_wait3A_2900 = tpu.memref_slice %arg4[%add3A_2879] : memref<14745600xf32, #tpu.memory_space<hbm>> -> memref<14400xf32, #tpu.memory_space<hbm>>
        tpu.wait_dma2 semaphore(%run_scoped3A : memref<!tpu.dma_semaphore, #tpu.memory_space<semaphore_mem>>) src(%arg8 : memref<14400xf32, #tpu.memory_space<vmem>>) dst(%dma_wait3A_2900 : memref<14400xf32, #tpu.memory_space<hbm>>)
        tpu.yield
      }) : () -> ()
      %broadcast_in_dim3A_2880 = arith.constant 0 : i32
      %broadcast_in_dim3A_2881 = vector.broadcast %broadcast_in_dim3A_2880 : i32 to vector<16xi32>
      %broadcast_in_dim3A_2882 = arith.constant 0 : i32
      %broadcast_in_dim3A_2883 = vector.broadcast %broadcast_in_dim3A_2882 : i32 to vector<16xi32>
      %scan3A_2884 = arith.constant 0 : i32
      %scan3A_2885 = arith.constant 15 : i32
      %scan3A_2886 = arith.addi %scan3A_2884, %scan3A_2885 : i32
      %scan3A_2887 = arith.constant 1 : i32
      %scan3A_2888:2 = scf.for %scan3A_2897 = %scan3A_2884 to %scan3A_2886 step %scan3A_2887 iter_args(%scan3A_2898 = %broadcast_in_dim3A_2881, %scan3A_2899 = %broadcast_in_dim3A_2883) -> (vector<16xi32>, vector<16xi32>)  : i32 {
        %broadcast_in_dim3A_2900 = vector.shape_cast %scan3A_2898 : vector<16xi32> to vector<16x1xi32>
        %gather3A_2901 = vector.shape_cast %broadcast_in_dim3A_2900 : vector<16x1xi32> to vector<16xi32>
        %gather3A_2902 = tpu.dynamic_gather %sub3A_148[%gather3A_2901] in [0] : vector<16xi32>, vector<16xi32> -> vector<16xi32>
        %mul3A_2903 = arith.constant 17 : i32
        %mul3A_2904 = vector.broadcast %mul3A_2903 : i32 to vector<16xi32>
        %mul3A_2905 = arith.muli %gather3A_2902, %mul3A_2904 : vector<16xi32>
        %broadcast_in_dim3A_2906 = vector.shape_cast %scan3A_2898 : vector<16xi32> to vector<16x1xi32>
        %gather3A_2907 = vector.shape_cast %broadcast_in_dim3A_2906 : vector<16x1xi32> to vector<16xi32>
        %gather3A_2908 = tpu.dynamic_gather %sub3A_158[%gather3A_2907] in [0] : vector<16xi32>, vector<16xi32> -> vector<16xi32>
        %mul3A_2909 = arith.constant 17 : i32
        %mul3A_2910 = vector.broadcast %mul3A_2909 : i32 to vector<16xi32>
        %mul3A_2911 = arith.muli %gather3A_2908, %mul3A_2910 : vector<16xi32>
        %broadcast_in_dim3A_2912 = vector.shape_cast %scan3A_2898 : vector<16xi32> to vector<16x1xi32>
        %gather3A_2913 = vector.shape_cast %broadcast_in_dim3A_2912 : vector<16x1xi32> to vector<16xi32>
        %gather3A_2914 = tpu.dynamic_gather %sub3A_141[%gather3A_2913] in [0] : vector<16xf32>, vector<16xi32> -> vector<16xf32>
        %broadcast_in_dim3A_2915 = arith.constant 0 : i32
        %broadcast_in_dim3A_2916 = vector.broadcast %broadcast_in_dim3A_2915 : i32 to vector<16xi32>
        %scan3A_2917 = arith.constant 0 : i32
        %scan3A_2918 = arith.constant 15 : i32
        %scan3A_2919 = arith.addi %scan3A_2917, %scan3A_2918 : i32
        %scan3A_2920 = arith.constant 1 : i32
        %scan3A_2921:2 = scf.for %scan3A_2929 = %scan3A_2917 to %scan3A_2919 step %scan3A_2920 iter_args(%scan3A_2930 = %broadcast_in_dim3A_2916, %scan3A_2931 = %scan3A_2899) -> (vector<16xi32>, vector<16xi32>)  : i32 {
          %broadcast_in_dim3A_2932 = vector.shape_cast %scan3A_2930 : vector<16xi32> to vector<16x1xi32>
          %gather3A_2933 = vector.shape_cast %broadcast_in_dim3A_2932 : vector<16x1xi32> to vector<16xi32>
          %gather3A_2934 = tpu.dynamic_gather %sub3A_122[%gather3A_2933] in [0] : vector<16xi32>, vector<16xi32> -> vector<16xi32>
          %broadcast_in_dim3A_2935 = vector.shape_cast %scan3A_2930 : vector<16xi32> to vector<16x1xi32>
          %gather3A_2936 = vector.shape_cast %broadcast_in_dim3A_2935 : vector<16x1xi32> to vector<16xi32>
          %gather3A_2937 = tpu.dynamic_gather %sub3A_132[%gather3A_2936] in [0] : vector<16xi32>, vector<16xi32> -> vector<16xi32>
          %broadcast_in_dim3A_2938 = vector.shape_cast %scan3A_2930 : vector<16xi32> to vector<16x1xi32>
          %gather3A_2939 = vector.shape_cast %broadcast_in_dim3A_2938 : vector<16x1xi32> to vector<16xi32>
          %gather3A_2940 = tpu.dynamic_gather %sub3A_115[%gather3A_2939] in [0] : vector<16xf32>, vector<16xi32> -> vector<16xf32>
          %sub3A_2941 = arith.constant 1.000000e+00 : f32
          %sub3A_2942 = vector.broadcast %sub3A_2941 : f32 to vector<16xf32>
          %sub3A_2943 = arith.subf %sub3A_2942, %gather3A_2940 : vector<16xf32>
          %add3A_2944 = arith.addi %mul3A_2905, %gather3A_2934 : vector<16xi32>
          %add3A_2945 = arith.addi %mul3A_2905, %gather3A_2937 : vector<16xi32>
          %add3A_2946 = arith.addi %mul3A_2911, %gather3A_2934 : vector<16xi32>
          %add3A_2947 = arith.addi %mul3A_2911, %gather3A_2937 : vector<16xi32>
          %gather3A_2948 = tpu.vector_load_idx %arg7[%add3A_2944, %add3A_13] : memref<384x128xf32, #tpu.memory_space<vmem>>[vector<16xi32>, vector<16xi32>], vector<16xf32>,
          %gather3A_2949 = tpu.vector_load_idx %arg7[%add3A_2945, %add3A_13] : memref<384x128xf32, #tpu.memory_space<vmem>>[vector<16xi32>, vector<16xi32>], vector<16xf32>,
          %gather3A_2950 = tpu.vector_load_idx %arg7[%add3A_2946, %add3A_13] : memref<384x128xf32, #tpu.memory_space<vmem>>[vector<16xi32>, vector<16xi32>], vector<16xf32>,
          %gather3A_2951 = tpu.vector_load_idx %arg7[%add3A_2947, %add3A_13] : memref<384x128xf32, #tpu.memory_space<vmem>>[vector<16xi32>, vector<16xi32>], vector<16xf32>,
          %mul3A_2952 = arith.mulf %gather3A_2948, %sub3A_2943 : vector<16xf32>
          %mul3A_2953 = arith.mulf %gather3A_2949, %gather3A_2940 : vector<16xf32>
          %add3A_2954 = arith.addf %mul3A_2952, %mul3A_2953 : vector<16xf32>
          %mul3A_2955 = arith.mulf %gather3A_2950, %sub3A_2943 : vector<16xf32>
          %mul3A_2956 = arith.mulf %gather3A_2951, %gather3A_2940 : vector<16xf32>
          %add3A_2957 = arith.addf %mul3A_2955, %mul3A_2956 : vector<16xf32>
          %sub3A_2958 = arith.subf %add3A_2957, %add3A_2954 : vector<16xf32>
          %mul3A_2959 = arith.mulf %gather3A_2914, %sub3A_2958 : vector<16xf32>
          %add3A_2960 = arith.addf %add3A_2954, %mul3A_2959 : vector<16xf32>
          %add3A_2961 = arith.addi %mul3A_27, %scan3A_2931 : vector<16xi32>
          tpu.vector_store_idx %arg8[%add3A_2961], %add3A_2960 : memref<14400xf32, #tpu.memory_space<vmem>>[vector<16xi32>], vector<16xf32>,
          %gather3A_2962 = tpu.vector_load_idx %arg7[%add3A_2944, %add3A_16] : memref<384x128xf32, #tpu.memory_space<vmem>>[vector<16xi32>, vector<16xi32>], vector<16xf32>,
          %gather3A_2963 = tpu.vector_load_idx %arg7[%add3A_2945, %add3A_16] : memref<384x128xf32, #tpu.memory_space<vmem>>[vector<16xi32>, vector<16xi32>], vector<16xf32>,
          %gather3A_2964 = tpu.vector_load_idx %arg7[%add3A_2946, %add3A_16] : memref<384x128xf32, #tpu.memory_space<vmem>>[vector<16xi32>, vector<16xi32>], vector<16xf32>,
          %gather3A_2965 = tpu.vector_load_idx %arg7[%add3A_2947, %add3A_16] : memref<384x128xf32, #tpu.memory_space<vmem>>[vector<16xi32>, vector<16xi32>], vector<16xf32>,
          %mul3A_2966 = arith.mulf %gather3A_2962, %sub3A_2943 : vector<16xf32>
          %mul3A_2967 = arith.mulf %gather3A_2963, %gather3A_2940 : vector<16xf32>
          %add3A_2968 = arith.addf %mul3A_2966, %mul3A_2967 : vector<16xf32>
          %mul3A_2969 = arith.mulf %gather3A_2964, %sub3A_2943 : vector<16xf32>
          %mul3A_2970 = arith.mulf %gather3A_2965, %gather3A_2940 : vector<16xf32>
          %add3A_2971 = arith.addf %mul3A_2969, %mul3A_2970 : vector<16xf32>
          %sub3A_2972 = arith.subf %add3A_2971, %add3A_2968 : vector<16xf32>
          %mul3A_2973 = arith.mulf %gather3A_2914, %sub3A_2972 : vector<16xf32>
          %add3A_2974 = arith.addf %add3A_2968, %mul3A_2973 : vector<16xf32>
          %add3A_2975 = arith.addi %mul3A_33, %scan3A_2931 : vector<16xi32>
          tpu.vector_store_idx %arg8[%add3A_2975], %add3A_2974 : memref<14400xf32, #tpu.memory_space<vmem>>[vector<16xi32>], vector<16xf32>,
          %gather3A_2976 = tpu.vector_load_idx %arg7[%add3A_2944, %add3A_19] : memref<384x128xf32, #tpu.memory_space<vmem>>[vector<16xi32>, vector<16xi32>], vector<16xf32>,
          %gather3A_2977 = tpu.vector_load_idx %arg7[%add3A_2945, %add3A_19] : memref<384x128xf32, #tpu.memory_space<vmem>>[vector<16xi32>, vector<16xi32>], vector<16xf32>,
          %gather3A_2978 = tpu.vector_load_idx %arg7[%add3A_2946, %add3A_19] : memref<384x128xf32, #tpu.memory_space<vmem>>[vector<16xi32>, vector<16xi32>], vector<16xf32>,
          %gather3A_2979 = tpu.vector_load_idx %arg7[%add3A_2947, %add3A_19] : memref<384x128xf32, #tpu.memory_space<vmem>>[vector<16xi32>, vector<16xi32>], vector<16xf32>,
          %mul3A_2980 = arith.mulf %gather3A_2976, %sub3A_2943 : vector<16xf32>
          %mul3A_2981 = arith.mulf %gather3A_2977, %gather3A_2940 : vector<16xf32>
          %add3A_2982 = arith.addf %mul3A_2980, %mul3A_2981 : vector<16xf32>
          %mul3A_2983 = arith.mulf %gather3A_2978, %sub3A_2943 : vector<16xf32>
          %mul3A_2984 = arith.mulf %gather3A_2979, %gather3A_2940 : vector<16xf32>
          %add3A_2985 = arith.addf %mul3A_2983, %mul3A_2984 : vector<16xf32>
          %sub3A_2986 = arith.subf %add3A_2985, %add3A_2982 : vector<16xf32>
          %mul3A_2987 = arith.mulf %gather3A_2914, %sub3A_2986 : vector<16xf32>
          %add3A_2988 = arith.addf %add3A_2982, %mul3A_2987 : vector<16xf32>
          %add3A_2989 = arith.addi %mul3A_39, %scan3A_2931 : vector<16xi32>
          tpu.vector_store_idx %arg8[%add3A_2989], %add3A_2988 : memref<14400xf32, #tpu.memory_space<vmem>>[vector<16xi32>], vector<16xf32>,
          %gather3A_2990 = tpu.vector_load_idx %arg7[%add3A_2944, %add3A_22] : memref<384x128xf32, #tpu.memory_space<vmem>>[vector<16xi32>, vector<16xi32>], vector<16xf32>,
          %gather3A_2991 = tpu.vector_load_idx %arg7[%add3A_2945, %add3A_22] : memref<384x128xf32, #tpu.memory_space<vmem>>[vector<16xi32>, vector<16xi32>], vector<16xf32>,
          %gather3A_2992 = tpu.vector_load_idx %arg7[%add3A_2946, %add3A_22] : memref<384x128xf32, #tpu.memory_space<vmem>>[vector<16xi32>, vector<16xi32>], vector<16xf32>,
          %gather3A_2993 = tpu.vector_load_idx %arg7[%add3A_2947, %add3A_22] : memref<384x128xf32, #tpu.memory_space<vmem>>[vector<16xi32>, vector<16xi32>], vector<16xf32>,
          %mul3A_2994 = arith.mulf %gather3A_2990, %sub3A_2943 : vector<16xf32>
          %mul3A_2995 = arith.mulf %gather3A_2991, %gather3A_2940 : vector<16xf32>
          %add3A_2996 = arith.addf %mul3A_2994, %mul3A_2995 : vector<16xf32>
          %mul3A_2997 = arith.mulf %gather3A_2992, %sub3A_2943 : vector<16xf32>
          %mul3A_2998 = arith.mulf %gather3A_2993, %gather3A_2940 : vector<16xf32>
          %add3A_2999 = arith.addf %mul3A_2997, %mul3A_2998 : vector<16xf32>
          %sub3A_3000 = arith.subf %add3A_2999, %add3A_2996 : vector<16xf32>
          %mul3A_3001 = arith.mulf %gather3A_2914, %sub3A_3000 : vector<16xf32>
          %add3A_3002 = arith.addf %add3A_2996, %mul3A_3001 : vector<16xf32>
          %add3A_3003 = arith.addi %mul3A_45, %scan3A_2931 : vector<16xi32>
          tpu.vector_store_idx %arg8[%add3A_3003], %add3A_3002 : memref<14400xf32, #tpu.memory_space<vmem>>[vector<16xi32>], vector<16xf32>,
          %add3A_3004 = arith.constant 1 : i32
          %add3A_3005 = vector.broadcast %add3A_3004 : i32 to vector<16xi32>
          %add3A_3006 = arith.addi %scan3A_2930, %add3A_3005 : vector<16xi32>
          %add3A_3007 = arith.constant 1 : i32
          %add3A_3008 = vector.broadcast %add3A_3007 : i32 to vector<16xi32>
          %add3A_3009 = arith.addi %scan3A_2931, %add3A_3008 : vector<16xi32>
          scf.yield %add3A_3006, %add3A_3009 : vector<16xi32>, vector<16xi32>
        }
        %scan3A_2922 = arith.constant 15 : i32
        %add3A_2923 = arith.constant 1 : i32
        %add3A_2924 = vector.broadcast %add3A_2923 : i32 to vector<16xi32>
        %add3A_2925 = arith.addi %scan3A_2898, %add3A_2924 : vector<16xi32>
        %add3A_2926 = arith.constant 15 : i32
        %add3A_2927 = vector.broadcast %add3A_2926 : i32 to vector<16xi32>
        %add3A_2928 = arith.addi %scan3A_2899, %add3A_2927 : vector<16xi32>
        scf.yield %add3A_2925, %add3A_2928 : vector<16xi32>, vector<16xi32>
      }
      %scan3A_2889 = arith.constant 15 : i32
      %add3A_2890 = arith.constant 28800 : i32
      %add3A_2891 = arith.addi %mul3A_160, %add3A_2890 : i32
      %add3A_2892 = arith.constant 14400 : i32
      %add3A_2893 = arith.addi %add3A_2891, %add3A_2892 : i32
      "tpu.region"() ({
        %run_scoped3A = tpu.sem_alloc : memref<!tpu.dma_semaphore, #tpu.memory_space<semaphore_mem>>
        %dma_start3A_2897 = tpu.memref_slice %arg4[%add3A_2893] : memref<14745600xf32, #tpu.memory_space<hbm>> -> memref<14400xf32, #tpu.memory_space<hbm>>
        %dma_start3A_2898 = tpu.memref_slice %arg4[%add3A_2893] : memref<14745600xf32, #tpu.memory_space<hbm>> -> memref<14400xf32, #tpu.memory_space<hbm>>
        tpu.enqueue_dma source(%arg8 : memref<14400xf32, #tpu.memory_space<vmem>>) target(%dma_start3A_2898 : memref<14400xf32, #tpu.memory_space<hbm>>) target_semaphore(%run_scoped3A : memref<!tpu.dma_semaphore, #tpu.memory_space<semaphore_mem>>)
        %dma_wait3A_2899 = tpu.memref_slice %arg4[%add3A_2893] : memref<14745600xf32, #tpu.memory_space<hbm>> -> memref<14400xf32, #tpu.memory_space<hbm>>
        %dma_wait3A_2900 = tpu.memref_slice %arg4[%add3A_2893] : memref<14745600xf32, #tpu.memory_space<hbm>> -> memref<14400xf32, #tpu.memory_space<hbm>>
        tpu.wait_dma2 semaphore(%run_scoped3A : memref<!tpu.dma_semaphore, #tpu.memory_space<semaphore_mem>>) src(%arg8 : memref<14400xf32, #tpu.memory_space<vmem>>) dst(%dma_wait3A_2900 : memref<14400xf32, #tpu.memory_space<hbm>>)
        tpu.yield
      }) : () -> ()
      %add3A_2894 = arith.constant 1 : i32
      %add3A_2895 = vector.broadcast %add3A_2894 : i32 to vector<16xi32>
      %add3A_2896 = arith.addi %scan3A_58, %add3A_2895 : vector<16xi32>
      scf.yield %add3A_2896 : vector<16xi32>
    }
    %scan3A_56 = arith.constant 8 : i32
    return
  }
}

module attributes {stable_mosaic.version = 14 : i64} {
  func.func @_match_kernel(%arg0: i32, %arg1: memref<1x128x6xf32, #tpu.memory_space<vmem>>, %arg2: memref<1x128x6xf32, #tpu.memory_space<vmem>>, %arg3: memref<1x128x6xf32, #tpu.memory_space<vmem>>) attributes {dimension_semantics = [#tpu.dimension_semantics<arbitrary>], iteration_bounds = array<i64: 2>, scalar_prefetch = 0 : i64, scratch_operands = 0 : i64, tpu.core_type = #tpu.core_type<tc>, window_params = [{transform_indices = @transform_0, window_bounds = array<i64: 1, 128, 6>}, {transform_indices = @transform_1, window_bounds = array<i64: 1, 128, 6>}, {transform_indices = @transform_2, window_bounds = array<i64: 1, 128, 6>}]} {
    %get3A = arith.constant 0 : index
    %get3A_0 = arith.constant 0 : index
    %get3A_1 = arith.constant 5 : index
    %get3A_2 = vector.load %arg1[%get3A, %get3A_0, %get3A_1] : memref<1x128x6xf32, #tpu.memory_space<vmem>>, vector<1x128x1xf32>
    %get3A_3 = vector.shape_cast %get3A_2 : vector<1x128x1xf32> to vector<128xf32>
    %get3A_4 = arith.constant 0 : index
    %get3A_5 = arith.constant 0 : index
    %get3A_6 = arith.constant 5 : index
    %get3A_7 = vector.load %arg2[%get3A_4, %get3A_5, %get3A_6] : memref<1x128x6xf32, #tpu.memory_space<vmem>>, vector<1x128x1xf32>
    %get3A_8 = vector.shape_cast %get3A_7 : vector<1x128x1xf32> to vector<128xf32>
    %broadcast_in_dim3A = vector.shape_cast %get3A_8 : vector<128xf32> to vector<1x128xf32>
    %broadcast_in_dim3A_9 = vector.shape_cast %get3A_3 : vector<128xf32> to vector<128x1xf32>
    %eq3A = vector.broadcast %broadcast_in_dim3A : vector<1x128xf32> to vector<128x128xf32>
    %eq3A_10 = vector.broadcast %broadcast_in_dim3A_9 : vector<128x1xf32> to vector<128x128xf32>
    %eq3A_11 = arith.cmpf oeq, %eq3A, %eq3A_10 : vector<128x128xf32>
    %broadcast_in_dim3A_12 = vector.shape_cast %get3A_3 : vector<128xf32> to vector<128x1xf32>
    %ge3A = arith.constant 0.000000e+00 : f32
    %ge3A_13 = vector.broadcast %ge3A : f32 to vector<128x1xf32>
    %ge3A_14 = arith.cmpf oge, %broadcast_in_dim3A_12, %ge3A_13 : vector<128x1xf32>
    %and3A = vector.broadcast %ge3A_14 : vector<128x1xi1> to vector<128x128xi1>
    %and3A_15 = arith.andi %eq3A_11, %and3A : vector<128x128xi1>
    %convert_element_type3A = arith.extui %and3A_15 : vector<128x128xi1> to vector<128x128xi32>
    %convert_element_type3A_16 = arith.sitofp %convert_element_type3A : vector<128x128xi32> to vector<128x128xf32>
    %iota3A = tpu.iota {dimensions = array<i32: 0>} : vector<128x128xi32>
    %iota3A_17 = tpu.iota {dimensions = array<i32: 1>} : vector<128x128xi32>
    %lt3A = arith.cmpi slt, %iota3A, %iota3A_17 : vector<128x128xi32>
    %convert_element_type3A_18 = arith.extui %lt3A : vector<128x128xi1> to vector<128x128xi32>
    %convert_element_type3A_19 = arith.sitofp %convert_element_type3A_18 : vector<128x128xi32> to vector<128x128xf32>
    %dot_general3A = arith.constant dense<0.000000e+00> : vector<128x128xf32>
    %dot_general3A_20 = tpu.matmul %convert_element_type3A_16, %convert_element_type3A_19, %dot_general3A {dimension_numbers = #tpu.dot_dimension_numbers<[1], [0], [0], [1], [0, 0, 1, 1], [], []>, transpose_lhs_hint = false} : vector<128x128xf32>, vector<128x128xf32>, vector<128x128xf32> -> vector<128x128xf32>
    %eq3A_21 = arith.constant 0.000000e+00 : f32
    %eq3A_22 = vector.broadcast %eq3A_21 : f32 to vector<128x128xf32>
    %eq3A_23 = arith.cmpf oeq, %dot_general3A_20, %eq3A_22 : vector<128x128xf32>
    %convert_element_type3A_24 = arith.extui %eq3A_23 : vector<128x128xi1> to vector<128x128xi32>
    %convert_element_type3A_25 = arith.sitofp %convert_element_type3A_24 : vector<128x128xi32> to vector<128x128xf32>
    %mul3A = arith.mulf %convert_element_type3A_16, %convert_element_type3A_25 : vector<128x128xf32>
    %get3A_26 = arith.constant 0 : index
    %get3A_27 = arith.constant 0 : index
    %get3A_28 = arith.constant 0 : index
    %get3A_29 = vector.load %arg2[%get3A_26, %get3A_27, %get3A_28] : memref<1x128x6xf32, #tpu.memory_space<vmem>>, vector<1x128x6xf32>
    %get3A_30 = vector.shape_cast %get3A_29 : vector<1x128x6xf32> to vector<128x6xf32>
    %dot_general3A_31 = arith.constant dense<0.000000e+00> : vector<128x6xf32>
    %dot_general3A_32 = tpu.matmul %mul3A, %get3A_30, %dot_general3A_31 {dimension_numbers = #tpu.dot_dimension_numbers<[1], [0], [0], [1], [0, 0, 1, 1], [], []>, transpose_lhs_hint = false} : vector<128x128xf32>, vector<128x6xf32>, vector<128x6xf32> -> vector<128x6xf32>
    %swap3A = arith.constant 0 : index
    %swap3A_33 = arith.constant 0 : index
    %swap3A_34 = arith.constant 0 : index
    %swap3A_35 = vector.load %arg3[%swap3A, %swap3A_33, %swap3A_34] : memref<1x128x6xf32, #tpu.memory_space<vmem>>, vector<1x128x6xf32>
    %swap3A_36 = vector.shape_cast %swap3A_35 : vector<1x128x6xf32> to vector<128x6xf32>
    %swap3A_37 = vector.shape_cast %dot_general3A_32 : vector<128x6xf32> to vector<1x128x6xf32>
    tpu.vector_store %arg3[%swap3A, %swap3A_33, %swap3A_34], %swap3A_37 {strides = array<i32>} : memref<1x128x6xf32, #tpu.memory_space<vmem>>, vector<1x128x6xf32>,
    return
  }
  func.func @transform_0(%arg0: i32) -> (i32, i32, i32) {
    %c0_i32 = arith.constant 0 : i32
    %c0_i32_0 = arith.constant 0 : i32
    %c0_i32_1 = arith.constant 0 : i32
    return %arg0, %c0_i32, %c0_i32_0 : i32, i32, i32
  }
  func.func @transform_1(%arg0: i32) -> (i32, i32, i32) {
    %c0_i32 = arith.constant 0 : i32
    %c0_i32_0 = arith.constant 0 : i32
    %c0_i32_1 = arith.constant 0 : i32
    return %arg0, %c0_i32, %c0_i32_0 : i32, i32, i32
  }
  func.func @transform_2(%arg0: i32) -> (i32, i32, i32) {
    %c0_i32 = arith.constant 0 : i32
    %c0_i32_0 = arith.constant 0 : i32
    %c0_i32_1 = arith.constant 0 : i32
    return %arg0, %c0_i32, %c0_i32_0 : i32, i32, i32
  }
}

</mosaic_0001>

<sc_bundles>
// kernel: _run.4.cloned.1.call-start
scs
__scs_entry_jumppad:
0x0: {  	(pc) =	sbr.rel $0x88, $3  }
0x1: {  	(tag) =	ssettag $0x0;
	lr =	simm.s32 $0x1  }
0x2: {  	[smem:$0x3F9E] =	sst lr;
	_ =	strace $0xD0000000  }
0x3: {  	_ = 	snop  }
0x4: {  	_ = 	snop  }
0x5: {  	_ = 	snop  }
0x6: {  	_ = 	snop  }
0x7: {  	_ = 	snop  }
__scs_overlays_trampoline_lowered:
0x8: {  	[smem:$0x3FAD] =	sst s0  }
0x9: {  	[smem:$0x3FAE] =	sst s1  }
0xa: {  	[smem:$0x3FAF] =	sst s2  }
0xb: {  	[smem:$0x3FB0] =	sst s3  }
0xc: {  	[smem:$0x3FB1] =	sst s4  }
0xd: {  	[smem:$0x3FB2] =	sst s5  }
0xe: {  	[smem:$0x3FB3] =	sst s6  }
0xf: {  	[smem:$0x3FB4] =	sst s7  }
0x10: {  	[smem:$0x3FB5] =	sst s8  }
0x11: {  	[smem:$0x3FB6] =	sst s9;
	s0 =	simm.s32 @!p0 $0x0  }
0x12: {  	s1 =	sld [smem:$0x3F9C];
	s0 =	simm.s32 @p0 $0x1  }
0x13: {  	[smem:$0x3FB7] =	sst s0;
	s0 =	simm.s32 @!p1 $0x0  }
0x14: {  	s2 =	sld [smem:$0x3F9B];
	s0 =	simm.s32 @p1 $0x1  }
0x15: {  	[smem:$0x3FB8] =	sst s0;
	s0 =	simm.s32 @!p2 $0x0  }
0x16: {  	s3 =	sld [smem:$0x3FDB];
	s0 =	simm.s32 @p2 $0x1  }
0x17: {  	s4 =	simm.s32 $0x1BF5;
	[smem:$0x3FBA] =	sst s0  }
0x18: {  	s0 =	sld [smem:$0x3F9D];
	_ =	swait.ge [sflag:s4], $0x0  }
0x19: {  	s7 =	sld [smem:$0x3F9E]  }
0x1a: {  	s8 =	sadd.s32 $0xFFFFE003, lr  }
0x1b: {  	s9 =	sadd.s32 $0xFFFFFEF7, lr;
	s5 =	simm.s32 $0xFFFFFFFF;
	p2 =	slt.u32 s8, $0xFFFFF086  }
0x1c: {  	p1 =	slt.u32 s9, $0xF7A;
	s5 =	simm.s32 @!p2 $0x0  }
0x1d: {  	s5 =	simm.s32 @p1 $0x1;
	p0 =	seq.s32 s7, s2  }
0x1e: {  	s7 =	smul.u32 @!p0 $0xF7A, s2;
	p2 =	seq.s32 @!p0 s5, $0x0  }
0x1f: {  	s9 =	smul.u32 $0xF7A, s1;
	s8 =	simm.s32 @!p0 $0x1BF5;
	p2 =	por !p2, p0  }
0x20: {  	[sflag:s8] =	ssyncset.s32 @!p0 $0xFFFFF086;
	s6 =	sadd.s32 @!p0 s3, s7;
	s7 =	simm.s32 @!p0 $0x108  }
0x21: {  	s3 =	sadd.s32 s3, s9;
	s6 =	sadd.s32 @!p0 $0x88, s6;
	s7 =	simm.s32 @p2 $0x1082  }
0x22: {  	[simem:s7], [sflag:s8] =	dma.local @!p0 [hbm:s6], $0xF7A  }
0x23: {  	s9 =	sor.u32 $0xD0000000, s2;
	s6 =	simm.s32 $0x108;
	_ =	swait.ge @!p0 [sflag:s8], $0x0  }
0x24: {  	s3 =	sadd.s32 $0x88, s3;
	s6 =	simm.s32 @!p1 $0x1082;
	[sflag:s4] =	ssyncset.s32 $0xFFFFF086  }
0x25: {  	[simem:s6], [sflag:s4] =	dma.local [hbm:s3], $0xF7A  }
0x26: {  	[smem:$0x3F9E] =	sst s1;
	(tag) =	ssettag s2;
	_ =	strace s9  }
0x27: {  	s1 =	sld [smem:$0x3FAE]  }
0x28: {  	s2 =	sld [smem:$0x3FAF]  }
0x29: {  	s4 =	sld [smem:$0x3FB1]  }
0x2a: {  	p0 =	seq.s32 s5, $0x0;
	s5 =	sld [smem:$0x3FB2]  }
0x2b: {  	s6 =	sld [smem:$0x3FB3]  }
0x2c: {  	s7 =	sld [smem:$0x3FB4]  }
0x2d: {  	s3 =	simm.s32 $0x108;
	s8 =	sld [smem:$0x3FB5]  }
0x2e: {  	s3 =	simm.s32 @!p0 $0x1082;
	s9 =	sld [smem:$0x3FB6]  }
0x2f: {  	lr =	sadd.s32 s0, s3;
	s0 =	sld [smem:$0x3FAD]  }
0x30: {  	s3 =	sld [smem:$0x3FB0]  }
0x31: {  	[smem:$0x3FB9] =	sst s10  }
0x32: {  	s10 =	sld [smem:$0x3FB7];
	_ =	sdelay $0x3  }
0x33: {  	p0 =	seq.s32 s10, $0x1;
	s10 =	sld [smem:$0x3FB9];
	_ =	sdelay $0x3  }
0x34: {  	[smem:$0x3FB9] =	sst s10  }
0x35: {  	s10 =	sld [smem:$0x3FB8];
	_ =	sdelay $0x3  }
0x36: {  	p1 =	seq.s32 s10, $0x1;
	s10 =	sld [smem:$0x3FB9];
	_ =	sdelay $0x3  }
0x37: {  	[smem:$0x3FB9] =	sst s10  }
0x38: {  	s10 =	sld [smem:$0x3FBA]  }
0x39: {  	_ = 	snop;
	(pc) =	sbr.ind lr, $3  }
0x3a: {  	_ = 	snop  }
0x3b: {  	_ = 	snop  }
0x3c: {  	p2 =	seq.s32 s10, $0x1;
	s10 =	sld [smem:$0x3FB9]  }
0x3d: {  	_ =	shalt  }
0x3e: {  	_ =	shalt  }
0x3f: {  	_ =	shalt  }
0x40: {  	_ =	shalt  }
0x41: {  	_ =	shalt  }
0x42: {  	_ =	shalt  }
0x43: {  	_ =	shalt  }
0x44: {  	_ =	shalt  }
0x45: {  	_ =	shalt  }
0x46: {  	_ =	shalt  }
0x47: {  	_ =	shalt  }
0x48: {  	_ =	shalt  }
0x49: {  	_ =	shalt  }
0x4a: {  	_ =	shalt  }
0x4b: {  	_ =	shalt  }
0x4c: {  	_ =	shalt  }
0x4d: {  	_ =	shalt  }
0x4e: {  	_ =	shalt  }
0x4f: {  	_ =	shalt  }
0x50: {  	_ =	shalt  }
0x51: {  	_ =	shalt  }
0x52: {  	_ =	shalt  }
0x53: {  	_ =	shalt  }
0x54: {  	_ =	shalt  }
0x55: {  	_ =	shalt  }
0x56: {  	_ =	shalt  }
0x57: {  	_ =	shalt  }
0x58: {  	_ =	shalt  }
0x59: {  	_ =	shalt  }
0x5a: {  	_ =	shalt  }
0x5b: {  	_ =	shalt  }
0x5c: {  	_ =	shalt  }
0x5d: {  	_ =	shalt  }
0x5e: {  	_ =	shalt  }
0x5f: {  	_ =	shalt  }
0x60: {  	_ =	shalt  }
0x61: {  	_ =	shalt  }
0x62: {  	_ =	shalt  }
0x63: {  	_ =	shalt  }
0x64: {  	_ =	shalt  }
0x65: {  	_ =	shalt  }
0x66: {  	_ =	shalt  }
0x67: {  	_ =	shalt  }
0x68: {  	_ =	shalt  }
0x69: {  	_ =	shalt  }
0x6a: {  	_ =	shalt  }
0x6b: {  	_ =	shalt  }
0x6c: {  	_ =	shalt  }
0x6d: {  	_ =	shalt  }
0x6e: {  	_ =	shalt  }
0x6f: {  	_ =	shalt  }
0x70: {  	_ =	shalt  }
0x71: {  	_ =	shalt  }
0x72: {  	_ =	shalt  }
0x73: {  	_ =	shalt  }
0x74: {  	_ =	shalt  }
0x75: {  	_ =	shalt  }
0x76: {  	_ =	shalt  }
0x77: {  	_ =	shalt  }
0x78: {  	_ =	shalt  }
0x79: {  	_ =	shalt  }
0x7a: {  	_ =	shalt  }
0x7b: {  	_ =	shalt  }
0x7c: {  	_ =	shalt  }
0x7d: {  	_ =	shalt  }
0x7e: {  	_ =	shalt  }
0x7f: {  	_ =	shalt  }
0x80: {  	_ =	shalt  }
0x81: {  	_ =	shalt  }
0x82: {  	_ =	shalt  }
0x83: {  	_ =	shalt  }
0x84: {  	_ =	shalt  }
0x85: {  	_ =	shalt  }
0x86: {  	_ =	shalt  }
0x87: {  	_ =	shalt  }
.Lfunc_end0:
.L_simem_size_0:
called_computation.1_lowered:
.L_overlay_start_0:
0x88: {  	s2 =	sld [smem:$0x3FD9]  }
0x89: {  	s3 =	sld [smem:$0x3FFE];
	_ =	sdelay $0x1  }
0x8a: {  	s1 =	srdreg.scid  }
0x8b: {  	s0 =	sand.u32 $0x1, s1  }
0x8c: {  	s14 =	sshll.u32 s0, $0xA;
	s2 =	sadd.s32 s3, s2  }
0x8d: {  	s2 =	sadd.s32 s2, s14  }
0x8e: {  	[smem:$0x3FC5] =	sst s2  }
0x8f: {  	_ = 	snop  }
0x90: {  	s2 =	sld [smem:$0x3FD0];
	_ =	sdelay $0x2  }
0x91: {  	s15 =	simm.s32 $0xA;
	s4 =	simm.s32 $0x10  }
0x92: {  	[smem:s4], [sflag:s15] =	dma.local [hbm:s2], $0x1  }
0x93: {  	_ =	swait.eq [sflag:s15], $0x1  }
0x94: {  	[sflag:s15] =	ssyncset.done $0x0  }
0x95: {  	[sflag:s15] =	ssyncadd.s32 $0xFFFFFFFF  }
0x96: {  	s16 =	sld [smem:$0x10];
	(tm) =	ssettm $0x1  }
0x97: {  	s17 =	sld [smem:$0x3FFB];
	_ =	sdelay $0x3  }
0x98: {  	_ =	strace s17  }
0x99: {  	s3 =	sld [smem:$0x3FFC];
	_ =	sdelay $0x3  }
0x9a: {  	_ =	strace s3  }
0x9b: {  	s3 =	sld [smem:$0x3FFD];
	_ =	sdelay $0x3  }
0x9c: {  	_ =	strace s3  }
0x9d: {  	_ =	strace $0x8FFFFFFF  }
0x9e: {  	s18 =	sld [smem:$0x3FDB];
	_ =	sdelay $0x1  }
0x9f: {  	s19 =	simm.s32 $_scs_section_size  }
0xa0: {  	s5 =	simm.s32 $_size__tile_overlayer_lowered;
	s6 =	simm.s32 $_tile_overlayer_lowered  }
0xa1: {  	s22 =	simm.s32 $0x1BFF;
	s21 =	sshll.u32 s6, $0x1;
	s3 =	sadd.s32 s19, s18  }
0xa2: {  	s7 =	simm.s32 $0x0;
	s20 =	sshll.u32 s5, $0x1;
	s5 =	sadd.s32 s21, s3  }
0xa3: {  	[timem:s7], [sflag:s22] =	dma.local [hbm:s5], s20  }
0xa4: {  	_ =	swait.ge [sflag:s22], s20  }
0xa5: {  	s4 =	ssub.s32 $0x0, s20;
	[sflag:s22] =	ssyncset.done $0x0  }
0xa6: {  	[sflag:s22] =	ssyncadd.s32 s4;
	_ =	sdelay $0x1  }
0xa7: {  	s23 =	simm.s32 $0x1B8B  }
0xa8: {  	_ =	swait.ge [sflag:s23], $0x1  }
0xa9: {  	[sflag:s23] =	ssyncset.done $0x0  }
0xaa: {  	s25 =	simm.s32 $0x1B8E;
	s24 =	sld [smem:$0x3FFE];
	[sflag:s23] =	ssyncadd.s32 $0xFFFFFFFF  }
0xab: {  	s26 =	simm.s32 $execute0_lowered;
	[smem:$0x3FD2] =	sst s25  }
0xac: {  	s5 =	sshll.u32 s26, $0x1;
	_ =	strace $0x80000046;
	[dreg:$0x1] =	wrdreg $0xFFFFFFFF  }
0xad: {  	s28 =	simm.s32 $_size_execute0_lowered;
	s3 =	sadd.s32 s3, s5;
	[dreg:$0x0] =	wrdreg $0x0  }
0xae: {  	s5 =	sshll.u32 s28, $0x1;
	[dreg:$0x2] =	wrdreg s3  }
0xaf: {  	[dreg:$0x3] =	wrdreg s5  }
0xb0: {  	[dreg:$0x4] =	wrdreg $0xC0  }
0xb1: {  	_ =	task [dreg:s7], $0x5FFFF  }
0xb2: {  	[dreg:$0x1] =	wrdreg $0xFFFFFFFF  }
0xb3: {  	[dreg:$0x0] =	wrdreg $0x60  }
0xb4: {  	[dreg:$0x2] =	wrdreg s24  }
0xb5: {  	[dreg:$0x3] =	wrdreg s16  }
0xb6: {  	[dreg:$0x4] =	wrdreg $0x9  }
0xb7: {  	_ =	task.clear_ibuf [dreg:s7], $0x5FFFF;
	_ =	strace $0x90000046  }
0xb8: {  	s29 =	simm.s32 $0x9;
	_ =	strace $0x80000048  }
0xb9: {  	_ =	swait.ge [sflag:s29], $0x1  }
0xba: {  	[sflag:s29] =	ssyncadd.s32 $0xFFFFFFFF  }
0xbb: {  	_ =	strace $0x90000048  }
0xbc: {  	_ =	sfence  }
0xbd: {  	s30 =	sld [smem:$0x0];
	_ =	sdelay $0x2  }
0xbe: {  	s31 =	sshll.u32 s1, $0xD;
	s1 =	sshrl.u32 s1, $0x2  }
0xbf: {  	s3 =	sand.u32 $0x4000, s31;
	s1 =	sadd.s32 s1, s30  }
0xc0: {  	s0 =	sor.u32 s3, s0;
	s1 =	sshll.u32 s1, $0x11  }
0xc1: {  	s0 =	sor.u32 s1, s0  }
0xc2: {  	s0 =	sadd.s32 $0x8F2B, s0  }
0xc3: {  	[sflag:s0] =	ssyncadd.remote.s32 $0x1  }
0xc4: {  	_ =	sfence.sel $0xFFFF  }
0xc5: {  	[dreg:$0x0] =	wrdreg $0xFFFFFFFF;
	(pc) =	sbr.abs _section_cstart, $3  }
0xc6: {  	[dreg:$0x1] =	wrdreg $0xFFFFFFFF  }
0xc7: {  	_ =	task.clear_ibuf [dreg:s7], $0x2FFFF;
	_ =	strace $0x9FFFFFFF  }
0xc8: {  	(tm) =	ssettm $0x7FFFFFFF  }
0xc9: {  	_ =	shalt  }
tec
execute0_lowered:
.L_overlay_start_1:
0x0: {  	(tag) =	ssettag $0x1  }
0x1: {  	v0 =	vimm.f32 $1.071428660e+00  }
0x2: {  	vm14 =	vcmask $0x300;
	vm13 =	vcmask $0x704;
	vm12 =	vcmask $0xB08  }
0x3: {  	vm11 =	vcmask $0xF0C;
	vm10 =	vcmask $0x1310;
	vm9 =	vcmask $0x1714  }
0x4: {  	vm8 =	vcmask $0x1B18;
	vm7 =	vcmask $0x1F1C;
	v0 =	vsel vm14, $0x0, v0  }
0x5: {  	vm6 =	vcmask $0x2320;
	vm5 =	vcmask $0x2724;
	v0 =	vsel vm13, $0x3D924925, v0  }
0x6: {  	vm4 =	vcmask $0x2B28;
	vm3 =	vcmask $0x2F2C;
	v0 =	vsel vm12, $0x3E124925, v0  }
0x7: {  	vm2 =	vcmask $0x3330;
	vm1 =	vcmask $0x3734;
	v0 =	vsel vm11, $0x3E5B6DB8, v0  }
0x8: {  	vm0 =	vcmask $0x3B38;
	v2 =	vimm.s32 $0x11A;
	v0 =	vsel vm10, $0x3E924925, v0  }
0x9: {  	v3 =	vimm.s32 $0x198;
	v4 =	vimm.s32 $0x9C9A9896;
	v0 =	vsel vm9, $0x3EB6DB6E, v0  }
0xa: {  	v6 =	vimm.s32 $0x84828020;
	v7 =	vimm.s32 $0x8C8A8886;
	v0 =	vsel vm8, $0x3EDB6DB8, v0  }
0xb: {  	v2 =	vsel vm14, $0x9E, v2;
	v3 =	vsel vm14, $0x11C, v3;
	v0 =	vsel vm7, $0x3F000000, v0  }
0xc: {  	v4 =	vunpack.c.0.s8.s32 v4;
	v6 =	vunpack.c.0.s8.s32 v6;
	v0 =	vsel vm6, $0x3F124925, v0  }
0xd: {  	v7 =	vunpack.c.0.s8.s32 v7;
	v2 =	vsel vm13, $0xA0, v2;
	v0 =	vsel vm5, $0x3F24924A, v0  }
0xe: {  	v3 =	vsel vm13, $0x11E, v3;
	v2 =	vsel vm12, $0x100, v2;
	v1 =	vsel vm4, $0x3F36DB6E, v0  }
0xf: {  	v3 =	vsel vm12, $0x120, v3;
	v2 =	vsel vm11, $0x102, v2;
	v1 =	vsel vm3, $0x3F492493, v1  }
0x10: {  	v3 =	vsel vm11, $0x180, v3;
	v2 =	vsel vm10, $0x104, v2;
	v1 =	vsel vm2, $0x3F5B6DB8, v1  }
0x11: {  	v3 =	vsel vm10, $0x182, v3;
	v2 =	vsel vm9, $0x106, v2;
	v1 =	vsel vm1, $0x3F6DB6DC, v1  }
0x12: {  	v3 =	vsel vm9, $0x184, v3;
	v5 =	vsel vm0, $0x3F800000, v1;
	v1 =	vimm.s32 $0x9492908E  }
0x13: {  	v2 =	vsel vm8, $0x108, v2;
	v3 =	vsel vm8, $0x186, v3;
	v1 =	vunpack.c.0.s8.s32 v1  }
0x14: {  	vm15 =	vcmask $0x1F10;
	v2 =	vsel vm7, $0x10A, v2;
	v3 =	vsel vm7, $0x188, v3  }
0x15: {  	v2 =	vsel vm6, $0x10C, v2;
	v1 =	vsel vm15, v4, v1;
	v4 =	vsel vm15, v7, v6  }
0x16: {  	v3 =	vsel vm6, $0x18A, v3;
	v2 =	vsel vm5, $0x10E, v2;
	v1 =	vcombine.low v4, v1  }
0x17: {  	v3 =	vsel vm5, $0x18C, v3;
	v2 =	vsel vm4, $0x110, v2  }
0x18: {  	v3 =	vsel vm4, $0x18E, v3;
	v2 =	vsel vm3, $0x112, v2;
	v1 =	vand.u32 $0xFF, v1  }
0x19: {  	v3 =	vsel vm3, $0x190, v3;
	[tilespmem:$0x1FF40] =	vst v1;
	v1 =	vsel vm2, $0x114, v2  }
0x1a: {  	v2 =	vsel vm2, $0x192, v3;
	v1 =	vsel vm1, $0x116, v1  }
0x1b: {  	v2 =	vsel vm1, $0x194, v2;
	v1 =	vsel vm0, $0x118, v1  }
0x1c: {  	v3 =	vimm.s32 $0x216;
	[tilespmem:$0x1FF50] =	vst v1;
	v1 =	vsel vm0, $0x196, v2  }
0x1d: {  	[tilespmem:$0x1FF60] =	vst v1;
	v1 =	vsel vm14, $0x19A, v3  }
0x1e: {  	v1 =	vsel vm13, $0x19C, v1  }
0x1f: {  	v2 =	vimm.s32 $0x294;
	v1 =	vsel vm12, $0x19E, v1  }
0x20: {  	v3 =	vimm.s32 $0x312;
	v2 =	vsel vm14, $0x218, v2;
	v1 =	vsel vm11, $0x1A0, v1  }
0x21: {  	v3 =	vsel vm14, $0x296, v3;
	v2 =	vsel vm13, $0x21A, v2;
	v1 =	vsel vm10, $0x200, v1  }
0x22: {  	v3 =	vsel vm13, $0x298, v3;
	v2 =	vsel vm12, $0x21C, v2;
	v1 =	vsel vm9, $0x202, v1  }
0x23: {  	v3 =	vsel vm12, $0x29A, v3;
	v2 =	vsel vm11, $0x21E, v2;
	v1 =	vsel vm8, $0x204, v1  }
0x24: {  	v3 =	vsel vm11, $0x29C, v3;
	v2 =	vsel vm10, $0x220, v2;
	v1 =	vsel vm7, $0x206, v1  }
0x25: {  	v3 =	vsel vm10, $0x29E, v3;
	v2 =	vsel vm9, $0x280, v2;
	v1 =	vsel vm6, $0x208, v1  }
0x26: {  	v3 =	vsel vm9, $0x2A0, v3;
	v2 =	vsel vm8, $0x282, v2;
	v1 =	vsel vm5, $0x20A, v1  }
0x27: {  	v3 =	vsel vm8, $0x300, v3;
	v2 =	vsel vm7, $0x284, v2;
	v1 =	vsel vm4, $0x20C, v1  }
0x28: {  	v3 =	vsel vm7, $0x302, v3;
	v2 =	vsel vm6, $0x286, v2;
	v1 =	vsel vm3, $0x20E, v1  }
0x29: {  	v3 =	vsel vm6, $0x304, v3;
	v2 =	vsel vm5, $0x288, v2;
	v1 =	vsel vm2, $0x210, v1  }
0x2a: {  	v3 =	vsel vm5, $0x306, v3;
	v2 =	vsel vm4, $0x28A, v2;
	v1 =	vsel vm1, $0x212, v1  }
0x2b: {  	v3 =	vsel vm4, $0x308, v3;
	v2 =	vsel vm3, $0x28C, v2;
	v1 =	vsel vm0, $0x214, v1  }
0x2c: {  	v3 =	vsel vm3, $0x30A, v3;
	[tilespmem:$0x1FF70] =	vst v1;
	v1 =	vsel vm2, $0x28E, v2  }
0x2d: {  	v2 =	vsel vm2, $0x30C, v3;
	v1 =	vsel vm1, $0x290, v1  }
0x2e: {  	v2 =	vsel vm1, $0x30E, v2;
	v1 =	vsel vm0, $0x292, v1  }
0x2f: {  	v3 =	vimm.s32 $0x390;
	[tilespmem:$0x1FF80] =	vst v1;
	v1 =	vsel vm0, $0x310, v2  }
0x30: {  	[tilespmem:$0x1FF90] =	vst v1;
	v1 =	vsel vm14, $0x314, v3  }
0x31: {  	v1 =	vsel vm13, $0x316, v1  }
0x32: {  	v2 =	vimm.s32 $0x40E;
	v1 =	vsel vm12, $0x318, v1  }
0x33: {  	v3 =	vimm.s32 $0x48C;
	v2 =	vsel vm14, $0x392, v2;
	v1 =	vsel vm11, $0x31A, v1  }
0x34: {  	v3 =	vsel vm14, $0x410, v3;
	v2 =	vsel vm13, $0x394, v2;
	v1 =	vsel vm10, $0x31C, v1  }
0x35: {  	v3 =	vsel vm13, $0x412, v3;
	v2 =	vsel vm12, $0x396, v2;
	v1 =	vsel vm9, $0x31E, v1  }
0x36: {  	v3 =	vsel vm12, $0x414, v3;
	v2 =	vsel vm11, $0x398, v2;
	v1 =	vsel vm8, $0x320, v1  }
0x37: {  	v3 =	vsel vm11, $0x416, v3;
	v2 =	vsel vm10, $0x39A, v2;
	v1 =	vsel vm7, $0x380, v1  }
0x38: {  	v3 =	vsel vm10, $0x418, v3;
	v2 =	vsel vm9, $0x39C, v2;
	v1 =	vsel vm6, $0x382, v1  }
0x39: {  	v3 =	vsel vm9, $0x41A, v3;
	v2 =	vsel vm8, $0x39E, v2;
	v1 =	vsel vm5, $0x384, v1  }
0x3a: {  	v3 =	vsel vm8, $0x41C, v3;
	v2 =	vsel vm7, $0x3A0, v2;
	v1 =	vsel vm4, $0x386, v1  }
0x3b: {  	v3 =	vsel vm7, $0x41E, v3;
	v2 =	vsel vm6, $0x400, v2;
	v1 =	vsel vm3, $0x388, v1  }
0x3c: {  	v3 =	vsel vm6, $0x420, v3;
	v2 =	vsel vm5, $0x402, v2;
	v1 =	vsel vm2, $0x38A, v1  }
0x3d: {  	v3 =	vsel vm5, $0x480, v3;
	v2 =	vsel vm4, $0x404, v2;
	v1 =	vsel vm1, $0x38C, v1  }
0x3e: {  	v3 =	vsel vm4, $0x482, v3;
	v2 =	vsel vm3, $0x406, v2;
	v1 =	vsel vm0, $0x38E, v1  }
0x3f: {  	v8 =	vimm.s32 $0x8D8B8987;
	v3 =	vsel vm3, $0x484, v3;
	[tilespmem:$0x1FFA0] =	vst v1;
	v1 =	vsel vm2, $0x408, v2  }
0x40: {  	v46 =	vimm.s32 $0x0;
	v2 =	vsel vm2, $0x486, v3;
	v1 =	vsel vm1, $0x40A, v1  }
0x41: {  	v8 =	vunpack.c.0.s8.s32 v8;
	v2 =	vsel vm1, $0x488, v2;
	v1 =	vsel vm0, $0x40C, v1  }
0x42: {  	v0 =	vlaneseq.u32;
	v3 =	vimm.s32 $0x50A;
	[tilespmem:$0x1FFB0] =	vst v1;
	v1 =	vsel vm0, $0x48A, v2  }
0x43: {  	v20 =	vmul.u32 $0xE1, v0;
	v25 =	vor.u32 $0x10, v0;
	[tilespmem:$0x1FFC0] =	vst v1;
	v1 =	vsel vm14, $0x48E, v3  }
0x44: {  	v27 =	vor.u32 $0x20, v0;
	v29 =	vor.u32 $0x30, v0;
	v1 =	vsel vm13, $0x490, v1  }
0x45: {  	v26 =	vadd.s32 $0xE10, v20;
	v2 =	vimm.s32 $0x588;
	v1 =	vsel vm12, $0x492, v1  }
0x46: {  	v3 =	vimm.s32 $0x606;
	v2 =	vsel vm14, $0x50C, v2;
	v1 =	vsel vm11, $0x494, v1  }
0x47: {  	v3 =	vsel vm14, $0x58A, v3;
	v2 =	vsel vm13, $0x50E, v2;
	v1 =	vsel vm10, $0x496, v1  }
0x48: {  	v3 =	vsel vm13, $0x58C, v3;
	v2 =	vsel vm12, $0x510, v2;
	v1 =	vsel vm9, $0x498, v1  }
0x49: {  	v3 =	vsel vm12, $0x58E, v3;
	v2 =	vsel vm11, $0x512, v2;
	v1 =	vsel vm8, $0x49A, v1  }
0x4a: {  	v3 =	vsel vm11, $0x590, v3;
	v2 =	vsel vm10, $0x514, v2;
	v1 =	vsel vm7, $0x49C, v1  }
0x4b: {  	v3 =	vsel vm10, $0x592, v3;
	v2 =	vsel vm9, $0x516, v2;
	v1 =	vsel vm6, $0x49E, v1  }
0x4c: {  	v3 =	vsel vm9, $0x594, v3;
	v2 =	vsel vm8, $0x518, v2;
	v1 =	vsel vm5, $0x4A0, v1  }
0x4d: {  	v3 =	vsel vm8, $0x596, v3;
	v2 =	vsel vm7, $0x51A, v2;
	v1 =	vsel vm4, $0x500, v1  }
0x4e: {  	v3 =	vsel vm7, $0x598, v3;
	v2 =	vsel vm6, $0x51C, v2;
	v1 =	vsel vm3, $0x502, v1  }
0x4f: {  	v3 =	vsel vm6, $0x59A, v3;
	v2 =	vsel vm5, $0x51E, v2;
	v1 =	vsel vm2, $0x504, v1  }
0x50: {  	v3 =	vsel vm5, $0x59C, v3;
	v2 =	vsel vm4, $0x520, v2;
	v1 =	vsel vm1, $0x506, v1  }
0x51: {  	v3 =	vsel vm4, $0x59E, v3;
	v2 =	vsel vm3, $0x580, v2;
	v1 =	vsel vm0, $0x508, v1  }
0x52: {  	v28 =	vadd.s32 $0x1C20, v20;
	v3 =	vsel vm3, $0x5A0, v3;
	[tilespmem:$0x1FFD0] =	vst v1;
	v1 =	vsel vm2, $0x582, v2  }
0x53: {  	v30 =	vadd.s32 $0x2A30, v20;
	v2 =	vsel vm2, $0x600, v3;
	v1 =	vsel vm1, $0x584, v1  }
0x54: {  	v6 =	vmul.u32 $0x2, v0;
	v2 =	vsel vm1, $0x602, v2;
	v1 =	vsel vm0, $0x586, v1  }
0x55: {  	v7 =	vimm.s32 $0x85838121;
	v3 =	vimm.s32 $0x684;
	[tilespmem:$0x1FFE0] =	vst v1;
	v1 =	vsel vm0, $0x604, v2  }
0x56: {  	v4 =	vimm.s32 $0x9D9B9997;
	v7 =	vunpack.c.0.s8.s32 v7;
	[tilespmem:$0x1FFF0] =	vst v1;
	v1 =	vsel vm14, $0x608, v3  }
0x57: {  	v4 =	vunpack.c.0.s8.s32 v4;
	v2 =	vimm.s32 $0x702;
	v1 =	vsel vm13, $0x60A, v1  }
0x58: {  	v3 =	vimm.s32 $0x780;
	v2 =	vsel vm14, $0x686, v2;
	v1 =	vsel vm12, $0x60C, v1  }
0x59: {  	v3 =	vsel vm14, $0x704, v3;
	v2 =	vsel vm13, $0x688, v2;
	v1 =	vsel vm11, $0x60E, v1  }
0x5a: {  	v3 =	vsel vm13, $0x706, v3;
	v2 =	vsel vm12, $0x68A, v2;
	v1 =	vsel vm10, $0x610, v1  }
0x5b: {  	v3 =	vsel vm12, $0x708, v3;
	v2 =	vsel vm11, $0x68C, v2;
	v1 =	vsel vm9, $0x612, v1  }
0x5c: {  	v3 =	vsel vm11, $0x70A, v3;
	v2 =	vsel vm10, $0x68E, v2;
	v1 =	vsel vm8, $0x614, v1  }
0x5d: {  	v3 =	vsel vm10, $0x70C, v3;
	v2 =	vsel vm9, $0x690, v2;
	v1 =	vsel vm7, $0x616, v1  }
0x5e: {  	v3 =	vsel vm9, $0x70E, v3;
	v2 =	vsel vm8, $0x692, v2;
	v1 =	vsel vm6, $0x618, v1  }
0x5f: {  	v3 =	vsel vm8, $0x710, v3;
	v2 =	vsel vm7, $0x694, v2;
	v1 =	vsel vm5, $0x61A, v1  }
0x60: {  	v3 =	vsel vm7, $0x712, v3;
	v2 =	vsel vm6, $0x696, v2;
	v1 =	vsel vm4, $0x61C, v1  }
0x61: {  	v3 =	vsel vm6, $0x714, v3;
	v2 =	vsel vm5, $0x698, v2;
	v1 =	vsel vm3, $0x61E, v1  }
0x62: {  	v3 =	vsel vm5, $0x716, v3;
	v2 =	vsel vm4, $0x69A, v2;
	v1 =	vsel vm2, $0x620, v1  }
0x63: {  	v3 =	vsel vm4, $0x718, v3;
	v2 =	vsel vm3, $0x69C, v2;
	v1 =	vsel vm1, $0x680, v1  }
0x64: {  	v3 =	vsel vm3, $0x71A, v3;
	v19 =	vsel vm0, $0x682, v1;
	v1 =	vsel vm2, $0x69E, v2  }
0x65: {  	v2 =	vsel vm2, $0x71C, v3;
	v3 =	vimm.s32 $0x9593918F;
	v1 =	vsel vm1, $0x6A0, v1  }
0x66: {  	v2 =	vsel vm1, $0x71E, v2;
	v3 =	vunpack.c.0.s8.s32 v3;
	v21 =	vsel vm0, $0x700, v1  }
0x67: {  	v22 =	vsel vm0, $0x720, v2;
	v1 =	vimm.s32 $0x11B;
	v2 =	vimm.s32 $0x199  }
0x68: {  	v23 =	vadd.s32 $0x782, v6;
	v1 =	vsel vm14, $0x9F, v1;
	v2 =	vsel vm14, $0x11D, v2  }
0x69: {  	v3 =	vsel vm15, v4, v3;
	v4 =	vsel vm15, v8, v7;
	v1 =	vsel vm13, $0xA1, v1  }
0x6a: {  	v2 =	vsel vm13, $0x11F, v2;
	v3 =	vcombine.low v4, v3;
	v1 =	vsel vm12, $0x101, v1  }
0x6b: {  	v24 =	vor.u32 $0x800, v6;
	v2 =	vsel vm12, $0x121, v2;
	v1 =	vsel vm11, $0x103, v1  }
0x6c: {  	v2 =	vsel vm11, $0x181, v2;
	v31 =	vand.u32 $0xFF, v3;
	v1 =	vsel vm10, $0x105, v1  }
0x6d: {  	v3 =	vimm.s32 $0x313;
	v2 =	vsel vm10, $0x183, v2;
	v1 =	vsel vm9, $0x107, v1  }
0x6e: {  	v3 =	vsel vm14, $0x297, v3;
	v2 =	vsel vm9, $0x185, v2;
	v1 =	vsel vm8, $0x109, v1  }
0x6f: {  	v3 =	vsel vm13, $0x299, v3;
	v2 =	vsel vm8, $0x187, v2;
	v1 =	vsel vm7, $0x10B, v1  }
0x70: {  	v3 =	vsel vm12, $0x29B, v3;
	v2 =	vsel vm7, $0x189, v2;
	v1 =	vsel vm6, $0x10D, v1  }
0x71: {  	v3 =	vsel vm11, $0x29D, v3;
	v2 =	vsel vm6, $0x18B, v2;
	v1 =	vsel vm5, $0x10F, v1  }
0x72: {  	v3 =	vsel vm10, $0x29F, v3;
	v2 =	vsel vm5, $0x18D, v2;
	v1 =	vsel vm4, $0x111, v1  }
0x73: {  	v3 =	vsel vm9, $0x2A1, v3;
	v2 =	vsel vm4, $0x18F, v2;
	v1 =	vsel vm3, $0x113, v1  }
0x74: {  	v3 =	vsel vm8, $0x301, v3;
	v2 =	vsel vm3, $0x191, v2;
	v1 =	vsel vm2, $0x115, v1  }
0x75: {  	v3 =	vsel vm7, $0x303, v3;
	v2 =	vsel vm2, $0x193, v2;
	v1 =	vsel vm1, $0x117, v1  }
0x76: {  	v2 =	vsel vm1, $0x195, v2;
	v32 =	vsel vm0, $0x119, v1;
	v1 =	vimm.s32 $0x217  }
0x77: {  	v33 =	vsel vm0, $0x197, v2;
	v2 =	vimm.s32 $0x295;
	v1 =	vsel vm14, $0x19B, v1  }
0x78: {  	v3 =	vsel vm6, $0x305, v3;
	v2 =	vsel vm14, $0x219, v2;
	v1 =	vsel vm13, $0x19D, v1  }
0x79: {  	v3 =	vsel vm5, $0x307, v3;
	v2 =	vsel vm13, $0x21B, v2;
	v1 =	vsel vm12, $0x19F, v1  }
0x7a: {  	v3 =	vsel vm4, $0x309, v3;
	v2 =	vsel vm12, $0x21D, v2;
	v1 =	vsel vm11, $0x1A1, v1  }
0x7b: {  	v3 =	vsel vm3, $0x30B, v3;
	v2 =	vsel vm11, $0x21F, v2;
	v1 =	vsel vm10, $0x201, v1  }
0x7c: {  	v3 =	vsel vm2, $0x30D, v3;
	v2 =	vsel vm10, $0x221, v2;
	v1 =	vsel vm9, $0x203, v1  }
0x7d: {  	v3 =	vsel vm1, $0x30F, v3;
	v2 =	vsel vm9, $0x281, v2;
	v1 =	vsel vm8, $0x205, v1  }
0x7e: {  	v36 =	vsel vm0, $0x311, v3;
	v2 =	vsel vm8, $0x283, v2;
	v1 =	vsel vm7, $0x207, v1  }
0x7f: {  	v3 =	vimm.s32 $0x48D;
	v2 =	vsel vm7, $0x285, v2;
	v1 =	vsel vm6, $0x209, v1  }
0x80: {  	v3 =	vsel vm14, $0x411, v3;
	v2 =	vsel vm6, $0x287, v2;
	v1 =	vsel vm5, $0x20B, v1  }
0x81: {  	v3 =	vsel vm13, $0x413, v3;
	v2 =	vsel vm5, $0x289, v2;
	v1 =	vsel vm4, $0x20D, v1  }
0x82: {  	v3 =	vsel vm12, $0x415, v3;
	v2 =	vsel vm4, $0x28B, v2;
	v1 =	vsel vm3, $0x20F, v1  }
0x83: {  	v3 =	vsel vm11, $0x417, v3;
	v2 =	vsel vm3, $0x28D, v2;
	v1 =	vsel vm2, $0x211, v1  }
0x84: {  	v3 =	vsel vm10, $0x419, v3;
	v2 =	vsel vm2, $0x28F, v2;
	v1 =	vsel vm1, $0x213, v1  }
0x85: {  	v2 =	vsel vm1, $0x291, v2;
	v34 =	vsel vm0, $0x215, v1;
	v1 =	vimm.s32 $0x391  }
0x86: {  	v35 =	vsel vm0, $0x293, v2;
	v2 =	vimm.s32 $0x40F;
	v1 =	vsel vm14, $0x315, v1  }
0x87: {  	v3 =	vsel vm9, $0x41B, v3;
	v2 =	vsel vm14, $0x393, v2;
	v1 =	vsel vm13, $0x317, v1  }
0x88: {  	v3 =	vsel vm8, $0x41D, v3;
	v2 =	vsel vm13, $0x395, v2;
	v1 =	vsel vm12, $0x319, v1  }
0x89: {  	v3 =	vsel vm7, $0x41F, v3;
	v2 =	vsel vm12, $0x397, v2;
	v1 =	vsel vm11, $0x31B, v1  }
0x8a: {  	v3 =	vsel vm6, $0x421, v3;
	v2 =	vsel vm11, $0x399, v2;
	v1 =	vsel vm10, $0x31D, v1  }
0x8b: {  	v3 =	vsel vm5, $0x481, v3;
	v2 =	vsel vm10, $0x39B, v2;
	v1 =	vsel vm9, $0x31F, v1  }
0x8c: {  	v3 =	vsel vm4, $0x483, v3;
	v2 =	vsel vm9, $0x39D, v2;
	v1 =	vsel vm8, $0x321, v1  }
0x8d: {  	v3 =	vsel vm3, $0x485, v3;
	v2 =	vsel vm8, $0x39F, v2;
	v1 =	vsel vm7, $0x381, v1  }
0x8e: {  	v3 =	vsel vm2, $0x487, v3;
	v2 =	vsel vm7, $0x3A1, v2;
	v1 =	vsel vm6, $0x383, v1  }
0x8f: {  	v3 =	vsel vm1, $0x489, v3;
	v2 =	vsel vm6, $0x401, v2;
	v1 =	vsel vm5, $0x385, v1  }
0x90: {  	v39 =	vsel vm0, $0x48B, v3;
	v2 =	vsel vm5, $0x403, v2;
	v1 =	vsel vm4, $0x387, v1  }
0x91: {  	v3 =	vimm.s32 $0x607;
	v2 =	vsel vm4, $0x405, v2;
	v1 =	vsel vm3, $0x389, v1  }
0x92: {  	v3 =	vsel vm14, $0x58B, v3;
	v2 =	vsel vm3, $0x407, v2;
	v1 =	vsel vm2, $0x38B, v1  }
0x93: {  	v3 =	vsel vm13, $0x58D, v3;
	v2 =	vsel vm2, $0x409, v2;
	v1 =	vsel vm1, $0x38D, v1  }
0x94: {  	v2 =	vsel vm1, $0x40B, v2;
	v37 =	vsel vm0, $0x38F, v1;
	v1 =	vimm.s32 $0x50B  }
0x95: {  	v38 =	vsel vm0, $0x40D, v2;
	v2 =	vimm.s32 $0x589;
	v1 =	vsel vm14, $0x48F, v1  }
0x96: {  	v3 =	vsel vm12, $0x58F, v3;
	v2 =	vsel vm14, $0x50D, v2;
	v1 =	vsel vm13, $0x491, v1  }
0x97: {  	v3 =	vsel vm11, $0x591, v3;
	v2 =	vsel vm13, $0x50F, v2;
	v1 =	vsel vm12, $0x493, v1  }
0x98: {  	v3 =	vsel vm10, $0x593, v3;
	v2 =	vsel vm12, $0x511, v2;
	v1 =	vsel vm11, $0x495, v1  }
0x99: {  	v3 =	vsel vm9, $0x595, v3;
	v2 =	vsel vm11, $0x513, v2;
	v1 =	vsel vm10, $0x497, v1  }
0x9a: {  	v3 =	vsel vm8, $0x597, v3;
	v2 =	vsel vm10, $0x515, v2;
	v1 =	vsel vm9, $0x499, v1  }
0x9b: {  	v3 =	vsel vm7, $0x599, v3;
	v2 =	vsel vm9, $0x517, v2;
	v1 =	vsel vm8, $0x49B, v1  }
0x9c: {  	v3 =	vsel vm6, $0x59B, v3;
	v2 =	vsel vm8, $0x519, v2;
	v1 =	vsel vm7, $0x49D, v1  }
0x9d: {  	v3 =	vsel vm5, $0x59D, v3;
	v2 =	vsel vm7, $0x51B, v2;
	v1 =	vsel vm6, $0x49F, v1  }
0x9e: {  	v3 =	vsel vm4, $0x59F, v3;
	v2 =	vsel vm6, $0x51D, v2;
	v1 =	vsel vm5, $0x4A1, v1  }
0x9f: {  	v3 =	vsel vm3, $0x5A1, v3;
	v2 =	vsel vm5, $0x51F, v2;
	v1 =	vsel vm4, $0x501, v1  }
0xa0: {  	v3 =	vsel vm2, $0x601, v3;
	v2 =	vsel vm4, $0x521, v2;
	v1 =	vsel vm3, $0x503, v1  }
0xa1: {  	v3 =	vsel vm1, $0x603, v3;
	v2 =	vsel vm3, $0x581, v2;
	v1 =	vsel vm2, $0x505, v1  }
0xa2: {  	v42 =	vsel vm0, $0x605, v3;
	v2 =	vsel vm2, $0x583, v2;
	v1 =	vsel vm1, $0x507, v1  }
0xa3: {  	v3 =	vimm.s32 $0x781;
	v2 =	vsel vm1, $0x585, v2;
	v40 =	vsel vm0, $0x509, v1  }
0xa4: {  	v41 =	vsel vm0, $0x587, v2;
	v1 =	vimm.s32 $0x685;
	v2 =	vimm.s32 $0x703  }
0xa5: {  	v3 =	vsel vm14, $0x705, v3;
	v1 =	vsel vm14, $0x609, v1;
	v2 =	vsel vm14, $0x687, v2  }
0xa6: {  	v3 =	vsel vm13, $0x707, v3;
	v1 =	vsel vm13, $0x60B, v1;
	v2 =	vsel vm13, $0x689, v2  }
0xa7: {  	v3 =	vsel vm12, $0x709, v3;
	v1 =	vsel vm12, $0x60D, v1;
	v2 =	vsel vm12, $0x68B, v2  }
0xa8: {  	v3 =	vsel vm11, $0x70B, v3;
	v1 =	vsel vm11, $0x60F, v1;
	v2 =	vsel vm11, $0x68D, v2  }
0xa9: {  	s1 =	srdreg.scid;
	s5 =	rddreg [dreg:$0x0];
	v3 =	vsel vm10, $0x70D, v3;
	v1 =	vsel vm10, $0x611, v1;
	v2 =	vsel vm10, $0x68F, v2  }
0xaa: {  	s0 =	stileid.u32;
	s2 =	rddreg [dreg:$0x1];
	v3 =	vsel vm9, $0x70F, v3;
	v1 =	vsel vm9, $0x613, v1;
	v2 =	vsel vm9, $0x691, v2  }
0xab: {  	s3 =	simm.s32 $0x0;
	s9 =	simm.s32 $0x80;
	s10 =	simm.s32 $0x400;
	v3 =	vsel vm8, $0x711, v3;
	v1 =	vsel vm8, $0x615, v1;
	v2 =	vsel vm8, $0x693, v2  }
0xac: {  	s11 =	simm.s32 $0x600;
	s12 =	simm.s32 $0x480;
	s13 =	simm.s32 $0x4600;
	v3 =	vsel vm7, $0x713, v3;
	v1 =	vsel vm7, $0x617, v1;
	v2 =	vsel vm7, $0x695, v2  }
0xad: {  	s14 =	simm.s32 $0x500;
	s15 =	simm.s32 $0x8600;
	s6 =	sand.u32 $0x1, s1;
	v3 =	vsel vm6, $0x715, v3;
	v1 =	vsel vm6, $0x619, v1;
	v2 =	vsel vm6, $0x697, v2  }
0xae: {  	s16 =	simm.s32 $0x1;
	s7 =	sshll.u32 s0, $0x3;
	s4 =	sshll.u32 s6, $0x7;
	v3 =	vsel vm5, $0x717, v3;
	v1 =	vsel vm5, $0x61B, v1;
	v2 =	vsel vm5, $0x699, v2  }
0xaf: {  	s17 =	simm.s32 $0xC600;
	s18 =	simm.s32 $0x0;
	s4 =	sor.u32 s7, s4;
	v3 =	vsel vm4, $0x719, v3;
	v1 =	vsel vm4, $0x61D, v1;
	v2 =	vsel vm4, $0x69B, v2  }
0xb0: {  	s1 =	rddreg [dreg:$0x2];
	s6 =	ssub.s32 $0x2, s6;
	s7 =	sshll.u32 s4, $0x4;
	v3 =	vsel vm3, $0x71B, v3;
	v1 =	vsel vm3, $0x61F, v1;
	v2 =	vsel vm3, $0x69D, v2  }
0xb1: {  	[smem:$0x7FF] =	sst s3;
	s8 =	sshrl.u32 s6, $0x1;
	s7 =	sadd.s32 s7, s5;
	v3 =	vsel vm2, $0x71D, v3;
	v1 =	vsel vm2, $0x621, v1;
	v2 =	vsel vm2, $0x69F, v2  }
0xb2: {  	s8 =	ssub.s32 s6, s8;
	s5 =	sadd.s32 $0xC00, s5;
	s6 =	sadd.s32 $0x40C00, s7;
	v3 =	vsel vm1, $0x71F, v3;
	v1 =	vsel vm1, $0x681, v1;
	v2 =	vsel vm1, $0x6A1, v2  }
0xb3: {  	s7 =	smax.u32 s8, $0x1;
	s8 =	simm.s32 $0x2;
	_ =	strace $0x80000047;
	v45 =	vsel vm0, $0x721, v3;
	v43 =	vsel vm0, $0x683, v1;
	v44 =	vsel vm0, $0x701, v2  }
.LBB2_1:
0xb4: {  	[tilespmem:s3], [sflag:$0x2] =	stream.linear.gather [hbm4b:s6+s3], $0x400, $0x38;
	[tilespmem:$0xFE80] =	vst v63  }
0xb5: {  	_ =	swait.ge [sflag:s8], $0x400  }
0xb6: {  	[sflag:s8] =	ssyncset.done $0x0  }
0xb7: {  	v47 =	vimm.s32 $0x0;
	s19 =	simm.s32 $0x0;
	[sflag:s8] =	ssyncadd.s32 $0xFFFFFC00  }
.LBB2_2:
0xb8: {  	v1 =	vshll.u32 v47, $0x7  }
0xb9: {  	v1 =	vor.u32 v0, v1;
	_ =	sdelay $0x3  }
0xba: {  	s20 =	simm.s32 $0x0  }
0xbb: {  	v1 =	vld.idx.msk [tilespmem:v1+s20+$0x0], $0xffff;
	_ =	sdelay $0x4  }
0xbc: {  	v2 =	vmul.f32 $1.250000000e-01, v1;
	_ =	sdelay $0x1  }
0xbd: {  	v2 =	vmax.f32 v2, $0.0e+00  }
0xbe: {  	v2 =	vmin.f32 v2, $6.300000000e+01  }
0xbf: {  	v3 =	vtrunc.f32 v2  }
0xc0: {  	v3 =	vcvt.f32.s32 v3;
	_ =	sdelay $0x1  }
0xc1: {  	v1 =	vtrunc.f32 v1;
	vm0 =	vlt.s32 v3, $0x2F  }
0xc2: {  	v1 =	vcvt.f32.s32 v1;
	v3 =	vnsel vm0, $0x2F, v3  }
0xc3: {  	v7 =	vimm.s32 $0x6;
	v9 =	vimm.s32 $0x1;
	v4 =	vperm.xlane v3, v46  }
0xc4: {  	v1 =	vperm.xlane v1, v7;
	v3 =	vperm.xlane v3, v9  }
0xc5: {  	v7 =	vshll.u32 v4, $0x1  }
0xc6: {  	v8 =	vshll.u32 v3, $0x7;
	v1 =	vadd.s32 v1, v7  }
0xc7: {  	v58 =	vadd.s32 v8, v1  }
0xc8: {  	v1 =	vadd.s32 v6, v58  }
0xc9: {  	[tilespmem:$0x400] =	vst v1;
	v1 =	vld [tilespmem:$0x1FF40];
	_ =	sdelay $0x4  }
0xca: {  	v1 =	vadd.s32 v1, v58  }
0xcb: {  	[tilespmem:$0x410] =	vst v1;
	v1 =	vld [tilespmem:$0x1FF50];
	_ =	sdelay $0x4  }
0xcc: {  	v1 =	vadd.s32 v1, v58  }
0xcd: {  	[tilespmem:$0x420] =	vst v1;
	v1 =	vld [tilespmem:$0x1FF60];
	_ =	sdelay $0x4  }
0xce: {  	v1 =	vadd.s32 v1, v58  }
0xcf: {  	[tilespmem:$0x430] =	vst v1;
	v1 =	vld [tilespmem:$0x1FF70];
	_ =	sdelay $0x4  }
0xd0: {  	v1 =	vadd.s32 v1, v58  }
0xd1: {  	[tilespmem:$0x440] =	vst v1;
	v1 =	vld [tilespmem:$0x1FF80];
	_ =	sdelay $0x4  }
0xd2: {  	v1 =	vadd.s32 v1, v58  }
0xd3: {  	[tilespmem:$0x450] =	vst v1;
	v1 =	vld [tilespmem:$0x1FF90];
	_ =	sdelay $0x4  }
0xd4: {  	v1 =	vadd.s32 v1, v58  }
0xd5: {  	[tilespmem:$0x460] =	vst v1;
	v1 =	vld [tilespmem:$0x1FFA0];
	_ =	sdelay $0x4  }
0xd6: {  	v1 =	vadd.s32 v1, v58  }
0xd7: {  	[tilespmem:$0x470] =	vst v1;
	v1 =	vld [tilespmem:$0x1FFB0];
	_ =	sdelay $0x4  }
0xd8: {  	v1 =	vadd.s32 v1, v58  }
0xd9: {  	[tilespmem:$0x480] =	vst v1;
	v1 =	vld [tilespmem:$0x1FFC0];
	_ =	sdelay $0x4  }
0xda: {  	v1 =	vadd.s32 v1, v58  }
0xdb: {  	[tilespmem:$0x490] =	vst v1;
	v1 =	vld [tilespmem:$0x1FFD0];
	_ =	sdelay $0x4  }
0xdc: {  	v1 =	vadd.s32 v1, v58  }
0xdd: {  	[tilespmem:$0x4A0] =	vst v1;
	v1 =	vld [tilespmem:$0x1FFE0];
	_ =	sdelay $0x4  }
0xde: {  	v1 =	vadd.s32 v1, v58  }
0xdf: {  	[tilespmem:$0x4B0] =	vst v1;
	v1 =	vld [tilespmem:$0x1FFF0];
	_ =	sdelay $0x4  }
0xe0: {  	v1 =	vadd.s32 v1, v58  }
0xe1: {  	[tilespmem:$0x4C0] =	vst v1;
	v1 =	vadd.s32 v19, v58  }
0xe2: {  	[tilespmem:$0x4D0] =	vst v1;
	v1 =	vadd.s32 v21, v58  }
0xe3: {  	[tilespmem:$0x4E0] =	vst v1;
	v1 =	vadd.s32 v22, v58  }
0xe4: {  	[tilespmem:$0x4F0] =	vst v1;
	v1 =	vadd.s32 v23, v58  }
0xe5: {  	[tilespmem:$0x500] =	vst v1;
	v1 =	vadd.s32 v24, v58  }
0xe6: {  	v10 =	vimm.s32 $0x3;
	[tilespmem:$0x510] =	vst v1;
	v1 =	vadd.s32 $0x820, v58  }
0xe7: {  	v9 =	vperm.xlane v2, v9;
	v7 =	vperm.xlane v2, v46;
	v8 =	vimm.s32 $0x2;
	[tilespmem:$0x520] =	vst v1  }
0xe8: {  	v8 =	vperm.xlane v2, v8;
	v2 =	vperm.xlane v2, v10;
	[tilespmem:$0x530] =	vst v1  }
0xe9: {  	[tilespmem:$0x540] =	vst v1  }
0xea: {  	v8 =	vsub.f32 v8, v7;
	v2 =	vsub.f32 v2, v9;
	[tilespmem:$0x550] =	vst v1  }
0xeb: {  	[tilespmem:$0x560] =	vst v1  }
0xec: {  	v8 =	vmul.f32 v5, v8;
	v2 =	vmul.f32 v5, v2;
	[tilespmem:$0x570] =	vst v1  }
0xed: {  	[tilespmem:s11], [sflag:$0x1] =	stream.indirect.gather [hbm4b:s5+s9], $0x80, s10, s9, $0xb8;
	[tilespmem:$0xFE80] =	vst v63  }
0xee: {  	v2 =	vadd.f32 v2, v9;
	v1 =	vadd.f32 v8, v7  }
0xef: {  	[tilespmem:s13], [sflag:$0x1] =	stream.indirect.gather [hbm4b:s5+s9], $0x80, s12, s9, $0xb8;
	[tilespmem:$0xFE80] =	vst v63  }
0xf0: {  	v62 =	vtrunc.f32 v2;
	v7 =	vtrunc.f32 v1  }
0xf1: {  	v10 =	vcvt.f32.s32 v62;
	v7 =	vcvt.f32.s32 v7;
	[tilespmem:s15], [sflag:$0x1] =	stream.indirect.gather [hbm4b:s5+s9], $0x80, s14, s9, $0xb8;
	[tilespmem:$0xFE80] =	vst v63  }
0xf2: {  	_ =	swait.ge [sflag:s16], $0x4000  }
0xf3: {  	vm14 =	vgt.s32 v10, $0x0;
	v8 =	vcvt.s32.f32 v7;
	vm12 =	vgt.s32 v7, $0x0;
	[sflag:s16] =	ssyncset.done $0x0  }
0xf4: {  	v63 =	vnsel vm14, $0x0, v10;
	v61 =	vnsel vm12, $0x0, v7;
	v7 =	vadd.s32 $0x1, v7;
	[sflag:s16] =	ssyncadd.s32 $0xFFFFC000  }
0xf5: {  	v9 =	vmin.u32 v61, $0x3F;
	vm13 =	vgt.s32 v7, $0x0;
	v48 =	vsub.f32 v1, v8;
	_ =	swait.ge [sflag:s16], $0x4000  }
0xf6: {  	v8 =	vcvt.s32.f32 v10;
	v1 =	vnsel vm13, $0x0, v7;
	v7 =	vadd.s32 $0x1, v10;
	[sflag:s16] =	ssyncset.done $0x0  }
0xf7: {  	v49 =	vsub.s32 v9, v4;
	v1 =	vmin.u32 v1, $0x3F;
	vm15 =	vgt.s32 v7, $0x0;
	[sflag:s16] =	ssyncadd.s32 $0xFFFFC000  }
0xf8: {  	v50 =	vsub.s32 v1, v4;
	v1 =	vmin.u32 v63, $0x3F;
	v4 =	vnsel vm15, $0x0, v7;
	_ =	swait.ge [sflag:s16], $0x4000  }
0xf9: {  	v54 =	vimm.s32 $0x0;
	v52 =	vsub.s32 v1, v3;
	v1 =	vmin.u32 v4, $0x3F;
	[sflag:s16] =	ssyncset.done $0x0  }
0xfa: {  	v55 =	vimm.s32 $0x0;
	v51 =	vsub.f32 v2, v8;
	v53 =	vsub.s32 v1, v3;
	[sflag:s16] =	ssyncadd.s32 $0xFFFFC000  }
.LBB2_3:
0xfb: {  	v1 =	vperm.xlane v53, v55  }
0xfc: {  	v2 =	vperm.xlane v52, v55;
	v56 =	vimm.s32 $0x0  }
0xfd: {  	v57 =	vmul.u32 $0x11, v1;
	v1 =	vperm.xlane v49, v56  }
0xfe: {  	v59 =	vmul.u32 $0x11, v2  }
0xff: {  	v2 =	vperm.xlane v50, v56;
	v3 =	vadd.s32 v57, v1  }
0x100: {  	v1 =	vadd.s32 v59, v1;
	v4 =	vshll.u32 v3, $0x7  }
0x101: {  	v7 =	vshll.u32 v1, $0x7;
	v1 =	vadd.s32 v59, v2;
	v3 =	vor.u32 v0, v4  }
0x102: {  	v2 =	vadd.s32 v57, v2;
	v8 =	vshll.u32 v1, $0x7;
	v1 =	vor.u32 v0, v7  }
0x103: {  	v2 =	vshll.u32 v2, $0x7;
	v9 =	vor.u32 v0, v8  }
0x104: {  	v10 =	vor.u32 v0, v2;
	_ =	sdelay $0x1  }
0x105: {  	v11 =	vld.idx.msk [tilespmem:v3+s11+$0x0], $0xffff  }
0x106: {  	v12 =	vld.idx.msk [tilespmem:v1+s11+$0x0], $0xffff  }
0x107: {  	v9 =	vld.idx.msk [tilespmem:v9+s11+$0x0], $0xffff  }
0x108: {  	v1 =	vperm.xlane v48, v56;
	v10 =	vld.idx.msk [tilespmem:v10+s11+$0x0], $0xffff;
	_ =	sdelay $0x1  }
0x109: {  	v3 =	vsub.f32 $1.000000000e+00, v1;
	_ =	sdelay $0x1  }
0x10a: {  	v11 =	vmul.f32 v11, v3;
	v12 =	vmul.f32 v3, v12  }
0x10b: {  	v9 =	vmul.f32 v9, v1;
	v10 =	vmul.f32 v10, v1;
	_ =	sdelay $0x1  }
0x10c: {  	v9 =	vadd.f32 v9, v12;
	v10 =	vadd.f32 v10, v11;
	_ =	sdelay $0x1  }
0x10d: {  	v60 =	vperm.xlane v51, v55;
	v10 =	vsub.f32 v10, v9  }
0x10e: {  	v11 =	vadd.s32 v20, v54  }
0x10f: {  	v12 =	vor.u32 v25, v2;
	v10 =	vmul.f32 v10, v60  }
0x110: {  	v61 =	vor.u32 v25, v8  }
0x111: {  	v62 =	vor.u32 v25, v7;
	v9 =	vadd.f32 v10, v9  }
0x112: {  	v10 =	vor.u32 v25, v4  }
0x113: {  	[tilespmem:v11+s17+$0x0] =	vst.idx.msk $0xffff, v9  }
0x114: {  	v9 =	vld.idx.msk [tilespmem:v12+s11+$0x0], $0xffff  }
0x115: {  	v11 =	vld.idx.msk [tilespmem:v61+s11+$0x0], $0xffff  }
0x116: {  	v63 =	vld.idx.msk [tilespmem:v62+s11+$0x0], $0xffff  }
0x117: {  	v10 =	vld.idx.msk [tilespmem:v10+s11+$0x0], $0xffff;
	_ =	sdelay $0x3  }
0x118: {  	v9 =	vmul.f32 v9, v1;
	v11 =	vmul.f32 v11, v1  }
0x119: {  	v12 =	vmul.f32 v63, v3;
	v10 =	vmul.f32 v10, v3;
	_ =	sdelay $0x1  }
0x11a: {  	v9 =	vadd.f32 v9, v10;
	v10 =	vadd.f32 v11, v12;
	_ =	sdelay $0x1  }
0x11b: {  	v9 =	vsub.f32 v9, v10  }
0x11c: {  	v11 =	vadd.s32 v26, v54  }
0x11d: {  	v12 =	vor.u32 v27, v7;
	v9 =	vmul.f32 v9, v60  }
0x11e: {  	v14 =	vor.u32 v27, v8  }
0x11f: {  	v15 =	vor.u32 v27, v2;
	v9 =	vadd.f32 v9, v10  }
0x120: {  	v10 =	vor.u32 v27, v4  }
0x121: {  	[tilespmem:v11+s17+$0x0] =	vst.idx.msk $0xffff, v9  }
0x122: {  	v9 =	vld.idx.msk [tilespmem:v12+s11+$0x0], $0xffff  }
0x123: {  	v11 =	vld.idx.msk [tilespmem:v14+s11+$0x0], $0xffff  }
0x124: {  	v63 =	vld.idx.msk [tilespmem:v15+s11+$0x0], $0xffff  }
0x125: {  	v10 =	vld.idx.msk [tilespmem:v10+s11+$0x0], $0xffff;
	_ =	sdelay $0x3  }
0x126: {  	v11 =	vmul.f32 v11, v1;
	v9 =	vmul.f32 v9, v3  }
0x127: {  	v12 =	vmul.f32 v63, v1;
	v10 =	vmul.f32 v10, v3;
	_ =	sdelay $0x1  }
0x128: {  	v9 =	vadd.f32 v11, v9;
	v10 =	vadd.f32 v12, v10;
	_ =	sdelay $0x1  }
0x129: {  	v10 =	vsub.f32 v10, v9  }
0x12a: {  	v11 =	vadd.s32 v28, v54  }
0x12b: {  	v2 =	vor.u32 v29, v2;
	v10 =	vmul.f32 v10, v60  }
0x12c: {  	v7 =	vor.u32 v29, v7  }
0x12d: {  	v8 =	vor.u32 v29, v8;
	v9 =	vadd.f32 v10, v9  }
0x12e: {  	v4 =	vor.u32 v29, v4  }
0x12f: {  	[tilespmem:v11+s17+$0x0] =	vst.idx.msk $0xffff, v9  }
0x130: {  	v2 =	vld.idx.msk [tilespmem:v2+s11+$0x0], $0xffff  }
0x131: {  	v10 =	vld.idx.msk [tilespmem:v7+s11+$0x0], $0xffff  }
0x132: {  	v9 =	vld.idx.msk [tilespmem:v8+s11+$0x0], $0xffff  }
0x133: {  	v8 =	vld.idx.msk [tilespmem:v4+s11+$0x0], $0xffff;
	_ =	sdelay $0x2  }
0x134: {  	s21 =	simm.s32 $0xE;
	v4 =	vmovc v54;
	v7 =	vmul.f32 v2, v1;
	v10 =	vmul.f32 v10, v3;
	v2 =	vmov v54  }
.LBB2_4:
0x135: {  	p0 =	sne.s32 s21, $0x1;
	s21 =	sadd.s32 $0xFFFFFFFF, s21;
	v1 =	vmul.f32 v9, v1;
	v56 =	vadd.s32 $0x1, v56;
	v2 =	vadd.s32 $0x1, v2  }
0x136: {  	v3 =	vmul.f32 v8, v3  }
0x137: {  	v1 =	vadd.f32 v1, v10  }
0x138: {  	v8 =	vperm.xlane v49, v56;
	v3 =	vadd.f32 v7, v3  }
0x139: {  	v9 =	vadd.s32 v30, v4;
	v4 =	vmov v2  }
0x13a: {  	v10 =	vperm.xlane v50, v56;
	v7 =	vadd.s32 v59, v8;
	v11 =	vadd.s32 v57, v8  }
0x13b: {  	v8 =	vshll.u32 v7, $0x7;
	v7 =	vshll.u32 v11, $0x7;
	v3 =	vsub.f32 v3, v1  }
0x13c: {  	v11 =	vadd.s32 v59, v10;
	v10 =	vadd.s32 v57, v10;
	v12 =	vor.u32 v0, v7  }
0x13d: {  	v11 =	vshll.u32 v11, $0x7;
	v10 =	vshll.u32 v10, $0x7;
	v3 =	vmul.f32 v3, v60  }
0x13e: {  	v61 =	vor.u32 v0, v8;
	v62 =	vor.u32 v0, v11;
	v63 =	vor.u32 v0, v10  }
0x13f: {  	v1 =	vadd.f32 v3, v1;
	_ =	sdelay $0x1  }
0x140: {  	[tilespmem:v9+s17+$0x0] =	vst.idx.msk $0xffff, v1  }
0x141: {  	v9 =	vld.idx.msk [tilespmem:v12+s11+$0x0], $0xffff  }
0x142: {  	v12 =	vld.idx.msk [tilespmem:v61+s11+$0x0], $0xffff  }
0x143: {  	v1 =	vperm.xlane v48, v56;
	v61 =	vld.idx.msk [tilespmem:v62+s11+$0x0], $0xffff  }
0x144: {  	v62 =	vld.idx.msk [tilespmem:v63+s11+$0x0], $0xffff  }
0x145: {  	v3 =	vsub.f32 $1.000000000e+00, v1;
	_ =	sdelay $0x1  }
0x146: {  	v9 =	vmul.f32 v9, v3;
	_ =	sdelay $0x1  }
0x147: {  	v61 =	vmul.f32 v61, v1  }
0x148: {  	v12 =	vmul.f32 v3, v12;
	v62 =	vmul.f32 v62, v1;
	_ =	sdelay $0x1  }
0x149: {  	v12 =	vadd.f32 v61, v12;
	v9 =	vadd.f32 v62, v9;
	_ =	sdelay $0x1  }
0x14a: {  	v9 =	vsub.f32 v9, v12  }
0x14b: {  	v61 =	vadd.s32 v20, v2  }
0x14c: {  	v62 =	vor.u32 v25, v10;
	v9 =	vmul.f32 v9, v60  }
0x14d: {  	v63 =	vor.u32 v25, v11  }
0x14e: {  	v9 =	vadd.f32 v9, v12;
	v12 =	vor.u32 v25, v7  }
0x14f: {  	v13 =	vor.u32 v25, v8  }
0x150: {  	[tilespmem:v61+s17+$0x0] =	vst.idx.msk $0xffff, v9  }
0x151: {  	v9 =	vld.idx.msk [tilespmem:v62+s11+$0x0], $0xffff  }
0x152: {  	v61 =	vld.idx.msk [tilespmem:v63+s11+$0x0], $0xffff  }
0x153: {  	v12 =	vld.idx.msk [tilespmem:v12+s11+$0x0], $0xffff  }
0x154: {  	v13 =	vld.idx.msk [tilespmem:v13+s11+$0x0], $0xffff;
	_ =	sdelay $0x2  }
0x155: {  	v9 =	vmul.f32 v9, v1  }
0x156: {  	v61 =	vmul.f32 v61, v1  }
0x157: {  	v12 =	vmul.f32 v12, v3  }
0x158: {  	v13 =	vmul.f32 v13, v3  }
0x159: {  	v9 =	vadd.f32 v9, v12  }
0x15a: {  	v12 =	vadd.f32 v61, v13;
	_ =	sdelay $0x1  }
0x15b: {  	v9 =	vsub.f32 v9, v12  }
0x15c: {  	v13 =	vadd.s32 v26, v2  }
0x15d: {  	v61 =	vor.u32 v27, v8;
	v9 =	vmul.f32 v9, v60  }
0x15e: {  	v62 =	vor.u32 v27, v11  }
0x15f: {  	v9 =	vadd.f32 v9, v12;
	v12 =	vor.u32 v27, v7  }
0x160: {  	v63 =	vor.u32 v27, v10  }
0x161: {  	[tilespmem:v13+s17+$0x0] =	vst.idx.msk $0xffff, v9  }
0x162: {  	v9 =	vld.idx.msk [tilespmem:v61+s11+$0x0], $0xffff  }
0x163: {  	v13 =	vld.idx.msk [tilespmem:v62+s11+$0x0], $0xffff  }
0x164: {  	v12 =	vld.idx.msk [tilespmem:v12+s11+$0x0], $0xffff  }
0x165: {  	v61 =	vld.idx.msk [tilespmem:v63+s11+$0x0], $0xffff;
	_ =	sdelay $0x3  }
0x166: {  	v13 =	vmul.f32 v13, v1  }
0x167: {  	v9 =	vmul.f32 v9, v3;
	v12 =	vmul.f32 v12, v3  }
0x168: {  	v61 =	vmul.f32 v61, v1  }
0x169: {  	v9 =	vadd.f32 v13, v9  }
0x16a: {  	v12 =	vadd.f32 v61, v12;
	_ =	sdelay $0x1  }
0x16b: {  	v12 =	vsub.f32 v12, v9  }
0x16c: {  	v13 =	vadd.s32 v28, v2  }
0x16d: {  	v10 =	vor.u32 v29, v10;
	v12 =	vmul.f32 v12, v60  }
0x16e: {  	v8 =	vor.u32 v29, v8  }
0x16f: {  	v11 =	vor.u32 v29, v11;
	v7 =	vor.u32 v29, v7;
	v9 =	vadd.f32 v12, v9;
	_ =	sdelay $0x1  }
0x170: {  	[tilespmem:v13+s17+$0x0] =	vst.idx.msk $0xffff, v9  }
0x171: {  	v10 =	vld.idx.msk [tilespmem:v10+s11+$0x0], $0xffff  }
0x172: {  	v12 =	vld.idx.msk [tilespmem:v8+s11+$0x0], $0xffff  }
0x173: {  	v9 =	vld.idx.msk [tilespmem:v11+s11+$0x0], $0xffff  }
.Ltmp0:
0x174: {  	v8 =	vld.idx.msk [tilespmem:v7+s11+$0x0], $0xffff;
	(pc) =	sbr.rel @p0 .LBB2_4-.Ltmp0, $3  }
0x175: {  	_ =	sdelay $0x1  }
0x176: {  	v7 =	vmul.f32 v10, v1  }
0x177: {  	v10 =	vmul.f32 v12, v3  }
0x178: {  	v1 =	vmul.f32 v9, v1;
	v2 =	vmul.f32 v8, v3;
	_ =	sdelay $0x1  }
0x179: {  	v1 =	vadd.f32 v1, v10;
	v2 =	vadd.f32 v7, v2;
	_ =	sdelay $0x1  }
0x17a: {  	s20 =	sadd.s32 $0x1, s20;
	v2 =	vsub.f32 v2, v1  }
0x17b: {  	v3 =	vadd.s32 v30, v4;
	p0 =	sne.s32 s20, $0xF  }
.Ltmp1:
0x17c: {  	v2 =	vmul.f32 v2, v60;
	(pc) =	sbr.rel @p0 .LBB2_3-.Ltmp1, $3  }
0x17d: {  	_ = 	snop  }
0x17e: {  	v1 =	vadd.f32 v2, v1;
	_ =	sdelay $0x1  }
0x17f: {  	v55 =	vadd.s32 $0x1, v55;
	v54 =	vadd.s32 $0xF, v54;
	[tilespmem:v3+s17+$0x0] =	vst.idx.msk $0xffff, v1  }
0x180: {  	s20 =	sor.u32 s4, s19  }
0x181: {  	s20 =	smul.u32 $0xE100, s20;
	_ =	sdelay $0x1  }
0x182: {  	s20 =	sshrl.u32 s20, $0x3  }
0x183: {  	s21 =	simm.s32 $0x0;
	s20 =	sadd.s32 s2, s20  }
0x184: {  	[hbm4b:s20+s21] =	stream.linear.scatter [tilespmem:s17], [sflag:$0x2], $0x3840, $0x38;
	[tilespmem:$0xFE80] =	vst v63  }
0x185: {  	_ =	swait.ge [sflag:s8], $0x3840  }
0x186: {  	[sflag:s8] =	ssyncset.done $0x0  }
0x187: {  	v59 =	vimm.s32 $0x0;
	v8 =	vimm.s32 $0x0;
	v61 =	vimm.s32 $0x0;
	[sflag:s8] =	ssyncadd.s32 $0xFFFFC7C0  }
.LBB2_7:
0x188: {  	v1 =	vperm.xlane v52, v61;
	_ =	sdelay $0x1  }
0x189: {  	v2 =	vperm.xlane v50, v59;
	v62 =	vmul.u32 $0x11, v1;
	v1 =	vperm.xlane v53, v61  }
0x18a: {  	v3 =	vperm.xlane v49, v59  }
0x18b: {  	v63 =	vmul.u32 $0x11, v1;
	v1 =	vadd.s32 v62, v2  }
0x18c: {  	v54 =	vor.u32 $0x40, v0;
	v4 =	vadd.s32 v62, v3;
	v7 =	vshll.u32 v1, $0x7  }
0x18d: {  	v1 =	vadd.s32 v63, v2;
	v2 =	vshll.u32 v4, $0x7;
	v4 =	vor.u32 v54, v7  }
0x18e: {  	v3 =	vadd.s32 v63, v3;
	v9 =	vor.u32 v54, v2;
	v10 =	vshll.u32 v1, $0x7  }
0x18f: {  	v11 =	vshll.u32 v3, $0x7;
	v1 =	vor.u32 v54, v10  }
0x190: {  	v12 =	vor.u32 v54, v11;
	_ =	sdelay $0x1  }
0x191: {  	v13 =	vld.idx.msk [tilespmem:v4+s11+$0x0], $0xffff  }
0x192: {  	v9 =	vld.idx.msk [tilespmem:v9+s11+$0x0], $0xffff  }
0x193: {  	v1 =	vld.idx.msk [tilespmem:v1+s11+$0x0], $0xffff  }
0x194: {  	v3 =	vperm.xlane v48, v59;
	v12 =	vld.idx.msk [tilespmem:v12+s11+$0x0], $0xffff;
	_ =	sdelay $0x1  }
0x195: {  	v4 =	vsub.f32 $1.000000000e+00, v3;
	_ =	sdelay $0x1  }
0x196: {  	v13 =	vmul.f32 v13, v3;
	v9 =	vmul.f32 v4, v9  }
0x197: {  	v1 =	vmul.f32 v1, v3;
	v12 =	vmul.f32 v12, v4;
	_ =	sdelay $0x1  }
0x198: {  	v9 =	vadd.f32 v13, v9;
	v12 =	vadd.f32 v1, v12;
	_ =	sdelay $0x1  }
0x199: {  	v1 =	vperm.xlane v51, v61;
	v12 =	vsub.f32 v12, v9  }
0x19a: {  	v55 =	vor.u32 $0x50, v0;
	v13 =	vadd.s32 v20, v8  }
0x19b: {  	v56 =	vor.u32 v55, v11;
	v12 =	vmul.f32 v12, v1  }
0x19c: {  	v57 =	vor.u32 v55, v2  }
0x19d: {  	v60 =	vor.u32 v55, v10;
	v9 =	vadd.f32 v12, v9  }
0x19e: {  	v12 =	vor.u32 v55, v7  }
0x19f: {  	[tilespmem:v13+s17+$0x0] =	vst.idx.msk $0xffff, v9  }
0x1a0: {  	v9 =	vld.idx.msk [tilespmem:v56+s11+$0x0], $0xffff  }
0x1a1: {  	v13 =	vld.idx.msk [tilespmem:v57+s11+$0x0], $0xffff  }
0x1a2: {  	v60 =	vld.idx.msk [tilespmem:v60+s11+$0x0], $0xffff  }
0x1a3: {  	v12 =	vld.idx.msk [tilespmem:v12+s11+$0x0], $0xffff;
	_ =	sdelay $0x3  }
0x1a4: {  	v9 =	vmul.f32 v9, v4;
	v13 =	vmul.f32 v13, v4  }
0x1a5: {  	v56 =	vmul.f32 v60, v3;
	v12 =	vmul.f32 v12, v3;
	_ =	sdelay $0x1  }
0x1a6: {  	v9 =	vadd.f32 v56, v9;
	v12 =	vadd.f32 v12, v13;
	_ =	sdelay $0x1  }
0x1a7: {  	v9 =	vsub.f32 v9, v12  }
0x1a8: {  	v56 =	vor.u32 $0x60, v0;
	v13 =	vadd.s32 v26, v8  }
0x1a9: {  	v57 =	vor.u32 v56, v7;
	v9 =	vmul.f32 v9, v1  }
0x1aa: {  	v60 =	vor.u32 v56, v11  }
0x1ab: {  	v14 =	vor.u32 v56, v2;
	v9 =	vadd.f32 v9, v12  }
0x1ac: {  	v12 =	vor.u32 v56, v10  }
0x1ad: {  	[tilespmem:v13+s17+$0x0] =	vst.idx.msk $0xffff, v9  }
0x1ae: {  	v9 =	vld.idx.msk [tilespmem:v57+s11+$0x0], $0xffff  }
0x1af: {  	v13 =	vld.idx.msk [tilespmem:v60+s11+$0x0], $0xffff  }
0x1b0: {  	v14 =	vld.idx.msk [tilespmem:v14+s11+$0x0], $0xffff  }
0x1b1: {  	v12 =	vld.idx.msk [tilespmem:v12+s11+$0x0], $0xffff;
	_ =	sdelay $0x3  }
0x1b2: {  	v9 =	vmul.f32 v9, v3;
	v13 =	vmul.f32 v13, v4  }
0x1b3: {  	v14 =	vmul.f32 v14, v4;
	v12 =	vmul.f32 v12, v3;
	_ =	sdelay $0x1  }
0x1b4: {  	v9 =	vadd.f32 v9, v14;
	v12 =	vadd.f32 v12, v13;
	_ =	sdelay $0x1  }
0x1b5: {  	v12 =	vsub.f32 v12, v9  }
0x1b6: {  	v57 =	vor.u32 $0x70, v0;
	v13 =	vadd.s32 v28, v8  }
0x1b7: {  	v2 =	vor.u32 v57, v2;
	v12 =	vmul.f32 v12, v1  }
0x1b8: {  	v11 =	vor.u32 v57, v11  }
0x1b9: {  	v10 =	vor.u32 v57, v10;
	v9 =	vadd.f32 v12, v9  }
0x1ba: {  	v7 =	vor.u32 v57, v7  }
0x1bb: {  	[tilespmem:v13+s17+$0x0] =	vst.idx.msk $0xffff, v9  }
0x1bc: {  	v9 =	vld.idx.msk [tilespmem:v2+s11+$0x0], $0xffff  }
0x1bd: {  	v12 =	vld.idx.msk [tilespmem:v11+s11+$0x0], $0xffff  }
0x1be: {  	v10 =	vld.idx.msk [tilespmem:v10+s11+$0x0], $0xffff  }
0x1bf: {  	s22 =	simm.s32 $0xE;
	v60 =	vmov v8;
	v11 =	vld.idx.msk [tilespmem:v7+s11+$0x0], $0xffff;
	v7 =	vimm.s32 $0x0;
	v2 =	vmov v8  }
.LBB2_8:
0x1c0: {  	_ =	sdelay $0x1  }
0x1c1: {  	p0 =	sne.s32 s22, $0x1;
	s22 =	sadd.s32 $0xFFFFFFFF, s22;
	v7 =	vadd.s32 $0x1, v7;
	v2 =	vadd.s32 $0x1, v2;
	v12 =	vmul.f32 v12, v4  }
0x1c2: {  	v4 =	vmul.f32 v9, v4;
	v9 =	vmul.f32 v10, v3  }
0x1c3: {  	v3 =	vmul.f32 v11, v3  }
0x1c4: {  	v9 =	vadd.f32 v9, v12  }
0x1c5: {  	v10 =	vperm.xlane v49, v7;
	v11 =	vperm.xlane v50, v7;
	v3 =	vadd.f32 v3, v4  }
0x1c6: {  	v4 =	vadd.s32 v30, v60;
	v60 =	vmov v2  }
0x1c7: {  	v13 =	vadd.s32 v63, v10;
	v12 =	vadd.s32 v62, v11;
	v14 =	vsub.f32 v9, v3  }
0x1c8: {  	v10 =	vadd.s32 v62, v10;
	v11 =	vadd.s32 v63, v11;
	v9 =	vshll.u32 v12, $0x7  }
0x1c9: {  	v10 =	vshll.u32 v10, $0x7;
	v12 =	vor.u32 v54, v9;
	v14 =	vmul.f32 v14, v1  }
0x1ca: {  	v13 =	vshll.u32 v13, $0x7;
	v15 =	vor.u32 v54, v10;
	v11 =	vshll.u32 v11, $0x7  }
0x1cb: {  	v16 =	vor.u32 v54, v11;
	v3 =	vadd.f32 v14, v3  }
0x1cc: {  	v14 =	vor.u32 v54, v13  }
0x1cd: {  	[tilespmem:v4+s17+$0x0] =	vst.idx.msk $0xffff, v3  }
0x1ce: {  	v12 =	vld.idx.msk [tilespmem:v12+s11+$0x0], $0xffff  }
0x1cf: {  	v15 =	vld.idx.msk [tilespmem:v15+s11+$0x0], $0xffff  }
0x1d0: {  	v16 =	vld.idx.msk [tilespmem:v16+s11+$0x0], $0xffff  }
0x1d1: {  	v3 =	vperm.xlane v48, v7;
	v14 =	vld.idx.msk [tilespmem:v14+s11+$0x0], $0xffff;
	_ =	sdelay $0x1  }
0x1d2: {  	v4 =	vsub.f32 $1.000000000e+00, v3;
	_ =	sdelay $0x1  }
0x1d3: {  	v15 =	vmul.f32 v4, v15  }
0x1d4: {  	v16 =	vmul.f32 v16, v3  }
0x1d5: {  	v12 =	vmul.f32 v12, v3;
	v14 =	vmul.f32 v14, v4;
	_ =	sdelay $0x1  }
0x1d6: {  	v12 =	vadd.f32 v12, v15;
	v14 =	vadd.f32 v16, v14;
	_ =	sdelay $0x1  }
0x1d7: {  	v14 =	vsub.f32 v14, v12  }
0x1d8: {  	v15 =	vadd.s32 v20, v2  }
0x1d9: {  	v16 =	vor.u32 v55, v13;
	v14 =	vmul.f32 v14, v1  }
0x1da: {  	v17 =	vor.u32 v55, v10  }
0x1db: {  	v12 =	vadd.f32 v14, v12;
	v14 =	vor.u32 v55, v9  }
0x1dc: {  	v18 =	vor.u32 v55, v11  }
0x1dd: {  	[tilespmem:v15+s17+$0x0] =	vst.idx.msk $0xffff, v12  }
0x1de: {  	v12 =	vld.idx.msk [tilespmem:v16+s11+$0x0], $0xffff  }
0x1df: {  	v15 =	vld.idx.msk [tilespmem:v17+s11+$0x0], $0xffff  }
0x1e0: {  	v14 =	vld.idx.msk [tilespmem:v14+s11+$0x0], $0xffff  }
0x1e1: {  	v16 =	vld.idx.msk [tilespmem:v18+s11+$0x0], $0xffff;
	_ =	sdelay $0x4  }
0x1e2: {  	v12 =	vmul.f32 v12, v4;
	v14 =	vmul.f32 v14, v3  }
0x1e3: {  	v15 =	vmul.f32 v15, v4;
	v16 =	vmul.f32 v16, v3;
	_ =	sdelay $0x1  }
0x1e4: {  	v14 =	vadd.f32 v14, v15;
	v12 =	vadd.f32 v16, v12;
	_ =	sdelay $0x1  }
0x1e5: {  	v12 =	vsub.f32 v12, v14  }
0x1e6: {  	v15 =	vadd.s32 v26, v2  }
0x1e7: {  	v16 =	vor.u32 v56, v9;
	v12 =	vmul.f32 v12, v1  }
0x1e8: {  	v17 =	vor.u32 v56, v13  }
0x1e9: {  	v12 =	vadd.f32 v12, v14;
	v14 =	vor.u32 v56, v11  }
0x1ea: {  	v18 =	vor.u32 v56, v10  }
0x1eb: {  	[tilespmem:v15+s17+$0x0] =	vst.idx.msk $0xffff, v12  }
0x1ec: {  	v12 =	vld.idx.msk [tilespmem:v16+s11+$0x0], $0xffff  }
0x1ed: {  	v15 =	vld.idx.msk [tilespmem:v17+s11+$0x0], $0xffff  }
0x1ee: {  	v14 =	vld.idx.msk [tilespmem:v14+s11+$0x0], $0xffff  }
0x1ef: {  	v16 =	vld.idx.msk [tilespmem:v18+s11+$0x0], $0xffff;
	_ =	sdelay $0x3  }
0x1f0: {  	v12 =	vmul.f32 v12, v3  }
0x1f1: {  	v15 =	vmul.f32 v15, v4;
	v14 =	vmul.f32 v14, v3  }
0x1f2: {  	v16 =	vmul.f32 v16, v4  }
0x1f3: {  	v14 =	vadd.f32 v14, v15  }
0x1f4: {  	v12 =	vadd.f32 v12, v16;
	_ =	sdelay $0x1  }
0x1f5: {  	v14 =	vsub.f32 v14, v12  }
0x1f6: {  	v15 =	vadd.s32 v28, v2  }
0x1f7: {  	v10 =	vor.u32 v57, v10;
	v14 =	vmul.f32 v14, v1  }
0x1f8: {  	v13 =	vor.u32 v57, v13  }
0x1f9: {  	v11 =	vor.u32 v57, v11;
	v12 =	vadd.f32 v14, v12;
	v14 =	vor.u32 v57, v9;
	_ =	sdelay $0x1  }
.Ltmp2:
0x1fa: {  	[tilespmem:v15+s17+$0x0] =	vst.idx.msk $0xffff, v12;
	(pc) =	sbr.rel @p0 .LBB2_8-.Ltmp2, $4  }
0x1fb: {  	v9 =	vld.idx.msk [tilespmem:v10+s11+$0x0], $0xffff  }
0x1fc: {  	v12 =	vld.idx.msk [tilespmem:v13+s11+$0x0], $0xffff  }
0x1fd: {  	v10 =	vld.idx.msk [tilespmem:v11+s11+$0x0], $0xffff  }
0x1fe: {  	v11 =	vld.idx.msk [tilespmem:v14+s11+$0x0], $0xffff  }
0x1ff: {  	_ =	sdelay $0x2  }
0x200: {  	v2 =	vmul.f32 v12, v4;
	v4 =	vmul.f32 v9, v4  }
0x201: {  	v7 =	vmul.f32 v10, v3;
	v3 =	vmul.f32 v11, v3;
	_ =	sdelay $0x1  }
0x202: {  	v2 =	vadd.f32 v7, v2;
	v3 =	vadd.f32 v3, v4;
	_ =	sdelay $0x1  }
0x203: {  	s21 =	sadd.s32 $0x1, s21;
	v2 =	vsub.f32 v2, v3  }
0x204: {  	p0 =	sne.s32 s21, $0xF;
	v4 =	vadd.s32 v30, v60  }
.Ltmp3:
0x205: {  	v1 =	vmul.f32 v2, v1;
	(pc) =	sbr.rel @p0 .LBB2_7-.Ltmp3, $3  }
0x206: {  	_ = 	snop  }
0x207: {  	v1 =	vadd.f32 v1, v3;
	_ =	sdelay $0x1  }
0x208: {  	v61 =	vadd.s32 $0x1, v61;
	v8 =	vadd.s32 $0xF, v8;
	[tilespmem:v4+s17+$0x0] =	vst.idx.msk $0xffff, v1  }
0x209: {  	s22 =	sadd.s32 $0x708, s20;
	s21 =	simm.s32 $0x0  }
0x20a: {  	[hbm4b:s22+s21] =	stream.linear.scatter [tilespmem:s17], [sflag:$0x2], $0x3840, $0x38;
	[tilespmem:$0xFE80] =	vst v63  }
0x20b: {  	_ =	swait.ge [sflag:s8], $0x3840  }
0x20c: {  	v1 =	vor.u32 $0x1, v6;
	[sflag:s8] =	ssyncset.done $0x0  }
0x20d: {  	v1 =	vadd.s32 v1, v58;
	[sflag:s8] =	ssyncadd.s32 $0xFFFFC7C0  }
0x20e: {  	[tilespmem:$0x400] =	vst v1;
	v1 =	vadd.s32 v31, v58  }
0x20f: {  	[tilespmem:$0x410] =	vst v1;
	v1 =	vadd.s32 v32, v58  }
0x210: {  	[tilespmem:$0x420] =	vst v1;
	v1 =	vadd.s32 v33, v58  }
0x211: {  	[tilespmem:$0x430] =	vst v1;
	v1 =	vadd.s32 v34, v58  }
0x212: {  	[tilespmem:$0x440] =	vst v1;
	v1 =	vadd.s32 v35, v58  }
0x213: {  	[tilespmem:$0x450] =	vst v1;
	v1 =	vadd.s32 v36, v58  }
0x214: {  	[tilespmem:$0x460] =	vst v1;
	v1 =	vadd.s32 v37, v58  }
0x215: {  	[tilespmem:$0x470] =	vst v1;
	v1 =	vadd.s32 v38, v58  }
0x216: {  	[tilespmem:$0x480] =	vst v1;
	v1 =	vadd.s32 v39, v58  }
0x217: {  	[tilespmem:$0x490] =	vst v1;
	v1 =	vadd.s32 v40, v58  }
0x218: {  	[tilespmem:$0x4A0] =	vst v1;
	v1 =	vadd.s32 v41, v58  }
0x219: {  	[tilespmem:$0x4B0] =	vst v1;
	v1 =	vadd.s32 v42, v58  }
0x21a: {  	[tilespmem:$0x4C0] =	vst v1;
	v1 =	vadd.s32 v43, v58  }
0x21b: {  	[tilespmem:$0x4D0] =	vst v1;
	v1 =	vadd.s32 v44, v58  }
0x21c: {  	v2 =	vadd.s32 $0x783, v6;
	[tilespmem:$0x4E0] =	vst v1;
	v1 =	vadd.s32 v45, v58  }
0x21d: {  	[tilespmem:$0x4F0] =	vst v1;
	v1 =	vadd.s32 v2, v58;
	v2 =	vor.u32 $0x801, v6  }
0x21e: {  	[tilespmem:$0x500] =	vst v1;
	v1 =	vadd.s32 v2, v58  }
0x21f: {  	[tilespmem:$0x510] =	vst v1;
	v1 =	vadd.s32 $0x821, v58  }
0x220: {  	[tilespmem:$0x520] =	vst v1  }
0x221: {  	[tilespmem:$0x530] =	vst v1  }
0x222: {  	[tilespmem:$0x540] =	vst v1  }
0x223: {  	[tilespmem:$0x550] =	vst v1  }
0x224: {  	[tilespmem:$0x560] =	vst v1  }
0x225: {  	[tilespmem:$0x570] =	vst v1  }
0x226: {  	[tilespmem:s11], [sflag:$0x1] =	stream.indirect.gather [hbm4b:s5+s9], $0x80, s10, s9, $0xb8;
	[tilespmem:$0xFE80] =	vst v63  }
0x227: {  	_ = 	snop  }
0x228: {  	[tilespmem:s13], [sflag:$0x1] =	stream.indirect.gather [hbm4b:s5+s9], $0x80, s12, s9, $0xb8;
	[tilespmem:$0xFE80] =	vst v63  }
0x229: {  	_ = 	snop  }
0x22a: {  	[tilespmem:s15], [sflag:$0x1] =	stream.indirect.gather [hbm4b:s5+s9], $0x80, s14, s9, $0xb8;
	[tilespmem:$0xFE80] =	vst v63  }
0x22b: {  	_ =	swait.ge [sflag:s16], $0x4000  }
0x22c: {  	[sflag:s16] =	ssyncset.done $0x0  }
0x22d: {  	[sflag:s16] =	ssyncadd.s32 $0xFFFFC000  }
0x22e: {  	_ =	swait.ge [sflag:s16], $0x4000  }
0x22f: {  	[sflag:s16] =	ssyncset.done $0x0  }
0x230: {  	[sflag:s16] =	ssyncadd.s32 $0xFFFFC000  }
0x231: {  	_ =	swait.ge [sflag:s16], $0x4000  }
0x232: {  	[sflag:s16] =	ssyncset.done $0x0  }
0x233: {  	v7 =	vimm.s32 $0x0;
	v60 =	vimm.s32 $0x0;
	v58 =	vimm.s32 $0x0;
	[sflag:s16] =	ssyncadd.s32 $0xFFFFC000  }
.LBB2_11:
0x234: {  	v1 =	vperm.xlane v53, v60  }
0x235: {  	v2 =	vperm.xlane v52, v60  }
0x236: {  	v61 =	vmul.u32 $0x11, v1;
	v1 =	vperm.xlane v49, v58  }
0x237: {  	v62 =	vmul.u32 $0x11, v2  }
0x238: {  	v2 =	vperm.xlane v50, v58;
	v3 =	vadd.s32 v61, v1  }
0x239: {  	v1 =	vadd.s32 v62, v1;
	v4 =	vshll.u32 v3, $0x7  }
0x23a: {  	v8 =	vshll.u32 v1, $0x7;
	v1 =	vadd.s32 v62, v2;
	v3 =	vor.u32 v0, v4  }
0x23b: {  	v2 =	vadd.s32 v61, v2;
	v9 =	vshll.u32 v1, $0x7;
	v1 =	vor.u32 v0, v8  }
0x23c: {  	v2 =	vshll.u32 v2, $0x7;
	v10 =	vor.u32 v0, v9  }
0x23d: {  	v11 =	vor.u32 v0, v2;
	_ =	sdelay $0x1  }
0x23e: {  	v12 =	vld.idx.msk [tilespmem:v3+s11+$0x0], $0xffff  }
0x23f: {  	v13 =	vld.idx.msk [tilespmem:v1+s11+$0x0], $0xffff  }
0x240: {  	v10 =	vld.idx.msk [tilespmem:v10+s11+$0x0], $0xffff  }
0x241: {  	v1 =	vperm.xlane v48, v58;
	v11 =	vld.idx.msk [tilespmem:v11+s11+$0x0], $0xffff;
	_ =	sdelay $0x1  }
0x242: {  	v3 =	vsub.f32 $1.000000000e+00, v1;
	_ =	sdelay $0x1  }
0x243: {  	v12 =	vmul.f32 v12, v3;
	v13 =	vmul.f32 v3, v13  }
0x244: {  	v10 =	vmul.f32 v10, v1;
	v11 =	vmul.f32 v11, v1;
	_ =	sdelay $0x1  }
0x245: {  	v10 =	vadd.f32 v10, v13;
	v11 =	vadd.f32 v11, v12;
	_ =	sdelay $0x1  }
0x246: {  	v63 =	vperm.xlane v51, v60;
	v11 =	vsub.f32 v11, v10  }
0x247: {  	v12 =	vadd.s32 v20, v7  }
0x248: {  	v59 =	vor.u32 v25, v2;
	v11 =	vmul.f32 v11, v63  }
0x249: {  	v14 =	vor.u32 v25, v9  }
0x24a: {  	v15 =	vor.u32 v25, v8;
	v10 =	vadd.f32 v11, v10  }
0x24b: {  	v11 =	vor.u32 v25, v4  }
0x24c: {  	[tilespmem:v12+s17+$0x0] =	vst.idx.msk $0xffff, v10  }
0x24d: {  	v10 =	vld.idx.msk [tilespmem:v59+s11+$0x0], $0xffff  }
0x24e: {  	v12 =	vld.idx.msk [tilespmem:v14+s11+$0x0], $0xffff  }
0x24f: {  	v59 =	vld.idx.msk [tilespmem:v15+s11+$0x0], $0xffff  }
0x250: {  	v11 =	vld.idx.msk [tilespmem:v11+s11+$0x0], $0xffff;
	_ =	sdelay $0x3  }
0x251: {  	v10 =	vmul.f32 v10, v1;
	v12 =	vmul.f32 v12, v1  }
0x252: {  	v13 =	vmul.f32 v59, v3;
	v11 =	vmul.f32 v11, v3;
	_ =	sdelay $0x1  }
0x253: {  	v10 =	vadd.f32 v10, v11;
	v11 =	vadd.f32 v12, v13;
	_ =	sdelay $0x1  }
0x254: {  	v10 =	vsub.f32 v10, v11  }
0x255: {  	v12 =	vadd.s32 v26, v7  }
0x256: {  	v13 =	vor.u32 v27, v8;
	v10 =	vmul.f32 v10, v63  }
0x257: {  	v14 =	vor.u32 v27, v9  }
0x258: {  	v59 =	vor.u32 v27, v2;
	v10 =	vadd.f32 v10, v11  }
0x259: {  	v11 =	vor.u32 v27, v4  }
0x25a: {  	[tilespmem:v12+s17+$0x0] =	vst.idx.msk $0xffff, v10  }
0x25b: {  	v10 =	vld.idx.msk [tilespmem:v13+s11+$0x0], $0xffff  }
0x25c: {  	v12 =	vld.idx.msk [tilespmem:v14+s11+$0x0], $0xffff  }
0x25d: {  	v59 =	vld.idx.msk [tilespmem:v59+s11+$0x0], $0xffff  }
0x25e: {  	v11 =	vld.idx.msk [tilespmem:v11+s11+$0x0], $0xffff;
	_ =	sdelay $0x3  }
0x25f: {  	v12 =	vmul.f32 v12, v1;
	v10 =	vmul.f32 v10, v3  }
0x260: {  	v13 =	vmul.f32 v59, v1;
	v11 =	vmul.f32 v11, v3;
	_ =	sdelay $0x1  }
0x261: {  	v10 =	vadd.f32 v12, v10;
	v11 =	vadd.f32 v13, v11;
	_ =	sdelay $0x1  }
0x262: {  	v11 =	vsub.f32 v11, v10  }
0x263: {  	v59 =	vadd.s32 v28, v7  }
0x264: {  	v2 =	vor.u32 v29, v2;
	v11 =	vmul.f32 v11, v63  }
0x265: {  	v8 =	vor.u32 v29, v8  }
0x266: {  	v9 =	vor.u32 v29, v9;
	v10 =	vadd.f32 v11, v10  }
0x267: {  	v4 =	vor.u32 v29, v4  }
0x268: {  	[tilespmem:v59+s17+$0x0] =	vst.idx.msk $0xffff, v10  }
0x269: {  	v2 =	vld.idx.msk [tilespmem:v2+s11+$0x0], $0xffff  }
0x26a: {  	v11 =	vld.idx.msk [tilespmem:v8+s11+$0x0], $0xffff  }
0x26b: {  	v10 =	vld.idx.msk [tilespmem:v9+s11+$0x0], $0xffff  }
0x26c: {  	v9 =	vld.idx.msk [tilespmem:v4+s11+$0x0], $0xffff;
	_ =	sdelay $0x2  }
0x26d: {  	s22 =	simm.s32 $0xE;
	v59 =	vmovc v7;
	v4 =	vmovc v7;
	v8 =	vmul.f32 v2, v1;
	v11 =	vmul.f32 v11, v3;
	v2 =	vimm.s32 $0x0  }
.LBB2_12:
0x26e: {  	p0 =	sne.s32 s22, $0x1;
	s22 =	sadd.s32 $0xFFFFFFFF, s22;
	v1 =	vmul.f32 v10, v1;
	v2 =	vadd.s32 $0x1, v2;
	v59 =	vadd.s32 $0x1, v59  }
0x26f: {  	v3 =	vmul.f32 v9, v3  }
0x270: {  	v1 =	vadd.f32 v1, v11  }
0x271: {  	v9 =	vperm.xlane v49, v2;
	v3 =	vadd.f32 v8, v3  }
0x272: {  	v10 =	vadd.s32 v30, v4;
	v4 =	vmov v59  }
0x273: {  	v11 =	vperm.xlane v50, v2;
	v8 =	vadd.s32 v62, v9;
	v12 =	vadd.s32 v61, v9  }
0x274: {  	v9 =	vshll.u32 v8, $0x7;
	v8 =	vshll.u32 v12, $0x7;
	v3 =	vsub.f32 v3, v1  }
0x275: {  	v12 =	vadd.s32 v62, v11;
	v11 =	vadd.s32 v61, v11;
	v13 =	vor.u32 v0, v8  }
0x276: {  	v12 =	vshll.u32 v12, $0x7;
	v11 =	vshll.u32 v11, $0x7;
	v3 =	vmul.f32 v3, v63  }
0x277: {  	v14 =	vor.u32 v0, v9;
	v15 =	vor.u32 v0, v12;
	v16 =	vor.u32 v0, v11  }
0x278: {  	v1 =	vadd.f32 v3, v1;
	_ =	sdelay $0x1  }
0x279: {  	[tilespmem:v10+s17+$0x0] =	vst.idx.msk $0xffff, v1  }
0x27a: {  	v10 =	vld.idx.msk [tilespmem:v13+s11+$0x0], $0xffff  }
0x27b: {  	v13 =	vld.idx.msk [tilespmem:v14+s11+$0x0], $0xffff  }
0x27c: {  	v1 =	vperm.xlane v48, v2;
	v14 =	vld.idx.msk [tilespmem:v15+s11+$0x0], $0xffff  }
0x27d: {  	v15 =	vld.idx.msk [tilespmem:v16+s11+$0x0], $0xffff  }
0x27e: {  	v3 =	vsub.f32 $1.000000000e+00, v1;
	_ =	sdelay $0x1  }
0x27f: {  	v10 =	vmul.f32 v10, v3;
	_ =	sdelay $0x1  }
0x280: {  	v14 =	vmul.f32 v14, v1  }
0x281: {  	v13 =	vmul.f32 v3, v13;
	v15 =	vmul.f32 v15, v1;
	_ =	sdelay $0x1  }
0x282: {  	v13 =	vadd.f32 v14, v13;
	v10 =	vadd.f32 v15, v10;
	_ =	sdelay $0x1  }
0x283: {  	v10 =	vsub.f32 v10, v13  }
0x284: {  	v14 =	vadd.s32 v20, v59  }
0x285: {  	v15 =	vor.u32 v25, v11;
	v10 =	vmul.f32 v10, v63  }
0x286: {  	v16 =	vor.u32 v25, v12  }
0x287: {  	v10 =	vadd.f32 v10, v13;
	v13 =	vor.u32 v25, v8  }
0x288: {  	v17 =	vor.u32 v25, v9  }
0x289: {  	[tilespmem:v14+s17+$0x0] =	vst.idx.msk $0xffff, v10  }
0x28a: {  	v10 =	vld.idx.msk [tilespmem:v15+s11+$0x0], $0xffff  }
0x28b: {  	v14 =	vld.idx.msk [tilespmem:v16+s11+$0x0], $0xffff  }
0x28c: {  	v13 =	vld.idx.msk [tilespmem:v13+s11+$0x0], $0xffff  }
0x28d: {  	v15 =	vld.idx.msk [tilespmem:v17+s11+$0x0], $0xffff;
	_ =	sdelay $0x2  }
0x28e: {  	v10 =	vmul.f32 v10, v1  }
0x28f: {  	v14 =	vmul.f32 v14, v1  }
0x290: {  	v13 =	vmul.f32 v13, v3  }
0x291: {  	v15 =	vmul.f32 v15, v3  }
0x292: {  	v10 =	vadd.f32 v10, v13  }
0x293: {  	v13 =	vadd.f32 v14, v15;
	_ =	sdelay $0x1  }
0x294: {  	v10 =	vsub.f32 v10, v13  }
0x295: {  	v14 =	vadd.s32 v26, v59  }
0x296: {  	v15 =	vor.u32 v27, v9;
	v10 =	vmul.f32 v10, v63  }
0x297: {  	v16 =	vor.u32 v27, v12  }
0x298: {  	v10 =	vadd.f32 v10, v13;
	v13 =	vor.u32 v27, v8  }
0x299: {  	v17 =	vor.u32 v27, v11  }
0x29a: {  	[tilespmem:v14+s17+$0x0] =	vst.idx.msk $0xffff, v10  }
0x29b: {  	v10 =	vld.idx.msk [tilespmem:v15+s11+$0x0], $0xffff  }
0x29c: {  	v14 =	vld.idx.msk [tilespmem:v16+s11+$0x0], $0xffff  }
0x29d: {  	v13 =	vld.idx.msk [tilespmem:v13+s11+$0x0], $0xffff  }
0x29e: {  	v15 =	vld.idx.msk [tilespmem:v17+s11+$0x0], $0xffff;
	_ =	sdelay $0x3  }
0x29f: {  	v14 =	vmul.f32 v14, v1  }
0x2a0: {  	v10 =	vmul.f32 v10, v3;
	v13 =	vmul.f32 v13, v3  }
0x2a1: {  	v15 =	vmul.f32 v15, v1  }
0x2a2: {  	v10 =	vadd.f32 v14, v10  }
0x2a3: {  	v13 =	vadd.f32 v15, v13;
	_ =	sdelay $0x1  }
0x2a4: {  	v13 =	vsub.f32 v13, v10  }
0x2a5: {  	v14 =	vadd.s32 v28, v59  }
0x2a6: {  	v11 =	vor.u32 v29, v11;
	v13 =	vmul.f32 v13, v63  }
0x2a7: {  	v9 =	vor.u32 v29, v9  }
0x2a8: {  	v12 =	vor.u32 v29, v12;
	v8 =	vor.u32 v29, v8;
	v10 =	vadd.f32 v13, v10;
	_ =	sdelay $0x1  }
0x2a9: {  	[tilespmem:v14+s17+$0x0] =	vst.idx.msk $0xffff, v10  }
0x2aa: {  	v11 =	vld.idx.msk [tilespmem:v11+s11+$0x0], $0xffff  }
0x2ab: {  	v13 =	vld.idx.msk [tilespmem:v9+s11+$0x0], $0xffff  }
0x2ac: {  	v10 =	vld.idx.msk [tilespmem:v12+s11+$0x0], $0xffff  }
.Ltmp4:
0x2ad: {  	v9 =	vld.idx.msk [tilespmem:v8+s11+$0x0], $0xffff;
	(pc) =	sbr.rel @p0 .LBB2_12-.Ltmp4, $3  }
0x2ae: {  	_ =	sdelay $0x1  }
0x2af: {  	v8 =	vmul.f32 v11, v1  }
0x2b0: {  	v11 =	vmul.f32 v13, v3  }
0x2b1: {  	v1 =	vmul.f32 v10, v1;
	v2 =	vmul.f32 v9, v3;
	_ =	sdelay $0x1  }
0x2b2: {  	v1 =	vadd.f32 v1, v11;
	v2 =	vadd.f32 v8, v2;
	_ =	sdelay $0x1  }
0x2b3: {  	s21 =	sadd.s32 $0x1, s21;
	v2 =	vsub.f32 v2, v1  }
0x2b4: {  	v3 =	vadd.s32 v30, v4;
	p0 =	sne.s32 s21, $0xF  }
.Ltmp5:
0x2b5: {  	v2 =	vmul.f32 v2, v63;
	(pc) =	sbr.rel @p0 .LBB2_11-.Ltmp5, $3  }
0x2b6: {  	_ = 	snop  }
0x2b7: {  	v1 =	vadd.f32 v2, v1;
	_ =	sdelay $0x1  }
0x2b8: {  	v60 =	vadd.s32 $0x1, v60;
	v7 =	vadd.s32 $0xF, v7;
	[tilespmem:v3+s17+$0x0] =	vst.idx.msk $0xffff, v1  }
0x2b9: {  	s22 =	sadd.s32 $0xE10, s20;
	s21 =	simm.s32 $0x0  }
0x2ba: {  	[hbm4b:s22+s21] =	stream.linear.scatter [tilespmem:s17], [sflag:$0x2], $0x3840, $0x38;
	[tilespmem:$0xFE80] =	vst v63  }
0x2bb: {  	_ =	swait.ge [sflag:s8], $0x3840  }
0x2bc: {  	[sflag:s8] =	ssyncset.done $0x0  }
0x2bd: {  	v58 =	vimm.s32 $0x0;
	v59 =	vimm.s32 $0x0;
	v60 =	vimm.s32 $0x0;
	[sflag:s8] =	ssyncadd.s32 $0xFFFFC7C0  }
.LBB2_15:
0x2be: {  	v1 =	vperm.xlane v53, v60  }
0x2bf: {  	v2 =	vperm.xlane v52, v60  }
0x2c0: {  	v61 =	vmul.u32 $0x11, v1;
	v1 =	vperm.xlane v49, v58  }
0x2c1: {  	v62 =	vmul.u32 $0x11, v2  }
0x2c2: {  	v2 =	vperm.xlane v50, v58;
	v3 =	vadd.s32 v61, v1  }
0x2c3: {  	v1 =	vadd.s32 v62, v1;
	v4 =	vshll.u32 v3, $0x7  }
0x2c4: {  	v7 =	vshll.u32 v1, $0x7;
	v1 =	vadd.s32 v62, v2;
	v3 =	vor.u32 v54, v4  }
0x2c5: {  	v2 =	vadd.s32 v61, v2;
	v8 =	vshll.u32 v1, $0x7;
	v1 =	vor.u32 v54, v7  }
0x2c6: {  	v2 =	vshll.u32 v2, $0x7;
	v9 =	vor.u32 v54, v8  }
0x2c7: {  	v10 =	vor.u32 v54, v2;
	_ =	sdelay $0x1  }
0x2c8: {  	v11 =	vld.idx.msk [tilespmem:v3+s11+$0x0], $0xffff  }
0x2c9: {  	v12 =	vld.idx.msk [tilespmem:v1+s11+$0x0], $0xffff  }
0x2ca: {  	v9 =	vld.idx.msk [tilespmem:v9+s11+$0x0], $0xffff  }
0x2cb: {  	v1 =	vperm.xlane v48, v58;
	v10 =	vld.idx.msk [tilespmem:v10+s11+$0x0], $0xffff;
	_ =	sdelay $0x1  }
0x2cc: {  	v3 =	vsub.f32 $1.000000000e+00, v1;
	_ =	sdelay $0x1  }
0x2cd: {  	v11 =	vmul.f32 v11, v3;
	v12 =	vmul.f32 v3, v12  }
0x2ce: {  	v9 =	vmul.f32 v9, v1;
	v10 =	vmul.f32 v10, v1;
	_ =	sdelay $0x1  }
0x2cf: {  	v9 =	vadd.f32 v9, v12;
	v10 =	vadd.f32 v10, v11;
	_ =	sdelay $0x1  }
0x2d0: {  	v63 =	vperm.xlane v51, v60;
	v10 =	vsub.f32 v10, v9  }
0x2d1: {  	v11 =	vadd.s32 v20, v59  }
0x2d2: {  	v12 =	vor.u32 v55, v2;
	v10 =	vmul.f32 v10, v63  }
0x2d3: {  	v13 =	vor.u32 v55, v8  }
0x2d4: {  	v14 =	vor.u32 v55, v7;
	v9 =	vadd.f32 v10, v9  }
0x2d5: {  	v10 =	vor.u32 v55, v4  }
0x2d6: {  	[tilespmem:v11+s17+$0x0] =	vst.idx.msk $0xffff, v9  }
0x2d7: {  	v9 =	vld.idx.msk [tilespmem:v12+s11+$0x0], $0xffff  }
0x2d8: {  	v11 =	vld.idx.msk [tilespmem:v13+s11+$0x0], $0xffff  }
0x2d9: {  	v12 =	vld.idx.msk [tilespmem:v14+s11+$0x0], $0xffff  }
0x2da: {  	v10 =	vld.idx.msk [tilespmem:v10+s11+$0x0], $0xffff;
	_ =	sdelay $0x3  }
0x2db: {  	v9 =	vmul.f32 v9, v1;
	v11 =	vmul.f32 v11, v1  }
0x2dc: {  	v12 =	vmul.f32 v12, v3;
	v10 =	vmul.f32 v10, v3;
	_ =	sdelay $0x1  }
0x2dd: {  	v9 =	vadd.f32 v9, v10;
	v10 =	vadd.f32 v11, v12;
	_ =	sdelay $0x1  }
0x2de: {  	v9 =	vsub.f32 v9, v10  }
0x2df: {  	v11 =	vadd.s32 v26, v59  }
0x2e0: {  	v12 =	vor.u32 v56, v7;
	v9 =	vmul.f32 v9, v63  }
0x2e1: {  	v13 =	vor.u32 v56, v8  }
0x2e2: {  	v14 =	vor.u32 v56, v2;
	v9 =	vadd.f32 v9, v10  }
0x2e3: {  	v10 =	vor.u32 v56, v4  }
0x2e4: {  	[tilespmem:v11+s17+$0x0] =	vst.idx.msk $0xffff, v9  }
0x2e5: {  	v9 =	vld.idx.msk [tilespmem:v12+s11+$0x0], $0xffff  }
0x2e6: {  	v11 =	vld.idx.msk [tilespmem:v13+s11+$0x0], $0xffff  }
0x2e7: {  	v12 =	vld.idx.msk [tilespmem:v14+s11+$0x0], $0xffff  }
0x2e8: {  	v10 =	vld.idx.msk [tilespmem:v10+s11+$0x0], $0xffff;
	_ =	sdelay $0x3  }
0x2e9: {  	v11 =	vmul.f32 v11, v1;
	v9 =	vmul.f32 v9, v3  }
0x2ea: {  	v12 =	vmul.f32 v12, v1;
	v10 =	vmul.f32 v10, v3;
	_ =	sdelay $0x1  }
0x2eb: {  	v9 =	vadd.f32 v11, v9;
	v10 =	vadd.f32 v12, v10;
	_ =	sdelay $0x1  }
0x2ec: {  	v10 =	vsub.f32 v10, v9  }
0x2ed: {  	v11 =	vadd.s32 v28, v59  }
0x2ee: {  	v2 =	vor.u32 v57, v2;
	v10 =	vmul.f32 v10, v63  }
0x2ef: {  	v7 =	vor.u32 v57, v7  }
0x2f0: {  	v8 =	vor.u32 v57, v8;
	v9 =	vadd.f32 v10, v9  }
0x2f1: {  	v4 =	vor.u32 v57, v4  }
0x2f2: {  	[tilespmem:v11+s17+$0x0] =	vst.idx.msk $0xffff, v9  }
0x2f3: {  	v2 =	vld.idx.msk [tilespmem:v2+s11+$0x0], $0xffff  }
0x2f4: {  	v7 =	vld.idx.msk [tilespmem:v7+s11+$0x0], $0xffff  }
0x2f5: {  	v10 =	vld.idx.msk [tilespmem:v8+s11+$0x0], $0xffff  }
0x2f6: {  	v9 =	vld.idx.msk [tilespmem:v4+s11+$0x0], $0xffff;
	_ =	sdelay $0x2  }
0x2f7: {  	s22 =	simm.s32 $0xE;
	v4 =	vmovc v59;
	v8 =	vmul.f32 v2, v1;
	v11 =	vmul.f32 v7, v3;
	v2 =	vimm.s32 $0x0;
	v7 =	vmovc v59  }
.LBB2_16:
0x2f8: {  	p0 =	sne.s32 s22, $0x1;
	s22 =	sadd.s32 $0xFFFFFFFF, s22;
	v1 =	vmul.f32 v10, v1;
	v2 =	vadd.s32 $0x1, v2;
	v7 =	vadd.s32 $0x1, v7  }
0x2f9: {  	v3 =	vmul.f32 v9, v3  }
0x2fa: {  	v1 =	vadd.f32 v1, v11  }
0x2fb: {  	v9 =	vperm.xlane v49, v2;
	v3 =	vadd.f32 v8, v3  }
0x2fc: {  	v10 =	vadd.s32 v30, v4;
	v4 =	vmov v7  }
0x2fd: {  	v11 =	vperm.xlane v50, v2;
	v8 =	vadd.s32 v62, v9;
	v12 =	vadd.s32 v61, v9  }
0x2fe: {  	v9 =	vshll.u32 v8, $0x7;
	v8 =	vshll.u32 v12, $0x7;
	v3 =	vsub.f32 v3, v1  }
0x2ff: {  	v12 =	vadd.s32 v62, v11;
	v11 =	vadd.s32 v61, v11;
	v13 =	vor.u32 v54, v8  }
0x300: {  	v12 =	vshll.u32 v12, $0x7;
	v11 =	vshll.u32 v11, $0x7;
	v3 =	vmul.f32 v3, v63  }
0x301: {  	v14 =	vor.u32 v54, v9;
	v15 =	vor.u32 v54, v12;
	v16 =	vor.u32 v54, v11  }
0x302: {  	v1 =	vadd.f32 v3, v1;
	_ =	sdelay $0x1  }
0x303: {  	[tilespmem:v10+s17+$0x0] =	vst.idx.msk $0xffff, v1  }
0x304: {  	v10 =	vld.idx.msk [tilespmem:v13+s11+$0x0], $0xffff  }
0x305: {  	v13 =	vld.idx.msk [tilespmem:v14+s11+$0x0], $0xffff  }
0x306: {  	v1 =	vperm.xlane v48, v2;
	v14 =	vld.idx.msk [tilespmem:v15+s11+$0x0], $0xffff  }
0x307: {  	v15 =	vld.idx.msk [tilespmem:v16+s11+$0x0], $0xffff  }
0x308: {  	v3 =	vsub.f32 $1.000000000e+00, v1;
	_ =	sdelay $0x1  }
0x309: {  	v10 =	vmul.f32 v10, v3;
	_ =	sdelay $0x1  }
0x30a: {  	v14 =	vmul.f32 v14, v1  }
0x30b: {  	v13 =	vmul.f32 v3, v13;
	v15 =	vmul.f32 v15, v1;
	_ =	sdelay $0x1  }
0x30c: {  	v13 =	vadd.f32 v14, v13;
	v10 =	vadd.f32 v15, v10;
	_ =	sdelay $0x1  }
0x30d: {  	v10 =	vsub.f32 v10, v13  }
0x30e: {  	v14 =	vadd.s32 v20, v7  }
0x30f: {  	v15 =	vor.u32 v55, v11;
	v10 =	vmul.f32 v10, v63  }
0x310: {  	v16 =	vor.u32 v55, v12  }
0x311: {  	v10 =	vadd.f32 v10, v13;
	v13 =	vor.u32 v55, v8  }
0x312: {  	v17 =	vor.u32 v55, v9  }
0x313: {  	[tilespmem:v14+s17+$0x0] =	vst.idx.msk $0xffff, v10  }
0x314: {  	v10 =	vld.idx.msk [tilespmem:v15+s11+$0x0], $0xffff  }
0x315: {  	v14 =	vld.idx.msk [tilespmem:v16+s11+$0x0], $0xffff  }
0x316: {  	v13 =	vld.idx.msk [tilespmem:v13+s11+$0x0], $0xffff  }
0x317: {  	v15 =	vld.idx.msk [tilespmem:v17+s11+$0x0], $0xffff;
	_ =	sdelay $0x2  }
0x318: {  	v10 =	vmul.f32 v10, v1  }
0x319: {  	v14 =	vmul.f32 v14, v1  }
0x31a: {  	v13 =	vmul.f32 v13, v3  }
0x31b: {  	v15 =	vmul.f32 v15, v3  }
0x31c: {  	v10 =	vadd.f32 v10, v13  }
0x31d: {  	v13 =	vadd.f32 v14, v15;
	_ =	sdelay $0x1  }
0x31e: {  	v10 =	vsub.f32 v10, v13  }
0x31f: {  	v14 =	vadd.s32 v26, v7  }
0x320: {  	v15 =	vor.u32 v56, v9;
	v10 =	vmul.f32 v10, v63  }
0x321: {  	v16 =	vor.u32 v56, v12  }
0x322: {  	v10 =	vadd.f32 v10, v13;
	v13 =	vor.u32 v56, v8  }
0x323: {  	v17 =	vor.u32 v56, v11  }
0x324: {  	[tilespmem:v14+s17+$0x0] =	vst.idx.msk $0xffff, v10  }
0x325: {  	v10 =	vld.idx.msk [tilespmem:v15+s11+$0x0], $0xffff  }
0x326: {  	v14 =	vld.idx.msk [tilespmem:v16+s11+$0x0], $0xffff  }
0x327: {  	v13 =	vld.idx.msk [tilespmem:v13+s11+$0x0], $0xffff  }
0x328: {  	v15 =	vld.idx.msk [tilespmem:v17+s11+$0x0], $0xffff;
	_ =	sdelay $0x3  }
0x329: {  	v14 =	vmul.f32 v14, v1  }
0x32a: {  	v10 =	vmul.f32 v10, v3;
	v13 =	vmul.f32 v13, v3  }
0x32b: {  	v15 =	vmul.f32 v15, v1  }
0x32c: {  	v10 =	vadd.f32 v14, v10  }
0x32d: {  	v13 =	vadd.f32 v15, v13;
	_ =	sdelay $0x1  }
0x32e: {  	v13 =	vsub.f32 v13, v10  }
0x32f: {  	v14 =	vadd.s32 v28, v7  }
0x330: {  	v11 =	vor.u32 v57, v11;
	v13 =	vmul.f32 v13, v63  }
0x331: {  	v9 =	vor.u32 v57, v9  }
0x332: {  	v12 =	vor.u32 v57, v12;
	v8 =	vor.u32 v57, v8;
	v10 =	vadd.f32 v13, v10;
	_ =	sdelay $0x1  }
0x333: {  	[tilespmem:v14+s17+$0x0] =	vst.idx.msk $0xffff, v10  }
0x334: {  	v11 =	vld.idx.msk [tilespmem:v11+s11+$0x0], $0xffff  }
0x335: {  	v13 =	vld.idx.msk [tilespmem:v9+s11+$0x0], $0xffff  }
0x336: {  	v10 =	vld.idx.msk [tilespmem:v12+s11+$0x0], $0xffff  }
.Ltmp6:
0x337: {  	v9 =	vld.idx.msk [tilespmem:v8+s11+$0x0], $0xffff;
	(pc) =	sbr.rel @p0 .LBB2_16-.Ltmp6, $3  }
0x338: {  	_ =	sdelay $0x1  }
0x339: {  	v8 =	vmul.f32 v11, v1  }
0x33a: {  	v11 =	vmul.f32 v13, v3  }
0x33b: {  	v1 =	vmul.f32 v10, v1;
	v2 =	vmul.f32 v9, v3;
	_ =	sdelay $0x1  }
0x33c: {  	v1 =	vadd.f32 v1, v11;
	v2 =	vadd.f32 v8, v2;
	_ =	sdelay $0x1  }
0x33d: {  	s21 =	sadd.s32 $0x1, s21;
	v2 =	vsub.f32 v2, v1  }
0x33e: {  	v3 =	vadd.s32 v30, v4;
	p0 =	sne.s32 s21, $0xF  }
.Ltmp7:
0x33f: {  	v2 =	vmul.f32 v2, v63;
	(pc) =	sbr.rel @p0 .LBB2_15-.Ltmp7, $3  }
0x340: {  	_ = 	snop  }
0x341: {  	v1 =	vadd.f32 v2, v1;
	_ =	sdelay $0x1  }
0x342: {  	v60 =	vadd.s32 $0x1, v60;
	v59 =	vadd.s32 $0xF, v59;
	[tilespmem:v3+s17+$0x0] =	vst.idx.msk $0xffff, v1  }
0x343: {  	s19 =	sadd.s32 $0x1, s19  }
0x344: {  	p0 =	sne.s32 s19, $0x8  }
.Ltmp8:
0x345: {  	s20 =	sadd.s32 $0x1518, s20;
	(pc) =	sbr.rel @p0 .LBB2_2-.Ltmp8, $4  }
0x346: {  	[hbm4b:s20+s3] =	stream.linear.scatter [tilespmem:s17], [sflag:$0x2], $0x3840, $0x38;
	[tilespmem:$0xFE80] =	vst v63  }
0x347: {  	_ =	swait.ge [sflag:s8], $0x3840  }
0x348: {  	[sflag:s8] =	ssyncset.done $0x0  }
0x349: {  	v47 =	vadd.s32 $0x1, v47;
	[sflag:s8] =	ssyncadd.s32 $0xFFFFC7C0  }
0x34a: {  	s18 =	sadd.s32 $0x1, s18  }
0x34b: {  	p0 =	sne.s32 s18, s7  }
.Ltmp9:
0x34c: {  	_ = 	snop;
	(pc) =	sbr.rel @p0 .LBB2_1-.Ltmp9, $1  }
0x34d: {  	_ =	sdelay $0x3  }
0x34e: {  	_ =	sfence.sel $0x180000  }
0x34f: {  	[bflag:$0x0] =	sbarrier.arrive $0xFFFF  }
0x350: {  	p0 =	sne.s32 s0, $0x0;
	_ =	strace $0x90000047  }
0x351: {  	s0 =	sadd.s32 @!p0 $0x100000, s1;
	[bflag:$0x2] =	sbarrier.arrive $0xFFFF  }
0x352: {  	[sflag:s0] =	ssyncadd.tile.s32 @!p0 $0x1;
	_ =	shalt  }
.Lfunc_end2:
_tile_overlayer_lowered:
.L_overlay_start_2:
0x353: {  	(tag) =	ssettag $0x2  }
0x354: {  	s0 =	rddreg [dreg:$0x0];
	s2 =	stileid.u32  }
0x355: {  	s1 =	rddreg [dreg:$0x1];
	p0 =	sne.s32 s2, $0x0  }
0x356: {  	s3 =	rddreg [dreg:$0x2];
	[bflag:$0x3] =	sbarrier.arrive $0xFFFF;
	s2 =	simm.s32 @!p0 $0x1C02  }
0x357: {  	[timem:s3], [sflag:s2] =	dma.local @!p0 [hbm:s0], s1  }
0x358: {  	s0 =	simm.s32 @!p0 $0x2  }
0x359: {  	_ =	swait.ge @!p0 [sflag:s0], s1  }
0x35a: {  	s1 =	ssub.s32 @!p0 $0x0, s1;
	[sflag:s0] =	ssyncset.done @!p0 $0x0  }
0x35b: {  	[sflag:s0] =	ssyncadd.s32 @!p0 s1  }
0x35c: {  	[bflag:$0x3] =	sbarrier.arrive $0xFFFF  }
0x35d: {  	_ =	shalt  }

// kernel: sparse-core-data-format-call.cloned.1.call-start
scs
called_computation_lowered:
.L_overlay_start_0:
0x0: {  	s2 =	sld [smem:$0x3FD9]  }
0x1: {  	s3 =	sld [smem:$0x3FFE];
	_ =	sdelay $0x1  }
0x2: {  	s1 =	srdreg.scid  }
0x3: {  	s0 =	sand.u32 $0x1, s1  }
0x4: {  	s15 =	sshll.u32 s0, $0xA;
	s2 =	sadd.s32 s3, s2  }
0x5: {  	s2 =	sadd.s32 s2, s15  }
0x6: {  	[smem:$0x3FC5] =	sst s2  }
0x7: {  	_ = 	snop  }
0x8: {  	s2 =	sld [smem:$0x3FD0];
	_ =	sdelay $0x2  }
0x9: {  	s16 =	simm.s32 $0xA;
	s4 =	simm.s32 $0x10  }
0xa: {  	[smem:s4], [sflag:s16] =	dma.local [hbm:s2], $0x1  }
0xb: {  	_ =	swait.eq [sflag:s16], $0x1  }
0xc: {  	[sflag:s16] =	ssyncset.done $0x0  }
0xd: {  	[sflag:s16] =	ssyncadd.s32 $0xFFFFFFFF  }
0xe: {  	s17 =	sld [smem:$0x10];
	(tm) =	ssettm $0x1  }
0xf: {  	s18 =	sld [smem:$0x3FFB];
	_ =	sdelay $0x3  }
0x10: {  	_ =	strace s18  }
0x11: {  	s3 =	sld [smem:$0x3FFC];
	_ =	sdelay $0x3  }
0x12: {  	_ =	strace s3  }
0x13: {  	s3 =	sld [smem:$0x3FFD];
	_ =	sdelay $0x3  }
0x14: {  	_ =	strace s3  }
0x15: {  	_ =	strace $0x8FFFFFFF  }
0x16: {  	s19 =	sld [smem:$0x3FDB];
	_ =	sdelay $0x1  }
0x17: {  	s20 =	simm.s32 $_scs_section_size  }
0x18: {  	s5 =	simm.s32 $_size__tile_overlayer_lowered;
	s6 =	simm.s32 $_tile_overlayer_lowered  }
0x19: {  	s23 =	simm.s32 $0x1BFF;
	s22 =	sshll.u32 s6, $0x1;
	s3 =	sadd.s32 s20, s19  }
0x1a: {  	s7 =	simm.s32 $0x0;
	s21 =	sshll.u32 s5, $0x1;
	s5 =	sadd.s32 s22, s3  }
0x1b: {  	[timem:s7], [sflag:s23] =	dma.local [hbm:s5], s21  }
0x1c: {  	_ =	swait.ge [sflag:s23], s21  }
0x1d: {  	s4 =	ssub.s32 $0x0, s21;
	[sflag:s23] =	ssyncset.done $0x0  }
0x1e: {  	[sflag:s23] =	ssyncadd.s32 s4;
	_ =	sdelay $0x1  }
0x1f: {  	s24 =	simm.s32 $0x1B8B  }
0x20: {  	_ =	swait.ge [sflag:s24], $0x1  }
0x21: {  	[sflag:s24] =	ssyncset.done $0x0  }
0x22: {  	s26 =	simm.s32 $0x1B8E;
	s25 =	sld [smem:$0x3FFE];
	[sflag:s24] =	ssyncadd.s32 $0xFFFFFFFF  }
0x23: {  	s27 =	simm.s32 $execute0_lowered;
	[smem:$0x3FD2] =	sst s26  }
0x24: {  	s5 =	sshll.u32 s27, $0x1;
	_ =	strace $0x80000049;
	[dreg:$0x1] =	wrdreg $0xFFFFFFFF  }
0x25: {  	s28 =	simm.s32 $_size_execute0_lowered;
	s3 =	sadd.s32 s3, s5;
	[dreg:$0x0] =	wrdreg $0x0  }
0x26: {  	s5 =	sshll.u32 s28, $0x1;
	[dreg:$0x2] =	wrdreg s3  }
0x27: {  	[dreg:$0x3] =	wrdreg s5  }
0x28: {  	[dreg:$0x4] =	wrdreg $0xC0  }
0x29: {  	_ =	task [dreg:s7], $0x5FFFF  }
0x2a: {  	[dreg:$0x1] =	wrdreg $0xFFFFFFFF  }
0x2b: {  	[dreg:$0x0] =	wrdreg $0x60  }
0x2c: {  	[dreg:$0x2] =	wrdreg s25  }
0x2d: {  	[dreg:$0x3] =	wrdreg s17  }
0x2e: {  	[dreg:$0x4] =	wrdreg $0x9  }
0x2f: {  	_ =	task.clear_ibuf [dreg:s7], $0x5FFFF;
	_ =	strace $0x90000049  }
0x30: {  	s29 =	simm.s32 $0x9;
	_ =	strace $0x8000004B  }
0x31: {  	_ =	swait.ge [sflag:s29], $0x1  }
0x32: {  	[sflag:s29] =	ssyncadd.s32 $0xFFFFFFFF  }
0x33: {  	_ =	strace $0x9000004B  }
0x34: {  	_ =	sfence  }
0x35: {  	s30 =	sld [smem:$0x0];
	_ =	sdelay $0x2  }
0x36: {  	s31 =	sshll.u32 s1, $0xD;
	s1 =	sshrl.u32 s1, $0x2  }
0x37: {  	s3 =	sand.u32 $0x4000, s31;
	s1 =	sadd.s32 s1, s30  }
0x38: {  	s0 =	sor.u32 s3, s0;
	s1 =	sshll.u32 s1, $0x11  }
0x39: {  	s0 =	sor.u32 s1, s0  }
0x3a: {  	s0 =	sadd.s32 $0x8F2B, s0  }
0x3b: {  	[sflag:s0] =	ssyncadd.remote.s32 $0x1  }
0x3c: {  	_ =	sfence.sel $0xFFFF  }
0x3d: {  	[dreg:$0x0] =	wrdreg $0xFFFFFFFF;
	(pc) =	sbr.abs _section_cstart, $3  }
0x3e: {  	[dreg:$0x1] =	wrdreg $0xFFFFFFFF  }
0x3f: {  	_ =	task.clear_ibuf [dreg:s7], $0x2FFFF;
	_ =	strace $0x9FFFFFFF  }
0x40: {  	(tm) =	ssettm $0x7FFFFFFF  }
0x41: {  	_ =	shalt  }
tec
execute0_lowered:
.L_overlay_start_1:
0x0: {  	(tag) =	ssettag $0x1  }
0x1: {  	s2 =	stileid.u32  }
0x2: {  	s0 =	srdreg.scid;
	s24 =	rddreg [dreg:$0x0];
	_ =	strace $0x8000004A  }
0x3: {  	s25 =	simm.s32 $0x1;
	s26 =	simm.s32 $0x2;
	s27 =	simm.s32 $0x0  }
0x4: {  	s28 =	simm.s32 $0x0;
	s29 =	simm.s32 $0x0;
	s17 =	simm.s32 $0x0  }
0x5: {  	s18 =	simm.s32 $0x0;
	s1 =	sshll.u32 s2, $0x2;
	s0 =	sshll.u32 s0, $0x6  }
0x6: {  	s19 =	simm.s32 $0x0;
	s20 =	simm.s32 $0x0;
	s0 =	sor.u32 s1, s0  }
0x7: {  	s21 =	simm.s32 $0x0;
	s22 =	simm.s32 $0x0;
	s23 =	sand.u32 $0x78, s0  }
0x8: {  	s2 =	sand.u32 $0x1, s2;
	[sflag:s25] =	ssyncpa.u1 $0x0;
	s3 =	ssub.s32 $0x80, s23  }
0x9: {  	s30 =	sadd.s32 $0xC00, s24;
	s4 =	ssub.s32 $0x2, s2;
	s5 =	sand.u32 $0x78, s3  }
0xa: {  	s6 =	sshrl.u32 s4, $0x1;
	p0 =	sne.s32 s5, $0x0;
	s5 =	simm.s32 $0x1  }
0xb: {  	s4 =	sand.u32 $0x1, s4;
	s3 =	sshrl.u32 s3, $0x7;
	s5 =	simm.s32 @!p0 $0x0  }
0xc: {  	s31 =	sadd.s32 $0x10C00, s24;
	s4 =	sadd.s32 s4, s6;
	s3 =	sadd.s32 s5, s3  }
0xd: {  	s9 =	sadd.s32 $0x20C00, s24;
	s10 =	sadd.s32 $0x30C00, s24;
	s3 =	smul.u32 s3, s4  }
.Ltmp0:
0xe: {  	s11 =	sadd.s32 $0x40C00, s24;
	s12 =	sadd.s32 $0x50C00, s24;
	(pc) =	sbr.rel .LBB1_1-.Ltmp0, $4  }
0xf: {  	s13 =	sadd.s32 $0x60C00, s24;
	s14 =	sadd.s32 $0x70C00, s24;
	s25 =	simm.s32 $0x0  }
0x10: {  	[dreg:$0x3] =	wrdreg s30;
	[sflag:s26] =	ssyncpa.u1 $0x0;
	s7 =	smul.u32 $0x1E, s3  }
0x11: {  	[dreg:$0x4] =	wrdreg s31;
	s26 =	simm.s32 $0x0;
	s24 =	smov.u32 s2  }
0x12: {  	s8 =	smov.u32 s23;
	p0 =	por $0x0, $0x0;
	s15 =	sor.u32 $0x1, s7  }
.LBB1_7:
0x13: {  	p1 =	slt.u32 s25, $0x2;
	s1 =	smov.u32 s29;
	s4 =	smov.u32 s27  }
0x14: {  	s16 =	smov.u32 s24;
	p2 =	sgt.s32 @!p1 s29, $0x1;
	s0 =	sshra.s32 @!p1 s29, $0x1F  }
0x15: {  	p3 =	sgt.s32 @!p1 s27, $0xE;
	p4 =	sgt.s32 @!p1 s28, $0x78;
	s3 =	sshra.s32 @!p1 s28, $0x1F  }
0x16: {  	s5 =	sshra.s32 @!p1 s27, $0x1F;
	p2 =	por !p2, p1;
	s0 =	sand.u32 @!p1 s0, s29  }
0x17: {  	p3 =	por !p3, p1;
	p4 =	por !p4, p1;
	s3 =	sand.u32 @!p1 s3, s28  }
0x18: {  	s1 =	simm.s32 @p2 $0x1;
	s0 =	sxor.u32 @!p1 $0xFFFFFFFF, s0;
	s4 =	simm.s32 @p3 $0xE  }
0x19: {  	p3 =	sgt.s32 @!p1 s26, $0x80;
	s0 =	sadd.s32 @!p1 s0, s1;
	s1 =	smov.u32 s28  }
0x1a: {  	s5 =	sand.u32 @!p1 s5, s27;
	p3 =	por !p3, p1;
	s1 =	simm.s32 @p4 $0x78  }
0x1b: {  	p2 =	sgt.s32 @!p1 s0, $0x0;
	s0 =	ssub.s32 @!p1 $0x1, s0;
	s1 =	ssub.s32 @!p1 s1, s3  }
0x1c: {  	s3 =	ssub.s32 @!p1 s4, s5;
	s5 =	sshra.s32 @!p1 s26, $0x1F;
	s4 =	sadd.s32 @!p1 $0xFFFFFF88, s1  }
0x1d: {  	s0 =	smul.u32 @!p1 $0xF, s0;
	p4 =	sgt.s32 @!p1 s4, $0x7;
	s4 =	smov.u32 s26  }
0x1e: {  	p2 =	por !p2, p1;
	s5 =	sand.u32 @!p1 s5, s26;
	s4 =	simm.s32 @p3 $0x80  }
0x1f: {  	s6 =	sadd.s32 @!p1 $0xFFFFFFF2, s3;
	s1 =	ssub.s32 @!p1 $0x80, s1;
	s4 =	ssub.s32 @!p1 s4, s5  }
0x20: {  	s0 =	simm.s32 @!p2 $0x0;
	p3 =	por !p4, p1;
	s5 =	sadd.s32 @!p1 $0xFFFFFF80, s4  }
0x21: {  	s1 =	simm.s32 @!p3 $0x0;
	s4 =	ssub.s32 @!p1 $0x100, s4;
	p3 =	sgt.s32 @!p1 s5, $0x7F  }
0x22: {  	s0 =	smul.u32 @!p1 s1, s0;
	s1 =	ssub.s32 @!p1 $0xF, s3;
	p2 =	por !p3, p1  }
0x23: {  	s3 =	sadd.s32 $0x1, s21;
	p3 =	sgt.s32 @!p1 s6, $0x0;
	s4 =	simm.s32 @!p2 $0x0  }
0x24: {  	s5 =	smov.u32 s22;
	p2 =	por !p3, p1;
	s0 =	smul.u32 @!p1 s4, s0  }
0x25: {  	s1 =	simm.s32 @!p2 $0x0;
	p2 =	sgt.s32 s3, $0xE;
	s4 =	sadd.s32 $0x80, s22  }
0x26: {  	p0 =	por !p0, !p0;
	s5 =	smov.u32 @p2 s4;
	s4 =	smov.u32 s23  }
0x27: {  	s0 =	smul.u32 @!p1 s1, s0;
	p3 =	sgt.s32 s5, $0xFF;
	s1 =	sadd.s32 $0x80, s23  }
0x28: {  	s27 =	smov.u32 s17;
	s29 =	smov.u32 s20;
	s4 =	smov.u32 @p3 s1  }
0x29: {  	s17 =	smov.u32 s21;
	s6 =	sadd.s32 $0x2, s24;
	p4 =	sgt.s32 s4, $0x7F  }
0x2a: {  	s20 =	smov.u32 s24;
	s28 =	smov.u32 s19;
	s16 =	smov.u32 @p4 s6  }
0x2b: {  	s19 =	smov.u32 s23;
	s3 =	simm.s32 @p2 $0x0;
	p2 =	sgt.s32 s16, $0x1  }
0x2c: {  	s26 =	smov.u32 s18;
	s16 =	smov.u32 @p2 s2;
	p2 =	sne.s32 s25, s15  }
.Ltmp1:
0x2d: {  	s18 =	smov.u32 s22;
	s21 =	smov.u32 s3;
	(pc) =	sbr.rel @!p2 .LBB1_8-.Ltmp1, $4  }
0x2e: {  	s1 =	simm.s32 @!p1 $0x2;
	s5 =	simm.s32 @p3 $0x0;
	s0 =	sand.u32 @!p1 $0x3FFFFFFF, s0  }
0x2f: {  	s22 =	smov.u32 s5;
	_ =	swait.ge @!p1 [sflag:s1], s0;
	s4 =	smov.u32 @p4 s8  }
0x30: {  	s0 =	ssub.s32 @!p1 $0x0, s0;
	[sflag:s1] =	ssyncset.done @!p1 $0x0;
	s23 =	smov.u32 s4  }
0x31: {  	s25 =	sadd.s32 $0x1, s25;
	[sflag:s1] =	ssyncadd.s32 @!p1 s0;
	s24 =	smov.u32 s16  }
.LBB1_1:
0x32: {  	p1 =	sge.u32 s25, s7;
	s1 =	rddreg [dreg:$0x3]  }
0x33: {  	s0 =	sxor.u32 @!p1 $0xFFFFFFFF, s25;
	s3 =	sshll.u32 @!p1 s24, $0x17;
	s4 =	sshll.u32 @!p1 s23, $0x10  }
0x34: {  	s30 =	sshll.u32 @!p1 s22, $0x8;
	s31 =	sshll.u32 @!p1 s21, $0x4;
	s16 =	sadd.s32 @!p1 s3, s4  }
0x35: {  	s5 =	simm.s32 @!p1 $0x10;
	s6 =	simm.s32 @!p1 $0x800;
	s16 =	sadd.s32 @!p1 s1, s16  }
0x36: {  	s0 =	sshll.u32 @!p1 s0, $0xE;
	s31 =	sand.u32 @!p1 $0xF0, s31;
	s16 =	sadd.s32 @!p1 s30, s16  }
0x37: {  	s0 =	sand.u32 @!p1 $0x4000, s0;
	s1 =	rddreg [dreg:$0x4];
	s16 =	sadd.s32 @!p1 s31, s16  }
0x38: {  	[tilespmem:s0], [sflag:$0x1] =	stream.strided.gather @!p1 [hbm4b:s16+s5], $0x800, s6, s5, $0x38;
	[tilespmem:$0x10100] =	vst v63  }
0x39: {  	s16 =	sadd.s32 @!p1 s3, s1  }
0x3a: {  	s16 =	sadd.s32 @!p1 s4, s16  }
0x3b: {  	s16 =	sadd.s32 @!p1 s30, s16  }
0x3c: {  	s1 =	sor.u32 @!p1 $0x800, s0;
	s16 =	sadd.s32 @!p1 s31, s16  }
0x3d: {  	[tilespmem:s1], [sflag:$0x1] =	stream.strided.gather @!p1 [hbm4b:s16+s5], $0x800, s6, s5, $0x38;
	[tilespmem:$0x10100] =	vst v63  }
0x3e: {  	s1 =	sadd.s32 @!p1 s3, s9  }
0x3f: {  	s1 =	sadd.s32 @!p1 s4, s1  }
0x40: {  	s1 =	sadd.s32 @!p1 s30, s1  }
0x41: {  	s16 =	sor.u32 @!p1 $0x1000, s0;
	s1 =	sadd.s32 @!p1 s31, s1  }
0x42: {  	[tilespmem:s16], [sflag:$0x1] =	stream.strided.gather @!p1 [hbm4b:s1+s5], $0x800, s6, s5, $0x38;
	[tilespmem:$0x10100] =	vst v63  }
0x43: {  	s1 =	sadd.s32 @!p1 s3, s10  }
0x44: {  	s1 =	sadd.s32 @!p1 s4, s1  }
0x45: {  	s1 =	sadd.s32 @!p1 s30, s1  }
0x46: {  	s16 =	sor.u32 @!p1 $0x1800, s0;
	s1 =	sadd.s32 @!p1 s31, s1  }
0x47: {  	[tilespmem:s16], [sflag:$0x1] =	stream.strided.gather @!p1 [hbm4b:s1+s5], $0x800, s6, s5, $0x38;
	[tilespmem:$0x10100] =	vst v63  }
0x48: {  	s1 =	sadd.s32 @!p1 s3, s11  }
0x49: {  	s1 =	sadd.s32 @!p1 s4, s1  }
0x4a: {  	s1 =	sadd.s32 @!p1 s30, s1  }
0x4b: {  	s16 =	sor.u32 @!p1 $0x2000, s0;
	s1 =	sadd.s32 @!p1 s31, s1  }
0x4c: {  	[tilespmem:s16], [sflag:$0x1] =	stream.strided.gather @!p1 [hbm4b:s1+s5], $0x800, s6, s5, $0x38;
	[tilespmem:$0x10100] =	vst v63  }
0x4d: {  	s1 =	sadd.s32 @!p1 s3, s12  }
0x4e: {  	s1 =	sadd.s32 @!p1 s4, s1  }
0x4f: {  	s1 =	sadd.s32 @!p1 s30, s1  }
0x50: {  	s16 =	sor.u32 @!p1 $0x2800, s0;
	s1 =	sadd.s32 @!p1 s31, s1  }
0x51: {  	[tilespmem:s16], [sflag:$0x1] =	stream.strided.gather @!p1 [hbm4b:s1+s5], $0x800, s6, s5, $0x38;
	[tilespmem:$0x10100] =	vst v63  }
0x52: {  	s1 =	sadd.s32 @!p1 s3, s13  }
0x53: {  	s1 =	sadd.s32 @!p1 s4, s1  }
0x54: {  	s1 =	sadd.s32 @!p1 s30, s1  }
0x55: {  	s16 =	sor.u32 @!p1 $0x3000, s0;
	s1 =	sadd.s32 @!p1 s31, s1  }
0x56: {  	[tilespmem:s16], [sflag:$0x1] =	stream.strided.gather @!p1 [hbm4b:s1+s5], $0x800, s6, s5, $0x38;
	[tilespmem:$0x10100] =	vst v63  }
0x57: {  	s1 =	sadd.s32 @!p1 s3, s14  }
0x58: {  	s1 =	sadd.s32 @!p1 s4, s1  }
0x59: {  	s1 =	sadd.s32 @!p1 s30, s1  }
0x5a: {  	s0 =	sor.u32 @!p1 $0x3800, s0;
	s1 =	sadd.s32 @!p1 s31, s1;
	s31 =	sadd.s32 $0xFFFFFFFF, s25  }
0x5b: {  	[tilespmem:s0], [sflag:$0x1] =	stream.strided.gather @!p1 [hbm4b:s1+s5], $0x800, s6, s5, $0x38;
	[tilespmem:$0x10100] =	vst v63  }
0x5c: {  	p1 =	sge.u32 s31, s7  }
.Ltmp2:
0x5d: {  	_ = 	snop;
	(pc) =	sbr.rel @p1 .LBB1_7-.Ltmp2, $1  }
0x5e: {  	_ =	sdelay $0x3  }
0x5f: {  	s0 =	simm.s32 $0x1;
	s3 =	sand.u32 $0x1, s25  }
0x60: {  	s6 =	simm.s32 $0x1;
	s0 =	simm.s32 @!p0 $0x0;
	s3 =	smul.u32 $0x10200, s3  }
0x61: {  	_ =	swait.ge [sflag:s6], $0x4000;
	s1 =	smul.u32 $0x10200, s0  }
0x62: {  	s31 =	sshll.u32 s0, $0xE;
	[sflag:s6] =	ssyncset.done $0x0  }
0x63: {  	s0 =	simm.s32 $0x0;
	s16 =	sshrl.u32 s3, $0x2;
	s5 =	sshrl.u32 s1, $0x2  }
0x64: {  	[sflag:s6] =	ssyncadd.s32 $0xFFFFC000;
	s30 =	sor.u32 $0x8000, s16;
	s4 =	sor.u32 $0x8000, s5  }
.LBB1_3:
0x65: {  	v0 =	vmov s31;
	_ =	sdelay $0x3  }
0x66: {  	s1 =	simm.s32 $0x0  }
0x67: {  	v1 =	vld.idx.msk [tilespmem:v0+s1+$0x0 ss:$0x1], $0xffff;
	_ =	sdelay $0x2  }
0x68: {  	s16 =	simm.s32 $0x40;
	s3 =	smov.u32 s4  }
.LBB1_4:
0x69: {  	s1 =	sshra.s32 s16, $0x2;
	p1 =	sne.s32 s16, $0x1FC0;
	s16 =	sadd.s32 $0x40, s16  }
.Ltmp3:
0x6a: {  	[tilespmem:s3+$0x0 ss:$0x408] =	vst.msk $0xffff, v1;
	v1 =	vld.idx.msk [tilespmem:v0+s1+$0x0 ss:$0x1], $0xffff;
	(pc) =	sbr.rel @p1 .LBB1_4-.Ltmp3, $2  }
0x6b: {  	_ =	sdelay $0x2  }
0x6c: {  	s3 =	sadd.s32 $0x1, s3  }
0x6d: {  	s0 =	sadd.s32 $0x1, s0  }
0x6e: {  	p1 =	sne.s32 s0, $0x8  }
.Ltmp4:
0x6f: {  	_ = 	snop;
	(pc) =	sbr.rel @p1 .LBB1_3-.Ltmp4, $2  }
0x70: {  	_ =	sdelay $0x2  }
0x71: {  	[tilespmem:s3+$0x0 ss:$0x408] =	vst.msk $0xffff, v1;
	s31 =	sadd.s32 $0x800, s31;
	s4 =	sadd.s32 $0x81, s4  }
0x72: {  	s0 =	sshll.u32 s19, $0x8;
	s1 =	sshll.u32 s18, $0x3;
	p1 =	sgt.s32 s20, $0x1  }
0x73: {  	s3 =	smov.u32 s20;
	s5 =	sshra.s32 s20, $0x1F;
	s6 =	smov.u32 s19  }
0x74: {  	s16 =	sshra.s32 s19, $0x1F;
	s31 =	sshra.s32 s18, $0x1F;
	s0 =	sand.u32 $0x7800, s0  }
0x75: {  	s1 =	sand.u32 $0x7C00, s1;
	s3 =	simm.s32 @!p1 $0x1;
	s5 =	sand.u32 s5, s20  }
0x76: {  	p1 =	sgt.s32 s19, $0x78;
	s16 =	sand.u32 s16, s19;
	s0 =	sadd.s32 s0, s1  }
0x77: {  	s1 =	sshll.u32 s19, $0x7;
	s5 =	sxor.u32 $0xFFFFFFFF, s5;
	s6 =	simm.s32 @!p1 $0x78  }
0x78: {  	p1 =	sgt.s32 s18, $0x80;
	s4 =	sand.u32 $0x300, s1;
	s3 =	sadd.s32 s5, s3  }
0x79: {  	s0 =	sor.u32 s4, s0;
	s4 =	ssub.s32 s6, s16;
	s6 =	smov.u32 s18  }
0x7a: {  	s1 =	sand.u32 $0x80, s1;
	s16 =	sadd.s32 $0xFFFFFF88, s4;
	s6 =	simm.s32 @!p1 $0x80  }
0x7b: {  	p1 =	sgt.s32 s17, $0xE;
	p2 =	sgt.s32 s16, $0x7;
	s16 =	sand.u32 s31, s18  }
0x7c: {  	s4 =	ssub.s32 $0x80, s4;
	s31 =	ssub.s32 $0x1, s3;
	s5 =	ssub.s32 s6, s16  }
0x7d: {  	s6 =	smov.u32 s17;
	s16 =	smul.u32 $0xF, s31;
	s4 =	simm.s32 @p2 $0x0  }
0x7e: {  	s6 =	simm.s32 @!p1 $0xE;
	p1 =	sgt.s32 s3, $0x0;
	s31 =	sadd.s32 $0xFFFFFF80, s5  }
0x7f: {  	p2 =	sgt.s32 s31, $0x7F;
	s31 =	sshra.s32 s17, $0x1F;
	s16 =	simm.s32 @p1 $0x0  }
0x80: {  	s5 =	ssub.s32 $0x100, s5;
	s3 =	sand.u32 s31, s17;
	s4 =	smul.u32 s4, s16  }
0x81: {  	s31 =	sand.u32 $0x78, s18;
	s5 =	simm.s32 @p2 $0x0;
	s3 =	ssub.s32 s6, s3  }
0x82: {  	s1 =	sor.u32 s31, s1;
	s31 =	smul.u32 $0xF000, s17;
	s6 =	sadd.s32 $0xFFFFFFF2, s3  }
0x83: {  	s4 =	smul.u32 s5, s4;
	s3 =	ssub.s32 $0xF, s3;
	p1 =	sgt.s32 s6, $0x0  }
0x84: {  	s6 =	smul.u32 $0xE1000, s20;
	s3 =	simm.s32 @p1 $0x0  }
0x85: {  	s0 =	sshrl.u32 s0, $0x3;
	s16 =	rddreg [dreg:$0x1];
	s3 =	smul.u32 s3, s4  }
.Ltmp5:
0x86: {  	s0 =	sand.u32 $0xFE0, s0;
	s4 =	sadd.s32 s16, s6;
	(pc) =	sbr.rel .LBB1_7-.Ltmp5, $4  }
0x87: {  	s1 =	sshrl.u32 s1, $0x3;
	s4 =	sadd.s32 s31, s4;
	s31 =	sand.u32 $0x7, s18  }
0x88: {  	s1 =	sadd.s32 s1, s4;
	s6 =	sshll.u32 s31, $0x12;
	s3 =	sand.u32 $0x3FFFFFFF, s3  }
0x89: {  	s31 =	simm.s32 $0x8000;
	s0 =	sadd.s32 s0, s1;
	s16 =	sor.u32 $0x400, s6  }
0x8a: {  	[hbm4b:s0+s16] =	stream.strided.scatter [tilespmem:s30], [sflag:$0x2], s3, s31, s16, $0x20;
	[tilespmem:$0x10100] =	vst v63  }
.LBB1_8:
0x8b: {  	_ =	sfence.sel $0x180000  }
0x8c: {  	s0 =	simm.s32 $0x1;
	[bflag:$0x0] =	sbarrier.arrive $0xFFFF  }
0x8d: {  	s30 =	simm.s32 $0x2;
	[sflag:s0] =	ssyncpa.u1 $0x1  }
0x8e: {  	[sflag:s30] =	ssyncpa.u1 $0x1  }
0x8f: {  	_ =	strace $0x9000004A  }
0x90: {  	s31 =	stileid.u32;
	[bflag:$0x2] =	sbarrier.arrive $0xFFFF  }
0x91: {  	p0 =	sne.s32 s31, $0x0;
	s0 =	rddreg [dreg:$0x2]  }
0x92: {  	s0 =	sadd.s32 @!p0 $0x100000, s0  }
0x93: {  	[sflag:s0] =	ssyncadd.tile.s32 @!p0 $0x1;
	_ =	shalt  }
.Lfunc_end1:
_tile_overlayer_lowered:
.L_overlay_start_2:
0x94: {  	(tag) =	ssettag $0x2  }
0x95: {  	s0 =	rddreg [dreg:$0x0];
	s2 =	stileid.u32  }
0x96: {  	s1 =	rddreg [dreg:$0x1];
	p0 =	sne.s32 s2, $0x0  }
0x97: {  	s3 =	rddreg [dreg:$0x2];
	[bflag:$0x3] =	sbarrier.arrive $0xFFFF;
	s2 =	simm.s32 @!p0 $0x1C01  }
0x98: {  	[timem:s3], [sflag:s2] =	dma.local @!p0 [hbm:s0], s1  }
0x99: {  	s0 =	simm.s32 @!p0 $0x1  }
0x9a: {  	_ =	swait.ge @!p0 [sflag:s0], s1  }
0x9b: {  	s1 =	ssub.s32 @!p0 $0x0, s1;
	[sflag:s0] =	ssyncset.done @!p0 $0x0  }
0x9c: {  	[sflag:s0] =	ssyncadd.s32 @!p0 s1  }
0x9d: {  	[bflag:$0x3] =	sbarrier.arrive $0xFFFF  }
0x9e: {  	_ =	shalt  }

</sc_bundles>
